<compile_context>
chip_gen: v7x
topology: tpu7x:2x2x1
jax: 0.10.2.dev20260603
libtpu: 0.0.44.dev20260713+nightly
codegen_flags: <defaults>
</compile_context>

<pallas_src>
import functools
import math

import jax
import jax.numpy as jnp
from jax import lax
from jax.experimental import pallas as pl
from jax.experimental.pallas import tpu as pltpu
from jax.experimental.pallas import tpu_sc as plsc

_ALPHA = 0.6
_RATIO = 0.5
_FILL = -3.0e38

_NC = 2
_NS = 16
_NW = _NC * _NS
_L = 16
_BLK = 128


def _make_edge_agg(n, quart, nblk):
    ept = nblk * _BLK
    nacc = n + _L
    rpt = nacc // _NS
    mesh = plsc.VectorSubcoreMesh(core_axis_name="c", subcore_axis_name="s")

    @functools.partial(
        pl.kernel,
        mesh=mesh,
        compiler_params=pltpu.CompilerParams(
            needs_layout_passes=False, use_tc_tiling_on_sc=False),
        out_type=[
            jax.ShapeDtypeStruct((2 * _NC, nacc, quart), jnp.float32),
            jax.ShapeDtypeStruct((_NW, n), jnp.float32),
        ],
        scratch_types=[
            pltpu.VMEM((ept,), jnp.int32),
            pltpu.VMEM((nblk, _BLK), jnp.int32),
            pltpu.VMEM((_BLK, quart), jnp.float32),
            pltpu.VMEM((_BLK, quart), jnp.float32),
            pltpu.VMEM((nacc,), jnp.float32),
            pltpu.VMEM_SHARED((nacc, quart), jnp.float32),
            pltpu.SemaphoreType.DMA,
        ],
    )
    def edge_agg(xt_hbm, srcf_hbm, dstb_hbm, out_h, out_d,
                 src_v, dstb_v, rows_a, zb_v, acc_d, acc_sh, sem_a):
        c = lax.axis_index("c")
        s = lax.axis_index("s")
        wid = s * _NC + c
        pltpu.sync_copy(srcf_hbm.at[pl.ds(s * ept, ept)], src_v)
        pltpu.sync_copy(dstb_hbm.at[pl.ds(s * nblk, nblk)], dstb_v)

        zeros = jnp.zeros((_L,), jnp.float32)

        def zrow(i, carry):
            for l in range(quart // _L):
                zb_v[i, pl.ds(l * _L, _L)] = zeros
            return carry

        lax.fori_loop(0, _BLK, zrow, 0)

        def zdeg(i, carry):
            acc_d[pl.ds(i * _L, _L)] = zeros
            return carry

        lax.fori_loop(0, nacc // _L, zdeg, 0)

        rbase = s * rpt
        nfull = rpt // _BLK
        rem = rpt - nfull * _BLK

        for p in range(2):
            off = 2 * c * n if p == 0 else n

            def pbody(i, carry, _off=off):
                src_v[pl.ds(i * _L, _L)] = src_v[pl.ds(i * _L, _L)] + _off
                return carry

            lax.fori_loop(0, ept // _L, pbody, 0)

            for q in range(nfull):
                pltpu.sync_copy(zb_v,
                                acc_sh.at[pl.ds(rbase + q * _BLK, _BLK)])
            if rem:
                pltpu.sync_copy(zb_v.at[pl.ds(0, rem)],
                                acc_sh.at[pl.ds(rbase + nfull * _BLK, rem)])
            plsc.subcore_barrier()

            def ebody(j, carry):
                idx = src_v.at[pl.ds(j * _BLK, _BLK)]
                pltpu.async_copy(xt_hbm.at[idx], rows_a, sem_a).wait()
                pltpu.sync_copy(rows_a, acc_sh.at[dstb_v.at[j]], add=True)
                return carry

            lax.fori_loop(0, nblk, ebody, 0)
            plsc.subcore_barrier()
            pltpu.sync_copy(acc_sh.at[pl.ds(rbase, rpt)],
                            out_h.at[2 * c + p, pl.ds(rbase, rpt)])
            plsc.subcore_barrier()

        ones = jnp.full((_L,), 1.0, jnp.float32)

        def dbody(j, carry):
            for l in range(_BLK // _L):
                di = dstb_v[j, pl.ds(l * _L, _L)]
                plsc.addupdate_scatter(acc_d, [di], ones)
            return carry

        lax.fori_loop(0, nblk, dbody, 0)
        pltpu.sync_copy(acc_d.at[pl.ds(0, n)], out_d.at[wid])

    return edge_agg


def _score_body(x_ref, a0_ref, a1_ref, a2_ref, a3_ref, pdt_ref, w2_ref,
                wn_ref, bs_ref, bf_ref, o_ref):
    dg = 0.5 * jnp.sum(pdt_ref[...], axis=1, keepdims=True)
    dgc = jnp.clip(dg, 1.0, None)
    h = jnp.concatenate([a0_ref[...], a1_ref[...], a2_ref[...],
                         a3_ref[...]], axis=1) / dgc
    hnwn = jnp.dot(h, wn_ref[...])
    ysf = jnp.dot(x_ref[...], w2_ref[...])
    score_s = ysf[:, 0:1] + hnwn + bs_ref[0, 0]
    score_f = ysf[:, 1:2] + bf_ref[0, 0]
    o_ref[...] = score_s * _ALPHA + score_f * (1.0 - _ALPHA)


def _make_score(n, d, nw, rows):
    quart = d // 4
    grid = n // rows
    return pl.pallas_call(
        _score_body,
        grid=(grid,),
        in_specs=[
            pl.BlockSpec((rows, d), lambda i: (i, 0)),
            pl.BlockSpec((rows, quart), lambda i: (i, 0)),
            pl.BlockSpec((rows, quart), lambda i: (i, 0)),
            pl.BlockSpec((rows, quart), lambda i: (i, 0)),
            pl.BlockSpec((rows, quart), lambda i: (i, 0)),
            pl.BlockSpec((rows, nw), lambda i: (i, 0)),
            pl.BlockSpec((d, 2), lambda i: (0, 0)),
            pl.BlockSpec((d, 1), lambda i: (0, 0)),
            pl.BlockSpec((1, 1), lambda i: (0, 0)),
            pl.BlockSpec((1, 1), lambda i: (0, 0)),
        ],
        out_specs=pl.BlockSpec((rows, 1), lambda i: (i, 0)),
        out_shape=jax.ShapeDtypeStruct((n, 1), jnp.float32),
    )


def _bitonic_desc(key, idx):
    b, m = key.shape
    lane = lax.broadcasted_iota(jnp.int32, (b, m), 1)
    sz = 2
    while sz <= m:
        st = sz // 2
        while st >= 1:
            lower = (lane & st) == 0
            pk = jnp.where(lower, jnp.roll(key, -st, axis=1),
                           jnp.roll(key, st, axis=1))
            pi = jnp.where(lower, jnp.roll(idx, -st, axis=1),
                           jnp.roll(idx, st, axis=1))
            desc = (lane & sz) == 0
            better = (key > pk) | ((key == pk) & (idx < pi))
            take_self = better == (lower == desc)
            key = jnp.where(take_self, key, pk)
            idx = jnp.where(take_self, idx, pi)
            st //= 2
        sz *= 2
    return key, idx


def _make_sort(b, m, n_per, kout):
    def body(sc_ref, o_ref):
        row = lax.broadcasted_iota(jnp.int32, (b, m), 0)
        col = lax.broadcasted_iota(jnp.int32, (b, m), 1)
        idx = row * n_per + col
        _, idx = _bitonic_desc(sc_ref[...], idx)
        o_ref[...] = idx[:, :kout]

    return pl.pallas_call(
        body,
        out_shape=jax.ShapeDtypeStruct((b, kout), jnp.int32),
    )


def kernel(x, edge_index, batch_num_nodes, W_self, W_neigh, b_s, W_f, b_f):
    n, d = x.shape
    b = batch_num_nodes.shape[0]
    n_per = n // b
    m = 1 << (n_per - 1).bit_length()
    k_static = int(math.ceil(_RATIO * n_per))
    kout = ((k_static + 127) // 128) * 128

    e = edge_index.shape[1]
    nblk = (e + _NS * _BLK - 1) // (_NS * _BLK)
    ept = nblk * _BLK
    e_pad = ept * _NS
    pad = e_pad - e
    src_p = jnp.concatenate([edge_index[0], jnp.zeros((pad,), jnp.int32)])
    dst_p = jnp.concatenate([edge_index[1], jnp.full((pad,), n, jnp.int32)])
    quart = d // 4
    xt = x.reshape(n, 4, quart).transpose(1, 0, 2).reshape(4 * n, quart)
    agg, pd = _make_edge_agg(n, quart, nblk)(
        xt, src_p, dst_p.reshape(_NS * nblk, _BLK))

    aq = [agg[q, :n, :] for q in range(4)]
    w2 = jnp.concatenate([W_self, W_f], axis=1)
    score = _make_score(n, d, _NW, 2000)(
        x, aq[0], aq[1], aq[2], aq[3], pd.T, w2, W_neigh,
        b_s.reshape(1, 1), b_f.reshape(1, 1))

    sc2 = jnp.pad(score[:, 0].reshape(b, n_per), ((0, 0), (0, m - n_per)),
                  constant_values=_FILL)
    idx_sorted = _make_sort(b, m, n_per, kout)(sc2)

    perm = idx_sorted[:, :k_static].reshape(-1)
    k = jnp.ceil(_RATIO * batch_num_nodes.astype(x.dtype)).astype(jnp.int32)
    return (x, perm, k)

# --- scband reference (transcript-rebuilt; emitter-appended) ---
"""Pipeline reference for scband-gsapool-17600775979418 (READ-ONLY COPY).

The authoritative reference and input builder live on the scoring server;
editing this copy changes nothing except your own understanding.
"""

import jax, jax.numpy as jnp
import numpy as np

ALPHA = 0.6
RATIO = 0.5


def get_batch_id(num_nodes, n_per):
    B = num_nodes.shape[0]
    return jnp.repeat(jnp.arange(B), n_per, total_repeat_length=B * n_per)


def topk(x, ratio, batch_id, num_nodes, max_n):
    B = num_nodes.shape[0]
    cum_j = jnp.concatenate(
        [jnp.zeros((1,), dtype=jnp.int32), jnp.cumsum(num_nodes.astype(jnp.int32))[:-1]]
    )
    index = jnp.arange(batch_id.shape[0]) - cum_j[batch_id] + batch_id * max_n
    dense_x = jnp.full((B * max_n,), jnp.finfo(x.dtype).min, dtype=x.dtype)
    dense_x = dense_x.at[index].set(x)
    dense_x = dense_x.reshape(B, max_n)
    perm = jnp.argsort(-dense_x, axis=-1)  # descending sort indices
    perm = perm + cum_j[:, None]
    perm = perm.reshape(-1)
    k = jnp.ceil(ratio * num_nodes.astype(x.dtype)).astype(jnp.int32)
    k_static = int(np.ceil(ratio * max_n))
    mask = (jnp.arange(k_static)[None, :] + jnp.arange(B)[:, None] * max_n).reshape(-1)
    perm = perm[mask]
    return perm, k


def setup_inputs(seed: int = 0):
    key = jax.random.key(seed)
    ks = jax.random.split(key, 8)
    N, E, D, B = 10000, 160000, 256, 8
    x = jax.random.normal(ks[0], (N, D), dtype=jnp.float32)
    edge_index = jax.random.randint(ks[1], (2, E), 0, N, dtype=jnp.int32)
    batch_num_nodes = jnp.full((B,), N // B, dtype=jnp.int32)
    s = 1.0 / np.sqrt(D)
    W_self = jax.random.normal(ks[2], (D, 1), dtype=jnp.float32) * s
    W_neigh = jax.random.normal(ks[3], (D, 1), dtype=jnp.float32) * s
    b_s = jax.random.normal(ks[4], (1,), dtype=jnp.float32) * 0.01
    W_f = jax.random.normal(ks[5], (D, 1), dtype=jnp.float32) * s
    b_f = jax.random.normal(ks[6], (1,), dtype=jnp.float32) * 0.01
    return {"x": x, "edge_index": edge_index, "batch_num_nodes": batch_num_nodes,
            "W_self": W_self, "W_neigh": W_neigh, "b_s": b_s, "W_f": W_f, "b_f": b_f}


def reference(x, edge_index, batch_num_nodes, W_self, W_neigh, b_s, W_f, b_f):
    N, D = x.shape
    src = edge_index[0]
    dst = edge_index[1]
    # SAGEConv (mean aggregation): h_neigh[v] = mean_{u->v} x[u]
    deg = jnp.zeros((N,), dtype=x.dtype).at[dst].add(1.0)
    agg = jnp.zeros((N, D), dtype=x.dtype).at[dst].add(x[src])
    h_neigh = agg / jnp.clip(deg, 1.0, None)[:, None]
    score_s = (x @ W_self + h_neigh @ W_neigh + b_s).squeeze(-1)
    score_f = (x @ W_f + b_f).squeeze(-1)
    score = score_s * ALPHA + score_f * (1.0 - ALPHA)
    B = batch_num_nodes.shape[0]
    n_per = N // B
    batch_id = get_batch_id(batch_num_nodes, n_per)
    perm, k = topk(score, RATIO, batch_id, batch_num_nodes, n_per)
    # node_subgraph is represented by the selected node ids (perm);
    # feature is returned unchanged, as in the torch module.
    return (x, perm, k)

if __name__ == "__main__":
    import jax
    _d = setup_inputs()
    print(jax.jit(kernel)(*tuple(_d.values())))

</pallas_src>

<mosaic_0001>
#map = affine_map<(d0, d1) -> (0, 0)>
#map1 = affine_map<(d0, d1) -> (0)>
#map2 = affine_map<(d0, d1) -> (0, 0, 0)>
module attributes {stable_mosaic.version = 14 : i64} {
  func.func @edge_agg(%arg0: i32, %arg1: i32, %arg2: memref<40000x64xf32, #tpu.memory_space<hbm>>, %arg3: memref<161792xi32, #tpu.memory_space<hbm>>, %arg4: memref<1264x128xi32, #tpu.memory_space<hbm>>, %arg5: memref<4x10016x64xf32, #tpu.memory_space<hbm>>, %arg6: memref<32x10000xf32, #tpu.memory_space<hbm>>, %arg7: memref<10112xi32, #tpu.memory_space<vmem>>, %arg8: memref<79x128xi32, #tpu.memory_space<vmem>>, %arg9: memref<128x64xf32, #tpu.memory_space<vmem>>, %arg10: memref<128x64xf32, #tpu.memory_space<vmem>>, %arg11: memref<10016xf32, #tpu.memory_space<vmem>>, %arg12: memref<10016x64xf32, #tpu.memory_space<vmem_shared>>, %arg13: memref<!tpu.dma_semaphore, #tpu.memory_space<semaphore_mem>>) attributes {dimension_semantics = [#tpu.dimension_semantics<core_parallel>, #tpu.dimension_semantics<subcore_parallel>], iteration_bounds = array<i64: 2, 16>, scalar_prefetch = 0 : i64, scratch_operands = 7 : i64, tpu.core_type = #tpu.core_type<sc_vector_subcore>, window_params = [{transform_indices = #map}, {transform_indices = #map1}, {transform_indices = #map}, {transform_indices = #map2}, {transform_indices = #map}]} {
    %mul3A = arith.constant 2 : i32
    %mul3A_0 = arith.muli %arg1, %mul3A : i32
    %add3A = arith.addi %mul3A_0, %arg0 : i32
    %mul3A_1 = arith.constant 10112 : i32
    %mul3A_2 = arith.muli %arg1, %mul3A_1 : i32
    "tpu.region"() ({
      %run_scoped3A = tpu.sem_alloc : memref<!tpu.dma_semaphore, #tpu.memory_space<semaphore_mem>>
      %dma_start3A = tpu.memref_slice %arg3[%mul3A_2] : memref<161792xi32, #tpu.memory_space<hbm>> -> memref<10112xi32, #tpu.memory_space<hbm>>
      %dma_start3A_88 = tpu.memref_slice %arg3[%mul3A_2] : memref<161792xi32, #tpu.memory_space<hbm>> -> memref<10112xi32, #tpu.memory_space<hbm>>
      tpu.enqueue_dma source(%dma_start3A_88 : memref<10112xi32, #tpu.memory_space<hbm>>) target(%arg7 : memref<10112xi32, #tpu.memory_space<vmem>>) target_semaphore(%run_scoped3A : memref<!tpu.dma_semaphore, #tpu.memory_space<semaphore_mem>>)
      %dma_wait3A = tpu.memref_slice %arg3[%mul3A_2] : memref<161792xi32, #tpu.memory_space<hbm>> -> memref<10112xi32, #tpu.memory_space<hbm>>
      %dma_wait3A_89 = tpu.memref_slice %arg3[%mul3A_2] : memref<161792xi32, #tpu.memory_space<hbm>> -> memref<10112xi32, #tpu.memory_space<hbm>>
      tpu.wait_dma2 semaphore(%run_scoped3A : memref<!tpu.dma_semaphore, #tpu.memory_space<semaphore_mem>>) src(%dma_wait3A_89 : memref<10112xi32, #tpu.memory_space<hbm>>) dst(%arg7 : memref<10112xi32, #tpu.memory_space<vmem>>)
      tpu.yield
    }) : () -> ()
    %mul3A_3 = arith.constant 79 : i32
    %mul3A_4 = arith.muli %arg1, %mul3A_3 : i32
    "tpu.region"() ({
      %run_scoped3A = tpu.sem_alloc : memref<!tpu.dma_semaphore, #tpu.memory_space<semaphore_mem>>
      %dma_start3A = arith.constant 0 : i32
      %dma_start3A_88 = tpu.memref_slice %arg4[%mul3A_4, %dma_start3A] : memref<1264x128xi32, #tpu.memory_space<hbm>> -> memref<79x128xi32, #tpu.memory_space<hbm>>
      %dma_start3A_89 = arith.constant 0 : i32
      %dma_start3A_90 = tpu.memref_slice %arg4[%mul3A_4, %dma_start3A_89] : memref<1264x128xi32, #tpu.memory_space<hbm>> -> memref<79x128xi32, #tpu.memory_space<hbm>>
      tpu.enqueue_dma source(%dma_start3A_90 : memref<79x128xi32, #tpu.memory_space<hbm>>) target(%arg8 : memref<79x128xi32, #tpu.memory_space<vmem>>) target_semaphore(%run_scoped3A : memref<!tpu.dma_semaphore, #tpu.memory_space<semaphore_mem>>)
      %dma_wait3A = arith.constant 0 : i32
      %dma_wait3A_91 = tpu.memref_slice %arg4[%mul3A_4, %dma_wait3A] : memref<1264x128xi32, #tpu.memory_space<hbm>> -> memref<79x128xi32, #tpu.memory_space<hbm>>
      %dma_wait3A_92 = arith.constant 0 : i32
      %dma_wait3A_93 = tpu.memref_slice %arg4[%mul3A_4, %dma_wait3A_92] : memref<1264x128xi32, #tpu.memory_space<hbm>> -> memref<79x128xi32, #tpu.memory_space<hbm>>
      tpu.wait_dma2 semaphore(%run_scoped3A : memref<!tpu.dma_semaphore, #tpu.memory_space<semaphore_mem>>) src(%dma_wait3A_93 : memref<79x128xi32, #tpu.memory_space<hbm>>) dst(%arg8 : memref<79x128xi32, #tpu.memory_space<vmem>>)
      tpu.yield
    }) : () -> ()
    %broadcast_in_dim3A = arith.constant 0.000000e+00 : f32
    %broadcast_in_dim3A_5 = vector.broadcast %broadcast_in_dim3A : f32 to vector<16xf32>
    %scan3A = arith.constant 0 : i32
    %scan3A_6 = arith.constant 0 : i32
    %scan3A_7 = arith.constant 128 : i32
    %scan3A_8 = arith.addi %scan3A_6, %scan3A_7 : i32
    %scan3A_9 = arith.constant 1 : i32
    scf.for %scan3A_88 = %scan3A_6 to %scan3A_8 step %scan3A_9  : i32 {
      %swap3A = arith.index_cast %scan3A_88 : i32 to index
      %swap3A_89 = arith.constant 0 : index
      %swap3A_90 = tpu.vector_load %arg10[%swap3A, %swap3A_89] {strides = array<i32>} : memref<128x64xf32, #tpu.memory_space<vmem>>, vector<16xf32>,
      tpu.vector_store %arg10[%swap3A, %swap3A_89], %broadcast_in_dim3A_5 {strides = array<i32>} : memref<128x64xf32, #tpu.memory_space<vmem>>, vector<16xf32>,
      %swap3A_91 = arith.index_cast %scan3A_88 : i32 to index
      %swap3A_92 = arith.constant 16 : index
      %swap3A_93 = tpu.vector_load %arg10[%swap3A_91, %swap3A_92] {strides = array<i32>} : memref<128x64xf32, #tpu.memory_space<vmem>>, vector<16xf32>,
      tpu.vector_store %arg10[%swap3A_91, %swap3A_92], %broadcast_in_dim3A_5 {strides = array<i32>} : memref<128x64xf32, #tpu.memory_space<vmem>>, vector<16xf32>,
      %swap3A_94 = arith.index_cast %scan3A_88 : i32 to index
      %swap3A_95 = arith.constant 32 : index
      %swap3A_96 = tpu.vector_load %arg10[%swap3A_94, %swap3A_95] {strides = array<i32>} : memref<128x64xf32, #tpu.memory_space<vmem>>, vector<16xf32>,
      tpu.vector_store %arg10[%swap3A_94, %swap3A_95], %broadcast_in_dim3A_5 {strides = array<i32>} : memref<128x64xf32, #tpu.memory_space<vmem>>, vector<16xf32>,
      %swap3A_97 = arith.index_cast %scan3A_88 : i32 to index
      %swap3A_98 = arith.constant 48 : index
      %swap3A_99 = tpu.vector_load %arg10[%swap3A_97, %swap3A_98] {strides = array<i32>} : memref<128x64xf32, #tpu.memory_space<vmem>>, vector<16xf32>,
      tpu.vector_store %arg10[%swap3A_97, %swap3A_98], %broadcast_in_dim3A_5 {strides = array<i32>} : memref<128x64xf32, #tpu.memory_space<vmem>>, vector<16xf32>,
    }
    %scan3A_10 = arith.constant 128 : i32
    %scan3A_11 = arith.constant 0 : i32
    %scan3A_12 = arith.constant 0 : i32
    %scan3A_13 = arith.constant 626 : i32
    %scan3A_14 = arith.addi %scan3A_12, %scan3A_13 : i32
    %scan3A_15 = arith.constant 1 : i32
    scf.for %scan3A_88 = %scan3A_12 to %scan3A_14 step %scan3A_15  : i32 {
      %mul3A_89 = arith.constant 16 : i32
      %mul3A_90 = arith.muli %scan3A_88, %mul3A_89 : i32
      %swap3A = arith.index_cast %mul3A_90 : i32 to index
      %swap3A_91 = tpu.vector_load %arg11[%swap3A] {strides = array<i32>} : memref<10016xf32, #tpu.memory_space<vmem>>, vector<16xf32>,
      tpu.vector_store %arg11[%swap3A], %broadcast_in_dim3A_5 {strides = array<i32>} : memref<10016xf32, #tpu.memory_space<vmem>>, vector<16xf32>,
    }
    %scan3A_16 = arith.constant 626 : i32
    %mul3A_17 = arith.constant 626 : i32
    %mul3A_18 = arith.muli %arg1, %mul3A_17 : i32
    %mul3A_19 = arith.constant 2 : i32
    %mul3A_20 = arith.muli %mul3A_19, %arg0 : i32
    %mul3A_21 = arith.constant 10000 : i32
    %mul3A_22 = arith.muli %mul3A_20, %mul3A_21 : i32
    %scan3A_23 = arith.constant 0 : i32
    %scan3A_24 = arith.constant 0 : i32
    %scan3A_25 = arith.constant 632 : i32
    %scan3A_26 = arith.addi %scan3A_24, %scan3A_25 : i32
    %scan3A_27 = arith.constant 1 : i32
    scf.for %scan3A_88 = %scan3A_24 to %scan3A_26 step %scan3A_27  : i32 {
      %mul3A_89 = arith.constant 16 : i32
      %mul3A_90 = arith.muli %scan3A_88, %mul3A_89 : i32
      %get3A = arith.index_cast %mul3A_90 : i32 to index
      %get3A_91 = tpu.vector_load %arg7[%get3A] {strides = array<i32>} : memref<10112xi32, #tpu.memory_space<vmem>>, vector<16xi32>,
      %add3A_92 = vector.broadcast %mul3A_22 : i32 to vector<16xi32>
      %add3A_93 = arith.addi %get3A_91, %add3A_92 : vector<16xi32>
      %mul3A_94 = arith.constant 16 : i32
      %mul3A_95 = arith.muli %scan3A_88, %mul3A_94 : i32
      %swap3A = arith.index_cast %mul3A_95 : i32 to index
      %swap3A_96 = tpu.vector_load %arg7[%swap3A] {strides = array<i32>} : memref<10112xi32, #tpu.memory_space<vmem>>, vector<16xi32>,
      tpu.vector_store %arg7[%swap3A], %add3A_93 {strides = array<i32>} : memref<10112xi32, #tpu.memory_space<vmem>>, vector<16xi32>,
    }
    %scan3A_28 = arith.constant 632 : i32
    %add3A_29 = arith.constant 0 : i32
    %add3A_30 = arith.addi %mul3A_18, %add3A_29 : i32
    "tpu.region"() ({
      %run_scoped3A = tpu.sem_alloc : memref<!tpu.dma_semaphore, #tpu.memory_space<semaphore_mem>>
      %dma_start3A = arith.constant 0 : i32
      %dma_start3A_88 = tpu.memref_slice %arg12[%add3A_30, %dma_start3A] : memref<10016x64xf32, #tpu.memory_space<vmem_shared>> -> memref<128x64xf32, #tpu.memory_space<vmem_shared>>
      %dma_start3A_89 = arith.constant 0 : i32
      %dma_start3A_90 = tpu.memref_slice %arg12[%add3A_30, %dma_start3A_89] : memref<10016x64xf32, #tpu.memory_space<vmem_shared>> -> memref<128x64xf32, #tpu.memory_space<vmem_shared>>
      tpu.enqueue_dma source(%arg10 : memref<128x64xf32, #tpu.memory_space<vmem>>) target(%dma_start3A_90 : memref<128x64xf32, #tpu.memory_space<vmem_shared>>) target_semaphore(%run_scoped3A : memref<!tpu.dma_semaphore, #tpu.memory_space<semaphore_mem>>)
      %dma_wait3A = arith.constant 0 : i32
      %dma_wait3A_91 = tpu.memref_slice %arg12[%add3A_30, %dma_wait3A] : memref<10016x64xf32, #tpu.memory_space<vmem_shared>> -> memref<128x64xf32, #tpu.memory_space<vmem_shared>>
      %dma_wait3A_92 = arith.constant 0 : i32
      %dma_wait3A_93 = tpu.memref_slice %arg12[%add3A_30, %dma_wait3A_92] : memref<10016x64xf32, #tpu.memory_space<vmem_shared>> -> memref<128x64xf32, #tpu.memory_space<vmem_shared>>
      tpu.wait_dma2 semaphore(%run_scoped3A : memref<!tpu.dma_semaphore, #tpu.memory_space<semaphore_mem>>) src(%arg10 : memref<128x64xf32, #tpu.memory_space<vmem>>) dst(%dma_wait3A_93 : memref<128x64xf32, #tpu.memory_space<vmem_shared>>)
      tpu.yield
    }) : () -> ()
    %add3A_31 = arith.constant 128 : i32
    %add3A_32 = arith.addi %mul3A_18, %add3A_31 : i32
    "tpu.region"() ({
      %run_scoped3A = tpu.sem_alloc : memref<!tpu.dma_semaphore, #tpu.memory_space<semaphore_mem>>
      %dma_start3A = arith.constant 0 : i32
      %dma_start3A_88 = tpu.memref_slice %arg12[%add3A_32, %dma_start3A] : memref<10016x64xf32, #tpu.memory_space<vmem_shared>> -> memref<128x64xf32, #tpu.memory_space<vmem_shared>>
      %dma_start3A_89 = arith.constant 0 : i32
      %dma_start3A_90 = tpu.memref_slice %arg12[%add3A_32, %dma_start3A_89] : memref<10016x64xf32, #tpu.memory_space<vmem_shared>> -> memref<128x64xf32, #tpu.memory_space<vmem_shared>>
      tpu.enqueue_dma source(%arg10 : memref<128x64xf32, #tpu.memory_space<vmem>>) target(%dma_start3A_90 : memref<128x64xf32, #tpu.memory_space<vmem_shared>>) target_semaphore(%run_scoped3A : memref<!tpu.dma_semaphore, #tpu.memory_space<semaphore_mem>>)
      %dma_wait3A = arith.constant 0 : i32
      %dma_wait3A_91 = tpu.memref_slice %arg12[%add3A_32, %dma_wait3A] : memref<10016x64xf32, #tpu.memory_space<vmem_shared>> -> memref<128x64xf32, #tpu.memory_space<vmem_shared>>
      %dma_wait3A_92 = arith.constant 0 : i32
      %dma_wait3A_93 = tpu.memref_slice %arg12[%add3A_32, %dma_wait3A_92] : memref<10016x64xf32, #tpu.memory_space<vmem_shared>> -> memref<128x64xf32, #tpu.memory_space<vmem_shared>>
      tpu.wait_dma2 semaphore(%run_scoped3A : memref<!tpu.dma_semaphore, #tpu.memory_space<semaphore_mem>>) src(%arg10 : memref<128x64xf32, #tpu.memory_space<vmem>>) dst(%dma_wait3A_93 : memref<128x64xf32, #tpu.memory_space<vmem_shared>>)
      tpu.yield
    }) : () -> ()
    %add3A_33 = arith.constant 256 : i32
    %add3A_34 = arith.addi %mul3A_18, %add3A_33 : i32
    "tpu.region"() ({
      %run_scoped3A = tpu.sem_alloc : memref<!tpu.dma_semaphore, #tpu.memory_space<semaphore_mem>>
      %dma_start3A = arith.constant 0 : i32
      %dma_start3A_88 = tpu.memref_slice %arg12[%add3A_34, %dma_start3A] : memref<10016x64xf32, #tpu.memory_space<vmem_shared>> -> memref<128x64xf32, #tpu.memory_space<vmem_shared>>
      %dma_start3A_89 = arith.constant 0 : i32
      %dma_start3A_90 = tpu.memref_slice %arg12[%add3A_34, %dma_start3A_89] : memref<10016x64xf32, #tpu.memory_space<vmem_shared>> -> memref<128x64xf32, #tpu.memory_space<vmem_shared>>
      tpu.enqueue_dma source(%arg10 : memref<128x64xf32, #tpu.memory_space<vmem>>) target(%dma_start3A_90 : memref<128x64xf32, #tpu.memory_space<vmem_shared>>) target_semaphore(%run_scoped3A : memref<!tpu.dma_semaphore, #tpu.memory_space<semaphore_mem>>)
      %dma_wait3A = arith.constant 0 : i32
      %dma_wait3A_91 = tpu.memref_slice %arg12[%add3A_34, %dma_wait3A] : memref<10016x64xf32, #tpu.memory_space<vmem_shared>> -> memref<128x64xf32, #tpu.memory_space<vmem_shared>>
      %dma_wait3A_92 = arith.constant 0 : i32
      %dma_wait3A_93 = tpu.memref_slice %arg12[%add3A_34, %dma_wait3A_92] : memref<10016x64xf32, #tpu.memory_space<vmem_shared>> -> memref<128x64xf32, #tpu.memory_space<vmem_shared>>
      tpu.wait_dma2 semaphore(%run_scoped3A : memref<!tpu.dma_semaphore, #tpu.memory_space<semaphore_mem>>) src(%arg10 : memref<128x64xf32, #tpu.memory_space<vmem>>) dst(%dma_wait3A_93 : memref<128x64xf32, #tpu.memory_space<vmem_shared>>)
      tpu.yield
    }) : () -> ()
    %add3A_35 = arith.constant 384 : i32
    %add3A_36 = arith.addi %mul3A_18, %add3A_35 : i32
    "tpu.region"() ({
      %run_scoped3A = tpu.sem_alloc : memref<!tpu.dma_semaphore, #tpu.memory_space<semaphore_mem>>
      %dma_start3A = arith.constant 0 : i32
      %dma_start3A_88 = tpu.memref_slice %arg12[%add3A_36, %dma_start3A] : memref<10016x64xf32, #tpu.memory_space<vmem_shared>> -> memref<128x64xf32, #tpu.memory_space<vmem_shared>>
      %dma_start3A_89 = arith.constant 0 : i32
      %dma_start3A_90 = tpu.memref_slice %arg12[%add3A_36, %dma_start3A_89] : memref<10016x64xf32, #tpu.memory_space<vmem_shared>> -> memref<128x64xf32, #tpu.memory_space<vmem_shared>>
      tpu.enqueue_dma source(%arg10 : memref<128x64xf32, #tpu.memory_space<vmem>>) target(%dma_start3A_90 : memref<128x64xf32, #tpu.memory_space<vmem_shared>>) target_semaphore(%run_scoped3A : memref<!tpu.dma_semaphore, #tpu.memory_space<semaphore_mem>>)
      %dma_wait3A = arith.constant 0 : i32
      %dma_wait3A_91 = tpu.memref_slice %arg12[%add3A_36, %dma_wait3A] : memref<10016x64xf32, #tpu.memory_space<vmem_shared>> -> memref<128x64xf32, #tpu.memory_space<vmem_shared>>
      %dma_wait3A_92 = arith.constant 0 : i32
      %dma_wait3A_93 = tpu.memref_slice %arg12[%add3A_36, %dma_wait3A_92] : memref<10016x64xf32, #tpu.memory_space<vmem_shared>> -> memref<128x64xf32, #tpu.memory_space<vmem_shared>>
      tpu.wait_dma2 semaphore(%run_scoped3A : memref<!tpu.dma_semaphore, #tpu.memory_space<semaphore_mem>>) src(%arg10 : memref<128x64xf32, #tpu.memory_space<vmem>>) dst(%dma_wait3A_93 : memref<128x64xf32, #tpu.memory_space<vmem_shared>>)
      tpu.yield
    }) : () -> ()
    %add3A_37 = arith.constant 512 : i32
    %add3A_38 = arith.addi %mul3A_18, %add3A_37 : i32
    "tpu.region"() ({
      %run_scoped3A = tpu.sem_alloc : memref<!tpu.dma_semaphore, #tpu.memory_space<semaphore_mem>>
      %dma_start3A = arith.constant 0 : i32
      %dma_start3A_88 = arith.constant 0 : i32
      %dma_start3A_89 = tpu.memref_slice %arg10[%dma_start3A, %dma_start3A_88] : memref<128x64xf32, #tpu.memory_space<vmem>> -> memref<114x64xf32, #tpu.memory_space<vmem>>
      %dma_start3A_90 = arith.constant 0 : i32
      %dma_start3A_91 = tpu.memref_slice %arg12[%add3A_38, %dma_start3A_90] : memref<10016x64xf32, #tpu.memory_space<vmem_shared>> -> memref<114x64xf32, #tpu.memory_space<vmem_shared>>
      %dma_start3A_92 = arith.constant 0 : i32
      %dma_start3A_93 = tpu.memref_slice %arg12[%add3A_38, %dma_start3A_92] : memref<10016x64xf32, #tpu.memory_space<vmem_shared>> -> memref<114x64xf32, #tpu.memory_space<vmem_shared>>
      %dma_start3A_94 = arith.constant 0 : i32
      %dma_start3A_95 = arith.constant 0 : i32
      %dma_start3A_96 = tpu.memref_slice %arg10[%dma_start3A_94, %dma_start3A_95] : memref<128x64xf32, #tpu.memory_space<vmem>> -> memref<114x64xf32, #tpu.memory_space<vmem>>
      tpu.enqueue_dma source(%dma_start3A_96 : memref<114x64xf32, #tpu.memory_space<vmem>>) target(%dma_start3A_93 : memref<114x64xf32, #tpu.memory_space<vmem_shared>>) target_semaphore(%run_scoped3A : memref<!tpu.dma_semaphore, #tpu.memory_space<semaphore_mem>>)
      %dma_wait3A = arith.constant 0 : i32
      %dma_wait3A_97 = arith.constant 0 : i32
      %dma_wait3A_98 = tpu.memref_slice %arg10[%dma_wait3A, %dma_wait3A_97] : memref<128x64xf32, #tpu.memory_space<vmem>> -> memref<114x64xf32, #tpu.memory_space<vmem>>
      %dma_wait3A_99 = arith.constant 0 : i32
      %dma_wait3A_100 = tpu.memref_slice %arg12[%add3A_38, %dma_wait3A_99] : memref<10016x64xf32, #tpu.memory_space<vmem_shared>> -> memref<114x64xf32, #tpu.memory_space<vmem_shared>>
      %dma_wait3A_101 = arith.constant 0 : i32
      %dma_wait3A_102 = tpu.memref_slice %arg12[%add3A_38, %dma_wait3A_101] : memref<10016x64xf32, #tpu.memory_space<vmem_shared>> -> memref<114x64xf32, #tpu.memory_space<vmem_shared>>
      %dma_wait3A_103 = arith.constant 0 : i32
      %dma_wait3A_104 = arith.constant 0 : i32
      %dma_wait3A_105 = tpu.memref_slice %arg10[%dma_wait3A_103, %dma_wait3A_104] : memref<128x64xf32, #tpu.memory_space<vmem>> -> memref<114x64xf32, #tpu.memory_space<vmem>>
      tpu.wait_dma2 semaphore(%run_scoped3A : memref<!tpu.dma_semaphore, #tpu.memory_space<semaphore_mem>>) src(%dma_wait3A_105 : memref<114x64xf32, #tpu.memory_space<vmem>>) dst(%dma_wait3A_102 : memref<114x64xf32, #tpu.memory_space<vmem_shared>>)
      tpu.yield
    }) : () -> ()
    %barrier3A = arith.constant 0 : index
    tpu.barrier barrier_id(%barrier3A)
    %scan3A_39 = arith.constant 0 : i32
    %scan3A_40 = arith.constant 0 : i32
    %scan3A_41 = arith.constant 79 : i32
    %scan3A_42 = arith.addi %scan3A_40, %scan3A_41 : i32
    %scan3A_43 = arith.constant 1 : i32
    scf.for %scan3A_88 = %scan3A_40 to %scan3A_42 step %scan3A_43  : i32 {
      %mul3A_89 = arith.constant 128 : i32
      %mul3A_90 = arith.muli %scan3A_88, %mul3A_89 : i32
      %dma_start3A = tpu.memref_slice %arg7[%mul3A_90] : memref<10112xi32, #tpu.memory_space<vmem>> -> memref<128xi32, #tpu.memory_space<vmem>>
      %dma_start3A_91 = arith.constant 0 : i32
      %dma_start3A_92 = arith.constant 0 : i32
      %dma_start3A_93 = tpu.memref_slice %arg2[%dma_start3A_91, %dma_start3A_92] : memref<40000x64xf32, #tpu.memory_space<hbm>> -> memref<40000x64xf32, #tpu.memory_space<hbm>>
      tpu.enqueue_indirect_dma source(%dma_start3A_93 : memref<40000x64xf32, #tpu.memory_space<hbm>>) target(%arg9 : memref<128x64xf32, #tpu.memory_space<vmem>>) offsets(%dma_start3A : memref<128xi32, #tpu.memory_space<vmem>>) semaphore(%arg13 : memref<!tpu.dma_semaphore, #tpu.memory_space<semaphore_mem>>)
      %dma_wait3A = tpu.memref_slice %arg7[%mul3A_90] : memref<10112xi32, #tpu.memory_space<vmem>> -> memref<128xi32, #tpu.memory_space<vmem>>
      %dma_wait3A_94 = arith.constant 0 : i32
      %dma_wait3A_95 = arith.constant 0 : i32
      %dma_wait3A_96 = tpu.memref_slice %arg2[%dma_wait3A_94, %dma_wait3A_95] : memref<40000x64xf32, #tpu.memory_space<hbm>> -> memref<40000x64xf32, #tpu.memory_space<hbm>>
      tpu.wait_indirect_dma semaphore(%arg13 : memref<!tpu.dma_semaphore, #tpu.memory_space<semaphore_mem>>) src(%dma_wait3A_96 : memref<40000x64xf32, #tpu.memory_space<hbm>>) dst(%arg9 : memref<128x64xf32, #tpu.memory_space<vmem>>)
      "tpu.region"() ({
        %run_scoped3A = tpu.sem_alloc : memref<!tpu.dma_semaphore, #tpu.memory_space<semaphore_mem>>
        %dma_start3A_97 = arith.constant 0 : i32
        %dma_start3A_98 = tpu.memref_slice %arg8[%scan3A_88, %dma_start3A_97] : memref<79x128xi32, #tpu.memory_space<vmem>> -> memref<1x128xi32, #tpu.memory_space<vmem>>
        %dma_start3A_99 = tpu.memref_squeeze %dma_start3A_98 : memref<1x128xi32, #tpu.memory_space<vmem>> -> memref<128xi32, #tpu.memory_space<vmem>>
        %dma_start3A_100 = arith.constant 0 : i32
        %dma_start3A_101 = arith.constant 0 : i32
        %dma_start3A_102 = tpu.memref_slice %arg12[%dma_start3A_100, %dma_start3A_101] : memref<10016x64xf32, #tpu.memory_space<vmem_shared>> -> memref<10016x64xf32, #tpu.memory_space<vmem_shared>>
        tpu.enqueue_indirect_dma source(%arg9 : memref<128x64xf32, #tpu.memory_space<vmem>>) target(%dma_start3A_102 : memref<10016x64xf32, #tpu.memory_space<vmem_shared>>) offsets(%dma_start3A_99 : memref<128xi32, #tpu.memory_space<vmem>>) semaphore(%run_scoped3A : memref<!tpu.dma_semaphore, #tpu.memory_space<semaphore_mem>>) {add = true}
        %dma_wait3A_103 = arith.constant 0 : i32
        %dma_wait3A_104 = tpu.memref_slice %arg8[%scan3A_88, %dma_wait3A_103] : memref<79x128xi32, #tpu.memory_space<vmem>> -> memref<1x128xi32, #tpu.memory_space<vmem>>
        %dma_wait3A_105 = tpu.memref_squeeze %dma_wait3A_104 : memref<1x128xi32, #tpu.memory_space<vmem>> -> memref<128xi32, #tpu.memory_space<vmem>>
        %dma_wait3A_106 = arith.constant 0 : i32
        %dma_wait3A_107 = arith.constant 0 : i32
        %dma_wait3A_108 = tpu.memref_slice %arg12[%dma_wait3A_106, %dma_wait3A_107] : memref<10016x64xf32, #tpu.memory_space<vmem_shared>> -> memref<10016x64xf32, #tpu.memory_space<vmem_shared>>
        tpu.wait_indirect_dma semaphore(%run_scoped3A : memref<!tpu.dma_semaphore, #tpu.memory_space<semaphore_mem>>) src(%arg9 : memref<128x64xf32, #tpu.memory_space<vmem>>) dst(%dma_wait3A_108 : memref<10016x64xf32, #tpu.memory_space<vmem_shared>>)
        tpu.yield
      }) : () -> ()
    }
    %scan3A_44 = arith.constant 79 : i32
    %barrier3A_45 = arith.constant 0 : index
    tpu.barrier barrier_id(%barrier3A_45)
    %mul3A_46 = arith.constant 2 : i32
    %mul3A_47 = arith.muli %mul3A_46, %arg0 : i32
    %add3A_48 = arith.constant 0 : i32
    %add3A_49 = arith.addi %mul3A_47, %add3A_48 : i32
    "tpu.region"() ({
      %run_scoped3A = tpu.sem_alloc : memref<!tpu.dma_semaphore, #tpu.memory_space<semaphore_mem>>
      %dma_start3A = arith.constant 0 : i32
      %dma_start3A_88 = tpu.memref_slice %arg5[%add3A_49, %mul3A_18, %dma_start3A] : memref<4x10016x64xf32, #tpu.memory_space<hbm>> -> memref<1x626x64xf32, #tpu.memory_space<hbm>>
      %dma_start3A_89 = tpu.memref_squeeze %dma_start3A_88 : memref<1x626x64xf32, #tpu.memory_space<hbm>> -> memref<626x64xf32, #tpu.memory_space<hbm>>
      %dma_start3A_90 = arith.constant 0 : i32
      %dma_start3A_91 = tpu.memref_slice %arg12[%mul3A_18, %dma_start3A_90] : memref<10016x64xf32, #tpu.memory_space<vmem_shared>> -> memref<626x64xf32, #tpu.memory_space<vmem_shared>>
      tpu.enqueue_dma source(%dma_start3A_91 : memref<626x64xf32, #tpu.memory_space<vmem_shared>>) target(%dma_start3A_89 : memref<626x64xf32, #tpu.memory_space<hbm>>) target_semaphore(%run_scoped3A : memref<!tpu.dma_semaphore, #tpu.memory_space<semaphore_mem>>)
      %dma_wait3A = arith.constant 0 : i32
      %dma_wait3A_92 = tpu.memref_slice %arg5[%add3A_49, %mul3A_18, %dma_wait3A] : memref<4x10016x64xf32, #tpu.memory_space<hbm>> -> memref<1x626x64xf32, #tpu.memory_space<hbm>>
      %dma_wait3A_93 = tpu.memref_squeeze %dma_wait3A_92 : memref<1x626x64xf32, #tpu.memory_space<hbm>> -> memref<626x64xf32, #tpu.memory_space<hbm>>
      %dma_wait3A_94 = arith.constant 0 : i32
      %dma_wait3A_95 = tpu.memref_slice %arg12[%mul3A_18, %dma_wait3A_94] : memref<10016x64xf32, #tpu.memory_space<vmem_shared>> -> memref<626x64xf32, #tpu.memory_space<vmem_shared>>
      tpu.wait_dma2 semaphore(%run_scoped3A : memref<!tpu.dma_semaphore, #tpu.memory_space<semaphore_mem>>) src(%dma_wait3A_95 : memref<626x64xf32, #tpu.memory_space<vmem_shared>>) dst(%dma_wait3A_93 : memref<626x64xf32, #tpu.memory_space<hbm>>)
      tpu.yield
    }) : () -> ()
    %barrier3A_50 = arith.constant 0 : index
    tpu.barrier barrier_id(%barrier3A_50)
    %scan3A_51 = arith.constant 0 : i32
    %scan3A_52 = arith.constant 0 : i32
    %scan3A_53 = arith.constant 632 : i32
    %scan3A_54 = arith.addi %scan3A_52, %scan3A_53 : i32
    %scan3A_55 = arith.constant 1 : i32
    scf.for %scan3A_88 = %scan3A_52 to %scan3A_54 step %scan3A_55  : i32 {
      %mul3A_89 = arith.constant 16 : i32
      %mul3A_90 = arith.muli %scan3A_88, %mul3A_89 : i32
      %get3A = arith.index_cast %mul3A_90 : i32 to index
      %get3A_91 = tpu.vector_load %arg7[%get3A] {strides = array<i32>} : memref<10112xi32, #tpu.memory_space<vmem>>, vector<16xi32>,
      %add3A_92 = arith.constant 10000 : i32
      %add3A_93 = vector.broadcast %add3A_92 : i32 to vector<16xi32>
      %add3A_94 = arith.addi %get3A_91, %add3A_93 : vector<16xi32>
      %mul3A_95 = arith.constant 16 : i32
      %mul3A_96 = arith.muli %scan3A_88, %mul3A_95 : i32
      %swap3A = arith.index_cast %mul3A_96 : i32 to index
      %swap3A_97 = tpu.vector_load %arg7[%swap3A] {strides = array<i32>} : memref<10112xi32, #tpu.memory_space<vmem>>, vector<16xi32>,
      tpu.vector_store %arg7[%swap3A], %add3A_94 {strides = array<i32>} : memref<10112xi32, #tpu.memory_space<vmem>>, vector<16xi32>,
    }
    %scan3A_56 = arith.constant 632 : i32
    %add3A_57 = arith.constant 0 : i32
    %add3A_58 = arith.addi %mul3A_18, %add3A_57 : i32
    "tpu.region"() ({
      %run_scoped3A = tpu.sem_alloc : memref<!tpu.dma_semaphore, #tpu.memory_space<semaphore_mem>>
      %dma_start3A = arith.constant 0 : i32
      %dma_start3A_88 = tpu.memref_slice %arg12[%add3A_58, %dma_start3A] : memref<10016x64xf32, #tpu.memory_space<vmem_shared>> -> memref<128x64xf32, #tpu.memory_space<vmem_shared>>
      %dma_start3A_89 = arith.constant 0 : i32
      %dma_start3A_90 = tpu.memref_slice %arg12[%add3A_58, %dma_start3A_89] : memref<10016x64xf32, #tpu.memory_space<vmem_shared>> -> memref<128x64xf32, #tpu.memory_space<vmem_shared>>
      tpu.enqueue_dma source(%arg10 : memref<128x64xf32, #tpu.memory_space<vmem>>) target(%dma_start3A_90 : memref<128x64xf32, #tpu.memory_space<vmem_shared>>) target_semaphore(%run_scoped3A : memref<!tpu.dma_semaphore, #tpu.memory_space<semaphore_mem>>)
      %dma_wait3A = arith.constant 0 : i32
      %dma_wait3A_91 = tpu.memref_slice %arg12[%add3A_58, %dma_wait3A] : memref<10016x64xf32, #tpu.memory_space<vmem_shared>> -> memref<128x64xf32, #tpu.memory_space<vmem_shared>>
      %dma_wait3A_92 = arith.constant 0 : i32
      %dma_wait3A_93 = tpu.memref_slice %arg12[%add3A_58, %dma_wait3A_92] : memref<10016x64xf32, #tpu.memory_space<vmem_shared>> -> memref<128x64xf32, #tpu.memory_space<vmem_shared>>
      tpu.wait_dma2 semaphore(%run_scoped3A : memref<!tpu.dma_semaphore, #tpu.memory_space<semaphore_mem>>) src(%arg10 : memref<128x64xf32, #tpu.memory_space<vmem>>) dst(%dma_wait3A_93 : memref<128x64xf32, #tpu.memory_space<vmem_shared>>)
      tpu.yield
    }) : () -> ()
    %add3A_59 = arith.constant 128 : i32
    %add3A_60 = arith.addi %mul3A_18, %add3A_59 : i32
    "tpu.region"() ({
      %run_scoped3A = tpu.sem_alloc : memref<!tpu.dma_semaphore, #tpu.memory_space<semaphore_mem>>
      %dma_start3A = arith.constant 0 : i32
      %dma_start3A_88 = tpu.memref_slice %arg12[%add3A_60, %dma_start3A] : memref<10016x64xf32, #tpu.memory_space<vmem_shared>> -> memref<128x64xf32, #tpu.memory_space<vmem_shared>>
      %dma_start3A_89 = arith.constant 0 : i32
      %dma_start3A_90 = tpu.memref_slice %arg12[%add3A_60, %dma_start3A_89] : memref<10016x64xf32, #tpu.memory_space<vmem_shared>> -> memref<128x64xf32, #tpu.memory_space<vmem_shared>>
      tpu.enqueue_dma source(%arg10 : memref<128x64xf32, #tpu.memory_space<vmem>>) target(%dma_start3A_90 : memref<128x64xf32, #tpu.memory_space<vmem_shared>>) target_semaphore(%run_scoped3A : memref<!tpu.dma_semaphore, #tpu.memory_space<semaphore_mem>>)
      %dma_wait3A = arith.constant 0 : i32
      %dma_wait3A_91 = tpu.memref_slice %arg12[%add3A_60, %dma_wait3A] : memref<10016x64xf32, #tpu.memory_space<vmem_shared>> -> memref<128x64xf32, #tpu.memory_space<vmem_shared>>
      %dma_wait3A_92 = arith.constant 0 : i32
      %dma_wait3A_93 = tpu.memref_slice %arg12[%add3A_60, %dma_wait3A_92] : memref<10016x64xf32, #tpu.memory_space<vmem_shared>> -> memref<128x64xf32, #tpu.memory_space<vmem_shared>>
      tpu.wait_dma2 semaphore(%run_scoped3A : memref<!tpu.dma_semaphore, #tpu.memory_space<semaphore_mem>>) src(%arg10 : memref<128x64xf32, #tpu.memory_space<vmem>>) dst(%dma_wait3A_93 : memref<128x64xf32, #tpu.memory_space<vmem_shared>>)
      tpu.yield
    }) : () -> ()
    %add3A_61 = arith.constant 256 : i32
    %add3A_62 = arith.addi %mul3A_18, %add3A_61 : i32
    "tpu.region"() ({
      %run_scoped3A = tpu.sem_alloc : memref<!tpu.dma_semaphore, #tpu.memory_space<semaphore_mem>>
      %dma_start3A = arith.constant 0 : i32
      %dma_start3A_88 = tpu.memref_slice %arg12[%add3A_62, %dma_start3A] : memref<10016x64xf32, #tpu.memory_space<vmem_shared>> -> memref<128x64xf32, #tpu.memory_space<vmem_shared>>
      %dma_start3A_89 = arith.constant 0 : i32
      %dma_start3A_90 = tpu.memref_slice %arg12[%add3A_62, %dma_start3A_89] : memref<10016x64xf32, #tpu.memory_space<vmem_shared>> -> memref<128x64xf32, #tpu.memory_space<vmem_shared>>
      tpu.enqueue_dma source(%arg10 : memref<128x64xf32, #tpu.memory_space<vmem>>) target(%dma_start3A_90 : memref<128x64xf32, #tpu.memory_space<vmem_shared>>) target_semaphore(%run_scoped3A : memref<!tpu.dma_semaphore, #tpu.memory_space<semaphore_mem>>)
      %dma_wait3A = arith.constant 0 : i32
      %dma_wait3A_91 = tpu.memref_slice %arg12[%add3A_62, %dma_wait3A] : memref<10016x64xf32, #tpu.memory_space<vmem_shared>> -> memref<128x64xf32, #tpu.memory_space<vmem_shared>>
      %dma_wait3A_92 = arith.constant 0 : i32
      %dma_wait3A_93 = tpu.memref_slice %arg12[%add3A_62, %dma_wait3A_92] : memref<10016x64xf32, #tpu.memory_space<vmem_shared>> -> memref<128x64xf32, #tpu.memory_space<vmem_shared>>
      tpu.wait_dma2 semaphore(%run_scoped3A : memref<!tpu.dma_semaphore, #tpu.memory_space<semaphore_mem>>) src(%arg10 : memref<128x64xf32, #tpu.memory_space<vmem>>) dst(%dma_wait3A_93 : memref<128x64xf32, #tpu.memory_space<vmem_shared>>)
      tpu.yield
    }) : () -> ()
    %add3A_63 = arith.constant 384 : i32
    %add3A_64 = arith.addi %mul3A_18, %add3A_63 : i32
    "tpu.region"() ({
      %run_scoped3A = tpu.sem_alloc : memref<!tpu.dma_semaphore, #tpu.memory_space<semaphore_mem>>
      %dma_start3A = arith.constant 0 : i32
      %dma_start3A_88 = tpu.memref_slice %arg12[%add3A_64, %dma_start3A] : memref<10016x64xf32, #tpu.memory_space<vmem_shared>> -> memref<128x64xf32, #tpu.memory_space<vmem_shared>>
      %dma_start3A_89 = arith.constant 0 : i32
      %dma_start3A_90 = tpu.memref_slice %arg12[%add3A_64, %dma_start3A_89] : memref<10016x64xf32, #tpu.memory_space<vmem_shared>> -> memref<128x64xf32, #tpu.memory_space<vmem_shared>>
      tpu.enqueue_dma source(%arg10 : memref<128x64xf32, #tpu.memory_space<vmem>>) target(%dma_start3A_90 : memref<128x64xf32, #tpu.memory_space<vmem_shared>>) target_semaphore(%run_scoped3A : memref<!tpu.dma_semaphore, #tpu.memory_space<semaphore_mem>>)
      %dma_wait3A = arith.constant 0 : i32
      %dma_wait3A_91 = tpu.memref_slice %arg12[%add3A_64, %dma_wait3A] : memref<10016x64xf32, #tpu.memory_space<vmem_shared>> -> memref<128x64xf32, #tpu.memory_space<vmem_shared>>
      %dma_wait3A_92 = arith.constant 0 : i32
      %dma_wait3A_93 = tpu.memref_slice %arg12[%add3A_64, %dma_wait3A_92] : memref<10016x64xf32, #tpu.memory_space<vmem_shared>> -> memref<128x64xf32, #tpu.memory_space<vmem_shared>>
      tpu.wait_dma2 semaphore(%run_scoped3A : memref<!tpu.dma_semaphore, #tpu.memory_space<semaphore_mem>>) src(%arg10 : memref<128x64xf32, #tpu.memory_space<vmem>>) dst(%dma_wait3A_93 : memref<128x64xf32, #tpu.memory_space<vmem_shared>>)
      tpu.yield
    }) : () -> ()
    %add3A_65 = arith.constant 512 : i32
    %add3A_66 = arith.addi %mul3A_18, %add3A_65 : i32
    "tpu.region"() ({
      %run_scoped3A = tpu.sem_alloc : memref<!tpu.dma_semaphore, #tpu.memory_space<semaphore_mem>>
      %dma_start3A = arith.constant 0 : i32
      %dma_start3A_88 = arith.constant 0 : i32
      %dma_start3A_89 = tpu.memref_slice %arg10[%dma_start3A, %dma_start3A_88] : memref<128x64xf32, #tpu.memory_space<vmem>> -> memref<114x64xf32, #tpu.memory_space<vmem>>
      %dma_start3A_90 = arith.constant 0 : i32
      %dma_start3A_91 = tpu.memref_slice %arg12[%add3A_66, %dma_start3A_90] : memref<10016x64xf32, #tpu.memory_space<vmem_shared>> -> memref<114x64xf32, #tpu.memory_space<vmem_shared>>
      %dma_start3A_92 = arith.constant 0 : i32
      %dma_start3A_93 = tpu.memref_slice %arg12[%add3A_66, %dma_start3A_92] : memref<10016x64xf32, #tpu.memory_space<vmem_shared>> -> memref<114x64xf32, #tpu.memory_space<vmem_shared>>
      %dma_start3A_94 = arith.constant 0 : i32
      %dma_start3A_95 = arith.constant 0 : i32
      %dma_start3A_96 = tpu.memref_slice %arg10[%dma_start3A_94, %dma_start3A_95] : memref<128x64xf32, #tpu.memory_space<vmem>> -> memref<114x64xf32, #tpu.memory_space<vmem>>
      tpu.enqueue_dma source(%dma_start3A_96 : memref<114x64xf32, #tpu.memory_space<vmem>>) target(%dma_start3A_93 : memref<114x64xf32, #tpu.memory_space<vmem_shared>>) target_semaphore(%run_scoped3A : memref<!tpu.dma_semaphore, #tpu.memory_space<semaphore_mem>>)
      %dma_wait3A = arith.constant 0 : i32
      %dma_wait3A_97 = arith.constant 0 : i32
      %dma_wait3A_98 = tpu.memref_slice %arg10[%dma_wait3A, %dma_wait3A_97] : memref<128x64xf32, #tpu.memory_space<vmem>> -> memref<114x64xf32, #tpu.memory_space<vmem>>
      %dma_wait3A_99 = arith.constant 0 : i32
      %dma_wait3A_100 = tpu.memref_slice %arg12[%add3A_66, %dma_wait3A_99] : memref<10016x64xf32, #tpu.memory_space<vmem_shared>> -> memref<114x64xf32, #tpu.memory_space<vmem_shared>>
      %dma_wait3A_101 = arith.constant 0 : i32
      %dma_wait3A_102 = tpu.memref_slice %arg12[%add3A_66, %dma_wait3A_101] : memref<10016x64xf32, #tpu.memory_space<vmem_shared>> -> memref<114x64xf32, #tpu.memory_space<vmem_shared>>
      %dma_wait3A_103 = arith.constant 0 : i32
      %dma_wait3A_104 = arith.constant 0 : i32
      %dma_wait3A_105 = tpu.memref_slice %arg10[%dma_wait3A_103, %dma_wait3A_104] : memref<128x64xf32, #tpu.memory_space<vmem>> -> memref<114x64xf32, #tpu.memory_space<vmem>>
      tpu.wait_dma2 semaphore(%run_scoped3A : memref<!tpu.dma_semaphore, #tpu.memory_space<semaphore_mem>>) src(%dma_wait3A_105 : memref<114x64xf32, #tpu.memory_space<vmem>>) dst(%dma_wait3A_102 : memref<114x64xf32, #tpu.memory_space<vmem_shared>>)
      tpu.yield
    }) : () -> ()
    %barrier3A_67 = arith.constant 0 : index
    tpu.barrier barrier_id(%barrier3A_67)
    %scan3A_68 = arith.constant 0 : i32
    %scan3A_69 = arith.constant 0 : i32
    %scan3A_70 = arith.constant 79 : i32
    %scan3A_71 = arith.addi %scan3A_69, %scan3A_70 : i32
    %scan3A_72 = arith.constant 1 : i32
    scf.for %scan3A_88 = %scan3A_69 to %scan3A_71 step %scan3A_72  : i32 {
      %mul3A_89 = arith.constant 128 : i32
      %mul3A_90 = arith.muli %scan3A_88, %mul3A_89 : i32
      %dma_start3A = tpu.memref_slice %arg7[%mul3A_90] : memref<10112xi32, #tpu.memory_space<vmem>> -> memref<128xi32, #tpu.memory_space<vmem>>
      %dma_start3A_91 = arith.constant 0 : i32
      %dma_start3A_92 = arith.constant 0 : i32
      %dma_start3A_93 = tpu.memref_slice %arg2[%dma_start3A_91, %dma_start3A_92] : memref<40000x64xf32, #tpu.memory_space<hbm>> -> memref<40000x64xf32, #tpu.memory_space<hbm>>
      tpu.enqueue_indirect_dma source(%dma_start3A_93 : memref<40000x64xf32, #tpu.memory_space<hbm>>) target(%arg9 : memref<128x64xf32, #tpu.memory_space<vmem>>) offsets(%dma_start3A : memref<128xi32, #tpu.memory_space<vmem>>) semaphore(%arg13 : memref<!tpu.dma_semaphore, #tpu.memory_space<semaphore_mem>>)
      %dma_wait3A = tpu.memref_slice %arg7[%mul3A_90] : memref<10112xi32, #tpu.memory_space<vmem>> -> memref<128xi32, #tpu.memory_space<vmem>>
      %dma_wait3A_94 = arith.constant 0 : i32
      %dma_wait3A_95 = arith.constant 0 : i32
      %dma_wait3A_96 = tpu.memref_slice %arg2[%dma_wait3A_94, %dma_wait3A_95] : memref<40000x64xf32, #tpu.memory_space<hbm>> -> memref<40000x64xf32, #tpu.memory_space<hbm>>
      tpu.wait_indirect_dma semaphore(%arg13 : memref<!tpu.dma_semaphore, #tpu.memory_space<semaphore_mem>>) src(%dma_wait3A_96 : memref<40000x64xf32, #tpu.memory_space<hbm>>) dst(%arg9 : memref<128x64xf32, #tpu.memory_space<vmem>>)
      "tpu.region"() ({
        %run_scoped3A = tpu.sem_alloc : memref<!tpu.dma_semaphore, #tpu.memory_space<semaphore_mem>>
        %dma_start3A_97 = arith.constant 0 : i32
        %dma_start3A_98 = tpu.memref_slice %arg8[%scan3A_88, %dma_start3A_97] : memref<79x128xi32, #tpu.memory_space<vmem>> -> memref<1x128xi32, #tpu.memory_space<vmem>>
        %dma_start3A_99 = tpu.memref_squeeze %dma_start3A_98 : memref<1x128xi32, #tpu.memory_space<vmem>> -> memref<128xi32, #tpu.memory_space<vmem>>
        %dma_start3A_100 = arith.constant 0 : i32
        %dma_start3A_101 = arith.constant 0 : i32
        %dma_start3A_102 = tpu.memref_slice %arg12[%dma_start3A_100, %dma_start3A_101] : memref<10016x64xf32, #tpu.memory_space<vmem_shared>> -> memref<10016x64xf32, #tpu.memory_space<vmem_shared>>
        tpu.enqueue_indirect_dma source(%arg9 : memref<128x64xf32, #tpu.memory_space<vmem>>) target(%dma_start3A_102 : memref<10016x64xf32, #tpu.memory_space<vmem_shared>>) offsets(%dma_start3A_99 : memref<128xi32, #tpu.memory_space<vmem>>) semaphore(%run_scoped3A : memref<!tpu.dma_semaphore, #tpu.memory_space<semaphore_mem>>) {add = true}
        %dma_wait3A_103 = arith.constant 0 : i32
        %dma_wait3A_104 = tpu.memref_slice %arg8[%scan3A_88, %dma_wait3A_103] : memref<79x128xi32, #tpu.memory_space<vmem>> -> memref<1x128xi32, #tpu.memory_space<vmem>>
        %dma_wait3A_105 = tpu.memref_squeeze %dma_wait3A_104 : memref<1x128xi32, #tpu.memory_space<vmem>> -> memref<128xi32, #tpu.memory_space<vmem>>
        %dma_wait3A_106 = arith.constant 0 : i32
        %dma_wait3A_107 = arith.constant 0 : i32
        %dma_wait3A_108 = tpu.memref_slice %arg12[%dma_wait3A_106, %dma_wait3A_107] : memref<10016x64xf32, #tpu.memory_space<vmem_shared>> -> memref<10016x64xf32, #tpu.memory_space<vmem_shared>>
        tpu.wait_indirect_dma semaphore(%run_scoped3A : memref<!tpu.dma_semaphore, #tpu.memory_space<semaphore_mem>>) src(%arg9 : memref<128x64xf32, #tpu.memory_space<vmem>>) dst(%dma_wait3A_108 : memref<10016x64xf32, #tpu.memory_space<vmem_shared>>)
        tpu.yield
      }) : () -> ()
    }
    %scan3A_73 = arith.constant 79 : i32
    %barrier3A_74 = arith.constant 0 : index
    tpu.barrier barrier_id(%barrier3A_74)
    %mul3A_75 = arith.constant 2 : i32
    %mul3A_76 = arith.muli %mul3A_75, %arg0 : i32
    %add3A_77 = arith.constant 1 : i32
    %add3A_78 = arith.addi %mul3A_76, %add3A_77 : i32
    "tpu.region"() ({
      %run_scoped3A = tpu.sem_alloc : memref<!tpu.dma_semaphore, #tpu.memory_space<semaphore_mem>>
      %dma_start3A = arith.constant 0 : i32
      %dma_start3A_88 = tpu.memref_slice %arg5[%add3A_78, %mul3A_18, %dma_start3A] : memref<4x10016x64xf32, #tpu.memory_space<hbm>> -> memref<1x626x64xf32, #tpu.memory_space<hbm>>
      %dma_start3A_89 = tpu.memref_squeeze %dma_start3A_88 : memref<1x626x64xf32, #tpu.memory_space<hbm>> -> memref<626x64xf32, #tpu.memory_space<hbm>>
      %dma_start3A_90 = arith.constant 0 : i32
      %dma_start3A_91 = tpu.memref_slice %arg12[%mul3A_18, %dma_start3A_90] : memref<10016x64xf32, #tpu.memory_space<vmem_shared>> -> memref<626x64xf32, #tpu.memory_space<vmem_shared>>
      tpu.enqueue_dma source(%dma_start3A_91 : memref<626x64xf32, #tpu.memory_space<vmem_shared>>) target(%dma_start3A_89 : memref<626x64xf32, #tpu.memory_space<hbm>>) target_semaphore(%run_scoped3A : memref<!tpu.dma_semaphore, #tpu.memory_space<semaphore_mem>>)
      %dma_wait3A = arith.constant 0 : i32
      %dma_wait3A_92 = tpu.memref_slice %arg5[%add3A_78, %mul3A_18, %dma_wait3A] : memref<4x10016x64xf32, #tpu.memory_space<hbm>> -> memref<1x626x64xf32, #tpu.memory_space<hbm>>
      %dma_wait3A_93 = tpu.memref_squeeze %dma_wait3A_92 : memref<1x626x64xf32, #tpu.memory_space<hbm>> -> memref<626x64xf32, #tpu.memory_space<hbm>>
      %dma_wait3A_94 = arith.constant 0 : i32
      %dma_wait3A_95 = tpu.memref_slice %arg12[%mul3A_18, %dma_wait3A_94] : memref<10016x64xf32, #tpu.memory_space<vmem_shared>> -> memref<626x64xf32, #tpu.memory_space<vmem_shared>>
      tpu.wait_dma2 semaphore(%run_scoped3A : memref<!tpu.dma_semaphore, #tpu.memory_space<semaphore_mem>>) src(%dma_wait3A_95 : memref<626x64xf32, #tpu.memory_space<vmem_shared>>) dst(%dma_wait3A_93 : memref<626x64xf32, #tpu.memory_space<hbm>>)
      tpu.yield
    }) : () -> ()
    %barrier3A_79 = arith.constant 0 : index
    tpu.barrier barrier_id(%barrier3A_79)
    %broadcast_in_dim3A_80 = arith.constant 1.000000e+00 : f32
    %broadcast_in_dim3A_81 = vector.broadcast %broadcast_in_dim3A_80 : f32 to vector<16xf32>
    %scan3A_82 = arith.constant 0 : i32
    %scan3A_83 = arith.constant 0 : i32
    %scan3A_84 = arith.constant 79 : i32
    %scan3A_85 = arith.addi %scan3A_83, %scan3A_84 : i32
    %scan3A_86 = arith.constant 1 : i32
    scf.for %scan3A_88 = %scan3A_83 to %scan3A_85 step %scan3A_86  : i32 {
      %get3A = arith.index_cast %scan3A_88 : i32 to index
      %get3A_89 = arith.constant 0 : index
      %get3A_90 = tpu.vector_load %arg8[%get3A, %get3A_89] {strides = array<i32>} : memref<79x128xi32, #tpu.memory_space<vmem>>, vector<16xi32>,
      tpu.vector_store_idx %arg11[%get3A_90], %broadcast_in_dim3A_81 {add = true} : memref<10016xf32, #tpu.memory_space<vmem>>[vector<16xi32>], vector<16xf32>,
      %get3A_91 = arith.index_cast %scan3A_88 : i32 to index
      %get3A_92 = arith.constant 16 : index
      %get3A_93 = tpu.vector_load %arg8[%get3A_91, %get3A_92] {strides = array<i32>} : memref<79x128xi32, #tpu.memory_space<vmem>>, vector<16xi32>,
      tpu.vector_store_idx %arg11[%get3A_93], %broadcast_in_dim3A_81 {add = true} : memref<10016xf32, #tpu.memory_space<vmem>>[vector<16xi32>], vector<16xf32>,
      %get3A_94 = arith.index_cast %scan3A_88 : i32 to index
      %get3A_95 = arith.constant 32 : index
      %get3A_96 = tpu.vector_load %arg8[%get3A_94, %get3A_95] {strides = array<i32>} : memref<79x128xi32, #tpu.memory_space<vmem>>, vector<16xi32>,
      tpu.vector_store_idx %arg11[%get3A_96], %broadcast_in_dim3A_81 {add = true} : memref<10016xf32, #tpu.memory_space<vmem>>[vector<16xi32>], vector<16xf32>,
      %get3A_97 = arith.index_cast %scan3A_88 : i32 to index
      %get3A_98 = arith.constant 48 : index
      %get3A_99 = tpu.vector_load %arg8[%get3A_97, %get3A_98] {strides = array<i32>} : memref<79x128xi32, #tpu.memory_space<vmem>>, vector<16xi32>,
      tpu.vector_store_idx %arg11[%get3A_99], %broadcast_in_dim3A_81 {add = true} : memref<10016xf32, #tpu.memory_space<vmem>>[vector<16xi32>], vector<16xf32>,
      %get3A_100 = arith.index_cast %scan3A_88 : i32 to index
      %get3A_101 = arith.constant 64 : index
      %get3A_102 = tpu.vector_load %arg8[%get3A_100, %get3A_101] {strides = array<i32>} : memref<79x128xi32, #tpu.memory_space<vmem>>, vector<16xi32>,
      tpu.vector_store_idx %arg11[%get3A_102], %broadcast_in_dim3A_81 {add = true} : memref<10016xf32, #tpu.memory_space<vmem>>[vector<16xi32>], vector<16xf32>,
      %get3A_103 = arith.index_cast %scan3A_88 : i32 to index
      %get3A_104 = arith.constant 80 : index
      %get3A_105 = tpu.vector_load %arg8[%get3A_103, %get3A_104] {strides = array<i32>} : memref<79x128xi32, #tpu.memory_space<vmem>>, vector<16xi32>,
      tpu.vector_store_idx %arg11[%get3A_105], %broadcast_in_dim3A_81 {add = true} : memref<10016xf32, #tpu.memory_space<vmem>>[vector<16xi32>], vector<16xf32>,
      %get3A_106 = arith.index_cast %scan3A_88 : i32 to index
      %get3A_107 = arith.constant 96 : index
      %get3A_108 = tpu.vector_load %arg8[%get3A_106, %get3A_107] {strides = array<i32>} : memref<79x128xi32, #tpu.memory_space<vmem>>, vector<16xi32>,
      tpu.vector_store_idx %arg11[%get3A_108], %broadcast_in_dim3A_81 {add = true} : memref<10016xf32, #tpu.memory_space<vmem>>[vector<16xi32>], vector<16xf32>,
      %get3A_109 = arith.index_cast %scan3A_88 : i32 to index
      %get3A_110 = arith.constant 112 : index
      %get3A_111 = tpu.vector_load %arg8[%get3A_109, %get3A_110] {strides = array<i32>} : memref<79x128xi32, #tpu.memory_space<vmem>>, vector<16xi32>,
      tpu.vector_store_idx %arg11[%get3A_111], %broadcast_in_dim3A_81 {add = true} : memref<10016xf32, #tpu.memory_space<vmem>>[vector<16xi32>], vector<16xf32>,
    }
    %scan3A_87 = arith.constant 79 : i32
    "tpu.region"() ({
      %run_scoped3A = tpu.sem_alloc : memref<!tpu.dma_semaphore, #tpu.memory_space<semaphore_mem>>
      %dma_start3A = arith.constant 0 : i32
      %dma_start3A_88 = tpu.memref_slice %arg11[%dma_start3A] : memref<10016xf32, #tpu.memory_space<vmem>> -> memref<10000xf32, #tpu.memory_space<vmem>>
      %dma_start3A_89 = arith.constant 0 : i32
      %dma_start3A_90 = tpu.memref_slice %arg6[%add3A, %dma_start3A_89] : memref<32x10000xf32, #tpu.memory_space<hbm>> -> memref<1x10000xf32, #tpu.memory_space<hbm>>
      %dma_start3A_91 = tpu.memref_squeeze %dma_start3A_90 : memref<1x10000xf32, #tpu.memory_space<hbm>> -> memref<10000xf32, #tpu.memory_space<hbm>>
      %dma_start3A_92 = arith.constant 0 : i32
      %dma_start3A_93 = tpu.memref_slice %arg6[%add3A, %dma_start3A_92] : memref<32x10000xf32, #tpu.memory_space<hbm>> -> memref<1x10000xf32, #tpu.memory_space<hbm>>
      %dma_start3A_94 = tpu.memref_squeeze %dma_start3A_93 : memref<1x10000xf32, #tpu.memory_space<hbm>> -> memref<10000xf32, #tpu.memory_space<hbm>>
      %dma_start3A_95 = arith.constant 0 : i32
      %dma_start3A_96 = tpu.memref_slice %arg11[%dma_start3A_95] : memref<10016xf32, #tpu.memory_space<vmem>> -> memref<10000xf32, #tpu.memory_space<vmem>>
      tpu.enqueue_dma source(%dma_start3A_96 : memref<10000xf32, #tpu.memory_space<vmem>>) target(%dma_start3A_94 : memref<10000xf32, #tpu.memory_space<hbm>>) target_semaphore(%run_scoped3A : memref<!tpu.dma_semaphore, #tpu.memory_space<semaphore_mem>>)
      %dma_wait3A = arith.constant 0 : i32
      %dma_wait3A_97 = tpu.memref_slice %arg11[%dma_wait3A] : memref<10016xf32, #tpu.memory_space<vmem>> -> memref<10000xf32, #tpu.memory_space<vmem>>
      %dma_wait3A_98 = arith.constant 0 : i32
      %dma_wait3A_99 = tpu.memref_slice %arg6[%add3A, %dma_wait3A_98] : memref<32x10000xf32, #tpu.memory_space<hbm>> -> memref<1x10000xf32, #tpu.memory_space<hbm>>
      %dma_wait3A_100 = tpu.memref_squeeze %dma_wait3A_99 : memref<1x10000xf32, #tpu.memory_space<hbm>> -> memref<10000xf32, #tpu.memory_space<hbm>>
      %dma_wait3A_101 = arith.constant 0 : i32
      %dma_wait3A_102 = tpu.memref_slice %arg6[%add3A, %dma_wait3A_101] : memref<32x10000xf32, #tpu.memory_space<hbm>> -> memref<1x10000xf32, #tpu.memory_space<hbm>>
      %dma_wait3A_103 = tpu.memref_squeeze %dma_wait3A_102 : memref<1x10000xf32, #tpu.memory_space<hbm>> -> memref<10000xf32, #tpu.memory_space<hbm>>
      %dma_wait3A_104 = arith.constant 0 : i32
      %dma_wait3A_105 = tpu.memref_slice %arg11[%dma_wait3A_104] : memref<10016xf32, #tpu.memory_space<vmem>> -> memref<10000xf32, #tpu.memory_space<vmem>>
      tpu.wait_dma2 semaphore(%run_scoped3A : memref<!tpu.dma_semaphore, #tpu.memory_space<semaphore_mem>>) src(%dma_wait3A_105 : memref<10000xf32, #tpu.memory_space<vmem>>) dst(%dma_wait3A_103 : memref<10000xf32, #tpu.memory_space<hbm>>)
      tpu.yield
    }) : () -> ()
    return
  }
}

module attributes {stable_mosaic.version = 14 : i64} {
  func.func @_score_body(%arg0: i32, %arg1: memref<2000x256xf32, #tpu.memory_space<vmem>>, %arg2: memref<2000x64xf32, #tpu.memory_space<vmem>>, %arg3: memref<2000x64xf32, #tpu.memory_space<vmem>>, %arg4: memref<2000x64xf32, #tpu.memory_space<vmem>>, %arg5: memref<2000x64xf32, #tpu.memory_space<vmem>>, %arg6: memref<2000x32xf32, #tpu.memory_space<vmem>>, %arg7: memref<256x2xf32, #tpu.memory_space<vmem>>, %arg8: memref<256x1xf32, #tpu.memory_space<vmem>>, %arg9: memref<1x1xf32, #tpu.memory_space<vmem>>, %arg10: memref<1x1xf32, #tpu.memory_space<vmem>>, %arg11: memref<2000x1xf32, #tpu.memory_space<vmem>>) attributes {dimension_semantics = [#tpu.dimension_semantics<arbitrary>], iteration_bounds = array<i64: 5>, scalar_prefetch = 0 : i64, scratch_operands = 0 : i64, tpu.core_type = #tpu.core_type<tc>, window_params = [{transform_indices = @transform_0, window_bounds = array<i64: 2000, 256>}, {transform_indices = @transform_1, window_bounds = array<i64: 2000, 64>}, {transform_indices = @transform_2, window_bounds = array<i64: 2000, 64>}, {transform_indices = @transform_3, window_bounds = array<i64: 2000, 64>}, {transform_indices = @transform_4, window_bounds = array<i64: 2000, 64>}, {transform_indices = @transform_5, window_bounds = array<i64: 2000, 32>}, {pipeline_mode = #tpu.pipeline_mode<synchronous>, transform_indices = @transform_6, window_bounds = array<i64: 256, 2>}, {pipeline_mode = #tpu.pipeline_mode<synchronous>, transform_indices = @transform_7, window_bounds = array<i64: 256, 1>}, {pipeline_mode = #tpu.pipeline_mode<synchronous>, transform_indices = @transform_8, window_bounds = array<i64: 1, 1>}, {pipeline_mode = #tpu.pipeline_mode<synchronous>, transform_indices = @transform_9, window_bounds = array<i64: 1, 1>}, {transform_indices = @transform_10, window_bounds = array<i64: 2000, 1>}]} {
    %get3A = arith.constant 0 : index
    %get3A_0 = arith.constant 0 : index
    %get3A_1 = vector.load %arg6[%get3A, %get3A_0] : memref<2000x32xf32, #tpu.memory_space<vmem>>, vector<2000x32xf32>
    %reduce_sum3A = arith.constant dense<0.000000e+00> : vector<2000xf32>
    %reduce_sum3A_2 = vector.multi_reduction <add>, %get3A_1, %reduce_sum3A [1] : vector<2000x32xf32> to vector<2000xf32>
    %broadcast_in_dim3A = vector.shape_cast %reduce_sum3A_2 : vector<2000xf32> to vector<2000x1xf32>
    %mul3A = arith.constant 5.000000e-01 : f32
    %mul3A_3 = vector.broadcast %mul3A : f32 to vector<2000x1xf32>
    %mul3A_4 = arith.mulf %mul3A_3, %broadcast_in_dim3A : vector<2000x1xf32>
    %jit3A = arith.constant 1.000000e+00 : f32
    %max3A = vector.broadcast %jit3A : f32 to vector<2000x1xf32>
    %max3A_5 = arith.maximumf %max3A, %mul3A_4 : vector<2000x1xf32>
    %get3A_6 = arith.constant 0 : index
    %get3A_7 = arith.constant 0 : index
    %get3A_8 = vector.load %arg2[%get3A_6, %get3A_7] : memref<2000x64xf32, #tpu.memory_space<vmem>>, vector<2000x64xf32>
    %get3A_9 = arith.constant 0 : index
    %get3A_10 = arith.constant 0 : index
    %get3A_11 = vector.load %arg3[%get3A_9, %get3A_10] : memref<2000x64xf32, #tpu.memory_space<vmem>>, vector<2000x64xf32>
    %get3A_12 = arith.constant 0 : index
    %get3A_13 = arith.constant 0 : index
    %get3A_14 = vector.load %arg4[%get3A_12, %get3A_13] : memref<2000x64xf32, #tpu.memory_space<vmem>>, vector<2000x64xf32>
    %get3A_15 = arith.constant 0 : index
    %get3A_16 = arith.constant 0 : index
    %get3A_17 = vector.load %arg5[%get3A_15, %get3A_16] : memref<2000x64xf32, #tpu.memory_space<vmem>>, vector<2000x64xf32>
    %concatenate3A = tpu.concatenate %get3A_8, %get3A_11, %get3A_14, %get3A_17 in 1 : vector<2000x64xf32>, vector<2000x64xf32>, vector<2000x64xf32>, vector<2000x64xf32> -> vector<2000x256xf32>
    %div3A = vector.broadcast %max3A_5 : vector<2000x1xf32> to vector<2000x256xf32>
    %div3A_18 = arith.divf %concatenate3A, %div3A : vector<2000x256xf32>
    %get3A_19 = arith.constant 0 : index
    %get3A_20 = arith.constant 0 : index
    %get3A_21 = vector.load %arg8[%get3A_19, %get3A_20] : memref<256x1xf32, #tpu.memory_space<vmem>>, vector<256x1xf32>
    %dot_general3A = arith.constant dense<0.000000e+00> : vector<2000x1xf32>
    %dot_general3A_22 = tpu.matmul %div3A_18, %get3A_21, %dot_general3A {dimension_numbers = #tpu.dot_dimension_numbers<[1], [0], [0], [1], [0, 0, 1, 1], [], []>, transpose_lhs_hint = false} : vector<2000x256xf32>, vector<256x1xf32>, vector<2000x1xf32> -> vector<2000x1xf32>
    %get3A_23 = arith.constant 0 : index
    %get3A_24 = arith.constant 0 : index
    %get3A_25 = vector.load %arg1[%get3A_23, %get3A_24] : memref<2000x256xf32, #tpu.memory_space<vmem>>, vector<2000x256xf32>
    %get3A_26 = arith.constant 0 : index
    %get3A_27 = arith.constant 0 : index
    %get3A_28 = vector.load %arg7[%get3A_26, %get3A_27] : memref<256x2xf32, #tpu.memory_space<vmem>>, vector<256x2xf32>
    %dot_general3A_29 = arith.constant dense<0.000000e+00> : vector<2000x2xf32>
    %dot_general3A_30 = tpu.matmul %get3A_25, %get3A_28, %dot_general3A_29 {dimension_numbers = #tpu.dot_dimension_numbers<[1], [0], [0], [1], [0, 0, 1, 1], [], []>, transpose_lhs_hint = false} : vector<2000x256xf32>, vector<256x2xf32>, vector<2000x2xf32> -> vector<2000x2xf32>
    %slice3A = vector.extract_strided_slice %dot_general3A_30 {offsets = [0, 0], sizes = [2000, 1], strides = [1, 1]} : vector<2000x2xf32> to vector<2000x1xf32>
    %add3A = arith.addf %slice3A, %dot_general3A_22 : vector<2000x1xf32>
    %get3A_31 = arith.constant 0 : index
    %get3A_32 = arith.constant 0 : index
    %get3A_33 = vector.load %arg9[%get3A_31, %get3A_32] : memref<1x1xf32, #tpu.memory_space<vmem>>, vector<1x1xf32>
    %get3A_34 = vector.extract %get3A_33[0, 0] : f32 from vector<1x1xf32>
    %add3A_35 = vector.broadcast %get3A_34 : f32 to vector<2000x1xf32>
    %add3A_36 = arith.addf %add3A, %add3A_35 : vector<2000x1xf32>
    %slice3A_37 = vector.extract_strided_slice %dot_general3A_30 {offsets = [0, 1], sizes = [2000, 1], strides = [1, 1]} : vector<2000x2xf32> to vector<2000x1xf32>
    %get3A_38 = arith.constant 0 : index
    %get3A_39 = arith.constant 0 : index
    %get3A_40 = vector.load %arg10[%get3A_38, %get3A_39] : memref<1x1xf32, #tpu.memory_space<vmem>>, vector<1x1xf32>
    %get3A_41 = vector.extract %get3A_40[0, 0] : f32 from vector<1x1xf32>
    %add3A_42 = vector.broadcast %get3A_41 : f32 to vector<2000x1xf32>
    %add3A_43 = arith.addf %slice3A_37, %add3A_42 : vector<2000x1xf32>
    %mul3A_44 = arith.constant 6.000000e-01 : f32
    %mul3A_45 = vector.broadcast %mul3A_44 : f32 to vector<2000x1xf32>
    %mul3A_46 = arith.mulf %add3A_36, %mul3A_45 : vector<2000x1xf32>
    %mul3A_47 = arith.constant 4.000000e-01 : f32
    %mul3A_48 = vector.broadcast %mul3A_47 : f32 to vector<2000x1xf32>
    %mul3A_49 = arith.mulf %add3A_43, %mul3A_48 : vector<2000x1xf32>
    %add3A_50 = arith.addf %mul3A_46, %mul3A_49 : vector<2000x1xf32>
    %swap3A = arith.constant 0 : index
    %swap3A_51 = arith.constant 0 : index
    %swap3A_52 = vector.load %arg11[%swap3A, %swap3A_51] : memref<2000x1xf32, #tpu.memory_space<vmem>>, vector<2000x1xf32>
    tpu.vector_store %arg11[%swap3A, %swap3A_51], %add3A_50 {strides = array<i32>} : memref<2000x1xf32, #tpu.memory_space<vmem>>, vector<2000x1xf32>,
    return
  }
  func.func @transform_0(%arg0: i32) -> (i32, i32) {
    %c0_i32 = arith.constant 0 : i32
    %c0_i32_0 = arith.constant 0 : i32
    return %arg0, %c0_i32 : i32, i32
  }
  func.func @transform_1(%arg0: i32) -> (i32, i32) {
    %c0_i32 = arith.constant 0 : i32
    %c0_i32_0 = arith.constant 0 : i32
    return %arg0, %c0_i32 : i32, i32
  }
  func.func @transform_2(%arg0: i32) -> (i32, i32) {
    %c0_i32 = arith.constant 0 : i32
    %c0_i32_0 = arith.constant 0 : i32
    return %arg0, %c0_i32 : i32, i32
  }
  func.func @transform_3(%arg0: i32) -> (i32, i32) {
    %c0_i32 = arith.constant 0 : i32
    %c0_i32_0 = arith.constant 0 : i32
    return %arg0, %c0_i32 : i32, i32
  }
  func.func @transform_4(%arg0: i32) -> (i32, i32) {
    %c0_i32 = arith.constant 0 : i32
    %c0_i32_0 = arith.constant 0 : i32
    return %arg0, %c0_i32 : i32, i32
  }
  func.func @transform_5(%arg0: i32) -> (i32, i32) {
    %c0_i32 = arith.constant 0 : i32
    %c0_i32_0 = arith.constant 0 : i32
    return %arg0, %c0_i32 : i32, i32
  }
  func.func @transform_6(%arg0: i32) -> (i32, i32) {
    %c0_i32 = arith.constant 0 : i32
    %c0_i32_0 = arith.constant 0 : i32
    %c0_i32_1 = arith.constant 0 : i32
    return %c0_i32, %c0_i32_0 : i32, i32
  }
  func.func @transform_7(%arg0: i32) -> (i32, i32) {
    %c0_i32 = arith.constant 0 : i32
    %c0_i32_0 = arith.constant 0 : i32
    %c0_i32_1 = arith.constant 0 : i32
    return %c0_i32, %c0_i32_0 : i32, i32
  }
  func.func @transform_8(%arg0: i32) -> (i32, i32) {
    %c0_i32 = arith.constant 0 : i32
    %c0_i32_0 = arith.constant 0 : i32
    %c0_i32_1 = arith.constant 0 : i32
    return %c0_i32, %c0_i32_0 : i32, i32
  }
  func.func @transform_9(%arg0: i32) -> (i32, i32) {
    %c0_i32 = arith.constant 0 : i32
    %c0_i32_0 = arith.constant 0 : i32
    %c0_i32_1 = arith.constant 0 : i32
    return %c0_i32, %c0_i32_0 : i32, i32
  }
  func.func @transform_10(%arg0: i32) -> (i32, i32) {
    %c0_i32 = arith.constant 0 : i32
    %c0_i32_0 = arith.constant 0 : i32
    return %arg0, %c0_i32 : i32, i32
  }
}

module attributes {stable_mosaic.version = 14 : i64} {
  func.func @body(%arg0: memref<8x2048xf32, #tpu.memory_space<vmem>>, %arg1: memref<8x640xi32, #tpu.memory_space<vmem>>) attributes {dimension_semantics = [], scalar_prefetch = 0 : i64, scratch_operands = 0 : i64, tpu.core_type = #tpu.core_type<tc>} {
    %iota3A = tpu.iota {dimensions = array<i32: 0>} : vector<8x2048xi32>
    %iota3A_0 = tpu.iota {dimensions = array<i32: 1>} : vector<8x2048xi32>
    %mul3A = arith.constant 1250 : i32
    %mul3A_1 = vector.broadcast %mul3A : i32 to vector<8x2048xi32>
    %mul3A_2 = arith.muli %iota3A, %mul3A_1 : vector<8x2048xi32>
    %add3A = arith.addi %mul3A_2, %iota3A_0 : vector<8x2048xi32>
    %get3A = arith.constant 0 : index
    %get3A_3 = arith.constant 0 : index
    %get3A_4 = vector.load %arg0[%get3A, %get3A_3] : memref<8x2048xf32, #tpu.memory_space<vmem>>, vector<8x2048xf32>
    %iota3A_5 = tpu.iota {dimensions = array<i32: 1>} : vector<8x2048xi32>
    %and3A = arith.constant 1 : i32
    %and3A_6 = vector.broadcast %and3A : i32 to vector<8x2048xi32>
    %and3A_7 = arith.andi %iota3A_5, %and3A_6 : vector<8x2048xi32>
    %eq3A = arith.constant 0 : i32
    %eq3A_8 = vector.broadcast %eq3A : i32 to vector<8x2048xi32>
    %eq3A_9 = arith.cmpi eq, %and3A_7, %eq3A_8 : vector<8x2048xi32>
    %slice3A = vector.extract_strided_slice %get3A_4 {offsets = [0, 1], sizes = [8, 2047], strides = [1, 1]} : vector<8x2048xf32> to vector<8x2047xf32>
    %slice3A_10 = vector.extract_strided_slice %get3A_4 {offsets = [0, 0], sizes = [8, 1], strides = [1, 1]} : vector<8x2048xf32> to vector<8x1xf32>
    %concatenate3A = tpu.concatenate %slice3A, %slice3A_10 in 1 : vector<8x2047xf32>, vector<8x1xf32> -> vector<8x2048xf32>
    %slice3A_11 = vector.extract_strided_slice %get3A_4 {offsets = [0, 2047], sizes = [8, 1], strides = [1, 1]} : vector<8x2048xf32> to vector<8x1xf32>
    %slice3A_12 = vector.extract_strided_slice %get3A_4 {offsets = [0, 0], sizes = [8, 2047], strides = [1, 1]} : vector<8x2048xf32> to vector<8x2047xf32>
    %concatenate3A_13 = tpu.concatenate %slice3A_11, %slice3A_12 in 1 : vector<8x1xf32>, vector<8x2047xf32> -> vector<8x2048xf32>
    %select_n3A = arith.select %eq3A_9, %concatenate3A, %concatenate3A_13 : vector<8x2048xi1>, vector<8x2048xf32>
    %slice3A_14 = vector.extract_strided_slice %add3A {offsets = [0, 1], sizes = [8, 2047], strides = [1, 1]} : vector<8x2048xi32> to vector<8x2047xi32>
    %slice3A_15 = vector.extract_strided_slice %add3A {offsets = [0, 0], sizes = [8, 1], strides = [1, 1]} : vector<8x2048xi32> to vector<8x1xi32>
    %concatenate3A_16 = tpu.concatenate %slice3A_14, %slice3A_15 in 1 : vector<8x2047xi32>, vector<8x1xi32> -> vector<8x2048xi32>
    %slice3A_17 = vector.extract_strided_slice %add3A {offsets = [0, 2047], sizes = [8, 1], strides = [1, 1]} : vector<8x2048xi32> to vector<8x1xi32>
    %slice3A_18 = vector.extract_strided_slice %add3A {offsets = [0, 0], sizes = [8, 2047], strides = [1, 1]} : vector<8x2048xi32> to vector<8x2047xi32>
    %concatenate3A_19 = tpu.concatenate %slice3A_17, %slice3A_18 in 1 : vector<8x1xi32>, vector<8x2047xi32> -> vector<8x2048xi32>
    %select_n3A_20 = arith.select %eq3A_9, %concatenate3A_16, %concatenate3A_19 : vector<8x2048xi1>, vector<8x2048xi32>
    %and3A_21 = arith.constant 2 : i32
    %and3A_22 = vector.broadcast %and3A_21 : i32 to vector<8x2048xi32>
    %and3A_23 = arith.andi %iota3A_5, %and3A_22 : vector<8x2048xi32>
    %eq3A_24 = arith.constant 0 : i32
    %eq3A_25 = vector.broadcast %eq3A_24 : i32 to vector<8x2048xi32>
    %eq3A_26 = arith.cmpi eq, %and3A_23, %eq3A_25 : vector<8x2048xi32>
    %gt3A = arith.cmpf ogt, %get3A_4, %select_n3A : vector<8x2048xf32>
    %eq3A_27 = arith.cmpf oeq, %get3A_4, %select_n3A : vector<8x2048xf32>
    %lt3A = arith.cmpi slt, %add3A, %select_n3A_20 : vector<8x2048xi32>
    %and3A_28 = arith.andi %eq3A_27, %lt3A : vector<8x2048xi1>
    %or3A = arith.ori %gt3A, %and3A_28 : vector<8x2048xi1>
    %eq3A_29 = arith.xori %eq3A_9, %eq3A_26 : vector<8x2048xi1>
    %eq3A_30 = arith.constant dense<true> : vector<8x2048xi1>
    %eq3A_31 = arith.xori %eq3A_29, %eq3A_30 : vector<8x2048xi1>
    %eq3A_32 = arith.xori %or3A, %eq3A_31 : vector<8x2048xi1>
    %eq3A_33 = arith.constant dense<true> : vector<8x2048xi1>
    %eq3A_34 = arith.xori %eq3A_32, %eq3A_33 : vector<8x2048xi1>
    %select_n3A_35 = arith.select %eq3A_34, %get3A_4, %select_n3A : vector<8x2048xi1>, vector<8x2048xf32>
    %select_n3A_36 = arith.select %eq3A_34, %add3A, %select_n3A_20 : vector<8x2048xi1>, vector<8x2048xi32>
    %and3A_37 = arith.constant 2 : i32
    %and3A_38 = vector.broadcast %and3A_37 : i32 to vector<8x2048xi32>
    %and3A_39 = arith.andi %iota3A_5, %and3A_38 : vector<8x2048xi32>
    %eq3A_40 = arith.constant 0 : i32
    %eq3A_41 = vector.broadcast %eq3A_40 : i32 to vector<8x2048xi32>
    %eq3A_42 = arith.cmpi eq, %and3A_39, %eq3A_41 : vector<8x2048xi32>
    %slice3A_43 = vector.extract_strided_slice %select_n3A_35 {offsets = [0, 2], sizes = [8, 2046], strides = [1, 1]} : vector<8x2048xf32> to vector<8x2046xf32>
    %slice3A_44 = vector.extract_strided_slice %select_n3A_35 {offsets = [0, 0], sizes = [8, 2], strides = [1, 1]} : vector<8x2048xf32> to vector<8x2xf32>
    %concatenate3A_45 = tpu.concatenate %slice3A_43, %slice3A_44 in 1 : vector<8x2046xf32>, vector<8x2xf32> -> vector<8x2048xf32>
    %slice3A_46 = vector.extract_strided_slice %select_n3A_35 {offsets = [0, 2046], sizes = [8, 2], strides = [1, 1]} : vector<8x2048xf32> to vector<8x2xf32>
    %slice3A_47 = vector.extract_strided_slice %select_n3A_35 {offsets = [0, 0], sizes = [8, 2046], strides = [1, 1]} : vector<8x2048xf32> to vector<8x2046xf32>
    %concatenate3A_48 = tpu.concatenate %slice3A_46, %slice3A_47 in 1 : vector<8x2xf32>, vector<8x2046xf32> -> vector<8x2048xf32>
    %select_n3A_49 = arith.select %eq3A_42, %concatenate3A_45, %concatenate3A_48 : vector<8x2048xi1>, vector<8x2048xf32>
    %slice3A_50 = vector.extract_strided_slice %select_n3A_36 {offsets = [0, 2], sizes = [8, 2046], strides = [1, 1]} : vector<8x2048xi32> to vector<8x2046xi32>
    %slice3A_51 = vector.extract_strided_slice %select_n3A_36 {offsets = [0, 0], sizes = [8, 2], strides = [1, 1]} : vector<8x2048xi32> to vector<8x2xi32>
    %concatenate3A_52 = tpu.concatenate %slice3A_50, %slice3A_51 in 1 : vector<8x2046xi32>, vector<8x2xi32> -> vector<8x2048xi32>
    %slice3A_53 = vector.extract_strided_slice %select_n3A_36 {offsets = [0, 2046], sizes = [8, 2], strides = [1, 1]} : vector<8x2048xi32> to vector<8x2xi32>
    %slice3A_54 = vector.extract_strided_slice %select_n3A_36 {offsets = [0, 0], sizes = [8, 2046], strides = [1, 1]} : vector<8x2048xi32> to vector<8x2046xi32>
    %concatenate3A_55 = tpu.concatenate %slice3A_53, %slice3A_54 in 1 : vector<8x2xi32>, vector<8x2046xi32> -> vector<8x2048xi32>
    %select_n3A_56 = arith.select %eq3A_42, %concatenate3A_52, %concatenate3A_55 : vector<8x2048xi1>, vector<8x2048xi32>
    %and3A_57 = arith.constant 4 : i32
    %and3A_58 = vector.broadcast %and3A_57 : i32 to vector<8x2048xi32>
    %and3A_59 = arith.andi %iota3A_5, %and3A_58 : vector<8x2048xi32>
    %eq3A_60 = arith.constant 0 : i32
    %eq3A_61 = vector.broadcast %eq3A_60 : i32 to vector<8x2048xi32>
    %eq3A_62 = arith.cmpi eq, %and3A_59, %eq3A_61 : vector<8x2048xi32>
    %gt3A_63 = arith.cmpf ogt, %select_n3A_35, %select_n3A_49 : vector<8x2048xf32>
    %eq3A_64 = arith.cmpf oeq, %select_n3A_35, %select_n3A_49 : vector<8x2048xf32>
    %lt3A_65 = arith.cmpi slt, %select_n3A_36, %select_n3A_56 : vector<8x2048xi32>
    %and3A_66 = arith.andi %eq3A_64, %lt3A_65 : vector<8x2048xi1>
    %or3A_67 = arith.ori %gt3A_63, %and3A_66 : vector<8x2048xi1>
    %eq3A_68 = arith.xori %eq3A_42, %eq3A_62 : vector<8x2048xi1>
    %eq3A_69 = arith.constant dense<true> : vector<8x2048xi1>
    %eq3A_70 = arith.xori %eq3A_68, %eq3A_69 : vector<8x2048xi1>
    %eq3A_71 = arith.xori %or3A_67, %eq3A_70 : vector<8x2048xi1>
    %eq3A_72 = arith.constant dense<true> : vector<8x2048xi1>
    %eq3A_73 = arith.xori %eq3A_71, %eq3A_72 : vector<8x2048xi1>
    %select_n3A_74 = arith.select %eq3A_73, %select_n3A_35, %select_n3A_49 : vector<8x2048xi1>, vector<8x2048xf32>
    %select_n3A_75 = arith.select %eq3A_73, %select_n3A_36, %select_n3A_56 : vector<8x2048xi1>, vector<8x2048xi32>
    %and3A_76 = arith.constant 1 : i32
    %and3A_77 = vector.broadcast %and3A_76 : i32 to vector<8x2048xi32>
    %and3A_78 = arith.andi %iota3A_5, %and3A_77 : vector<8x2048xi32>
    %eq3A_79 = arith.constant 0 : i32
    %eq3A_80 = vector.broadcast %eq3A_79 : i32 to vector<8x2048xi32>
    %eq3A_81 = arith.cmpi eq, %and3A_78, %eq3A_80 : vector<8x2048xi32>
    %slice3A_82 = vector.extract_strided_slice %select_n3A_74 {offsets = [0, 1], sizes = [8, 2047], strides = [1, 1]} : vector<8x2048xf32> to vector<8x2047xf32>
    %slice3A_83 = vector.extract_strided_slice %select_n3A_74 {offsets = [0, 0], sizes = [8, 1], strides = [1, 1]} : vector<8x2048xf32> to vector<8x1xf32>
    %concatenate3A_84 = tpu.concatenate %slice3A_82, %slice3A_83 in 1 : vector<8x2047xf32>, vector<8x1xf32> -> vector<8x2048xf32>
    %slice3A_85 = vector.extract_strided_slice %select_n3A_74 {offsets = [0, 2047], sizes = [8, 1], strides = [1, 1]} : vector<8x2048xf32> to vector<8x1xf32>
    %slice3A_86 = vector.extract_strided_slice %select_n3A_74 {offsets = [0, 0], sizes = [8, 2047], strides = [1, 1]} : vector<8x2048xf32> to vector<8x2047xf32>
    %concatenate3A_87 = tpu.concatenate %slice3A_85, %slice3A_86 in 1 : vector<8x1xf32>, vector<8x2047xf32> -> vector<8x2048xf32>
    %select_n3A_88 = arith.select %eq3A_81, %concatenate3A_84, %concatenate3A_87 : vector<8x2048xi1>, vector<8x2048xf32>
    %slice3A_89 = vector.extract_strided_slice %select_n3A_75 {offsets = [0, 1], sizes = [8, 2047], strides = [1, 1]} : vector<8x2048xi32> to vector<8x2047xi32>
    %slice3A_90 = vector.extract_strided_slice %select_n3A_75 {offsets = [0, 0], sizes = [8, 1], strides = [1, 1]} : vector<8x2048xi32> to vector<8x1xi32>
    %concatenate3A_91 = tpu.concatenate %slice3A_89, %slice3A_90 in 1 : vector<8x2047xi32>, vector<8x1xi32> -> vector<8x2048xi32>
    %slice3A_92 = vector.extract_strided_slice %select_n3A_75 {offsets = [0, 2047], sizes = [8, 1], strides = [1, 1]} : vector<8x2048xi32> to vector<8x1xi32>
    %slice3A_93 = vector.extract_strided_slice %select_n3A_75 {offsets = [0, 0], sizes = [8, 2047], strides = [1, 1]} : vector<8x2048xi32> to vector<8x2047xi32>
    %concatenate3A_94 = tpu.concatenate %slice3A_92, %slice3A_93 in 1 : vector<8x1xi32>, vector<8x2047xi32> -> vector<8x2048xi32>
    %select_n3A_95 = arith.select %eq3A_81, %concatenate3A_91, %concatenate3A_94 : vector<8x2048xi1>, vector<8x2048xi32>
    %and3A_96 = arith.constant 4 : i32
    %and3A_97 = vector.broadcast %and3A_96 : i32 to vector<8x2048xi32>
    %and3A_98 = arith.andi %iota3A_5, %and3A_97 : vector<8x2048xi32>
    %eq3A_99 = arith.constant 0 : i32
    %eq3A_100 = vector.broadcast %eq3A_99 : i32 to vector<8x2048xi32>
    %eq3A_101 = arith.cmpi eq, %and3A_98, %eq3A_100 : vector<8x2048xi32>
    %gt3A_102 = arith.cmpf ogt, %select_n3A_74, %select_n3A_88 : vector<8x2048xf32>
    %eq3A_103 = arith.cmpf oeq, %select_n3A_74, %select_n3A_88 : vector<8x2048xf32>
    %lt3A_104 = arith.cmpi slt, %select_n3A_75, %select_n3A_95 : vector<8x2048xi32>
    %and3A_105 = arith.andi %eq3A_103, %lt3A_104 : vector<8x2048xi1>
    %or3A_106 = arith.ori %gt3A_102, %and3A_105 : vector<8x2048xi1>
    %eq3A_107 = arith.xori %eq3A_81, %eq3A_101 : vector<8x2048xi1>
    %eq3A_108 = arith.constant dense<true> : vector<8x2048xi1>
    %eq3A_109 = arith.xori %eq3A_107, %eq3A_108 : vector<8x2048xi1>
    %eq3A_110 = arith.xori %or3A_106, %eq3A_109 : vector<8x2048xi1>
    %eq3A_111 = arith.constant dense<true> : vector<8x2048xi1>
    %eq3A_112 = arith.xori %eq3A_110, %eq3A_111 : vector<8x2048xi1>
    %select_n3A_113 = arith.select %eq3A_112, %select_n3A_74, %select_n3A_88 : vector<8x2048xi1>, vector<8x2048xf32>
    %select_n3A_114 = arith.select %eq3A_112, %select_n3A_75, %select_n3A_95 : vector<8x2048xi1>, vector<8x2048xi32>
    %and3A_115 = arith.constant 4 : i32
    %and3A_116 = vector.broadcast %and3A_115 : i32 to vector<8x2048xi32>
    %and3A_117 = arith.andi %iota3A_5, %and3A_116 : vector<8x2048xi32>
    %eq3A_118 = arith.constant 0 : i32
    %eq3A_119 = vector.broadcast %eq3A_118 : i32 to vector<8x2048xi32>
    %eq3A_120 = arith.cmpi eq, %and3A_117, %eq3A_119 : vector<8x2048xi32>
    %slice3A_121 = vector.extract_strided_slice %select_n3A_113 {offsets = [0, 4], sizes = [8, 2044], strides = [1, 1]} : vector<8x2048xf32> to vector<8x2044xf32>
    %slice3A_122 = vector.extract_strided_slice %select_n3A_113 {offsets = [0, 0], sizes = [8, 4], strides = [1, 1]} : vector<8x2048xf32> to vector<8x4xf32>
    %concatenate3A_123 = tpu.concatenate %slice3A_121, %slice3A_122 in 1 : vector<8x2044xf32>, vector<8x4xf32> -> vector<8x2048xf32>
    %slice3A_124 = vector.extract_strided_slice %select_n3A_113 {offsets = [0, 2044], sizes = [8, 4], strides = [1, 1]} : vector<8x2048xf32> to vector<8x4xf32>
    %slice3A_125 = vector.extract_strided_slice %select_n3A_113 {offsets = [0, 0], sizes = [8, 2044], strides = [1, 1]} : vector<8x2048xf32> to vector<8x2044xf32>
    %concatenate3A_126 = tpu.concatenate %slice3A_124, %slice3A_125 in 1 : vector<8x4xf32>, vector<8x2044xf32> -> vector<8x2048xf32>
    %select_n3A_127 = arith.select %eq3A_120, %concatenate3A_123, %concatenate3A_126 : vector<8x2048xi1>, vector<8x2048xf32>
    %slice3A_128 = vector.extract_strided_slice %select_n3A_114 {offsets = [0, 4], sizes = [8, 2044], strides = [1, 1]} : vector<8x2048xi32> to vector<8x2044xi32>
    %slice3A_129 = vector.extract_strided_slice %select_n3A_114 {offsets = [0, 0], sizes = [8, 4], strides = [1, 1]} : vector<8x2048xi32> to vector<8x4xi32>
    %concatenate3A_130 = tpu.concatenate %slice3A_128, %slice3A_129 in 1 : vector<8x2044xi32>, vector<8x4xi32> -> vector<8x2048xi32>
    %slice3A_131 = vector.extract_strided_slice %select_n3A_114 {offsets = [0, 2044], sizes = [8, 4], strides = [1, 1]} : vector<8x2048xi32> to vector<8x4xi32>
    %slice3A_132 = vector.extract_strided_slice %select_n3A_114 {offsets = [0, 0], sizes = [8, 2044], strides = [1, 1]} : vector<8x2048xi32> to vector<8x2044xi32>
    %concatenate3A_133 = tpu.concatenate %slice3A_131, %slice3A_132 in 1 : vector<8x4xi32>, vector<8x2044xi32> -> vector<8x2048xi32>
    %select_n3A_134 = arith.select %eq3A_120, %concatenate3A_130, %concatenate3A_133 : vector<8x2048xi1>, vector<8x2048xi32>
    %and3A_135 = arith.constant 8 : i32
    %and3A_136 = vector.broadcast %and3A_135 : i32 to vector<8x2048xi32>
    %and3A_137 = arith.andi %iota3A_5, %and3A_136 : vector<8x2048xi32>
    %eq3A_138 = arith.constant 0 : i32
    %eq3A_139 = vector.broadcast %eq3A_138 : i32 to vector<8x2048xi32>
    %eq3A_140 = arith.cmpi eq, %and3A_137, %eq3A_139 : vector<8x2048xi32>
    %gt3A_141 = arith.cmpf ogt, %select_n3A_113, %select_n3A_127 : vector<8x2048xf32>
    %eq3A_142 = arith.cmpf oeq, %select_n3A_113, %select_n3A_127 : vector<8x2048xf32>
    %lt3A_143 = arith.cmpi slt, %select_n3A_114, %select_n3A_134 : vector<8x2048xi32>
    %and3A_144 = arith.andi %eq3A_142, %lt3A_143 : vector<8x2048xi1>
    %or3A_145 = arith.ori %gt3A_141, %and3A_144 : vector<8x2048xi1>
    %eq3A_146 = arith.xori %eq3A_120, %eq3A_140 : vector<8x2048xi1>
    %eq3A_147 = arith.constant dense<true> : vector<8x2048xi1>
    %eq3A_148 = arith.xori %eq3A_146, %eq3A_147 : vector<8x2048xi1>
    %eq3A_149 = arith.xori %or3A_145, %eq3A_148 : vector<8x2048xi1>
    %eq3A_150 = arith.constant dense<true> : vector<8x2048xi1>
    %eq3A_151 = arith.xori %eq3A_149, %eq3A_150 : vector<8x2048xi1>
    %select_n3A_152 = arith.select %eq3A_151, %select_n3A_113, %select_n3A_127 : vector<8x2048xi1>, vector<8x2048xf32>
    %select_n3A_153 = arith.select %eq3A_151, %select_n3A_114, %select_n3A_134 : vector<8x2048xi1>, vector<8x2048xi32>
    %and3A_154 = arith.constant 2 : i32
    %and3A_155 = vector.broadcast %and3A_154 : i32 to vector<8x2048xi32>
    %and3A_156 = arith.andi %iota3A_5, %and3A_155 : vector<8x2048xi32>
    %eq3A_157 = arith.constant 0 : i32
    %eq3A_158 = vector.broadcast %eq3A_157 : i32 to vector<8x2048xi32>
    %eq3A_159 = arith.cmpi eq, %and3A_156, %eq3A_158 : vector<8x2048xi32>
    %slice3A_160 = vector.extract_strided_slice %select_n3A_152 {offsets = [0, 2], sizes = [8, 2046], strides = [1, 1]} : vector<8x2048xf32> to vector<8x2046xf32>
    %slice3A_161 = vector.extract_strided_slice %select_n3A_152 {offsets = [0, 0], sizes = [8, 2], strides = [1, 1]} : vector<8x2048xf32> to vector<8x2xf32>
    %concatenate3A_162 = tpu.concatenate %slice3A_160, %slice3A_161 in 1 : vector<8x2046xf32>, vector<8x2xf32> -> vector<8x2048xf32>
    %slice3A_163 = vector.extract_strided_slice %select_n3A_152 {offsets = [0, 2046], sizes = [8, 2], strides = [1, 1]} : vector<8x2048xf32> to vector<8x2xf32>
    %slice3A_164 = vector.extract_strided_slice %select_n3A_152 {offsets = [0, 0], sizes = [8, 2046], strides = [1, 1]} : vector<8x2048xf32> to vector<8x2046xf32>
    %concatenate3A_165 = tpu.concatenate %slice3A_163, %slice3A_164 in 1 : vector<8x2xf32>, vector<8x2046xf32> -> vector<8x2048xf32>
    %select_n3A_166 = arith.select %eq3A_159, %concatenate3A_162, %concatenate3A_165 : vector<8x2048xi1>, vector<8x2048xf32>
    %slice3A_167 = vector.extract_strided_slice %select_n3A_153 {offsets = [0, 2], sizes = [8, 2046], strides = [1, 1]} : vector<8x2048xi32> to vector<8x2046xi32>
    %slice3A_168 = vector.extract_strided_slice %select_n3A_153 {offsets = [0, 0], sizes = [8, 2], strides = [1, 1]} : vector<8x2048xi32> to vector<8x2xi32>
    %concatenate3A_169 = tpu.concatenate %slice3A_167, %slice3A_168 in 1 : vector<8x2046xi32>, vector<8x2xi32> -> vector<8x2048xi32>
    %slice3A_170 = vector.extract_strided_slice %select_n3A_153 {offsets = [0, 2046], sizes = [8, 2], strides = [1, 1]} : vector<8x2048xi32> to vector<8x2xi32>
    %slice3A_171 = vector.extract_strided_slice %select_n3A_153 {offsets = [0, 0], sizes = [8, 2046], strides = [1, 1]} : vector<8x2048xi32> to vector<8x2046xi32>
    %concatenate3A_172 = tpu.concatenate %slice3A_170, %slice3A_171 in 1 : vector<8x2xi32>, vector<8x2046xi32> -> vector<8x2048xi32>
    %select_n3A_173 = arith.select %eq3A_159, %concatenate3A_169, %concatenate3A_172 : vector<8x2048xi1>, vector<8x2048xi32>
    %and3A_174 = arith.constant 8 : i32
    %and3A_175 = vector.broadcast %and3A_174 : i32 to vector<8x2048xi32>
    %and3A_176 = arith.andi %iota3A_5, %and3A_175 : vector<8x2048xi32>
    %eq3A_177 = arith.constant 0 : i32
    %eq3A_178 = vector.broadcast %eq3A_177 : i32 to vector<8x2048xi32>
    %eq3A_179 = arith.cmpi eq, %and3A_176, %eq3A_178 : vector<8x2048xi32>
    %gt3A_180 = arith.cmpf ogt, %select_n3A_152, %select_n3A_166 : vector<8x2048xf32>
    %eq3A_181 = arith.cmpf oeq, %select_n3A_152, %select_n3A_166 : vector<8x2048xf32>
    %lt3A_182 = arith.cmpi slt, %select_n3A_153, %select_n3A_173 : vector<8x2048xi32>
    %and3A_183 = arith.andi %eq3A_181, %lt3A_182 : vector<8x2048xi1>
    %or3A_184 = arith.ori %gt3A_180, %and3A_183 : vector<8x2048xi1>
    %eq3A_185 = arith.xori %eq3A_159, %eq3A_179 : vector<8x2048xi1>
    %eq3A_186 = arith.constant dense<true> : vector<8x2048xi1>
    %eq3A_187 = arith.xori %eq3A_185, %eq3A_186 : vector<8x2048xi1>
    %eq3A_188 = arith.xori %or3A_184, %eq3A_187 : vector<8x2048xi1>
    %eq3A_189 = arith.constant dense<true> : vector<8x2048xi1>
    %eq3A_190 = arith.xori %eq3A_188, %eq3A_189 : vector<8x2048xi1>
    %select_n3A_191 = arith.select %eq3A_190, %select_n3A_152, %select_n3A_166 : vector<8x2048xi1>, vector<8x2048xf32>
    %select_n3A_192 = arith.select %eq3A_190, %select_n3A_153, %select_n3A_173 : vector<8x2048xi1>, vector<8x2048xi32>
    %and3A_193 = arith.constant 1 : i32
    %and3A_194 = vector.broadcast %and3A_193 : i32 to vector<8x2048xi32>
    %and3A_195 = arith.andi %iota3A_5, %and3A_194 : vector<8x2048xi32>
    %eq3A_196 = arith.constant 0 : i32
    %eq3A_197 = vector.broadcast %eq3A_196 : i32 to vector<8x2048xi32>
    %eq3A_198 = arith.cmpi eq, %and3A_195, %eq3A_197 : vector<8x2048xi32>
    %slice3A_199 = vector.extract_strided_slice %select_n3A_191 {offsets = [0, 1], sizes = [8, 2047], strides = [1, 1]} : vector<8x2048xf32> to vector<8x2047xf32>
    %slice3A_200 = vector.extract_strided_slice %select_n3A_191 {offsets = [0, 0], sizes = [8, 1], strides = [1, 1]} : vector<8x2048xf32> to vector<8x1xf32>
    %concatenate3A_201 = tpu.concatenate %slice3A_199, %slice3A_200 in 1 : vector<8x2047xf32>, vector<8x1xf32> -> vector<8x2048xf32>
    %slice3A_202 = vector.extract_strided_slice %select_n3A_191 {offsets = [0, 2047], sizes = [8, 1], strides = [1, 1]} : vector<8x2048xf32> to vector<8x1xf32>
    %slice3A_203 = vector.extract_strided_slice %select_n3A_191 {offsets = [0, 0], sizes = [8, 2047], strides = [1, 1]} : vector<8x2048xf32> to vector<8x2047xf32>
    %concatenate3A_204 = tpu.concatenate %slice3A_202, %slice3A_203 in 1 : vector<8x1xf32>, vector<8x2047xf32> -> vector<8x2048xf32>
    %select_n3A_205 = arith.select %eq3A_198, %concatenate3A_201, %concatenate3A_204 : vector<8x2048xi1>, vector<8x2048xf32>
    %slice3A_206 = vector.extract_strided_slice %select_n3A_192 {offsets = [0, 1], sizes = [8, 2047], strides = [1, 1]} : vector<8x2048xi32> to vector<8x2047xi32>
    %slice3A_207 = vector.extract_strided_slice %select_n3A_192 {offsets = [0, 0], sizes = [8, 1], strides = [1, 1]} : vector<8x2048xi32> to vector<8x1xi32>
    %concatenate3A_208 = tpu.concatenate %slice3A_206, %slice3A_207 in 1 : vector<8x2047xi32>, vector<8x1xi32> -> vector<8x2048xi32>
    %slice3A_209 = vector.extract_strided_slice %select_n3A_192 {offsets = [0, 2047], sizes = [8, 1], strides = [1, 1]} : vector<8x2048xi32> to vector<8x1xi32>
    %slice3A_210 = vector.extract_strided_slice %select_n3A_192 {offsets = [0, 0], sizes = [8, 2047], strides = [1, 1]} : vector<8x2048xi32> to vector<8x2047xi32>
    %concatenate3A_211 = tpu.concatenate %slice3A_209, %slice3A_210 in 1 : vector<8x1xi32>, vector<8x2047xi32> -> vector<8x2048xi32>
    %select_n3A_212 = arith.select %eq3A_198, %concatenate3A_208, %concatenate3A_211 : vector<8x2048xi1>, vector<8x2048xi32>
    %and3A_213 = arith.constant 8 : i32
    %and3A_214 = vector.broadcast %and3A_213 : i32 to vector<8x2048xi32>
    %and3A_215 = arith.andi %iota3A_5, %and3A_214 : vector<8x2048xi32>
    %eq3A_216 = arith.constant 0 : i32
    %eq3A_217 = vector.broadcast %eq3A_216 : i32 to vector<8x2048xi32>
    %eq3A_218 = arith.cmpi eq, %and3A_215, %eq3A_217 : vector<8x2048xi32>
    %gt3A_219 = arith.cmpf ogt, %select_n3A_191, %select_n3A_205 : vector<8x2048xf32>
    %eq3A_220 = arith.cmpf oeq, %select_n3A_191, %select_n3A_205 : vector<8x2048xf32>
    %lt3A_221 = arith.cmpi slt, %select_n3A_192, %select_n3A_212 : vector<8x2048xi32>
    %and3A_222 = arith.andi %eq3A_220, %lt3A_221 : vector<8x2048xi1>
    %or3A_223 = arith.ori %gt3A_219, %and3A_222 : vector<8x2048xi1>
    %eq3A_224 = arith.xori %eq3A_198, %eq3A_218 : vector<8x2048xi1>
    %eq3A_225 = arith.constant dense<true> : vector<8x2048xi1>
    %eq3A_226 = arith.xori %eq3A_224, %eq3A_225 : vector<8x2048xi1>
    %eq3A_227 = arith.xori %or3A_223, %eq3A_226 : vector<8x2048xi1>
    %eq3A_228 = arith.constant dense<true> : vector<8x2048xi1>
    %eq3A_229 = arith.xori %eq3A_227, %eq3A_228 : vector<8x2048xi1>
    %select_n3A_230 = arith.select %eq3A_229, %select_n3A_191, %select_n3A_205 : vector<8x2048xi1>, vector<8x2048xf32>
    %select_n3A_231 = arith.select %eq3A_229, %select_n3A_192, %select_n3A_212 : vector<8x2048xi1>, vector<8x2048xi32>
    %and3A_232 = arith.constant 8 : i32
    %and3A_233 = vector.broadcast %and3A_232 : i32 to vector<8x2048xi32>
    %and3A_234 = arith.andi %iota3A_5, %and3A_233 : vector<8x2048xi32>
    %eq3A_235 = arith.constant 0 : i32
    %eq3A_236 = vector.broadcast %eq3A_235 : i32 to vector<8x2048xi32>
    %eq3A_237 = arith.cmpi eq, %and3A_234, %eq3A_236 : vector<8x2048xi32>
    %slice3A_238 = vector.extract_strided_slice %select_n3A_230 {offsets = [0, 8], sizes = [8, 2040], strides = [1, 1]} : vector<8x2048xf32> to vector<8x2040xf32>
    %slice3A_239 = vector.extract_strided_slice %select_n3A_230 {offsets = [0, 0], sizes = [8, 8], strides = [1, 1]} : vector<8x2048xf32> to vector<8x8xf32>
    %concatenate3A_240 = tpu.concatenate %slice3A_238, %slice3A_239 in 1 : vector<8x2040xf32>, vector<8x8xf32> -> vector<8x2048xf32>
    %slice3A_241 = vector.extract_strided_slice %select_n3A_230 {offsets = [0, 2040], sizes = [8, 8], strides = [1, 1]} : vector<8x2048xf32> to vector<8x8xf32>
    %slice3A_242 = vector.extract_strided_slice %select_n3A_230 {offsets = [0, 0], sizes = [8, 2040], strides = [1, 1]} : vector<8x2048xf32> to vector<8x2040xf32>
    %concatenate3A_243 = tpu.concatenate %slice3A_241, %slice3A_242 in 1 : vector<8x8xf32>, vector<8x2040xf32> -> vector<8x2048xf32>
    %select_n3A_244 = arith.select %eq3A_237, %concatenate3A_240, %concatenate3A_243 : vector<8x2048xi1>, vector<8x2048xf32>
    %slice3A_245 = vector.extract_strided_slice %select_n3A_231 {offsets = [0, 8], sizes = [8, 2040], strides = [1, 1]} : vector<8x2048xi32> to vector<8x2040xi32>
    %slice3A_246 = vector.extract_strided_slice %select_n3A_231 {offsets = [0, 0], sizes = [8, 8], strides = [1, 1]} : vector<8x2048xi32> to vector<8x8xi32>
    %concatenate3A_247 = tpu.concatenate %slice3A_245, %slice3A_246 in 1 : vector<8x2040xi32>, vector<8x8xi32> -> vector<8x2048xi32>
    %slice3A_248 = vector.extract_strided_slice %select_n3A_231 {offsets = [0, 2040], sizes = [8, 8], strides = [1, 1]} : vector<8x2048xi32> to vector<8x8xi32>
    %slice3A_249 = vector.extract_strided_slice %select_n3A_231 {offsets = [0, 0], sizes = [8, 2040], strides = [1, 1]} : vector<8x2048xi32> to vector<8x2040xi32>
    %concatenate3A_250 = tpu.concatenate %slice3A_248, %slice3A_249 in 1 : vector<8x8xi32>, vector<8x2040xi32> -> vector<8x2048xi32>
    %select_n3A_251 = arith.select %eq3A_237, %concatenate3A_247, %concatenate3A_250 : vector<8x2048xi1>, vector<8x2048xi32>
    %and3A_252 = arith.constant 16 : i32
    %and3A_253 = vector.broadcast %and3A_252 : i32 to vector<8x2048xi32>
    %and3A_254 = arith.andi %iota3A_5, %and3A_253 : vector<8x2048xi32>
    %eq3A_255 = arith.constant 0 : i32
    %eq3A_256 = vector.broadcast %eq3A_255 : i32 to vector<8x2048xi32>
    %eq3A_257 = arith.cmpi eq, %and3A_254, %eq3A_256 : vector<8x2048xi32>
    %gt3A_258 = arith.cmpf ogt, %select_n3A_230, %select_n3A_244 : vector<8x2048xf32>
    %eq3A_259 = arith.cmpf oeq, %select_n3A_230, %select_n3A_244 : vector<8x2048xf32>
    %lt3A_260 = arith.cmpi slt, %select_n3A_231, %select_n3A_251 : vector<8x2048xi32>
    %and3A_261 = arith.andi %eq3A_259, %lt3A_260 : vector<8x2048xi1>
    %or3A_262 = arith.ori %gt3A_258, %and3A_261 : vector<8x2048xi1>
    %eq3A_263 = arith.xori %eq3A_237, %eq3A_257 : vector<8x2048xi1>
    %eq3A_264 = arith.constant dense<true> : vector<8x2048xi1>
    %eq3A_265 = arith.xori %eq3A_263, %eq3A_264 : vector<8x2048xi1>
    %eq3A_266 = arith.xori %or3A_262, %eq3A_265 : vector<8x2048xi1>
    %eq3A_267 = arith.constant dense<true> : vector<8x2048xi1>
    %eq3A_268 = arith.xori %eq3A_266, %eq3A_267 : vector<8x2048xi1>
    %select_n3A_269 = arith.select %eq3A_268, %select_n3A_230, %select_n3A_244 : vector<8x2048xi1>, vector<8x2048xf32>
    %select_n3A_270 = arith.select %eq3A_268, %select_n3A_231, %select_n3A_251 : vector<8x2048xi1>, vector<8x2048xi32>
    %and3A_271 = arith.constant 4 : i32
    %and3A_272 = vector.broadcast %and3A_271 : i32 to vector<8x2048xi32>
    %and3A_273 = arith.andi %iota3A_5, %and3A_272 : vector<8x2048xi32>
    %eq3A_274 = arith.constant 0 : i32
    %eq3A_275 = vector.broadcast %eq3A_274 : i32 to vector<8x2048xi32>
    %eq3A_276 = arith.cmpi eq, %and3A_273, %eq3A_275 : vector<8x2048xi32>
    %slice3A_277 = vector.extract_strided_slice %select_n3A_269 {offsets = [0, 4], sizes = [8, 2044], strides = [1, 1]} : vector<8x2048xf32> to vector<8x2044xf32>
    %slice3A_278 = vector.extract_strided_slice %select_n3A_269 {offsets = [0, 0], sizes = [8, 4], strides = [1, 1]} : vector<8x2048xf32> to vector<8x4xf32>
    %concatenate3A_279 = tpu.concatenate %slice3A_277, %slice3A_278 in 1 : vector<8x2044xf32>, vector<8x4xf32> -> vector<8x2048xf32>
    %slice3A_280 = vector.extract_strided_slice %select_n3A_269 {offsets = [0, 2044], sizes = [8, 4], strides = [1, 1]} : vector<8x2048xf32> to vector<8x4xf32>
    %slice3A_281 = vector.extract_strided_slice %select_n3A_269 {offsets = [0, 0], sizes = [8, 2044], strides = [1, 1]} : vector<8x2048xf32> to vector<8x2044xf32>
    %concatenate3A_282 = tpu.concatenate %slice3A_280, %slice3A_281 in 1 : vector<8x4xf32>, vector<8x2044xf32> -> vector<8x2048xf32>
    %select_n3A_283 = arith.select %eq3A_276, %concatenate3A_279, %concatenate3A_282 : vector<8x2048xi1>, vector<8x2048xf32>
    %slice3A_284 = vector.extract_strided_slice %select_n3A_270 {offsets = [0, 4], sizes = [8, 2044], strides = [1, 1]} : vector<8x2048xi32> to vector<8x2044xi32>
    %slice3A_285 = vector.extract_strided_slice %select_n3A_270 {offsets = [0, 0], sizes = [8, 4], strides = [1, 1]} : vector<8x2048xi32> to vector<8x4xi32>
    %concatenate3A_286 = tpu.concatenate %slice3A_284, %slice3A_285 in 1 : vector<8x2044xi32>, vector<8x4xi32> -> vector<8x2048xi32>
    %slice3A_287 = vector.extract_strided_slice %select_n3A_270 {offsets = [0, 2044], sizes = [8, 4], strides = [1, 1]} : vector<8x2048xi32> to vector<8x4xi32>
    %slice3A_288 = vector.extract_strided_slice %select_n3A_270 {offsets = [0, 0], sizes = [8, 2044], strides = [1, 1]} : vector<8x2048xi32> to vector<8x2044xi32>
    %concatenate3A_289 = tpu.concatenate %slice3A_287, %slice3A_288 in 1 : vector<8x4xi32>, vector<8x2044xi32> -> vector<8x2048xi32>
    %select_n3A_290 = arith.select %eq3A_276, %concatenate3A_286, %concatenate3A_289 : vector<8x2048xi1>, vector<8x2048xi32>
    %and3A_291 = arith.constant 16 : i32
    %and3A_292 = vector.broadcast %and3A_291 : i32 to vector<8x2048xi32>
    %and3A_293 = arith.andi %iota3A_5, %and3A_292 : vector<8x2048xi32>
    %eq3A_294 = arith.constant 0 : i32
    %eq3A_295 = vector.broadcast %eq3A_294 : i32 to vector<8x2048xi32>
    %eq3A_296 = arith.cmpi eq, %and3A_293, %eq3A_295 : vector<8x2048xi32>
    %gt3A_297 = arith.cmpf ogt, %select_n3A_269, %select_n3A_283 : vector<8x2048xf32>
    %eq3A_298 = arith.cmpf oeq, %select_n3A_269, %select_n3A_283 : vector<8x2048xf32>
    %lt3A_299 = arith.cmpi slt, %select_n3A_270, %select_n3A_290 : vector<8x2048xi32>
    %and3A_300 = arith.andi %eq3A_298, %lt3A_299 : vector<8x2048xi1>
    %or3A_301 = arith.ori %gt3A_297, %and3A_300 : vector<8x2048xi1>
    %eq3A_302 = arith.xori %eq3A_276, %eq3A_296 : vector<8x2048xi1>
    %eq3A_303 = arith.constant dense<true> : vector<8x2048xi1>
    %eq3A_304 = arith.xori %eq3A_302, %eq3A_303 : vector<8x2048xi1>
    %eq3A_305 = arith.xori %or3A_301, %eq3A_304 : vector<8x2048xi1>
    %eq3A_306 = arith.constant dense<true> : vector<8x2048xi1>
    %eq3A_307 = arith.xori %eq3A_305, %eq3A_306 : vector<8x2048xi1>
    %select_n3A_308 = arith.select %eq3A_307, %select_n3A_269, %select_n3A_283 : vector<8x2048xi1>, vector<8x2048xf32>
    %select_n3A_309 = arith.select %eq3A_307, %select_n3A_270, %select_n3A_290 : vector<8x2048xi1>, vector<8x2048xi32>
    %and3A_310 = arith.constant 2 : i32
    %and3A_311 = vector.broadcast %and3A_310 : i32 to vector<8x2048xi32>
    %and3A_312 = arith.andi %iota3A_5, %and3A_311 : vector<8x2048xi32>
    %eq3A_313 = arith.constant 0 : i32
    %eq3A_314 = vector.broadcast %eq3A_313 : i32 to vector<8x2048xi32>
    %eq3A_315 = arith.cmpi eq, %and3A_312, %eq3A_314 : vector<8x2048xi32>
    %slice3A_316 = vector.extract_strided_slice %select_n3A_308 {offsets = [0, 2], sizes = [8, 2046], strides = [1, 1]} : vector<8x2048xf32> to vector<8x2046xf32>
    %slice3A_317 = vector.extract_strided_slice %select_n3A_308 {offsets = [0, 0], sizes = [8, 2], strides = [1, 1]} : vector<8x2048xf32> to vector<8x2xf32>
    %concatenate3A_318 = tpu.concatenate %slice3A_316, %slice3A_317 in 1 : vector<8x2046xf32>, vector<8x2xf32> -> vector<8x2048xf32>
    %slice3A_319 = vector.extract_strided_slice %select_n3A_308 {offsets = [0, 2046], sizes = [8, 2], strides = [1, 1]} : vector<8x2048xf32> to vector<8x2xf32>
    %slice3A_320 = vector.extract_strided_slice %select_n3A_308 {offsets = [0, 0], sizes = [8, 2046], strides = [1, 1]} : vector<8x2048xf32> to vector<8x2046xf32>
    %concatenate3A_321 = tpu.concatenate %slice3A_319, %slice3A_320 in 1 : vector<8x2xf32>, vector<8x2046xf32> -> vector<8x2048xf32>
    %select_n3A_322 = arith.select %eq3A_315, %concatenate3A_318, %concatenate3A_321 : vector<8x2048xi1>, vector<8x2048xf32>
    %slice3A_323 = vector.extract_strided_slice %select_n3A_309 {offsets = [0, 2], sizes = [8, 2046], strides = [1, 1]} : vector<8x2048xi32> to vector<8x2046xi32>
    %slice3A_324 = vector.extract_strided_slice %select_n3A_309 {offsets = [0, 0], sizes = [8, 2], strides = [1, 1]} : vector<8x2048xi32> to vector<8x2xi32>
    %concatenate3A_325 = tpu.concatenate %slice3A_323, %slice3A_324 in 1 : vector<8x2046xi32>, vector<8x2xi32> -> vector<8x2048xi32>
    %slice3A_326 = vector.extract_strided_slice %select_n3A_309 {offsets = [0, 2046], sizes = [8, 2], strides = [1, 1]} : vector<8x2048xi32> to vector<8x2xi32>
    %slice3A_327 = vector.extract_strided_slice %select_n3A_309 {offsets = [0, 0], sizes = [8, 2046], strides = [1, 1]} : vector<8x2048xi32> to vector<8x2046xi32>
    %concatenate3A_328 = tpu.concatenate %slice3A_326, %slice3A_327 in 1 : vector<8x2xi32>, vector<8x2046xi32> -> vector<8x2048xi32>
    %select_n3A_329 = arith.select %eq3A_315, %concatenate3A_325, %concatenate3A_328 : vector<8x2048xi1>, vector<8x2048xi32>
    %and3A_330 = arith.constant 16 : i32
    %and3A_331 = vector.broadcast %and3A_330 : i32 to vector<8x2048xi32>
    %and3A_332 = arith.andi %iota3A_5, %and3A_331 : vector<8x2048xi32>
    %eq3A_333 = arith.constant 0 : i32
    %eq3A_334 = vector.broadcast %eq3A_333 : i32 to vector<8x2048xi32>
    %eq3A_335 = arith.cmpi eq, %and3A_332, %eq3A_334 : vector<8x2048xi32>
    %gt3A_336 = arith.cmpf ogt, %select_n3A_308, %select_n3A_322 : vector<8x2048xf32>
    %eq3A_337 = arith.cmpf oeq, %select_n3A_308, %select_n3A_322 : vector<8x2048xf32>
    %lt3A_338 = arith.cmpi slt, %select_n3A_309, %select_n3A_329 : vector<8x2048xi32>
    %and3A_339 = arith.andi %eq3A_337, %lt3A_338 : vector<8x2048xi1>
    %or3A_340 = arith.ori %gt3A_336, %and3A_339 : vector<8x2048xi1>
    %eq3A_341 = arith.xori %eq3A_315, %eq3A_335 : vector<8x2048xi1>
    %eq3A_342 = arith.constant dense<true> : vector<8x2048xi1>
    %eq3A_343 = arith.xori %eq3A_341, %eq3A_342 : vector<8x2048xi1>
    %eq3A_344 = arith.xori %or3A_340, %eq3A_343 : vector<8x2048xi1>
    %eq3A_345 = arith.constant dense<true> : vector<8x2048xi1>
    %eq3A_346 = arith.xori %eq3A_344, %eq3A_345 : vector<8x2048xi1>
    %select_n3A_347 = arith.select %eq3A_346, %select_n3A_308, %select_n3A_322 : vector<8x2048xi1>, vector<8x2048xf32>
    %select_n3A_348 = arith.select %eq3A_346, %select_n3A_309, %select_n3A_329 : vector<8x2048xi1>, vector<8x2048xi32>
    %and3A_349 = arith.constant 1 : i32
    %and3A_350 = vector.broadcast %and3A_349 : i32 to vector<8x2048xi32>
    %and3A_351 = arith.andi %iota3A_5, %and3A_350 : vector<8x2048xi32>
    %eq3A_352 = arith.constant 0 : i32
    %eq3A_353 = vector.broadcast %eq3A_352 : i32 to vector<8x2048xi32>
    %eq3A_354 = arith.cmpi eq, %and3A_351, %eq3A_353 : vector<8x2048xi32>
    %slice3A_355 = vector.extract_strided_slice %select_n3A_347 {offsets = [0, 1], sizes = [8, 2047], strides = [1, 1]} : vector<8x2048xf32> to vector<8x2047xf32>
    %slice3A_356 = vector.extract_strided_slice %select_n3A_347 {offsets = [0, 0], sizes = [8, 1], strides = [1, 1]} : vector<8x2048xf32> to vector<8x1xf32>
    %concatenate3A_357 = tpu.concatenate %slice3A_355, %slice3A_356 in 1 : vector<8x2047xf32>, vector<8x1xf32> -> vector<8x2048xf32>
    %slice3A_358 = vector.extract_strided_slice %select_n3A_347 {offsets = [0, 2047], sizes = [8, 1], strides = [1, 1]} : vector<8x2048xf32> to vector<8x1xf32>
    %slice3A_359 = vector.extract_strided_slice %select_n3A_347 {offsets = [0, 0], sizes = [8, 2047], strides = [1, 1]} : vector<8x2048xf32> to vector<8x2047xf32>
    %concatenate3A_360 = tpu.concatenate %slice3A_358, %slice3A_359 in 1 : vector<8x1xf32>, vector<8x2047xf32> -> vector<8x2048xf32>
    %select_n3A_361 = arith.select %eq3A_354, %concatenate3A_357, %concatenate3A_360 : vector<8x2048xi1>, vector<8x2048xf32>
    %slice3A_362 = vector.extract_strided_slice %select_n3A_348 {offsets = [0, 1], sizes = [8, 2047], strides = [1, 1]} : vector<8x2048xi32> to vector<8x2047xi32>
    %slice3A_363 = vector.extract_strided_slice %select_n3A_348 {offsets = [0, 0], sizes = [8, 1], strides = [1, 1]} : vector<8x2048xi32> to vector<8x1xi32>
    %concatenate3A_364 = tpu.concatenate %slice3A_362, %slice3A_363 in 1 : vector<8x2047xi32>, vector<8x1xi32> -> vector<8x2048xi32>
    %slice3A_365 = vector.extract_strided_slice %select_n3A_348 {offsets = [0, 2047], sizes = [8, 1], strides = [1, 1]} : vector<8x2048xi32> to vector<8x1xi32>
    %slice3A_366 = vector.extract_strided_slice %select_n3A_348 {offsets = [0, 0], sizes = [8, 2047], strides = [1, 1]} : vector<8x2048xi32> to vector<8x2047xi32>
    %concatenate3A_367 = tpu.concatenate %slice3A_365, %slice3A_366 in 1 : vector<8x1xi32>, vector<8x2047xi32> -> vector<8x2048xi32>
    %select_n3A_368 = arith.select %eq3A_354, %concatenate3A_364, %concatenate3A_367 : vector<8x2048xi1>, vector<8x2048xi32>
    %and3A_369 = arith.constant 16 : i32
    %and3A_370 = vector.broadcast %and3A_369 : i32 to vector<8x2048xi32>
    %and3A_371 = arith.andi %iota3A_5, %and3A_370 : vector<8x2048xi32>
    %eq3A_372 = arith.constant 0 : i32
    %eq3A_373 = vector.broadcast %eq3A_372 : i32 to vector<8x2048xi32>
    %eq3A_374 = arith.cmpi eq, %and3A_371, %eq3A_373 : vector<8x2048xi32>
    %gt3A_375 = arith.cmpf ogt, %select_n3A_347, %select_n3A_361 : vector<8x2048xf32>
    %eq3A_376 = arith.cmpf oeq, %select_n3A_347, %select_n3A_361 : vector<8x2048xf32>
    %lt3A_377 = arith.cmpi slt, %select_n3A_348, %select_n3A_368 : vector<8x2048xi32>
    %and3A_378 = arith.andi %eq3A_376, %lt3A_377 : vector<8x2048xi1>
    %or3A_379 = arith.ori %gt3A_375, %and3A_378 : vector<8x2048xi1>
    %eq3A_380 = arith.xori %eq3A_354, %eq3A_374 : vector<8x2048xi1>
    %eq3A_381 = arith.constant dense<true> : vector<8x2048xi1>
    %eq3A_382 = arith.xori %eq3A_380, %eq3A_381 : vector<8x2048xi1>
    %eq3A_383 = arith.xori %or3A_379, %eq3A_382 : vector<8x2048xi1>
    %eq3A_384 = arith.constant dense<true> : vector<8x2048xi1>
    %eq3A_385 = arith.xori %eq3A_383, %eq3A_384 : vector<8x2048xi1>
    %select_n3A_386 = arith.select %eq3A_385, %select_n3A_347, %select_n3A_361 : vector<8x2048xi1>, vector<8x2048xf32>
    %select_n3A_387 = arith.select %eq3A_385, %select_n3A_348, %select_n3A_368 : vector<8x2048xi1>, vector<8x2048xi32>
    %and3A_388 = arith.constant 16 : i32
    %and3A_389 = vector.broadcast %and3A_388 : i32 to vector<8x2048xi32>
    %and3A_390 = arith.andi %iota3A_5, %and3A_389 : vector<8x2048xi32>
    %eq3A_391 = arith.constant 0 : i32
    %eq3A_392 = vector.broadcast %eq3A_391 : i32 to vector<8x2048xi32>
    %eq3A_393 = arith.cmpi eq, %and3A_390, %eq3A_392 : vector<8x2048xi32>
    %slice3A_394 = vector.extract_strided_slice %select_n3A_386 {offsets = [0, 16], sizes = [8, 2032], strides = [1, 1]} : vector<8x2048xf32> to vector<8x2032xf32>
    %slice3A_395 = vector.extract_strided_slice %select_n3A_386 {offsets = [0, 0], sizes = [8, 16], strides = [1, 1]} : vector<8x2048xf32> to vector<8x16xf32>
    %concatenate3A_396 = tpu.concatenate %slice3A_394, %slice3A_395 in 1 : vector<8x2032xf32>, vector<8x16xf32> -> vector<8x2048xf32>
    %slice3A_397 = vector.extract_strided_slice %select_n3A_386 {offsets = [0, 2032], sizes = [8, 16], strides = [1, 1]} : vector<8x2048xf32> to vector<8x16xf32>
    %slice3A_398 = vector.extract_strided_slice %select_n3A_386 {offsets = [0, 0], sizes = [8, 2032], strides = [1, 1]} : vector<8x2048xf32> to vector<8x2032xf32>
    %concatenate3A_399 = tpu.concatenate %slice3A_397, %slice3A_398 in 1 : vector<8x16xf32>, vector<8x2032xf32> -> vector<8x2048xf32>
    %select_n3A_400 = arith.select %eq3A_393, %concatenate3A_396, %concatenate3A_399 : vector<8x2048xi1>, vector<8x2048xf32>
    %slice3A_401 = vector.extract_strided_slice %select_n3A_387 {offsets = [0, 16], sizes = [8, 2032], strides = [1, 1]} : vector<8x2048xi32> to vector<8x2032xi32>
    %slice3A_402 = vector.extract_strided_slice %select_n3A_387 {offsets = [0, 0], sizes = [8, 16], strides = [1, 1]} : vector<8x2048xi32> to vector<8x16xi32>
    %concatenate3A_403 = tpu.concatenate %slice3A_401, %slice3A_402 in 1 : vector<8x2032xi32>, vector<8x16xi32> -> vector<8x2048xi32>
    %slice3A_404 = vector.extract_strided_slice %select_n3A_387 {offsets = [0, 2032], sizes = [8, 16], strides = [1, 1]} : vector<8x2048xi32> to vector<8x16xi32>
    %slice3A_405 = vector.extract_strided_slice %select_n3A_387 {offsets = [0, 0], sizes = [8, 2032], strides = [1, 1]} : vector<8x2048xi32> to vector<8x2032xi32>
    %concatenate3A_406 = tpu.concatenate %slice3A_404, %slice3A_405 in 1 : vector<8x16xi32>, vector<8x2032xi32> -> vector<8x2048xi32>
    %select_n3A_407 = arith.select %eq3A_393, %concatenate3A_403, %concatenate3A_406 : vector<8x2048xi1>, vector<8x2048xi32>
    %and3A_408 = arith.constant 32 : i32
    %and3A_409 = vector.broadcast %and3A_408 : i32 to vector<8x2048xi32>
    %and3A_410 = arith.andi %iota3A_5, %and3A_409 : vector<8x2048xi32>
    %eq3A_411 = arith.constant 0 : i32
    %eq3A_412 = vector.broadcast %eq3A_411 : i32 to vector<8x2048xi32>
    %eq3A_413 = arith.cmpi eq, %and3A_410, %eq3A_412 : vector<8x2048xi32>
    %gt3A_414 = arith.cmpf ogt, %select_n3A_386, %select_n3A_400 : vector<8x2048xf32>
    %eq3A_415 = arith.cmpf oeq, %select_n3A_386, %select_n3A_400 : vector<8x2048xf32>
    %lt3A_416 = arith.cmpi slt, %select_n3A_387, %select_n3A_407 : vector<8x2048xi32>
    %and3A_417 = arith.andi %eq3A_415, %lt3A_416 : vector<8x2048xi1>
    %or3A_418 = arith.ori %gt3A_414, %and3A_417 : vector<8x2048xi1>
    %eq3A_419 = arith.xori %eq3A_393, %eq3A_413 : vector<8x2048xi1>
    %eq3A_420 = arith.constant dense<true> : vector<8x2048xi1>
    %eq3A_421 = arith.xori %eq3A_419, %eq3A_420 : vector<8x2048xi1>
    %eq3A_422 = arith.xori %or3A_418, %eq3A_421 : vector<8x2048xi1>
    %eq3A_423 = arith.constant dense<true> : vector<8x2048xi1>
    %eq3A_424 = arith.xori %eq3A_422, %eq3A_423 : vector<8x2048xi1>
    %select_n3A_425 = arith.select %eq3A_424, %select_n3A_386, %select_n3A_400 : vector<8x2048xi1>, vector<8x2048xf32>
    %select_n3A_426 = arith.select %eq3A_424, %select_n3A_387, %select_n3A_407 : vector<8x2048xi1>, vector<8x2048xi32>
    %and3A_427 = arith.constant 8 : i32
    %and3A_428 = vector.broadcast %and3A_427 : i32 to vector<8x2048xi32>
    %and3A_429 = arith.andi %iota3A_5, %and3A_428 : vector<8x2048xi32>
    %eq3A_430 = arith.constant 0 : i32
    %eq3A_431 = vector.broadcast %eq3A_430 : i32 to vector<8x2048xi32>
    %eq3A_432 = arith.cmpi eq, %and3A_429, %eq3A_431 : vector<8x2048xi32>
    %slice3A_433 = vector.extract_strided_slice %select_n3A_425 {offsets = [0, 8], sizes = [8, 2040], strides = [1, 1]} : vector<8x2048xf32> to vector<8x2040xf32>
    %slice3A_434 = vector.extract_strided_slice %select_n3A_425 {offsets = [0, 0], sizes = [8, 8], strides = [1, 1]} : vector<8x2048xf32> to vector<8x8xf32>
    %concatenate3A_435 = tpu.concatenate %slice3A_433, %slice3A_434 in 1 : vector<8x2040xf32>, vector<8x8xf32> -> vector<8x2048xf32>
    %slice3A_436 = vector.extract_strided_slice %select_n3A_425 {offsets = [0, 2040], sizes = [8, 8], strides = [1, 1]} : vector<8x2048xf32> to vector<8x8xf32>
    %slice3A_437 = vector.extract_strided_slice %select_n3A_425 {offsets = [0, 0], sizes = [8, 2040], strides = [1, 1]} : vector<8x2048xf32> to vector<8x2040xf32>
    %concatenate3A_438 = tpu.concatenate %slice3A_436, %slice3A_437 in 1 : vector<8x8xf32>, vector<8x2040xf32> -> vector<8x2048xf32>
    %select_n3A_439 = arith.select %eq3A_432, %concatenate3A_435, %concatenate3A_438 : vector<8x2048xi1>, vector<8x2048xf32>
    %slice3A_440 = vector.extract_strided_slice %select_n3A_426 {offsets = [0, 8], sizes = [8, 2040], strides = [1, 1]} : vector<8x2048xi32> to vector<8x2040xi32>
    %slice3A_441 = vector.extract_strided_slice %select_n3A_426 {offsets = [0, 0], sizes = [8, 8], strides = [1, 1]} : vector<8x2048xi32> to vector<8x8xi32>
    %concatenate3A_442 = tpu.concatenate %slice3A_440, %slice3A_441 in 1 : vector<8x2040xi32>, vector<8x8xi32> -> vector<8x2048xi32>
    %slice3A_443 = vector.extract_strided_slice %select_n3A_426 {offsets = [0, 2040], sizes = [8, 8], strides = [1, 1]} : vector<8x2048xi32> to vector<8x8xi32>
    %slice3A_444 = vector.extract_strided_slice %select_n3A_426 {offsets = [0, 0], sizes = [8, 2040], strides = [1, 1]} : vector<8x2048xi32> to vector<8x2040xi32>
    %concatenate3A_445 = tpu.concatenate %slice3A_443, %slice3A_444 in 1 : vector<8x8xi32>, vector<8x2040xi32> -> vector<8x2048xi32>
    %select_n3A_446 = arith.select %eq3A_432, %concatenate3A_442, %concatenate3A_445 : vector<8x2048xi1>, vector<8x2048xi32>
    %and3A_447 = arith.constant 32 : i32
    %and3A_448 = vector.broadcast %and3A_447 : i32 to vector<8x2048xi32>
    %and3A_449 = arith.andi %iota3A_5, %and3A_448 : vector<8x2048xi32>
    %eq3A_450 = arith.constant 0 : i32
    %eq3A_451 = vector.broadcast %eq3A_450 : i32 to vector<8x2048xi32>
    %eq3A_452 = arith.cmpi eq, %and3A_449, %eq3A_451 : vector<8x2048xi32>
    %gt3A_453 = arith.cmpf ogt, %select_n3A_425, %select_n3A_439 : vector<8x2048xf32>
    %eq3A_454 = arith.cmpf oeq, %select_n3A_425, %select_n3A_439 : vector<8x2048xf32>
    %lt3A_455 = arith.cmpi slt, %select_n3A_426, %select_n3A_446 : vector<8x2048xi32>
    %and3A_456 = arith.andi %eq3A_454, %lt3A_455 : vector<8x2048xi1>
    %or3A_457 = arith.ori %gt3A_453, %and3A_456 : vector<8x2048xi1>
    %eq3A_458 = arith.xori %eq3A_432, %eq3A_452 : vector<8x2048xi1>
    %eq3A_459 = arith.constant dense<true> : vector<8x2048xi1>
    %eq3A_460 = arith.xori %eq3A_458, %eq3A_459 : vector<8x2048xi1>
    %eq3A_461 = arith.xori %or3A_457, %eq3A_460 : vector<8x2048xi1>
    %eq3A_462 = arith.constant dense<true> : vector<8x2048xi1>
    %eq3A_463 = arith.xori %eq3A_461, %eq3A_462 : vector<8x2048xi1>
    %select_n3A_464 = arith.select %eq3A_463, %select_n3A_425, %select_n3A_439 : vector<8x2048xi1>, vector<8x2048xf32>
    %select_n3A_465 = arith.select %eq3A_463, %select_n3A_426, %select_n3A_446 : vector<8x2048xi1>, vector<8x2048xi32>
    %and3A_466 = arith.constant 4 : i32
    %and3A_467 = vector.broadcast %and3A_466 : i32 to vector<8x2048xi32>
    %and3A_468 = arith.andi %iota3A_5, %and3A_467 : vector<8x2048xi32>
    %eq3A_469 = arith.constant 0 : i32
    %eq3A_470 = vector.broadcast %eq3A_469 : i32 to vector<8x2048xi32>
    %eq3A_471 = arith.cmpi eq, %and3A_468, %eq3A_470 : vector<8x2048xi32>
    %slice3A_472 = vector.extract_strided_slice %select_n3A_464 {offsets = [0, 4], sizes = [8, 2044], strides = [1, 1]} : vector<8x2048xf32> to vector<8x2044xf32>
    %slice3A_473 = vector.extract_strided_slice %select_n3A_464 {offsets = [0, 0], sizes = [8, 4], strides = [1, 1]} : vector<8x2048xf32> to vector<8x4xf32>
    %concatenate3A_474 = tpu.concatenate %slice3A_472, %slice3A_473 in 1 : vector<8x2044xf32>, vector<8x4xf32> -> vector<8x2048xf32>
    %slice3A_475 = vector.extract_strided_slice %select_n3A_464 {offsets = [0, 2044], sizes = [8, 4], strides = [1, 1]} : vector<8x2048xf32> to vector<8x4xf32>
    %slice3A_476 = vector.extract_strided_slice %select_n3A_464 {offsets = [0, 0], sizes = [8, 2044], strides = [1, 1]} : vector<8x2048xf32> to vector<8x2044xf32>
    %concatenate3A_477 = tpu.concatenate %slice3A_475, %slice3A_476 in 1 : vector<8x4xf32>, vector<8x2044xf32> -> vector<8x2048xf32>
    %select_n3A_478 = arith.select %eq3A_471, %concatenate3A_474, %concatenate3A_477 : vector<8x2048xi1>, vector<8x2048xf32>
    %slice3A_479 = vector.extract_strided_slice %select_n3A_465 {offsets = [0, 4], sizes = [8, 2044], strides = [1, 1]} : vector<8x2048xi32> to vector<8x2044xi32>
    %slice3A_480 = vector.extract_strided_slice %select_n3A_465 {offsets = [0, 0], sizes = [8, 4], strides = [1, 1]} : vector<8x2048xi32> to vector<8x4xi32>
    %concatenate3A_481 = tpu.concatenate %slice3A_479, %slice3A_480 in 1 : vector<8x2044xi32>, vector<8x4xi32> -> vector<8x2048xi32>
    %slice3A_482 = vector.extract_strided_slice %select_n3A_465 {offsets = [0, 2044], sizes = [8, 4], strides = [1, 1]} : vector<8x2048xi32> to vector<8x4xi32>
    %slice3A_483 = vector.extract_strided_slice %select_n3A_465 {offsets = [0, 0], sizes = [8, 2044], strides = [1, 1]} : vector<8x2048xi32> to vector<8x2044xi32>
    %concatenate3A_484 = tpu.concatenate %slice3A_482, %slice3A_483 in 1 : vector<8x4xi32>, vector<8x2044xi32> -> vector<8x2048xi32>
    %select_n3A_485 = arith.select %eq3A_471, %concatenate3A_481, %concatenate3A_484 : vector<8x2048xi1>, vector<8x2048xi32>
    %and3A_486 = arith.constant 32 : i32
    %and3A_487 = vector.broadcast %and3A_486 : i32 to vector<8x2048xi32>
    %and3A_488 = arith.andi %iota3A_5, %and3A_487 : vector<8x2048xi32>
    %eq3A_489 = arith.constant 0 : i32
    %eq3A_490 = vector.broadcast %eq3A_489 : i32 to vector<8x2048xi32>
    %eq3A_491 = arith.cmpi eq, %and3A_488, %eq3A_490 : vector<8x2048xi32>
    %gt3A_492 = arith.cmpf ogt, %select_n3A_464, %select_n3A_478 : vector<8x2048xf32>
    %eq3A_493 = arith.cmpf oeq, %select_n3A_464, %select_n3A_478 : vector<8x2048xf32>
    %lt3A_494 = arith.cmpi slt, %select_n3A_465, %select_n3A_485 : vector<8x2048xi32>
    %and3A_495 = arith.andi %eq3A_493, %lt3A_494 : vector<8x2048xi1>
    %or3A_496 = arith.ori %gt3A_492, %and3A_495 : vector<8x2048xi1>
    %eq3A_497 = arith.xori %eq3A_471, %eq3A_491 : vector<8x2048xi1>
    %eq3A_498 = arith.constant dense<true> : vector<8x2048xi1>
    %eq3A_499 = arith.xori %eq3A_497, %eq3A_498 : vector<8x2048xi1>
    %eq3A_500 = arith.xori %or3A_496, %eq3A_499 : vector<8x2048xi1>
    %eq3A_501 = arith.constant dense<true> : vector<8x2048xi1>
    %eq3A_502 = arith.xori %eq3A_500, %eq3A_501 : vector<8x2048xi1>
    %select_n3A_503 = arith.select %eq3A_502, %select_n3A_464, %select_n3A_478 : vector<8x2048xi1>, vector<8x2048xf32>
    %select_n3A_504 = arith.select %eq3A_502, %select_n3A_465, %select_n3A_485 : vector<8x2048xi1>, vector<8x2048xi32>
    %and3A_505 = arith.constant 2 : i32
    %and3A_506 = vector.broadcast %and3A_505 : i32 to vector<8x2048xi32>
    %and3A_507 = arith.andi %iota3A_5, %and3A_506 : vector<8x2048xi32>
    %eq3A_508 = arith.constant 0 : i32
    %eq3A_509 = vector.broadcast %eq3A_508 : i32 to vector<8x2048xi32>
    %eq3A_510 = arith.cmpi eq, %and3A_507, %eq3A_509 : vector<8x2048xi32>
    %slice3A_511 = vector.extract_strided_slice %select_n3A_503 {offsets = [0, 2], sizes = [8, 2046], strides = [1, 1]} : vector<8x2048xf32> to vector<8x2046xf32>
    %slice3A_512 = vector.extract_strided_slice %select_n3A_503 {offsets = [0, 0], sizes = [8, 2], strides = [1, 1]} : vector<8x2048xf32> to vector<8x2xf32>
    %concatenate3A_513 = tpu.concatenate %slice3A_511, %slice3A_512 in 1 : vector<8x2046xf32>, vector<8x2xf32> -> vector<8x2048xf32>
    %slice3A_514 = vector.extract_strided_slice %select_n3A_503 {offsets = [0, 2046], sizes = [8, 2], strides = [1, 1]} : vector<8x2048xf32> to vector<8x2xf32>
    %slice3A_515 = vector.extract_strided_slice %select_n3A_503 {offsets = [0, 0], sizes = [8, 2046], strides = [1, 1]} : vector<8x2048xf32> to vector<8x2046xf32>
    %concatenate3A_516 = tpu.concatenate %slice3A_514, %slice3A_515 in 1 : vector<8x2xf32>, vector<8x2046xf32> -> vector<8x2048xf32>
    %select_n3A_517 = arith.select %eq3A_510, %concatenate3A_513, %concatenate3A_516 : vector<8x2048xi1>, vector<8x2048xf32>
    %slice3A_518 = vector.extract_strided_slice %select_n3A_504 {offsets = [0, 2], sizes = [8, 2046], strides = [1, 1]} : vector<8x2048xi32> to vector<8x2046xi32>
    %slice3A_519 = vector.extract_strided_slice %select_n3A_504 {offsets = [0, 0], sizes = [8, 2], strides = [1, 1]} : vector<8x2048xi32> to vector<8x2xi32>
    %concatenate3A_520 = tpu.concatenate %slice3A_518, %slice3A_519 in 1 : vector<8x2046xi32>, vector<8x2xi32> -> vector<8x2048xi32>
    %slice3A_521 = vector.extract_strided_slice %select_n3A_504 {offsets = [0, 2046], sizes = [8, 2], strides = [1, 1]} : vector<8x2048xi32> to vector<8x2xi32>
    %slice3A_522 = vector.extract_strided_slice %select_n3A_504 {offsets = [0, 0], sizes = [8, 2046], strides = [1, 1]} : vector<8x2048xi32> to vector<8x2046xi32>
    %concatenate3A_523 = tpu.concatenate %slice3A_521, %slice3A_522 in 1 : vector<8x2xi32>, vector<8x2046xi32> -> vector<8x2048xi32>
    %select_n3A_524 = arith.select %eq3A_510, %concatenate3A_520, %concatenate3A_523 : vector<8x2048xi1>, vector<8x2048xi32>
    %and3A_525 = arith.constant 32 : i32
    %and3A_526 = vector.broadcast %and3A_525 : i32 to vector<8x2048xi32>
    %and3A_527 = arith.andi %iota3A_5, %and3A_526 : vector<8x2048xi32>
    %eq3A_528 = arith.constant 0 : i32
    %eq3A_529 = vector.broadcast %eq3A_528 : i32 to vector<8x2048xi32>
    %eq3A_530 = arith.cmpi eq, %and3A_527, %eq3A_529 : vector<8x2048xi32>
    %gt3A_531 = arith.cmpf ogt, %select_n3A_503, %select_n3A_517 : vector<8x2048xf32>
    %eq3A_532 = arith.cmpf oeq, %select_n3A_503, %select_n3A_517 : vector<8x2048xf32>
    %lt3A_533 = arith.cmpi slt, %select_n3A_504, %select_n3A_524 : vector<8x2048xi32>
    %and3A_534 = arith.andi %eq3A_532, %lt3A_533 : vector<8x2048xi1>
    %or3A_535 = arith.ori %gt3A_531, %and3A_534 : vector<8x2048xi1>
    %eq3A_536 = arith.xori %eq3A_510, %eq3A_530 : vector<8x2048xi1>
    %eq3A_537 = arith.constant dense<true> : vector<8x2048xi1>
    %eq3A_538 = arith.xori %eq3A_536, %eq3A_537 : vector<8x2048xi1>
    %eq3A_539 = arith.xori %or3A_535, %eq3A_538 : vector<8x2048xi1>
    %eq3A_540 = arith.constant dense<true> : vector<8x2048xi1>
    %eq3A_541 = arith.xori %eq3A_539, %eq3A_540 : vector<8x2048xi1>
    %select_n3A_542 = arith.select %eq3A_541, %select_n3A_503, %select_n3A_517 : vector<8x2048xi1>, vector<8x2048xf32>
    %select_n3A_543 = arith.select %eq3A_541, %select_n3A_504, %select_n3A_524 : vector<8x2048xi1>, vector<8x2048xi32>
    %and3A_544 = arith.constant 1 : i32
    %and3A_545 = vector.broadcast %and3A_544 : i32 to vector<8x2048xi32>
    %and3A_546 = arith.andi %iota3A_5, %and3A_545 : vector<8x2048xi32>
    %eq3A_547 = arith.constant 0 : i32
    %eq3A_548 = vector.broadcast %eq3A_547 : i32 to vector<8x2048xi32>
    %eq3A_549 = arith.cmpi eq, %and3A_546, %eq3A_548 : vector<8x2048xi32>
    %slice3A_550 = vector.extract_strided_slice %select_n3A_542 {offsets = [0, 1], sizes = [8, 2047], strides = [1, 1]} : vector<8x2048xf32> to vector<8x2047xf32>
    %slice3A_551 = vector.extract_strided_slice %select_n3A_542 {offsets = [0, 0], sizes = [8, 1], strides = [1, 1]} : vector<8x2048xf32> to vector<8x1xf32>
    %concatenate3A_552 = tpu.concatenate %slice3A_550, %slice3A_551 in 1 : vector<8x2047xf32>, vector<8x1xf32> -> vector<8x2048xf32>
    %slice3A_553 = vector.extract_strided_slice %select_n3A_542 {offsets = [0, 2047], sizes = [8, 1], strides = [1, 1]} : vector<8x2048xf32> to vector<8x1xf32>
    %slice3A_554 = vector.extract_strided_slice %select_n3A_542 {offsets = [0, 0], sizes = [8, 2047], strides = [1, 1]} : vector<8x2048xf32> to vector<8x2047xf32>
    %concatenate3A_555 = tpu.concatenate %slice3A_553, %slice3A_554 in 1 : vector<8x1xf32>, vector<8x2047xf32> -> vector<8x2048xf32>
    %select_n3A_556 = arith.select %eq3A_549, %concatenate3A_552, %concatenate3A_555 : vector<8x2048xi1>, vector<8x2048xf32>
    %slice3A_557 = vector.extract_strided_slice %select_n3A_543 {offsets = [0, 1], sizes = [8, 2047], strides = [1, 1]} : vector<8x2048xi32> to vector<8x2047xi32>
    %slice3A_558 = vector.extract_strided_slice %select_n3A_543 {offsets = [0, 0], sizes = [8, 1], strides = [1, 1]} : vector<8x2048xi32> to vector<8x1xi32>
    %concatenate3A_559 = tpu.concatenate %slice3A_557, %slice3A_558 in 1 : vector<8x2047xi32>, vector<8x1xi32> -> vector<8x2048xi32>
    %slice3A_560 = vector.extract_strided_slice %select_n3A_543 {offsets = [0, 2047], sizes = [8, 1], strides = [1, 1]} : vector<8x2048xi32> to vector<8x1xi32>
    %slice3A_561 = vector.extract_strided_slice %select_n3A_543 {offsets = [0, 0], sizes = [8, 2047], strides = [1, 1]} : vector<8x2048xi32> to vector<8x2047xi32>
    %concatenate3A_562 = tpu.concatenate %slice3A_560, %slice3A_561 in 1 : vector<8x1xi32>, vector<8x2047xi32> -> vector<8x2048xi32>
    %select_n3A_563 = arith.select %eq3A_549, %concatenate3A_559, %concatenate3A_562 : vector<8x2048xi1>, vector<8x2048xi32>
    %and3A_564 = arith.constant 32 : i32
    %and3A_565 = vector.broadcast %and3A_564 : i32 to vector<8x2048xi32>
    %and3A_566 = arith.andi %iota3A_5, %and3A_565 : vector<8x2048xi32>
    %eq3A_567 = arith.constant 0 : i32
    %eq3A_568 = vector.broadcast %eq3A_567 : i32 to vector<8x2048xi32>
    %eq3A_569 = arith.cmpi eq, %and3A_566, %eq3A_568 : vector<8x2048xi32>
    %gt3A_570 = arith.cmpf ogt, %select_n3A_542, %select_n3A_556 : vector<8x2048xf32>
    %eq3A_571 = arith.cmpf oeq, %select_n3A_542, %select_n3A_556 : vector<8x2048xf32>
    %lt3A_572 = arith.cmpi slt, %select_n3A_543, %select_n3A_563 : vector<8x2048xi32>
    %and3A_573 = arith.andi %eq3A_571, %lt3A_572 : vector<8x2048xi1>
    %or3A_574 = arith.ori %gt3A_570, %and3A_573 : vector<8x2048xi1>
    %eq3A_575 = arith.xori %eq3A_549, %eq3A_569 : vector<8x2048xi1>
    %eq3A_576 = arith.constant dense<true> : vector<8x2048xi1>
    %eq3A_577 = arith.xori %eq3A_575, %eq3A_576 : vector<8x2048xi1>
    %eq3A_578 = arith.xori %or3A_574, %eq3A_577 : vector<8x2048xi1>
    %eq3A_579 = arith.constant dense<true> : vector<8x2048xi1>
    %eq3A_580 = arith.xori %eq3A_578, %eq3A_579 : vector<8x2048xi1>
    %select_n3A_581 = arith.select %eq3A_580, %select_n3A_542, %select_n3A_556 : vector<8x2048xi1>, vector<8x2048xf32>
    %select_n3A_582 = arith.select %eq3A_580, %select_n3A_543, %select_n3A_563 : vector<8x2048xi1>, vector<8x2048xi32>
    %and3A_583 = arith.constant 32 : i32
    %and3A_584 = vector.broadcast %and3A_583 : i32 to vector<8x2048xi32>
    %and3A_585 = arith.andi %iota3A_5, %and3A_584 : vector<8x2048xi32>
    %eq3A_586 = arith.constant 0 : i32
    %eq3A_587 = vector.broadcast %eq3A_586 : i32 to vector<8x2048xi32>
    %eq3A_588 = arith.cmpi eq, %and3A_585, %eq3A_587 : vector<8x2048xi32>
    %slice3A_589 = vector.extract_strided_slice %select_n3A_581 {offsets = [0, 32], sizes = [8, 2016], strides = [1, 1]} : vector<8x2048xf32> to vector<8x2016xf32>
    %slice3A_590 = vector.extract_strided_slice %select_n3A_581 {offsets = [0, 0], sizes = [8, 32], strides = [1, 1]} : vector<8x2048xf32> to vector<8x32xf32>
    %concatenate3A_591 = tpu.concatenate %slice3A_589, %slice3A_590 in 1 : vector<8x2016xf32>, vector<8x32xf32> -> vector<8x2048xf32>
    %slice3A_592 = vector.extract_strided_slice %select_n3A_581 {offsets = [0, 2016], sizes = [8, 32], strides = [1, 1]} : vector<8x2048xf32> to vector<8x32xf32>
    %slice3A_593 = vector.extract_strided_slice %select_n3A_581 {offsets = [0, 0], sizes = [8, 2016], strides = [1, 1]} : vector<8x2048xf32> to vector<8x2016xf32>
    %concatenate3A_594 = tpu.concatenate %slice3A_592, %slice3A_593 in 1 : vector<8x32xf32>, vector<8x2016xf32> -> vector<8x2048xf32>
    %select_n3A_595 = arith.select %eq3A_588, %concatenate3A_591, %concatenate3A_594 : vector<8x2048xi1>, vector<8x2048xf32>
    %slice3A_596 = vector.extract_strided_slice %select_n3A_582 {offsets = [0, 32], sizes = [8, 2016], strides = [1, 1]} : vector<8x2048xi32> to vector<8x2016xi32>
    %slice3A_597 = vector.extract_strided_slice %select_n3A_582 {offsets = [0, 0], sizes = [8, 32], strides = [1, 1]} : vector<8x2048xi32> to vector<8x32xi32>
    %concatenate3A_598 = tpu.concatenate %slice3A_596, %slice3A_597 in 1 : vector<8x2016xi32>, vector<8x32xi32> -> vector<8x2048xi32>
    %slice3A_599 = vector.extract_strided_slice %select_n3A_582 {offsets = [0, 2016], sizes = [8, 32], strides = [1, 1]} : vector<8x2048xi32> to vector<8x32xi32>
    %slice3A_600 = vector.extract_strided_slice %select_n3A_582 {offsets = [0, 0], sizes = [8, 2016], strides = [1, 1]} : vector<8x2048xi32> to vector<8x2016xi32>
    %concatenate3A_601 = tpu.concatenate %slice3A_599, %slice3A_600 in 1 : vector<8x32xi32>, vector<8x2016xi32> -> vector<8x2048xi32>
    %select_n3A_602 = arith.select %eq3A_588, %concatenate3A_598, %concatenate3A_601 : vector<8x2048xi1>, vector<8x2048xi32>
    %and3A_603 = arith.constant 64 : i32
    %and3A_604 = vector.broadcast %and3A_603 : i32 to vector<8x2048xi32>
    %and3A_605 = arith.andi %iota3A_5, %and3A_604 : vector<8x2048xi32>
    %eq3A_606 = arith.constant 0 : i32
    %eq3A_607 = vector.broadcast %eq3A_606 : i32 to vector<8x2048xi32>
    %eq3A_608 = arith.cmpi eq, %and3A_605, %eq3A_607 : vector<8x2048xi32>
    %gt3A_609 = arith.cmpf ogt, %select_n3A_581, %select_n3A_595 : vector<8x2048xf32>
    %eq3A_610 = arith.cmpf oeq, %select_n3A_581, %select_n3A_595 : vector<8x2048xf32>
    %lt3A_611 = arith.cmpi slt, %select_n3A_582, %select_n3A_602 : vector<8x2048xi32>
    %and3A_612 = arith.andi %eq3A_610, %lt3A_611 : vector<8x2048xi1>
    %or3A_613 = arith.ori %gt3A_609, %and3A_612 : vector<8x2048xi1>
    %eq3A_614 = arith.xori %eq3A_588, %eq3A_608 : vector<8x2048xi1>
    %eq3A_615 = arith.constant dense<true> : vector<8x2048xi1>
    %eq3A_616 = arith.xori %eq3A_614, %eq3A_615 : vector<8x2048xi1>
    %eq3A_617 = arith.xori %or3A_613, %eq3A_616 : vector<8x2048xi1>
    %eq3A_618 = arith.constant dense<true> : vector<8x2048xi1>
    %eq3A_619 = arith.xori %eq3A_617, %eq3A_618 : vector<8x2048xi1>
    %select_n3A_620 = arith.select %eq3A_619, %select_n3A_581, %select_n3A_595 : vector<8x2048xi1>, vector<8x2048xf32>
    %select_n3A_621 = arith.select %eq3A_619, %select_n3A_582, %select_n3A_602 : vector<8x2048xi1>, vector<8x2048xi32>
    %and3A_622 = arith.constant 16 : i32
    %and3A_623 = vector.broadcast %and3A_622 : i32 to vector<8x2048xi32>
    %and3A_624 = arith.andi %iota3A_5, %and3A_623 : vector<8x2048xi32>
    %eq3A_625 = arith.constant 0 : i32
    %eq3A_626 = vector.broadcast %eq3A_625 : i32 to vector<8x2048xi32>
    %eq3A_627 = arith.cmpi eq, %and3A_624, %eq3A_626 : vector<8x2048xi32>
    %slice3A_628 = vector.extract_strided_slice %select_n3A_620 {offsets = [0, 16], sizes = [8, 2032], strides = [1, 1]} : vector<8x2048xf32> to vector<8x2032xf32>
    %slice3A_629 = vector.extract_strided_slice %select_n3A_620 {offsets = [0, 0], sizes = [8, 16], strides = [1, 1]} : vector<8x2048xf32> to vector<8x16xf32>
    %concatenate3A_630 = tpu.concatenate %slice3A_628, %slice3A_629 in 1 : vector<8x2032xf32>, vector<8x16xf32> -> vector<8x2048xf32>
    %slice3A_631 = vector.extract_strided_slice %select_n3A_620 {offsets = [0, 2032], sizes = [8, 16], strides = [1, 1]} : vector<8x2048xf32> to vector<8x16xf32>
    %slice3A_632 = vector.extract_strided_slice %select_n3A_620 {offsets = [0, 0], sizes = [8, 2032], strides = [1, 1]} : vector<8x2048xf32> to vector<8x2032xf32>
    %concatenate3A_633 = tpu.concatenate %slice3A_631, %slice3A_632 in 1 : vector<8x16xf32>, vector<8x2032xf32> -> vector<8x2048xf32>
    %select_n3A_634 = arith.select %eq3A_627, %concatenate3A_630, %concatenate3A_633 : vector<8x2048xi1>, vector<8x2048xf32>
    %slice3A_635 = vector.extract_strided_slice %select_n3A_621 {offsets = [0, 16], sizes = [8, 2032], strides = [1, 1]} : vector<8x2048xi32> to vector<8x2032xi32>
    %slice3A_636 = vector.extract_strided_slice %select_n3A_621 {offsets = [0, 0], sizes = [8, 16], strides = [1, 1]} : vector<8x2048xi32> to vector<8x16xi32>
    %concatenate3A_637 = tpu.concatenate %slice3A_635, %slice3A_636 in 1 : vector<8x2032xi32>, vector<8x16xi32> -> vector<8x2048xi32>
    %slice3A_638 = vector.extract_strided_slice %select_n3A_621 {offsets = [0, 2032], sizes = [8, 16], strides = [1, 1]} : vector<8x2048xi32> to vector<8x16xi32>
    %slice3A_639 = vector.extract_strided_slice %select_n3A_621 {offsets = [0, 0], sizes = [8, 2032], strides = [1, 1]} : vector<8x2048xi32> to vector<8x2032xi32>
    %concatenate3A_640 = tpu.concatenate %slice3A_638, %slice3A_639 in 1 : vector<8x16xi32>, vector<8x2032xi32> -> vector<8x2048xi32>
    %select_n3A_641 = arith.select %eq3A_627, %concatenate3A_637, %concatenate3A_640 : vector<8x2048xi1>, vector<8x2048xi32>
    %and3A_642 = arith.constant 64 : i32
    %and3A_643 = vector.broadcast %and3A_642 : i32 to vector<8x2048xi32>
    %and3A_644 = arith.andi %iota3A_5, %and3A_643 : vector<8x2048xi32>
    %eq3A_645 = arith.constant 0 : i32
    %eq3A_646 = vector.broadcast %eq3A_645 : i32 to vector<8x2048xi32>
    %eq3A_647 = arith.cmpi eq, %and3A_644, %eq3A_646 : vector<8x2048xi32>
    %gt3A_648 = arith.cmpf ogt, %select_n3A_620, %select_n3A_634 : vector<8x2048xf32>
    %eq3A_649 = arith.cmpf oeq, %select_n3A_620, %select_n3A_634 : vector<8x2048xf32>
    %lt3A_650 = arith.cmpi slt, %select_n3A_621, %select_n3A_641 : vector<8x2048xi32>
    %and3A_651 = arith.andi %eq3A_649, %lt3A_650 : vector<8x2048xi1>
    %or3A_652 = arith.ori %gt3A_648, %and3A_651 : vector<8x2048xi1>
    %eq3A_653 = arith.xori %eq3A_627, %eq3A_647 : vector<8x2048xi1>
    %eq3A_654 = arith.constant dense<true> : vector<8x2048xi1>
    %eq3A_655 = arith.xori %eq3A_653, %eq3A_654 : vector<8x2048xi1>
    %eq3A_656 = arith.xori %or3A_652, %eq3A_655 : vector<8x2048xi1>
    %eq3A_657 = arith.constant dense<true> : vector<8x2048xi1>
    %eq3A_658 = arith.xori %eq3A_656, %eq3A_657 : vector<8x2048xi1>
    %select_n3A_659 = arith.select %eq3A_658, %select_n3A_620, %select_n3A_634 : vector<8x2048xi1>, vector<8x2048xf32>
    %select_n3A_660 = arith.select %eq3A_658, %select_n3A_621, %select_n3A_641 : vector<8x2048xi1>, vector<8x2048xi32>
    %and3A_661 = arith.constant 8 : i32
    %and3A_662 = vector.broadcast %and3A_661 : i32 to vector<8x2048xi32>
    %and3A_663 = arith.andi %iota3A_5, %and3A_662 : vector<8x2048xi32>
    %eq3A_664 = arith.constant 0 : i32
    %eq3A_665 = vector.broadcast %eq3A_664 : i32 to vector<8x2048xi32>
    %eq3A_666 = arith.cmpi eq, %and3A_663, %eq3A_665 : vector<8x2048xi32>
    %slice3A_667 = vector.extract_strided_slice %select_n3A_659 {offsets = [0, 8], sizes = [8, 2040], strides = [1, 1]} : vector<8x2048xf32> to vector<8x2040xf32>
    %slice3A_668 = vector.extract_strided_slice %select_n3A_659 {offsets = [0, 0], sizes = [8, 8], strides = [1, 1]} : vector<8x2048xf32> to vector<8x8xf32>
    %concatenate3A_669 = tpu.concatenate %slice3A_667, %slice3A_668 in 1 : vector<8x2040xf32>, vector<8x8xf32> -> vector<8x2048xf32>
    %slice3A_670 = vector.extract_strided_slice %select_n3A_659 {offsets = [0, 2040], sizes = [8, 8], strides = [1, 1]} : vector<8x2048xf32> to vector<8x8xf32>
    %slice3A_671 = vector.extract_strided_slice %select_n3A_659 {offsets = [0, 0], sizes = [8, 2040], strides = [1, 1]} : vector<8x2048xf32> to vector<8x2040xf32>
    %concatenate3A_672 = tpu.concatenate %slice3A_670, %slice3A_671 in 1 : vector<8x8xf32>, vector<8x2040xf32> -> vector<8x2048xf32>
    %select_n3A_673 = arith.select %eq3A_666, %concatenate3A_669, %concatenate3A_672 : vector<8x2048xi1>, vector<8x2048xf32>
    %slice3A_674 = vector.extract_strided_slice %select_n3A_660 {offsets = [0, 8], sizes = [8, 2040], strides = [1, 1]} : vector<8x2048xi32> to vector<8x2040xi32>
    %slice3A_675 = vector.extract_strided_slice %select_n3A_660 {offsets = [0, 0], sizes = [8, 8], strides = [1, 1]} : vector<8x2048xi32> to vector<8x8xi32>
    %concatenate3A_676 = tpu.concatenate %slice3A_674, %slice3A_675 in 1 : vector<8x2040xi32>, vector<8x8xi32> -> vector<8x2048xi32>
    %slice3A_677 = vector.extract_strided_slice %select_n3A_660 {offsets = [0, 2040], sizes = [8, 8], strides = [1, 1]} : vector<8x2048xi32> to vector<8x8xi32>
    %slice3A_678 = vector.extract_strided_slice %select_n3A_660 {offsets = [0, 0], sizes = [8, 2040], strides = [1, 1]} : vector<8x2048xi32> to vector<8x2040xi32>
    %concatenate3A_679 = tpu.concatenate %slice3A_677, %slice3A_678 in 1 : vector<8x8xi32>, vector<8x2040xi32> -> vector<8x2048xi32>
    %select_n3A_680 = arith.select %eq3A_666, %concatenate3A_676, %concatenate3A_679 : vector<8x2048xi1>, vector<8x2048xi32>
    %and3A_681 = arith.constant 64 : i32
    %and3A_682 = vector.broadcast %and3A_681 : i32 to vector<8x2048xi32>
    %and3A_683 = arith.andi %iota3A_5, %and3A_682 : vector<8x2048xi32>
    %eq3A_684 = arith.constant 0 : i32
    %eq3A_685 = vector.broadcast %eq3A_684 : i32 to vector<8x2048xi32>
    %eq3A_686 = arith.cmpi eq, %and3A_683, %eq3A_685 : vector<8x2048xi32>
    %gt3A_687 = arith.cmpf ogt, %select_n3A_659, %select_n3A_673 : vector<8x2048xf32>
    %eq3A_688 = arith.cmpf oeq, %select_n3A_659, %select_n3A_673 : vector<8x2048xf32>
    %lt3A_689 = arith.cmpi slt, %select_n3A_660, %select_n3A_680 : vector<8x2048xi32>
    %and3A_690 = arith.andi %eq3A_688, %lt3A_689 : vector<8x2048xi1>
    %or3A_691 = arith.ori %gt3A_687, %and3A_690 : vector<8x2048xi1>
    %eq3A_692 = arith.xori %eq3A_666, %eq3A_686 : vector<8x2048xi1>
    %eq3A_693 = arith.constant dense<true> : vector<8x2048xi1>
    %eq3A_694 = arith.xori %eq3A_692, %eq3A_693 : vector<8x2048xi1>
    %eq3A_695 = arith.xori %or3A_691, %eq3A_694 : vector<8x2048xi1>
    %eq3A_696 = arith.constant dense<true> : vector<8x2048xi1>
    %eq3A_697 = arith.xori %eq3A_695, %eq3A_696 : vector<8x2048xi1>
    %select_n3A_698 = arith.select %eq3A_697, %select_n3A_659, %select_n3A_673 : vector<8x2048xi1>, vector<8x2048xf32>
    %select_n3A_699 = arith.select %eq3A_697, %select_n3A_660, %select_n3A_680 : vector<8x2048xi1>, vector<8x2048xi32>
    %and3A_700 = arith.constant 4 : i32
    %and3A_701 = vector.broadcast %and3A_700 : i32 to vector<8x2048xi32>
    %and3A_702 = arith.andi %iota3A_5, %and3A_701 : vector<8x2048xi32>
    %eq3A_703 = arith.constant 0 : i32
    %eq3A_704 = vector.broadcast %eq3A_703 : i32 to vector<8x2048xi32>
    %eq3A_705 = arith.cmpi eq, %and3A_702, %eq3A_704 : vector<8x2048xi32>
    %slice3A_706 = vector.extract_strided_slice %select_n3A_698 {offsets = [0, 4], sizes = [8, 2044], strides = [1, 1]} : vector<8x2048xf32> to vector<8x2044xf32>
    %slice3A_707 = vector.extract_strided_slice %select_n3A_698 {offsets = [0, 0], sizes = [8, 4], strides = [1, 1]} : vector<8x2048xf32> to vector<8x4xf32>
    %concatenate3A_708 = tpu.concatenate %slice3A_706, %slice3A_707 in 1 : vector<8x2044xf32>, vector<8x4xf32> -> vector<8x2048xf32>
    %slice3A_709 = vector.extract_strided_slice %select_n3A_698 {offsets = [0, 2044], sizes = [8, 4], strides = [1, 1]} : vector<8x2048xf32> to vector<8x4xf32>
    %slice3A_710 = vector.extract_strided_slice %select_n3A_698 {offsets = [0, 0], sizes = [8, 2044], strides = [1, 1]} : vector<8x2048xf32> to vector<8x2044xf32>
    %concatenate3A_711 = tpu.concatenate %slice3A_709, %slice3A_710 in 1 : vector<8x4xf32>, vector<8x2044xf32> -> vector<8x2048xf32>
    %select_n3A_712 = arith.select %eq3A_705, %concatenate3A_708, %concatenate3A_711 : vector<8x2048xi1>, vector<8x2048xf32>
    %slice3A_713 = vector.extract_strided_slice %select_n3A_699 {offsets = [0, 4], sizes = [8, 2044], strides = [1, 1]} : vector<8x2048xi32> to vector<8x2044xi32>
    %slice3A_714 = vector.extract_strided_slice %select_n3A_699 {offsets = [0, 0], sizes = [8, 4], strides = [1, 1]} : vector<8x2048xi32> to vector<8x4xi32>
    %concatenate3A_715 = tpu.concatenate %slice3A_713, %slice3A_714 in 1 : vector<8x2044xi32>, vector<8x4xi32> -> vector<8x2048xi32>
    %slice3A_716 = vector.extract_strided_slice %select_n3A_699 {offsets = [0, 2044], sizes = [8, 4], strides = [1, 1]} : vector<8x2048xi32> to vector<8x4xi32>
    %slice3A_717 = vector.extract_strided_slice %select_n3A_699 {offsets = [0, 0], sizes = [8, 2044], strides = [1, 1]} : vector<8x2048xi32> to vector<8x2044xi32>
    %concatenate3A_718 = tpu.concatenate %slice3A_716, %slice3A_717 in 1 : vector<8x4xi32>, vector<8x2044xi32> -> vector<8x2048xi32>
    %select_n3A_719 = arith.select %eq3A_705, %concatenate3A_715, %concatenate3A_718 : vector<8x2048xi1>, vector<8x2048xi32>
    %and3A_720 = arith.constant 64 : i32
    %and3A_721 = vector.broadcast %and3A_720 : i32 to vector<8x2048xi32>
    %and3A_722 = arith.andi %iota3A_5, %and3A_721 : vector<8x2048xi32>
    %eq3A_723 = arith.constant 0 : i32
    %eq3A_724 = vector.broadcast %eq3A_723 : i32 to vector<8x2048xi32>
    %eq3A_725 = arith.cmpi eq, %and3A_722, %eq3A_724 : vector<8x2048xi32>
    %gt3A_726 = arith.cmpf ogt, %select_n3A_698, %select_n3A_712 : vector<8x2048xf32>
    %eq3A_727 = arith.cmpf oeq, %select_n3A_698, %select_n3A_712 : vector<8x2048xf32>
    %lt3A_728 = arith.cmpi slt, %select_n3A_699, %select_n3A_719 : vector<8x2048xi32>
    %and3A_729 = arith.andi %eq3A_727, %lt3A_728 : vector<8x2048xi1>
    %or3A_730 = arith.ori %gt3A_726, %and3A_729 : vector<8x2048xi1>
    %eq3A_731 = arith.xori %eq3A_705, %eq3A_725 : vector<8x2048xi1>
    %eq3A_732 = arith.constant dense<true> : vector<8x2048xi1>
    %eq3A_733 = arith.xori %eq3A_731, %eq3A_732 : vector<8x2048xi1>
    %eq3A_734 = arith.xori %or3A_730, %eq3A_733 : vector<8x2048xi1>
    %eq3A_735 = arith.constant dense<true> : vector<8x2048xi1>
    %eq3A_736 = arith.xori %eq3A_734, %eq3A_735 : vector<8x2048xi1>
    %select_n3A_737 = arith.select %eq3A_736, %select_n3A_698, %select_n3A_712 : vector<8x2048xi1>, vector<8x2048xf32>
    %select_n3A_738 = arith.select %eq3A_736, %select_n3A_699, %select_n3A_719 : vector<8x2048xi1>, vector<8x2048xi32>
    %and3A_739 = arith.constant 2 : i32
    %and3A_740 = vector.broadcast %and3A_739 : i32 to vector<8x2048xi32>
    %and3A_741 = arith.andi %iota3A_5, %and3A_740 : vector<8x2048xi32>
    %eq3A_742 = arith.constant 0 : i32
    %eq3A_743 = vector.broadcast %eq3A_742 : i32 to vector<8x2048xi32>
    %eq3A_744 = arith.cmpi eq, %and3A_741, %eq3A_743 : vector<8x2048xi32>
    %slice3A_745 = vector.extract_strided_slice %select_n3A_737 {offsets = [0, 2], sizes = [8, 2046], strides = [1, 1]} : vector<8x2048xf32> to vector<8x2046xf32>
    %slice3A_746 = vector.extract_strided_slice %select_n3A_737 {offsets = [0, 0], sizes = [8, 2], strides = [1, 1]} : vector<8x2048xf32> to vector<8x2xf32>
    %concatenate3A_747 = tpu.concatenate %slice3A_745, %slice3A_746 in 1 : vector<8x2046xf32>, vector<8x2xf32> -> vector<8x2048xf32>
    %slice3A_748 = vector.extract_strided_slice %select_n3A_737 {offsets = [0, 2046], sizes = [8, 2], strides = [1, 1]} : vector<8x2048xf32> to vector<8x2xf32>
    %slice3A_749 = vector.extract_strided_slice %select_n3A_737 {offsets = [0, 0], sizes = [8, 2046], strides = [1, 1]} : vector<8x2048xf32> to vector<8x2046xf32>
    %concatenate3A_750 = tpu.concatenate %slice3A_748, %slice3A_749 in 1 : vector<8x2xf32>, vector<8x2046xf32> -> vector<8x2048xf32>
    %select_n3A_751 = arith.select %eq3A_744, %concatenate3A_747, %concatenate3A_750 : vector<8x2048xi1>, vector<8x2048xf32>
    %slice3A_752 = vector.extract_strided_slice %select_n3A_738 {offsets = [0, 2], sizes = [8, 2046], strides = [1, 1]} : vector<8x2048xi32> to vector<8x2046xi32>
    %slice3A_753 = vector.extract_strided_slice %select_n3A_738 {offsets = [0, 0], sizes = [8, 2], strides = [1, 1]} : vector<8x2048xi32> to vector<8x2xi32>
    %concatenate3A_754 = tpu.concatenate %slice3A_752, %slice3A_753 in 1 : vector<8x2046xi32>, vector<8x2xi32> -> vector<8x2048xi32>
    %slice3A_755 = vector.extract_strided_slice %select_n3A_738 {offsets = [0, 2046], sizes = [8, 2], strides = [1, 1]} : vector<8x2048xi32> to vector<8x2xi32>
    %slice3A_756 = vector.extract_strided_slice %select_n3A_738 {offsets = [0, 0], sizes = [8, 2046], strides = [1, 1]} : vector<8x2048xi32> to vector<8x2046xi32>
    %concatenate3A_757 = tpu.concatenate %slice3A_755, %slice3A_756 in 1 : vector<8x2xi32>, vector<8x2046xi32> -> vector<8x2048xi32>
    %select_n3A_758 = arith.select %eq3A_744, %concatenate3A_754, %concatenate3A_757 : vector<8x2048xi1>, vector<8x2048xi32>
    %and3A_759 = arith.constant 64 : i32
    %and3A_760 = vector.broadcast %and3A_759 : i32 to vector<8x2048xi32>
    %and3A_761 = arith.andi %iota3A_5, %and3A_760 : vector<8x2048xi32>
    %eq3A_762 = arith.constant 0 : i32
    %eq3A_763 = vector.broadcast %eq3A_762 : i32 to vector<8x2048xi32>
    %eq3A_764 = arith.cmpi eq, %and3A_761, %eq3A_763 : vector<8x2048xi32>
    %gt3A_765 = arith.cmpf ogt, %select_n3A_737, %select_n3A_751 : vector<8x2048xf32>
    %eq3A_766 = arith.cmpf oeq, %select_n3A_737, %select_n3A_751 : vector<8x2048xf32>
    %lt3A_767 = arith.cmpi slt, %select_n3A_738, %select_n3A_758 : vector<8x2048xi32>
    %and3A_768 = arith.andi %eq3A_766, %lt3A_767 : vector<8x2048xi1>
    %or3A_769 = arith.ori %gt3A_765, %and3A_768 : vector<8x2048xi1>
    %eq3A_770 = arith.xori %eq3A_744, %eq3A_764 : vector<8x2048xi1>
    %eq3A_771 = arith.constant dense<true> : vector<8x2048xi1>
    %eq3A_772 = arith.xori %eq3A_770, %eq3A_771 : vector<8x2048xi1>
    %eq3A_773 = arith.xori %or3A_769, %eq3A_772 : vector<8x2048xi1>
    %eq3A_774 = arith.constant dense<true> : vector<8x2048xi1>
    %eq3A_775 = arith.xori %eq3A_773, %eq3A_774 : vector<8x2048xi1>
    %select_n3A_776 = arith.select %eq3A_775, %select_n3A_737, %select_n3A_751 : vector<8x2048xi1>, vector<8x2048xf32>
    %select_n3A_777 = arith.select %eq3A_775, %select_n3A_738, %select_n3A_758 : vector<8x2048xi1>, vector<8x2048xi32>
    %and3A_778 = arith.constant 1 : i32
    %and3A_779 = vector.broadcast %and3A_778 : i32 to vector<8x2048xi32>
    %and3A_780 = arith.andi %iota3A_5, %and3A_779 : vector<8x2048xi32>
    %eq3A_781 = arith.constant 0 : i32
    %eq3A_782 = vector.broadcast %eq3A_781 : i32 to vector<8x2048xi32>
    %eq3A_783 = arith.cmpi eq, %and3A_780, %eq3A_782 : vector<8x2048xi32>
    %slice3A_784 = vector.extract_strided_slice %select_n3A_776 {offsets = [0, 1], sizes = [8, 2047], strides = [1, 1]} : vector<8x2048xf32> to vector<8x2047xf32>
    %slice3A_785 = vector.extract_strided_slice %select_n3A_776 {offsets = [0, 0], sizes = [8, 1], strides = [1, 1]} : vector<8x2048xf32> to vector<8x1xf32>
    %concatenate3A_786 = tpu.concatenate %slice3A_784, %slice3A_785 in 1 : vector<8x2047xf32>, vector<8x1xf32> -> vector<8x2048xf32>
    %slice3A_787 = vector.extract_strided_slice %select_n3A_776 {offsets = [0, 2047], sizes = [8, 1], strides = [1, 1]} : vector<8x2048xf32> to vector<8x1xf32>
    %slice3A_788 = vector.extract_strided_slice %select_n3A_776 {offsets = [0, 0], sizes = [8, 2047], strides = [1, 1]} : vector<8x2048xf32> to vector<8x2047xf32>
    %concatenate3A_789 = tpu.concatenate %slice3A_787, %slice3A_788 in 1 : vector<8x1xf32>, vector<8x2047xf32> -> vector<8x2048xf32>
    %select_n3A_790 = arith.select %eq3A_783, %concatenate3A_786, %concatenate3A_789 : vector<8x2048xi1>, vector<8x2048xf32>
    %slice3A_791 = vector.extract_strided_slice %select_n3A_777 {offsets = [0, 1], sizes = [8, 2047], strides = [1, 1]} : vector<8x2048xi32> to vector<8x2047xi32>
    %slice3A_792 = vector.extract_strided_slice %select_n3A_777 {offsets = [0, 0], sizes = [8, 1], strides = [1, 1]} : vector<8x2048xi32> to vector<8x1xi32>
    %concatenate3A_793 = tpu.concatenate %slice3A_791, %slice3A_792 in 1 : vector<8x2047xi32>, vector<8x1xi32> -> vector<8x2048xi32>
    %slice3A_794 = vector.extract_strided_slice %select_n3A_777 {offsets = [0, 2047], sizes = [8, 1], strides = [1, 1]} : vector<8x2048xi32> to vector<8x1xi32>
    %slice3A_795 = vector.extract_strided_slice %select_n3A_777 {offsets = [0, 0], sizes = [8, 2047], strides = [1, 1]} : vector<8x2048xi32> to vector<8x2047xi32>
    %concatenate3A_796 = tpu.concatenate %slice3A_794, %slice3A_795 in 1 : vector<8x1xi32>, vector<8x2047xi32> -> vector<8x2048xi32>
    %select_n3A_797 = arith.select %eq3A_783, %concatenate3A_793, %concatenate3A_796 : vector<8x2048xi1>, vector<8x2048xi32>
    %and3A_798 = arith.constant 64 : i32
    %and3A_799 = vector.broadcast %and3A_798 : i32 to vector<8x2048xi32>
    %and3A_800 = arith.andi %iota3A_5, %and3A_799 : vector<8x2048xi32>
    %eq3A_801 = arith.constant 0 : i32
    %eq3A_802 = vector.broadcast %eq3A_801 : i32 to vector<8x2048xi32>
    %eq3A_803 = arith.cmpi eq, %and3A_800, %eq3A_802 : vector<8x2048xi32>
    %gt3A_804 = arith.cmpf ogt, %select_n3A_776, %select_n3A_790 : vector<8x2048xf32>
    %eq3A_805 = arith.cmpf oeq, %select_n3A_776, %select_n3A_790 : vector<8x2048xf32>
    %lt3A_806 = arith.cmpi slt, %select_n3A_777, %select_n3A_797 : vector<8x2048xi32>
    %and3A_807 = arith.andi %eq3A_805, %lt3A_806 : vector<8x2048xi1>
    %or3A_808 = arith.ori %gt3A_804, %and3A_807 : vector<8x2048xi1>
    %eq3A_809 = arith.xori %eq3A_783, %eq3A_803 : vector<8x2048xi1>
    %eq3A_810 = arith.constant dense<true> : vector<8x2048xi1>
    %eq3A_811 = arith.xori %eq3A_809, %eq3A_810 : vector<8x2048xi1>
    %eq3A_812 = arith.xori %or3A_808, %eq3A_811 : vector<8x2048xi1>
    %eq3A_813 = arith.constant dense<true> : vector<8x2048xi1>
    %eq3A_814 = arith.xori %eq3A_812, %eq3A_813 : vector<8x2048xi1>
    %select_n3A_815 = arith.select %eq3A_814, %select_n3A_776, %select_n3A_790 : vector<8x2048xi1>, vector<8x2048xf32>
    %select_n3A_816 = arith.select %eq3A_814, %select_n3A_777, %select_n3A_797 : vector<8x2048xi1>, vector<8x2048xi32>
    %and3A_817 = arith.constant 64 : i32
    %and3A_818 = vector.broadcast %and3A_817 : i32 to vector<8x2048xi32>
    %and3A_819 = arith.andi %iota3A_5, %and3A_818 : vector<8x2048xi32>
    %eq3A_820 = arith.constant 0 : i32
    %eq3A_821 = vector.broadcast %eq3A_820 : i32 to vector<8x2048xi32>
    %eq3A_822 = arith.cmpi eq, %and3A_819, %eq3A_821 : vector<8x2048xi32>
    %slice3A_823 = vector.extract_strided_slice %select_n3A_815 {offsets = [0, 64], sizes = [8, 1984], strides = [1, 1]} : vector<8x2048xf32> to vector<8x1984xf32>
    %slice3A_824 = vector.extract_strided_slice %select_n3A_815 {offsets = [0, 0], sizes = [8, 64], strides = [1, 1]} : vector<8x2048xf32> to vector<8x64xf32>
    %concatenate3A_825 = tpu.concatenate %slice3A_823, %slice3A_824 in 1 : vector<8x1984xf32>, vector<8x64xf32> -> vector<8x2048xf32>
    %slice3A_826 = vector.extract_strided_slice %select_n3A_815 {offsets = [0, 1984], sizes = [8, 64], strides = [1, 1]} : vector<8x2048xf32> to vector<8x64xf32>
    %slice3A_827 = vector.extract_strided_slice %select_n3A_815 {offsets = [0, 0], sizes = [8, 1984], strides = [1, 1]} : vector<8x2048xf32> to vector<8x1984xf32>
    %concatenate3A_828 = tpu.concatenate %slice3A_826, %slice3A_827 in 1 : vector<8x64xf32>, vector<8x1984xf32> -> vector<8x2048xf32>
    %select_n3A_829 = arith.select %eq3A_822, %concatenate3A_825, %concatenate3A_828 : vector<8x2048xi1>, vector<8x2048xf32>
    %slice3A_830 = vector.extract_strided_slice %select_n3A_816 {offsets = [0, 64], sizes = [8, 1984], strides = [1, 1]} : vector<8x2048xi32> to vector<8x1984xi32>
    %slice3A_831 = vector.extract_strided_slice %select_n3A_816 {offsets = [0, 0], sizes = [8, 64], strides = [1, 1]} : vector<8x2048xi32> to vector<8x64xi32>
    %concatenate3A_832 = tpu.concatenate %slice3A_830, %slice3A_831 in 1 : vector<8x1984xi32>, vector<8x64xi32> -> vector<8x2048xi32>
    %slice3A_833 = vector.extract_strided_slice %select_n3A_816 {offsets = [0, 1984], sizes = [8, 64], strides = [1, 1]} : vector<8x2048xi32> to vector<8x64xi32>
    %slice3A_834 = vector.extract_strided_slice %select_n3A_816 {offsets = [0, 0], sizes = [8, 1984], strides = [1, 1]} : vector<8x2048xi32> to vector<8x1984xi32>
    %concatenate3A_835 = tpu.concatenate %slice3A_833, %slice3A_834 in 1 : vector<8x64xi32>, vector<8x1984xi32> -> vector<8x2048xi32>
    %select_n3A_836 = arith.select %eq3A_822, %concatenate3A_832, %concatenate3A_835 : vector<8x2048xi1>, vector<8x2048xi32>
    %and3A_837 = arith.constant 128 : i32
    %and3A_838 = vector.broadcast %and3A_837 : i32 to vector<8x2048xi32>
    %and3A_839 = arith.andi %iota3A_5, %and3A_838 : vector<8x2048xi32>
    %eq3A_840 = arith.constant 0 : i32
    %eq3A_841 = vector.broadcast %eq3A_840 : i32 to vector<8x2048xi32>
    %eq3A_842 = arith.cmpi eq, %and3A_839, %eq3A_841 : vector<8x2048xi32>
    %gt3A_843 = arith.cmpf ogt, %select_n3A_815, %select_n3A_829 : vector<8x2048xf32>
    %eq3A_844 = arith.cmpf oeq, %select_n3A_815, %select_n3A_829 : vector<8x2048xf32>
    %lt3A_845 = arith.cmpi slt, %select_n3A_816, %select_n3A_836 : vector<8x2048xi32>
    %and3A_846 = arith.andi %eq3A_844, %lt3A_845 : vector<8x2048xi1>
    %or3A_847 = arith.ori %gt3A_843, %and3A_846 : vector<8x2048xi1>
    %eq3A_848 = arith.xori %eq3A_822, %eq3A_842 : vector<8x2048xi1>
    %eq3A_849 = arith.constant dense<true> : vector<8x2048xi1>
    %eq3A_850 = arith.xori %eq3A_848, %eq3A_849 : vector<8x2048xi1>
    %eq3A_851 = arith.xori %or3A_847, %eq3A_850 : vector<8x2048xi1>
    %eq3A_852 = arith.constant dense<true> : vector<8x2048xi1>
    %eq3A_853 = arith.xori %eq3A_851, %eq3A_852 : vector<8x2048xi1>
    %select_n3A_854 = arith.select %eq3A_853, %select_n3A_815, %select_n3A_829 : vector<8x2048xi1>, vector<8x2048xf32>
    %select_n3A_855 = arith.select %eq3A_853, %select_n3A_816, %select_n3A_836 : vector<8x2048xi1>, vector<8x2048xi32>
    %and3A_856 = arith.constant 32 : i32
    %and3A_857 = vector.broadcast %and3A_856 : i32 to vector<8x2048xi32>
    %and3A_858 = arith.andi %iota3A_5, %and3A_857 : vector<8x2048xi32>
    %eq3A_859 = arith.constant 0 : i32
    %eq3A_860 = vector.broadcast %eq3A_859 : i32 to vector<8x2048xi32>
    %eq3A_861 = arith.cmpi eq, %and3A_858, %eq3A_860 : vector<8x2048xi32>
    %slice3A_862 = vector.extract_strided_slice %select_n3A_854 {offsets = [0, 32], sizes = [8, 2016], strides = [1, 1]} : vector<8x2048xf32> to vector<8x2016xf32>
    %slice3A_863 = vector.extract_strided_slice %select_n3A_854 {offsets = [0, 0], sizes = [8, 32], strides = [1, 1]} : vector<8x2048xf32> to vector<8x32xf32>
    %concatenate3A_864 = tpu.concatenate %slice3A_862, %slice3A_863 in 1 : vector<8x2016xf32>, vector<8x32xf32> -> vector<8x2048xf32>
    %slice3A_865 = vector.extract_strided_slice %select_n3A_854 {offsets = [0, 2016], sizes = [8, 32], strides = [1, 1]} : vector<8x2048xf32> to vector<8x32xf32>
    %slice3A_866 = vector.extract_strided_slice %select_n3A_854 {offsets = [0, 0], sizes = [8, 2016], strides = [1, 1]} : vector<8x2048xf32> to vector<8x2016xf32>
    %concatenate3A_867 = tpu.concatenate %slice3A_865, %slice3A_866 in 1 : vector<8x32xf32>, vector<8x2016xf32> -> vector<8x2048xf32>
    %select_n3A_868 = arith.select %eq3A_861, %concatenate3A_864, %concatenate3A_867 : vector<8x2048xi1>, vector<8x2048xf32>
    %slice3A_869 = vector.extract_strided_slice %select_n3A_855 {offsets = [0, 32], sizes = [8, 2016], strides = [1, 1]} : vector<8x2048xi32> to vector<8x2016xi32>
    %slice3A_870 = vector.extract_strided_slice %select_n3A_855 {offsets = [0, 0], sizes = [8, 32], strides = [1, 1]} : vector<8x2048xi32> to vector<8x32xi32>
    %concatenate3A_871 = tpu.concatenate %slice3A_869, %slice3A_870 in 1 : vector<8x2016xi32>, vector<8x32xi32> -> vector<8x2048xi32>
    %slice3A_872 = vector.extract_strided_slice %select_n3A_855 {offsets = [0, 2016], sizes = [8, 32], strides = [1, 1]} : vector<8x2048xi32> to vector<8x32xi32>
    %slice3A_873 = vector.extract_strided_slice %select_n3A_855 {offsets = [0, 0], sizes = [8, 2016], strides = [1, 1]} : vector<8x2048xi32> to vector<8x2016xi32>
    %concatenate3A_874 = tpu.concatenate %slice3A_872, %slice3A_873 in 1 : vector<8x32xi32>, vector<8x2016xi32> -> vector<8x2048xi32>
    %select_n3A_875 = arith.select %eq3A_861, %concatenate3A_871, %concatenate3A_874 : vector<8x2048xi1>, vector<8x2048xi32>
    %and3A_876 = arith.constant 128 : i32
    %and3A_877 = vector.broadcast %and3A_876 : i32 to vector<8x2048xi32>
    %and3A_878 = arith.andi %iota3A_5, %and3A_877 : vector<8x2048xi32>
    %eq3A_879 = arith.constant 0 : i32
    %eq3A_880 = vector.broadcast %eq3A_879 : i32 to vector<8x2048xi32>
    %eq3A_881 = arith.cmpi eq, %and3A_878, %eq3A_880 : vector<8x2048xi32>
    %gt3A_882 = arith.cmpf ogt, %select_n3A_854, %select_n3A_868 : vector<8x2048xf32>
    %eq3A_883 = arith.cmpf oeq, %select_n3A_854, %select_n3A_868 : vector<8x2048xf32>
    %lt3A_884 = arith.cmpi slt, %select_n3A_855, %select_n3A_875 : vector<8x2048xi32>
    %and3A_885 = arith.andi %eq3A_883, %lt3A_884 : vector<8x2048xi1>
    %or3A_886 = arith.ori %gt3A_882, %and3A_885 : vector<8x2048xi1>
    %eq3A_887 = arith.xori %eq3A_861, %eq3A_881 : vector<8x2048xi1>
    %eq3A_888 = arith.constant dense<true> : vector<8x2048xi1>
    %eq3A_889 = arith.xori %eq3A_887, %eq3A_888 : vector<8x2048xi1>
    %eq3A_890 = arith.xori %or3A_886, %eq3A_889 : vector<8x2048xi1>
    %eq3A_891 = arith.constant dense<true> : vector<8x2048xi1>
    %eq3A_892 = arith.xori %eq3A_890, %eq3A_891 : vector<8x2048xi1>
    %select_n3A_893 = arith.select %eq3A_892, %select_n3A_854, %select_n3A_868 : vector<8x2048xi1>, vector<8x2048xf32>
    %select_n3A_894 = arith.select %eq3A_892, %select_n3A_855, %select_n3A_875 : vector<8x2048xi1>, vector<8x2048xi32>
    %and3A_895 = arith.constant 16 : i32
    %and3A_896 = vector.broadcast %and3A_895 : i32 to vector<8x2048xi32>
    %and3A_897 = arith.andi %iota3A_5, %and3A_896 : vector<8x2048xi32>
    %eq3A_898 = arith.constant 0 : i32
    %eq3A_899 = vector.broadcast %eq3A_898 : i32 to vector<8x2048xi32>
    %eq3A_900 = arith.cmpi eq, %and3A_897, %eq3A_899 : vector<8x2048xi32>
    %slice3A_901 = vector.extract_strided_slice %select_n3A_893 {offsets = [0, 16], sizes = [8, 2032], strides = [1, 1]} : vector<8x2048xf32> to vector<8x2032xf32>
    %slice3A_902 = vector.extract_strided_slice %select_n3A_893 {offsets = [0, 0], sizes = [8, 16], strides = [1, 1]} : vector<8x2048xf32> to vector<8x16xf32>
    %concatenate3A_903 = tpu.concatenate %slice3A_901, %slice3A_902 in 1 : vector<8x2032xf32>, vector<8x16xf32> -> vector<8x2048xf32>
    %slice3A_904 = vector.extract_strided_slice %select_n3A_893 {offsets = [0, 2032], sizes = [8, 16], strides = [1, 1]} : vector<8x2048xf32> to vector<8x16xf32>
    %slice3A_905 = vector.extract_strided_slice %select_n3A_893 {offsets = [0, 0], sizes = [8, 2032], strides = [1, 1]} : vector<8x2048xf32> to vector<8x2032xf32>
    %concatenate3A_906 = tpu.concatenate %slice3A_904, %slice3A_905 in 1 : vector<8x16xf32>, vector<8x2032xf32> -> vector<8x2048xf32>
    %select_n3A_907 = arith.select %eq3A_900, %concatenate3A_903, %concatenate3A_906 : vector<8x2048xi1>, vector<8x2048xf32>
    %slice3A_908 = vector.extract_strided_slice %select_n3A_894 {offsets = [0, 16], sizes = [8, 2032], strides = [1, 1]} : vector<8x2048xi32> to vector<8x2032xi32>
    %slice3A_909 = vector.extract_strided_slice %select_n3A_894 {offsets = [0, 0], sizes = [8, 16], strides = [1, 1]} : vector<8x2048xi32> to vector<8x16xi32>
    %concatenate3A_910 = tpu.concatenate %slice3A_908, %slice3A_909 in 1 : vector<8x2032xi32>, vector<8x16xi32> -> vector<8x2048xi32>
    %slice3A_911 = vector.extract_strided_slice %select_n3A_894 {offsets = [0, 2032], sizes = [8, 16], strides = [1, 1]} : vector<8x2048xi32> to vector<8x16xi32>
    %slice3A_912 = vector.extract_strided_slice %select_n3A_894 {offsets = [0, 0], sizes = [8, 2032], strides = [1, 1]} : vector<8x2048xi32> to vector<8x2032xi32>
    %concatenate3A_913 = tpu.concatenate %slice3A_911, %slice3A_912 in 1 : vector<8x16xi32>, vector<8x2032xi32> -> vector<8x2048xi32>
    %select_n3A_914 = arith.select %eq3A_900, %concatenate3A_910, %concatenate3A_913 : vector<8x2048xi1>, vector<8x2048xi32>
    %and3A_915 = arith.constant 128 : i32
    %and3A_916 = vector.broadcast %and3A_915 : i32 to vector<8x2048xi32>
    %and3A_917 = arith.andi %iota3A_5, %and3A_916 : vector<8x2048xi32>
    %eq3A_918 = arith.constant 0 : i32
    %eq3A_919 = vector.broadcast %eq3A_918 : i32 to vector<8x2048xi32>
    %eq3A_920 = arith.cmpi eq, %and3A_917, %eq3A_919 : vector<8x2048xi32>
    %gt3A_921 = arith.cmpf ogt, %select_n3A_893, %select_n3A_907 : vector<8x2048xf32>
    %eq3A_922 = arith.cmpf oeq, %select_n3A_893, %select_n3A_907 : vector<8x2048xf32>
    %lt3A_923 = arith.cmpi slt, %select_n3A_894, %select_n3A_914 : vector<8x2048xi32>
    %and3A_924 = arith.andi %eq3A_922, %lt3A_923 : vector<8x2048xi1>
    %or3A_925 = arith.ori %gt3A_921, %and3A_924 : vector<8x2048xi1>
    %eq3A_926 = arith.xori %eq3A_900, %eq3A_920 : vector<8x2048xi1>
    %eq3A_927 = arith.constant dense<true> : vector<8x2048xi1>
    %eq3A_928 = arith.xori %eq3A_926, %eq3A_927 : vector<8x2048xi1>
    %eq3A_929 = arith.xori %or3A_925, %eq3A_928 : vector<8x2048xi1>
    %eq3A_930 = arith.constant dense<true> : vector<8x2048xi1>
    %eq3A_931 = arith.xori %eq3A_929, %eq3A_930 : vector<8x2048xi1>
    %select_n3A_932 = arith.select %eq3A_931, %select_n3A_893, %select_n3A_907 : vector<8x2048xi1>, vector<8x2048xf32>
    %select_n3A_933 = arith.select %eq3A_931, %select_n3A_894, %select_n3A_914 : vector<8x2048xi1>, vector<8x2048xi32>
    %and3A_934 = arith.constant 8 : i32
    %and3A_935 = vector.broadcast %and3A_934 : i32 to vector<8x2048xi32>
    %and3A_936 = arith.andi %iota3A_5, %and3A_935 : vector<8x2048xi32>
    %eq3A_937 = arith.constant 0 : i32
    %eq3A_938 = vector.broadcast %eq3A_937 : i32 to vector<8x2048xi32>
    %eq3A_939 = arith.cmpi eq, %and3A_936, %eq3A_938 : vector<8x2048xi32>
    %slice3A_940 = vector.extract_strided_slice %select_n3A_932 {offsets = [0, 8], sizes = [8, 2040], strides = [1, 1]} : vector<8x2048xf32> to vector<8x2040xf32>
    %slice3A_941 = vector.extract_strided_slice %select_n3A_932 {offsets = [0, 0], sizes = [8, 8], strides = [1, 1]} : vector<8x2048xf32> to vector<8x8xf32>
    %concatenate3A_942 = tpu.concatenate %slice3A_940, %slice3A_941 in 1 : vector<8x2040xf32>, vector<8x8xf32> -> vector<8x2048xf32>
    %slice3A_943 = vector.extract_strided_slice %select_n3A_932 {offsets = [0, 2040], sizes = [8, 8], strides = [1, 1]} : vector<8x2048xf32> to vector<8x8xf32>
    %slice3A_944 = vector.extract_strided_slice %select_n3A_932 {offsets = [0, 0], sizes = [8, 2040], strides = [1, 1]} : vector<8x2048xf32> to vector<8x2040xf32>
    %concatenate3A_945 = tpu.concatenate %slice3A_943, %slice3A_944 in 1 : vector<8x8xf32>, vector<8x2040xf32> -> vector<8x2048xf32>
    %select_n3A_946 = arith.select %eq3A_939, %concatenate3A_942, %concatenate3A_945 : vector<8x2048xi1>, vector<8x2048xf32>
    %slice3A_947 = vector.extract_strided_slice %select_n3A_933 {offsets = [0, 8], sizes = [8, 2040], strides = [1, 1]} : vector<8x2048xi32> to vector<8x2040xi32>
    %slice3A_948 = vector.extract_strided_slice %select_n3A_933 {offsets = [0, 0], sizes = [8, 8], strides = [1, 1]} : vector<8x2048xi32> to vector<8x8xi32>
    %concatenate3A_949 = tpu.concatenate %slice3A_947, %slice3A_948 in 1 : vector<8x2040xi32>, vector<8x8xi32> -> vector<8x2048xi32>
    %slice3A_950 = vector.extract_strided_slice %select_n3A_933 {offsets = [0, 2040], sizes = [8, 8], strides = [1, 1]} : vector<8x2048xi32> to vector<8x8xi32>
    %slice3A_951 = vector.extract_strided_slice %select_n3A_933 {offsets = [0, 0], sizes = [8, 2040], strides = [1, 1]} : vector<8x2048xi32> to vector<8x2040xi32>
    %concatenate3A_952 = tpu.concatenate %slice3A_950, %slice3A_951 in 1 : vector<8x8xi32>, vector<8x2040xi32> -> vector<8x2048xi32>
    %select_n3A_953 = arith.select %eq3A_939, %concatenate3A_949, %concatenate3A_952 : vector<8x2048xi1>, vector<8x2048xi32>
    %and3A_954 = arith.constant 128 : i32
    %and3A_955 = vector.broadcast %and3A_954 : i32 to vector<8x2048xi32>
    %and3A_956 = arith.andi %iota3A_5, %and3A_955 : vector<8x2048xi32>
    %eq3A_957 = arith.constant 0 : i32
    %eq3A_958 = vector.broadcast %eq3A_957 : i32 to vector<8x2048xi32>
    %eq3A_959 = arith.cmpi eq, %and3A_956, %eq3A_958 : vector<8x2048xi32>
    %gt3A_960 = arith.cmpf ogt, %select_n3A_932, %select_n3A_946 : vector<8x2048xf32>
    %eq3A_961 = arith.cmpf oeq, %select_n3A_932, %select_n3A_946 : vector<8x2048xf32>
    %lt3A_962 = arith.cmpi slt, %select_n3A_933, %select_n3A_953 : vector<8x2048xi32>
    %and3A_963 = arith.andi %eq3A_961, %lt3A_962 : vector<8x2048xi1>
    %or3A_964 = arith.ori %gt3A_960, %and3A_963 : vector<8x2048xi1>
    %eq3A_965 = arith.xori %eq3A_939, %eq3A_959 : vector<8x2048xi1>
    %eq3A_966 = arith.constant dense<true> : vector<8x2048xi1>
    %eq3A_967 = arith.xori %eq3A_965, %eq3A_966 : vector<8x2048xi1>
    %eq3A_968 = arith.xori %or3A_964, %eq3A_967 : vector<8x2048xi1>
    %eq3A_969 = arith.constant dense<true> : vector<8x2048xi1>
    %eq3A_970 = arith.xori %eq3A_968, %eq3A_969 : vector<8x2048xi1>
    %select_n3A_971 = arith.select %eq3A_970, %select_n3A_932, %select_n3A_946 : vector<8x2048xi1>, vector<8x2048xf32>
    %select_n3A_972 = arith.select %eq3A_970, %select_n3A_933, %select_n3A_953 : vector<8x2048xi1>, vector<8x2048xi32>
    %and3A_973 = arith.constant 4 : i32
    %and3A_974 = vector.broadcast %and3A_973 : i32 to vector<8x2048xi32>
    %and3A_975 = arith.andi %iota3A_5, %and3A_974 : vector<8x2048xi32>
    %eq3A_976 = arith.constant 0 : i32
    %eq3A_977 = vector.broadcast %eq3A_976 : i32 to vector<8x2048xi32>
    %eq3A_978 = arith.cmpi eq, %and3A_975, %eq3A_977 : vector<8x2048xi32>
    %slice3A_979 = vector.extract_strided_slice %select_n3A_971 {offsets = [0, 4], sizes = [8, 2044], strides = [1, 1]} : vector<8x2048xf32> to vector<8x2044xf32>
    %slice3A_980 = vector.extract_strided_slice %select_n3A_971 {offsets = [0, 0], sizes = [8, 4], strides = [1, 1]} : vector<8x2048xf32> to vector<8x4xf32>
    %concatenate3A_981 = tpu.concatenate %slice3A_979, %slice3A_980 in 1 : vector<8x2044xf32>, vector<8x4xf32> -> vector<8x2048xf32>
    %slice3A_982 = vector.extract_strided_slice %select_n3A_971 {offsets = [0, 2044], sizes = [8, 4], strides = [1, 1]} : vector<8x2048xf32> to vector<8x4xf32>
    %slice3A_983 = vector.extract_strided_slice %select_n3A_971 {offsets = [0, 0], sizes = [8, 2044], strides = [1, 1]} : vector<8x2048xf32> to vector<8x2044xf32>
    %concatenate3A_984 = tpu.concatenate %slice3A_982, %slice3A_983 in 1 : vector<8x4xf32>, vector<8x2044xf32> -> vector<8x2048xf32>
    %select_n3A_985 = arith.select %eq3A_978, %concatenate3A_981, %concatenate3A_984 : vector<8x2048xi1>, vector<8x2048xf32>
    %slice3A_986 = vector.extract_strided_slice %select_n3A_972 {offsets = [0, 4], sizes = [8, 2044], strides = [1, 1]} : vector<8x2048xi32> to vector<8x2044xi32>
    %slice3A_987 = vector.extract_strided_slice %select_n3A_972 {offsets = [0, 0], sizes = [8, 4], strides = [1, 1]} : vector<8x2048xi32> to vector<8x4xi32>
    %concatenate3A_988 = tpu.concatenate %slice3A_986, %slice3A_987 in 1 : vector<8x2044xi32>, vector<8x4xi32> -> vector<8x2048xi32>
    %slice3A_989 = vector.extract_strided_slice %select_n3A_972 {offsets = [0, 2044], sizes = [8, 4], strides = [1, 1]} : vector<8x2048xi32> to vector<8x4xi32>
    %slice3A_990 = vector.extract_strided_slice %select_n3A_972 {offsets = [0, 0], sizes = [8, 2044], strides = [1, 1]} : vector<8x2048xi32> to vector<8x2044xi32>
    %concatenate3A_991 = tpu.concatenate %slice3A_989, %slice3A_990 in 1 : vector<8x4xi32>, vector<8x2044xi32> -> vector<8x2048xi32>
    %select_n3A_992 = arith.select %eq3A_978, %concatenate3A_988, %concatenate3A_991 : vector<8x2048xi1>, vector<8x2048xi32>
    %and3A_993 = arith.constant 128 : i32
    %and3A_994 = vector.broadcast %and3A_993 : i32 to vector<8x2048xi32>
    %and3A_995 = arith.andi %iota3A_5, %and3A_994 : vector<8x2048xi32>
    %eq3A_996 = arith.constant 0 : i32
    %eq3A_997 = vector.broadcast %eq3A_996 : i32 to vector<8x2048xi32>
    %eq3A_998 = arith.cmpi eq, %and3A_995, %eq3A_997 : vector<8x2048xi32>
    %gt3A_999 = arith.cmpf ogt, %select_n3A_971, %select_n3A_985 : vector<8x2048xf32>
    %eq3A_1000 = arith.cmpf oeq, %select_n3A_971, %select_n3A_985 : vector<8x2048xf32>
    %lt3A_1001 = arith.cmpi slt, %select_n3A_972, %select_n3A_992 : vector<8x2048xi32>
    %and3A_1002 = arith.andi %eq3A_1000, %lt3A_1001 : vector<8x2048xi1>
    %or3A_1003 = arith.ori %gt3A_999, %and3A_1002 : vector<8x2048xi1>
    %eq3A_1004 = arith.xori %eq3A_978, %eq3A_998 : vector<8x2048xi1>
    %eq3A_1005 = arith.constant dense<true> : vector<8x2048xi1>
    %eq3A_1006 = arith.xori %eq3A_1004, %eq3A_1005 : vector<8x2048xi1>
    %eq3A_1007 = arith.xori %or3A_1003, %eq3A_1006 : vector<8x2048xi1>
    %eq3A_1008 = arith.constant dense<true> : vector<8x2048xi1>
    %eq3A_1009 = arith.xori %eq3A_1007, %eq3A_1008 : vector<8x2048xi1>
    %select_n3A_1010 = arith.select %eq3A_1009, %select_n3A_971, %select_n3A_985 : vector<8x2048xi1>, vector<8x2048xf32>
    %select_n3A_1011 = arith.select %eq3A_1009, %select_n3A_972, %select_n3A_992 : vector<8x2048xi1>, vector<8x2048xi32>
    %and3A_1012 = arith.constant 2 : i32
    %and3A_1013 = vector.broadcast %and3A_1012 : i32 to vector<8x2048xi32>
    %and3A_1014 = arith.andi %iota3A_5, %and3A_1013 : vector<8x2048xi32>
    %eq3A_1015 = arith.constant 0 : i32
    %eq3A_1016 = vector.broadcast %eq3A_1015 : i32 to vector<8x2048xi32>
    %eq3A_1017 = arith.cmpi eq, %and3A_1014, %eq3A_1016 : vector<8x2048xi32>
    %slice3A_1018 = vector.extract_strided_slice %select_n3A_1010 {offsets = [0, 2], sizes = [8, 2046], strides = [1, 1]} : vector<8x2048xf32> to vector<8x2046xf32>
    %slice3A_1019 = vector.extract_strided_slice %select_n3A_1010 {offsets = [0, 0], sizes = [8, 2], strides = [1, 1]} : vector<8x2048xf32> to vector<8x2xf32>
    %concatenate3A_1020 = tpu.concatenate %slice3A_1018, %slice3A_1019 in 1 : vector<8x2046xf32>, vector<8x2xf32> -> vector<8x2048xf32>
    %slice3A_1021 = vector.extract_strided_slice %select_n3A_1010 {offsets = [0, 2046], sizes = [8, 2], strides = [1, 1]} : vector<8x2048xf32> to vector<8x2xf32>
    %slice3A_1022 = vector.extract_strided_slice %select_n3A_1010 {offsets = [0, 0], sizes = [8, 2046], strides = [1, 1]} : vector<8x2048xf32> to vector<8x2046xf32>
    %concatenate3A_1023 = tpu.concatenate %slice3A_1021, %slice3A_1022 in 1 : vector<8x2xf32>, vector<8x2046xf32> -> vector<8x2048xf32>
    %select_n3A_1024 = arith.select %eq3A_1017, %concatenate3A_1020, %concatenate3A_1023 : vector<8x2048xi1>, vector<8x2048xf32>
    %slice3A_1025 = vector.extract_strided_slice %select_n3A_1011 {offsets = [0, 2], sizes = [8, 2046], strides = [1, 1]} : vector<8x2048xi32> to vector<8x2046xi32>
    %slice3A_1026 = vector.extract_strided_slice %select_n3A_1011 {offsets = [0, 0], sizes = [8, 2], strides = [1, 1]} : vector<8x2048xi32> to vector<8x2xi32>
    %concatenate3A_1027 = tpu.concatenate %slice3A_1025, %slice3A_1026 in 1 : vector<8x2046xi32>, vector<8x2xi32> -> vector<8x2048xi32>
    %slice3A_1028 = vector.extract_strided_slice %select_n3A_1011 {offsets = [0, 2046], sizes = [8, 2], strides = [1, 1]} : vector<8x2048xi32> to vector<8x2xi32>
    %slice3A_1029 = vector.extract_strided_slice %select_n3A_1011 {offsets = [0, 0], sizes = [8, 2046], strides = [1, 1]} : vector<8x2048xi32> to vector<8x2046xi32>
    %concatenate3A_1030 = tpu.concatenate %slice3A_1028, %slice3A_1029 in 1 : vector<8x2xi32>, vector<8x2046xi32> -> vector<8x2048xi32>
    %select_n3A_1031 = arith.select %eq3A_1017, %concatenate3A_1027, %concatenate3A_1030 : vector<8x2048xi1>, vector<8x2048xi32>
    %and3A_1032 = arith.constant 128 : i32
    %and3A_1033 = vector.broadcast %and3A_1032 : i32 to vector<8x2048xi32>
    %and3A_1034 = arith.andi %iota3A_5, %and3A_1033 : vector<8x2048xi32>
    %eq3A_1035 = arith.constant 0 : i32
    %eq3A_1036 = vector.broadcast %eq3A_1035 : i32 to vector<8x2048xi32>
    %eq3A_1037 = arith.cmpi eq, %and3A_1034, %eq3A_1036 : vector<8x2048xi32>
    %gt3A_1038 = arith.cmpf ogt, %select_n3A_1010, %select_n3A_1024 : vector<8x2048xf32>
    %eq3A_1039 = arith.cmpf oeq, %select_n3A_1010, %select_n3A_1024 : vector<8x2048xf32>
    %lt3A_1040 = arith.cmpi slt, %select_n3A_1011, %select_n3A_1031 : vector<8x2048xi32>
    %and3A_1041 = arith.andi %eq3A_1039, %lt3A_1040 : vector<8x2048xi1>
    %or3A_1042 = arith.ori %gt3A_1038, %and3A_1041 : vector<8x2048xi1>
    %eq3A_1043 = arith.xori %eq3A_1017, %eq3A_1037 : vector<8x2048xi1>
    %eq3A_1044 = arith.constant dense<true> : vector<8x2048xi1>
    %eq3A_1045 = arith.xori %eq3A_1043, %eq3A_1044 : vector<8x2048xi1>
    %eq3A_1046 = arith.xori %or3A_1042, %eq3A_1045 : vector<8x2048xi1>
    %eq3A_1047 = arith.constant dense<true> : vector<8x2048xi1>
    %eq3A_1048 = arith.xori %eq3A_1046, %eq3A_1047 : vector<8x2048xi1>
    %select_n3A_1049 = arith.select %eq3A_1048, %select_n3A_1010, %select_n3A_1024 : vector<8x2048xi1>, vector<8x2048xf32>
    %select_n3A_1050 = arith.select %eq3A_1048, %select_n3A_1011, %select_n3A_1031 : vector<8x2048xi1>, vector<8x2048xi32>
    %and3A_1051 = arith.constant 1 : i32
    %and3A_1052 = vector.broadcast %and3A_1051 : i32 to vector<8x2048xi32>
    %and3A_1053 = arith.andi %iota3A_5, %and3A_1052 : vector<8x2048xi32>
    %eq3A_1054 = arith.constant 0 : i32
    %eq3A_1055 = vector.broadcast %eq3A_1054 : i32 to vector<8x2048xi32>
    %eq3A_1056 = arith.cmpi eq, %and3A_1053, %eq3A_1055 : vector<8x2048xi32>
    %slice3A_1057 = vector.extract_strided_slice %select_n3A_1049 {offsets = [0, 1], sizes = [8, 2047], strides = [1, 1]} : vector<8x2048xf32> to vector<8x2047xf32>
    %slice3A_1058 = vector.extract_strided_slice %select_n3A_1049 {offsets = [0, 0], sizes = [8, 1], strides = [1, 1]} : vector<8x2048xf32> to vector<8x1xf32>
    %concatenate3A_1059 = tpu.concatenate %slice3A_1057, %slice3A_1058 in 1 : vector<8x2047xf32>, vector<8x1xf32> -> vector<8x2048xf32>
    %slice3A_1060 = vector.extract_strided_slice %select_n3A_1049 {offsets = [0, 2047], sizes = [8, 1], strides = [1, 1]} : vector<8x2048xf32> to vector<8x1xf32>
    %slice3A_1061 = vector.extract_strided_slice %select_n3A_1049 {offsets = [0, 0], sizes = [8, 2047], strides = [1, 1]} : vector<8x2048xf32> to vector<8x2047xf32>
    %concatenate3A_1062 = tpu.concatenate %slice3A_1060, %slice3A_1061 in 1 : vector<8x1xf32>, vector<8x2047xf32> -> vector<8x2048xf32>
    %select_n3A_1063 = arith.select %eq3A_1056, %concatenate3A_1059, %concatenate3A_1062 : vector<8x2048xi1>, vector<8x2048xf32>
    %slice3A_1064 = vector.extract_strided_slice %select_n3A_1050 {offsets = [0, 1], sizes = [8, 2047], strides = [1, 1]} : vector<8x2048xi32> to vector<8x2047xi32>
    %slice3A_1065 = vector.extract_strided_slice %select_n3A_1050 {offsets = [0, 0], sizes = [8, 1], strides = [1, 1]} : vector<8x2048xi32> to vector<8x1xi32>
    %concatenate3A_1066 = tpu.concatenate %slice3A_1064, %slice3A_1065 in 1 : vector<8x2047xi32>, vector<8x1xi32> -> vector<8x2048xi32>
    %slice3A_1067 = vector.extract_strided_slice %select_n3A_1050 {offsets = [0, 2047], sizes = [8, 1], strides = [1, 1]} : vector<8x2048xi32> to vector<8x1xi32>
    %slice3A_1068 = vector.extract_strided_slice %select_n3A_1050 {offsets = [0, 0], sizes = [8, 2047], strides = [1, 1]} : vector<8x2048xi32> to vector<8x2047xi32>
    %concatenate3A_1069 = tpu.concatenate %slice3A_1067, %slice3A_1068 in 1 : vector<8x1xi32>, vector<8x2047xi32> -> vector<8x2048xi32>
    %select_n3A_1070 = arith.select %eq3A_1056, %concatenate3A_1066, %concatenate3A_1069 : vector<8x2048xi1>, vector<8x2048xi32>
    %and3A_1071 = arith.constant 128 : i32
    %and3A_1072 = vector.broadcast %and3A_1071 : i32 to vector<8x2048xi32>
    %and3A_1073 = arith.andi %iota3A_5, %and3A_1072 : vector<8x2048xi32>
    %eq3A_1074 = arith.constant 0 : i32
    %eq3A_1075 = vector.broadcast %eq3A_1074 : i32 to vector<8x2048xi32>
    %eq3A_1076 = arith.cmpi eq, %and3A_1073, %eq3A_1075 : vector<8x2048xi32>
    %gt3A_1077 = arith.cmpf ogt, %select_n3A_1049, %select_n3A_1063 : vector<8x2048xf32>
    %eq3A_1078 = arith.cmpf oeq, %select_n3A_1049, %select_n3A_1063 : vector<8x2048xf32>
    %lt3A_1079 = arith.cmpi slt, %select_n3A_1050, %select_n3A_1070 : vector<8x2048xi32>
    %and3A_1080 = arith.andi %eq3A_1078, %lt3A_1079 : vector<8x2048xi1>
    %or3A_1081 = arith.ori %gt3A_1077, %and3A_1080 : vector<8x2048xi1>
    %eq3A_1082 = arith.xori %eq3A_1056, %eq3A_1076 : vector<8x2048xi1>
    %eq3A_1083 = arith.constant dense<true> : vector<8x2048xi1>
    %eq3A_1084 = arith.xori %eq3A_1082, %eq3A_1083 : vector<8x2048xi1>
    %eq3A_1085 = arith.xori %or3A_1081, %eq3A_1084 : vector<8x2048xi1>
    %eq3A_1086 = arith.constant dense<true> : vector<8x2048xi1>
    %eq3A_1087 = arith.xori %eq3A_1085, %eq3A_1086 : vector<8x2048xi1>
    %select_n3A_1088 = arith.select %eq3A_1087, %select_n3A_1049, %select_n3A_1063 : vector<8x2048xi1>, vector<8x2048xf32>
    %select_n3A_1089 = arith.select %eq3A_1087, %select_n3A_1050, %select_n3A_1070 : vector<8x2048xi1>, vector<8x2048xi32>
    %and3A_1090 = arith.constant 128 : i32
    %and3A_1091 = vector.broadcast %and3A_1090 : i32 to vector<8x2048xi32>
    %and3A_1092 = arith.andi %iota3A_5, %and3A_1091 : vector<8x2048xi32>
    %eq3A_1093 = arith.constant 0 : i32
    %eq3A_1094 = vector.broadcast %eq3A_1093 : i32 to vector<8x2048xi32>
    %eq3A_1095 = arith.cmpi eq, %and3A_1092, %eq3A_1094 : vector<8x2048xi32>
    %slice3A_1096 = vector.extract_strided_slice %select_n3A_1088 {offsets = [0, 128], sizes = [8, 1920], strides = [1, 1]} : vector<8x2048xf32> to vector<8x1920xf32>
    %slice3A_1097 = vector.extract_strided_slice %select_n3A_1088 {offsets = [0, 0], sizes = [8, 128], strides = [1, 1]} : vector<8x2048xf32> to vector<8x128xf32>
    %concatenate3A_1098 = tpu.concatenate %slice3A_1096, %slice3A_1097 in 1 : vector<8x1920xf32>, vector<8x128xf32> -> vector<8x2048xf32>
    %slice3A_1099 = vector.extract_strided_slice %select_n3A_1088 {offsets = [0, 1920], sizes = [8, 128], strides = [1, 1]} : vector<8x2048xf32> to vector<8x128xf32>
    %slice3A_1100 = vector.extract_strided_slice %select_n3A_1088 {offsets = [0, 0], sizes = [8, 1920], strides = [1, 1]} : vector<8x2048xf32> to vector<8x1920xf32>
    %concatenate3A_1101 = tpu.concatenate %slice3A_1099, %slice3A_1100 in 1 : vector<8x128xf32>, vector<8x1920xf32> -> vector<8x2048xf32>
    %select_n3A_1102 = arith.select %eq3A_1095, %concatenate3A_1098, %concatenate3A_1101 : vector<8x2048xi1>, vector<8x2048xf32>
    %slice3A_1103 = vector.extract_strided_slice %select_n3A_1089 {offsets = [0, 128], sizes = [8, 1920], strides = [1, 1]} : vector<8x2048xi32> to vector<8x1920xi32>
    %slice3A_1104 = vector.extract_strided_slice %select_n3A_1089 {offsets = [0, 0], sizes = [8, 128], strides = [1, 1]} : vector<8x2048xi32> to vector<8x128xi32>
    %concatenate3A_1105 = tpu.concatenate %slice3A_1103, %slice3A_1104 in 1 : vector<8x1920xi32>, vector<8x128xi32> -> vector<8x2048xi32>
    %slice3A_1106 = vector.extract_strided_slice %select_n3A_1089 {offsets = [0, 1920], sizes = [8, 128], strides = [1, 1]} : vector<8x2048xi32> to vector<8x128xi32>
    %slice3A_1107 = vector.extract_strided_slice %select_n3A_1089 {offsets = [0, 0], sizes = [8, 1920], strides = [1, 1]} : vector<8x2048xi32> to vector<8x1920xi32>
    %concatenate3A_1108 = tpu.concatenate %slice3A_1106, %slice3A_1107 in 1 : vector<8x128xi32>, vector<8x1920xi32> -> vector<8x2048xi32>
    %select_n3A_1109 = arith.select %eq3A_1095, %concatenate3A_1105, %concatenate3A_1108 : vector<8x2048xi1>, vector<8x2048xi32>
    %and3A_1110 = arith.constant 256 : i32
    %and3A_1111 = vector.broadcast %and3A_1110 : i32 to vector<8x2048xi32>
    %and3A_1112 = arith.andi %iota3A_5, %and3A_1111 : vector<8x2048xi32>
    %eq3A_1113 = arith.constant 0 : i32
    %eq3A_1114 = vector.broadcast %eq3A_1113 : i32 to vector<8x2048xi32>
    %eq3A_1115 = arith.cmpi eq, %and3A_1112, %eq3A_1114 : vector<8x2048xi32>
    %gt3A_1116 = arith.cmpf ogt, %select_n3A_1088, %select_n3A_1102 : vector<8x2048xf32>
    %eq3A_1117 = arith.cmpf oeq, %select_n3A_1088, %select_n3A_1102 : vector<8x2048xf32>
    %lt3A_1118 = arith.cmpi slt, %select_n3A_1089, %select_n3A_1109 : vector<8x2048xi32>
    %and3A_1119 = arith.andi %eq3A_1117, %lt3A_1118 : vector<8x2048xi1>
    %or3A_1120 = arith.ori %gt3A_1116, %and3A_1119 : vector<8x2048xi1>
    %eq3A_1121 = arith.xori %eq3A_1095, %eq3A_1115 : vector<8x2048xi1>
    %eq3A_1122 = arith.constant dense<true> : vector<8x2048xi1>
    %eq3A_1123 = arith.xori %eq3A_1121, %eq3A_1122 : vector<8x2048xi1>
    %eq3A_1124 = arith.xori %or3A_1120, %eq3A_1123 : vector<8x2048xi1>
    %eq3A_1125 = arith.constant dense<true> : vector<8x2048xi1>
    %eq3A_1126 = arith.xori %eq3A_1124, %eq3A_1125 : vector<8x2048xi1>
    %select_n3A_1127 = arith.select %eq3A_1126, %select_n3A_1088, %select_n3A_1102 : vector<8x2048xi1>, vector<8x2048xf32>
    %select_n3A_1128 = arith.select %eq3A_1126, %select_n3A_1089, %select_n3A_1109 : vector<8x2048xi1>, vector<8x2048xi32>
    %and3A_1129 = arith.constant 64 : i32
    %and3A_1130 = vector.broadcast %and3A_1129 : i32 to vector<8x2048xi32>
    %and3A_1131 = arith.andi %iota3A_5, %and3A_1130 : vector<8x2048xi32>
    %eq3A_1132 = arith.constant 0 : i32
    %eq3A_1133 = vector.broadcast %eq3A_1132 : i32 to vector<8x2048xi32>
    %eq3A_1134 = arith.cmpi eq, %and3A_1131, %eq3A_1133 : vector<8x2048xi32>
    %slice3A_1135 = vector.extract_strided_slice %select_n3A_1127 {offsets = [0, 64], sizes = [8, 1984], strides = [1, 1]} : vector<8x2048xf32> to vector<8x1984xf32>
    %slice3A_1136 = vector.extract_strided_slice %select_n3A_1127 {offsets = [0, 0], sizes = [8, 64], strides = [1, 1]} : vector<8x2048xf32> to vector<8x64xf32>
    %concatenate3A_1137 = tpu.concatenate %slice3A_1135, %slice3A_1136 in 1 : vector<8x1984xf32>, vector<8x64xf32> -> vector<8x2048xf32>
    %slice3A_1138 = vector.extract_strided_slice %select_n3A_1127 {offsets = [0, 1984], sizes = [8, 64], strides = [1, 1]} : vector<8x2048xf32> to vector<8x64xf32>
    %slice3A_1139 = vector.extract_strided_slice %select_n3A_1127 {offsets = [0, 0], sizes = [8, 1984], strides = [1, 1]} : vector<8x2048xf32> to vector<8x1984xf32>
    %concatenate3A_1140 = tpu.concatenate %slice3A_1138, %slice3A_1139 in 1 : vector<8x64xf32>, vector<8x1984xf32> -> vector<8x2048xf32>
    %select_n3A_1141 = arith.select %eq3A_1134, %concatenate3A_1137, %concatenate3A_1140 : vector<8x2048xi1>, vector<8x2048xf32>
    %slice3A_1142 = vector.extract_strided_slice %select_n3A_1128 {offsets = [0, 64], sizes = [8, 1984], strides = [1, 1]} : vector<8x2048xi32> to vector<8x1984xi32>
    %slice3A_1143 = vector.extract_strided_slice %select_n3A_1128 {offsets = [0, 0], sizes = [8, 64], strides = [1, 1]} : vector<8x2048xi32> to vector<8x64xi32>
    %concatenate3A_1144 = tpu.concatenate %slice3A_1142, %slice3A_1143 in 1 : vector<8x1984xi32>, vector<8x64xi32> -> vector<8x2048xi32>
    %slice3A_1145 = vector.extract_strided_slice %select_n3A_1128 {offsets = [0, 1984], sizes = [8, 64], strides = [1, 1]} : vector<8x2048xi32> to vector<8x64xi32>
    %slice3A_1146 = vector.extract_strided_slice %select_n3A_1128 {offsets = [0, 0], sizes = [8, 1984], strides = [1, 1]} : vector<8x2048xi32> to vector<8x1984xi32>
    %concatenate3A_1147 = tpu.concatenate %slice3A_1145, %slice3A_1146 in 1 : vector<8x64xi32>, vector<8x1984xi32> -> vector<8x2048xi32>
    %select_n3A_1148 = arith.select %eq3A_1134, %concatenate3A_1144, %concatenate3A_1147 : vector<8x2048xi1>, vector<8x2048xi32>
    %and3A_1149 = arith.constant 256 : i32
    %and3A_1150 = vector.broadcast %and3A_1149 : i32 to vector<8x2048xi32>
    %and3A_1151 = arith.andi %iota3A_5, %and3A_1150 : vector<8x2048xi32>
    %eq3A_1152 = arith.constant 0 : i32
    %eq3A_1153 = vector.broadcast %eq3A_1152 : i32 to vector<8x2048xi32>
    %eq3A_1154 = arith.cmpi eq, %and3A_1151, %eq3A_1153 : vector<8x2048xi32>
    %gt3A_1155 = arith.cmpf ogt, %select_n3A_1127, %select_n3A_1141 : vector<8x2048xf32>
    %eq3A_1156 = arith.cmpf oeq, %select_n3A_1127, %select_n3A_1141 : vector<8x2048xf32>
    %lt3A_1157 = arith.cmpi slt, %select_n3A_1128, %select_n3A_1148 : vector<8x2048xi32>
    %and3A_1158 = arith.andi %eq3A_1156, %lt3A_1157 : vector<8x2048xi1>
    %or3A_1159 = arith.ori %gt3A_1155, %and3A_1158 : vector<8x2048xi1>
    %eq3A_1160 = arith.xori %eq3A_1134, %eq3A_1154 : vector<8x2048xi1>
    %eq3A_1161 = arith.constant dense<true> : vector<8x2048xi1>
    %eq3A_1162 = arith.xori %eq3A_1160, %eq3A_1161 : vector<8x2048xi1>
    %eq3A_1163 = arith.xori %or3A_1159, %eq3A_1162 : vector<8x2048xi1>
    %eq3A_1164 = arith.constant dense<true> : vector<8x2048xi1>
    %eq3A_1165 = arith.xori %eq3A_1163, %eq3A_1164 : vector<8x2048xi1>
    %select_n3A_1166 = arith.select %eq3A_1165, %select_n3A_1127, %select_n3A_1141 : vector<8x2048xi1>, vector<8x2048xf32>
    %select_n3A_1167 = arith.select %eq3A_1165, %select_n3A_1128, %select_n3A_1148 : vector<8x2048xi1>, vector<8x2048xi32>
    %and3A_1168 = arith.constant 32 : i32
    %and3A_1169 = vector.broadcast %and3A_1168 : i32 to vector<8x2048xi32>
    %and3A_1170 = arith.andi %iota3A_5, %and3A_1169 : vector<8x2048xi32>
    %eq3A_1171 = arith.constant 0 : i32
    %eq3A_1172 = vector.broadcast %eq3A_1171 : i32 to vector<8x2048xi32>
    %eq3A_1173 = arith.cmpi eq, %and3A_1170, %eq3A_1172 : vector<8x2048xi32>
    %slice3A_1174 = vector.extract_strided_slice %select_n3A_1166 {offsets = [0, 32], sizes = [8, 2016], strides = [1, 1]} : vector<8x2048xf32> to vector<8x2016xf32>
    %slice3A_1175 = vector.extract_strided_slice %select_n3A_1166 {offsets = [0, 0], sizes = [8, 32], strides = [1, 1]} : vector<8x2048xf32> to vector<8x32xf32>
    %concatenate3A_1176 = tpu.concatenate %slice3A_1174, %slice3A_1175 in 1 : vector<8x2016xf32>, vector<8x32xf32> -> vector<8x2048xf32>
    %slice3A_1177 = vector.extract_strided_slice %select_n3A_1166 {offsets = [0, 2016], sizes = [8, 32], strides = [1, 1]} : vector<8x2048xf32> to vector<8x32xf32>
    %slice3A_1178 = vector.extract_strided_slice %select_n3A_1166 {offsets = [0, 0], sizes = [8, 2016], strides = [1, 1]} : vector<8x2048xf32> to vector<8x2016xf32>
    %concatenate3A_1179 = tpu.concatenate %slice3A_1177, %slice3A_1178 in 1 : vector<8x32xf32>, vector<8x2016xf32> -> vector<8x2048xf32>
    %select_n3A_1180 = arith.select %eq3A_1173, %concatenate3A_1176, %concatenate3A_1179 : vector<8x2048xi1>, vector<8x2048xf32>
    %slice3A_1181 = vector.extract_strided_slice %select_n3A_1167 {offsets = [0, 32], sizes = [8, 2016], strides = [1, 1]} : vector<8x2048xi32> to vector<8x2016xi32>
    %slice3A_1182 = vector.extract_strided_slice %select_n3A_1167 {offsets = [0, 0], sizes = [8, 32], strides = [1, 1]} : vector<8x2048xi32> to vector<8x32xi32>
    %concatenate3A_1183 = tpu.concatenate %slice3A_1181, %slice3A_1182 in 1 : vector<8x2016xi32>, vector<8x32xi32> -> vector<8x2048xi32>
    %slice3A_1184 = vector.extract_strided_slice %select_n3A_1167 {offsets = [0, 2016], sizes = [8, 32], strides = [1, 1]} : vector<8x2048xi32> to vector<8x32xi32>
    %slice3A_1185 = vector.extract_strided_slice %select_n3A_1167 {offsets = [0, 0], sizes = [8, 2016], strides = [1, 1]} : vector<8x2048xi32> to vector<8x2016xi32>
    %concatenate3A_1186 = tpu.concatenate %slice3A_1184, %slice3A_1185 in 1 : vector<8x32xi32>, vector<8x2016xi32> -> vector<8x2048xi32>
    %select_n3A_1187 = arith.select %eq3A_1173, %concatenate3A_1183, %concatenate3A_1186 : vector<8x2048xi1>, vector<8x2048xi32>
    %and3A_1188 = arith.constant 256 : i32
    %and3A_1189 = vector.broadcast %and3A_1188 : i32 to vector<8x2048xi32>
    %and3A_1190 = arith.andi %iota3A_5, %and3A_1189 : vector<8x2048xi32>
    %eq3A_1191 = arith.constant 0 : i32
    %eq3A_1192 = vector.broadcast %eq3A_1191 : i32 to vector<8x2048xi32>
    %eq3A_1193 = arith.cmpi eq, %and3A_1190, %eq3A_1192 : vector<8x2048xi32>
    %gt3A_1194 = arith.cmpf ogt, %select_n3A_1166, %select_n3A_1180 : vector<8x2048xf32>
    %eq3A_1195 = arith.cmpf oeq, %select_n3A_1166, %select_n3A_1180 : vector<8x2048xf32>
    %lt3A_1196 = arith.cmpi slt, %select_n3A_1167, %select_n3A_1187 : vector<8x2048xi32>
    %and3A_1197 = arith.andi %eq3A_1195, %lt3A_1196 : vector<8x2048xi1>
    %or3A_1198 = arith.ori %gt3A_1194, %and3A_1197 : vector<8x2048xi1>
    %eq3A_1199 = arith.xori %eq3A_1173, %eq3A_1193 : vector<8x2048xi1>
    %eq3A_1200 = arith.constant dense<true> : vector<8x2048xi1>
    %eq3A_1201 = arith.xori %eq3A_1199, %eq3A_1200 : vector<8x2048xi1>
    %eq3A_1202 = arith.xori %or3A_1198, %eq3A_1201 : vector<8x2048xi1>
    %eq3A_1203 = arith.constant dense<true> : vector<8x2048xi1>
    %eq3A_1204 = arith.xori %eq3A_1202, %eq3A_1203 : vector<8x2048xi1>
    %select_n3A_1205 = arith.select %eq3A_1204, %select_n3A_1166, %select_n3A_1180 : vector<8x2048xi1>, vector<8x2048xf32>
    %select_n3A_1206 = arith.select %eq3A_1204, %select_n3A_1167, %select_n3A_1187 : vector<8x2048xi1>, vector<8x2048xi32>
    %and3A_1207 = arith.constant 16 : i32
    %and3A_1208 = vector.broadcast %and3A_1207 : i32 to vector<8x2048xi32>
    %and3A_1209 = arith.andi %iota3A_5, %and3A_1208 : vector<8x2048xi32>
    %eq3A_1210 = arith.constant 0 : i32
    %eq3A_1211 = vector.broadcast %eq3A_1210 : i32 to vector<8x2048xi32>
    %eq3A_1212 = arith.cmpi eq, %and3A_1209, %eq3A_1211 : vector<8x2048xi32>
    %slice3A_1213 = vector.extract_strided_slice %select_n3A_1205 {offsets = [0, 16], sizes = [8, 2032], strides = [1, 1]} : vector<8x2048xf32> to vector<8x2032xf32>
    %slice3A_1214 = vector.extract_strided_slice %select_n3A_1205 {offsets = [0, 0], sizes = [8, 16], strides = [1, 1]} : vector<8x2048xf32> to vector<8x16xf32>
    %concatenate3A_1215 = tpu.concatenate %slice3A_1213, %slice3A_1214 in 1 : vector<8x2032xf32>, vector<8x16xf32> -> vector<8x2048xf32>
    %slice3A_1216 = vector.extract_strided_slice %select_n3A_1205 {offsets = [0, 2032], sizes = [8, 16], strides = [1, 1]} : vector<8x2048xf32> to vector<8x16xf32>
    %slice3A_1217 = vector.extract_strided_slice %select_n3A_1205 {offsets = [0, 0], sizes = [8, 2032], strides = [1, 1]} : vector<8x2048xf32> to vector<8x2032xf32>
    %concatenate3A_1218 = tpu.concatenate %slice3A_1216, %slice3A_1217 in 1 : vector<8x16xf32>, vector<8x2032xf32> -> vector<8x2048xf32>
    %select_n3A_1219 = arith.select %eq3A_1212, %concatenate3A_1215, %concatenate3A_1218 : vector<8x2048xi1>, vector<8x2048xf32>
    %slice3A_1220 = vector.extract_strided_slice %select_n3A_1206 {offsets = [0, 16], sizes = [8, 2032], strides = [1, 1]} : vector<8x2048xi32> to vector<8x2032xi32>
    %slice3A_1221 = vector.extract_strided_slice %select_n3A_1206 {offsets = [0, 0], sizes = [8, 16], strides = [1, 1]} : vector<8x2048xi32> to vector<8x16xi32>
    %concatenate3A_1222 = tpu.concatenate %slice3A_1220, %slice3A_1221 in 1 : vector<8x2032xi32>, vector<8x16xi32> -> vector<8x2048xi32>
    %slice3A_1223 = vector.extract_strided_slice %select_n3A_1206 {offsets = [0, 2032], sizes = [8, 16], strides = [1, 1]} : vector<8x2048xi32> to vector<8x16xi32>
    %slice3A_1224 = vector.extract_strided_slice %select_n3A_1206 {offsets = [0, 0], sizes = [8, 2032], strides = [1, 1]} : vector<8x2048xi32> to vector<8x2032xi32>
    %concatenate3A_1225 = tpu.concatenate %slice3A_1223, %slice3A_1224 in 1 : vector<8x16xi32>, vector<8x2032xi32> -> vector<8x2048xi32>
    %select_n3A_1226 = arith.select %eq3A_1212, %concatenate3A_1222, %concatenate3A_1225 : vector<8x2048xi1>, vector<8x2048xi32>
    %and3A_1227 = arith.constant 256 : i32
    %and3A_1228 = vector.broadcast %and3A_1227 : i32 to vector<8x2048xi32>
    %and3A_1229 = arith.andi %iota3A_5, %and3A_1228 : vector<8x2048xi32>
    %eq3A_1230 = arith.constant 0 : i32
    %eq3A_1231 = vector.broadcast %eq3A_1230 : i32 to vector<8x2048xi32>
    %eq3A_1232 = arith.cmpi eq, %and3A_1229, %eq3A_1231 : vector<8x2048xi32>
    %gt3A_1233 = arith.cmpf ogt, %select_n3A_1205, %select_n3A_1219 : vector<8x2048xf32>
    %eq3A_1234 = arith.cmpf oeq, %select_n3A_1205, %select_n3A_1219 : vector<8x2048xf32>
    %lt3A_1235 = arith.cmpi slt, %select_n3A_1206, %select_n3A_1226 : vector<8x2048xi32>
    %and3A_1236 = arith.andi %eq3A_1234, %lt3A_1235 : vector<8x2048xi1>
    %or3A_1237 = arith.ori %gt3A_1233, %and3A_1236 : vector<8x2048xi1>
    %eq3A_1238 = arith.xori %eq3A_1212, %eq3A_1232 : vector<8x2048xi1>
    %eq3A_1239 = arith.constant dense<true> : vector<8x2048xi1>
    %eq3A_1240 = arith.xori %eq3A_1238, %eq3A_1239 : vector<8x2048xi1>
    %eq3A_1241 = arith.xori %or3A_1237, %eq3A_1240 : vector<8x2048xi1>
    %eq3A_1242 = arith.constant dense<true> : vector<8x2048xi1>
    %eq3A_1243 = arith.xori %eq3A_1241, %eq3A_1242 : vector<8x2048xi1>
    %select_n3A_1244 = arith.select %eq3A_1243, %select_n3A_1205, %select_n3A_1219 : vector<8x2048xi1>, vector<8x2048xf32>
    %select_n3A_1245 = arith.select %eq3A_1243, %select_n3A_1206, %select_n3A_1226 : vector<8x2048xi1>, vector<8x2048xi32>
    %and3A_1246 = arith.constant 8 : i32
    %and3A_1247 = vector.broadcast %and3A_1246 : i32 to vector<8x2048xi32>
    %and3A_1248 = arith.andi %iota3A_5, %and3A_1247 : vector<8x2048xi32>
    %eq3A_1249 = arith.constant 0 : i32
    %eq3A_1250 = vector.broadcast %eq3A_1249 : i32 to vector<8x2048xi32>
    %eq3A_1251 = arith.cmpi eq, %and3A_1248, %eq3A_1250 : vector<8x2048xi32>
    %slice3A_1252 = vector.extract_strided_slice %select_n3A_1244 {offsets = [0, 8], sizes = [8, 2040], strides = [1, 1]} : vector<8x2048xf32> to vector<8x2040xf32>
    %slice3A_1253 = vector.extract_strided_slice %select_n3A_1244 {offsets = [0, 0], sizes = [8, 8], strides = [1, 1]} : vector<8x2048xf32> to vector<8x8xf32>
    %concatenate3A_1254 = tpu.concatenate %slice3A_1252, %slice3A_1253 in 1 : vector<8x2040xf32>, vector<8x8xf32> -> vector<8x2048xf32>
    %slice3A_1255 = vector.extract_strided_slice %select_n3A_1244 {offsets = [0, 2040], sizes = [8, 8], strides = [1, 1]} : vector<8x2048xf32> to vector<8x8xf32>
    %slice3A_1256 = vector.extract_strided_slice %select_n3A_1244 {offsets = [0, 0], sizes = [8, 2040], strides = [1, 1]} : vector<8x2048xf32> to vector<8x2040xf32>
    %concatenate3A_1257 = tpu.concatenate %slice3A_1255, %slice3A_1256 in 1 : vector<8x8xf32>, vector<8x2040xf32> -> vector<8x2048xf32>
    %select_n3A_1258 = arith.select %eq3A_1251, %concatenate3A_1254, %concatenate3A_1257 : vector<8x2048xi1>, vector<8x2048xf32>
    %slice3A_1259 = vector.extract_strided_slice %select_n3A_1245 {offsets = [0, 8], sizes = [8, 2040], strides = [1, 1]} : vector<8x2048xi32> to vector<8x2040xi32>
    %slice3A_1260 = vector.extract_strided_slice %select_n3A_1245 {offsets = [0, 0], sizes = [8, 8], strides = [1, 1]} : vector<8x2048xi32> to vector<8x8xi32>
    %concatenate3A_1261 = tpu.concatenate %slice3A_1259, %slice3A_1260 in 1 : vector<8x2040xi32>, vector<8x8xi32> -> vector<8x2048xi32>
    %slice3A_1262 = vector.extract_strided_slice %select_n3A_1245 {offsets = [0, 2040], sizes = [8, 8], strides = [1, 1]} : vector<8x2048xi32> to vector<8x8xi32>
    %slice3A_1263 = vector.extract_strided_slice %select_n3A_1245 {offsets = [0, 0], sizes = [8, 2040], strides = [1, 1]} : vector<8x2048xi32> to vector<8x2040xi32>
    %concatenate3A_1264 = tpu.concatenate %slice3A_1262, %slice3A_1263 in 1 : vector<8x8xi32>, vector<8x2040xi32> -> vector<8x2048xi32>
    %select_n3A_1265 = arith.select %eq3A_1251, %concatenate3A_1261, %concatenate3A_1264 : vector<8x2048xi1>, vector<8x2048xi32>
    %and3A_1266 = arith.constant 256 : i32
    %and3A_1267 = vector.broadcast %and3A_1266 : i32 to vector<8x2048xi32>
    %and3A_1268 = arith.andi %iota3A_5, %and3A_1267 : vector<8x2048xi32>
    %eq3A_1269 = arith.constant 0 : i32
    %eq3A_1270 = vector.broadcast %eq3A_1269 : i32 to vector<8x2048xi32>
    %eq3A_1271 = arith.cmpi eq, %and3A_1268, %eq3A_1270 : vector<8x2048xi32>
    %gt3A_1272 = arith.cmpf ogt, %select_n3A_1244, %select_n3A_1258 : vector<8x2048xf32>
    %eq3A_1273 = arith.cmpf oeq, %select_n3A_1244, %select_n3A_1258 : vector<8x2048xf32>
    %lt3A_1274 = arith.cmpi slt, %select_n3A_1245, %select_n3A_1265 : vector<8x2048xi32>
    %and3A_1275 = arith.andi %eq3A_1273, %lt3A_1274 : vector<8x2048xi1>
    %or3A_1276 = arith.ori %gt3A_1272, %and3A_1275 : vector<8x2048xi1>
    %eq3A_1277 = arith.xori %eq3A_1251, %eq3A_1271 : vector<8x2048xi1>
    %eq3A_1278 = arith.constant dense<true> : vector<8x2048xi1>
    %eq3A_1279 = arith.xori %eq3A_1277, %eq3A_1278 : vector<8x2048xi1>
    %eq3A_1280 = arith.xori %or3A_1276, %eq3A_1279 : vector<8x2048xi1>
    %eq3A_1281 = arith.constant dense<true> : vector<8x2048xi1>
    %eq3A_1282 = arith.xori %eq3A_1280, %eq3A_1281 : vector<8x2048xi1>
    %select_n3A_1283 = arith.select %eq3A_1282, %select_n3A_1244, %select_n3A_1258 : vector<8x2048xi1>, vector<8x2048xf32>
    %select_n3A_1284 = arith.select %eq3A_1282, %select_n3A_1245, %select_n3A_1265 : vector<8x2048xi1>, vector<8x2048xi32>
    %and3A_1285 = arith.constant 4 : i32
    %and3A_1286 = vector.broadcast %and3A_1285 : i32 to vector<8x2048xi32>
    %and3A_1287 = arith.andi %iota3A_5, %and3A_1286 : vector<8x2048xi32>
    %eq3A_1288 = arith.constant 0 : i32
    %eq3A_1289 = vector.broadcast %eq3A_1288 : i32 to vector<8x2048xi32>
    %eq3A_1290 = arith.cmpi eq, %and3A_1287, %eq3A_1289 : vector<8x2048xi32>
    %slice3A_1291 = vector.extract_strided_slice %select_n3A_1283 {offsets = [0, 4], sizes = [8, 2044], strides = [1, 1]} : vector<8x2048xf32> to vector<8x2044xf32>
    %slice3A_1292 = vector.extract_strided_slice %select_n3A_1283 {offsets = [0, 0], sizes = [8, 4], strides = [1, 1]} : vector<8x2048xf32> to vector<8x4xf32>
    %concatenate3A_1293 = tpu.concatenate %slice3A_1291, %slice3A_1292 in 1 : vector<8x2044xf32>, vector<8x4xf32> -> vector<8x2048xf32>
    %slice3A_1294 = vector.extract_strided_slice %select_n3A_1283 {offsets = [0, 2044], sizes = [8, 4], strides = [1, 1]} : vector<8x2048xf32> to vector<8x4xf32>
    %slice3A_1295 = vector.extract_strided_slice %select_n3A_1283 {offsets = [0, 0], sizes = [8, 2044], strides = [1, 1]} : vector<8x2048xf32> to vector<8x2044xf32>
    %concatenate3A_1296 = tpu.concatenate %slice3A_1294, %slice3A_1295 in 1 : vector<8x4xf32>, vector<8x2044xf32> -> vector<8x2048xf32>
    %select_n3A_1297 = arith.select %eq3A_1290, %concatenate3A_1293, %concatenate3A_1296 : vector<8x2048xi1>, vector<8x2048xf32>
    %slice3A_1298 = vector.extract_strided_slice %select_n3A_1284 {offsets = [0, 4], sizes = [8, 2044], strides = [1, 1]} : vector<8x2048xi32> to vector<8x2044xi32>
    %slice3A_1299 = vector.extract_strided_slice %select_n3A_1284 {offsets = [0, 0], sizes = [8, 4], strides = [1, 1]} : vector<8x2048xi32> to vector<8x4xi32>
    %concatenate3A_1300 = tpu.concatenate %slice3A_1298, %slice3A_1299 in 1 : vector<8x2044xi32>, vector<8x4xi32> -> vector<8x2048xi32>
    %slice3A_1301 = vector.extract_strided_slice %select_n3A_1284 {offsets = [0, 2044], sizes = [8, 4], strides = [1, 1]} : vector<8x2048xi32> to vector<8x4xi32>
    %slice3A_1302 = vector.extract_strided_slice %select_n3A_1284 {offsets = [0, 0], sizes = [8, 2044], strides = [1, 1]} : vector<8x2048xi32> to vector<8x2044xi32>
    %concatenate3A_1303 = tpu.concatenate %slice3A_1301, %slice3A_1302 in 1 : vector<8x4xi32>, vector<8x2044xi32> -> vector<8x2048xi32>
    %select_n3A_1304 = arith.select %eq3A_1290, %concatenate3A_1300, %concatenate3A_1303 : vector<8x2048xi1>, vector<8x2048xi32>
    %and3A_1305 = arith.constant 256 : i32
    %and3A_1306 = vector.broadcast %and3A_1305 : i32 to vector<8x2048xi32>
    %and3A_1307 = arith.andi %iota3A_5, %and3A_1306 : vector<8x2048xi32>
    %eq3A_1308 = arith.constant 0 : i32
    %eq3A_1309 = vector.broadcast %eq3A_1308 : i32 to vector<8x2048xi32>
    %eq3A_1310 = arith.cmpi eq, %and3A_1307, %eq3A_1309 : vector<8x2048xi32>
    %gt3A_1311 = arith.cmpf ogt, %select_n3A_1283, %select_n3A_1297 : vector<8x2048xf32>
    %eq3A_1312 = arith.cmpf oeq, %select_n3A_1283, %select_n3A_1297 : vector<8x2048xf32>
    %lt3A_1313 = arith.cmpi slt, %select_n3A_1284, %select_n3A_1304 : vector<8x2048xi32>
    %and3A_1314 = arith.andi %eq3A_1312, %lt3A_1313 : vector<8x2048xi1>
    %or3A_1315 = arith.ori %gt3A_1311, %and3A_1314 : vector<8x2048xi1>
    %eq3A_1316 = arith.xori %eq3A_1290, %eq3A_1310 : vector<8x2048xi1>
    %eq3A_1317 = arith.constant dense<true> : vector<8x2048xi1>
    %eq3A_1318 = arith.xori %eq3A_1316, %eq3A_1317 : vector<8x2048xi1>
    %eq3A_1319 = arith.xori %or3A_1315, %eq3A_1318 : vector<8x2048xi1>
    %eq3A_1320 = arith.constant dense<true> : vector<8x2048xi1>
    %eq3A_1321 = arith.xori %eq3A_1319, %eq3A_1320 : vector<8x2048xi1>
    %select_n3A_1322 = arith.select %eq3A_1321, %select_n3A_1283, %select_n3A_1297 : vector<8x2048xi1>, vector<8x2048xf32>
    %select_n3A_1323 = arith.select %eq3A_1321, %select_n3A_1284, %select_n3A_1304 : vector<8x2048xi1>, vector<8x2048xi32>
    %and3A_1324 = arith.constant 2 : i32
    %and3A_1325 = vector.broadcast %and3A_1324 : i32 to vector<8x2048xi32>
    %and3A_1326 = arith.andi %iota3A_5, %and3A_1325 : vector<8x2048xi32>
    %eq3A_1327 = arith.constant 0 : i32
    %eq3A_1328 = vector.broadcast %eq3A_1327 : i32 to vector<8x2048xi32>
    %eq3A_1329 = arith.cmpi eq, %and3A_1326, %eq3A_1328 : vector<8x2048xi32>
    %slice3A_1330 = vector.extract_strided_slice %select_n3A_1322 {offsets = [0, 2], sizes = [8, 2046], strides = [1, 1]} : vector<8x2048xf32> to vector<8x2046xf32>
    %slice3A_1331 = vector.extract_strided_slice %select_n3A_1322 {offsets = [0, 0], sizes = [8, 2], strides = [1, 1]} : vector<8x2048xf32> to vector<8x2xf32>
    %concatenate3A_1332 = tpu.concatenate %slice3A_1330, %slice3A_1331 in 1 : vector<8x2046xf32>, vector<8x2xf32> -> vector<8x2048xf32>
    %slice3A_1333 = vector.extract_strided_slice %select_n3A_1322 {offsets = [0, 2046], sizes = [8, 2], strides = [1, 1]} : vector<8x2048xf32> to vector<8x2xf32>
    %slice3A_1334 = vector.extract_strided_slice %select_n3A_1322 {offsets = [0, 0], sizes = [8, 2046], strides = [1, 1]} : vector<8x2048xf32> to vector<8x2046xf32>
    %concatenate3A_1335 = tpu.concatenate %slice3A_1333, %slice3A_1334 in 1 : vector<8x2xf32>, vector<8x2046xf32> -> vector<8x2048xf32>
    %select_n3A_1336 = arith.select %eq3A_1329, %concatenate3A_1332, %concatenate3A_1335 : vector<8x2048xi1>, vector<8x2048xf32>
    %slice3A_1337 = vector.extract_strided_slice %select_n3A_1323 {offsets = [0, 2], sizes = [8, 2046], strides = [1, 1]} : vector<8x2048xi32> to vector<8x2046xi32>
    %slice3A_1338 = vector.extract_strided_slice %select_n3A_1323 {offsets = [0, 0], sizes = [8, 2], strides = [1, 1]} : vector<8x2048xi32> to vector<8x2xi32>
    %concatenate3A_1339 = tpu.concatenate %slice3A_1337, %slice3A_1338 in 1 : vector<8x2046xi32>, vector<8x2xi32> -> vector<8x2048xi32>
    %slice3A_1340 = vector.extract_strided_slice %select_n3A_1323 {offsets = [0, 2046], sizes = [8, 2], strides = [1, 1]} : vector<8x2048xi32> to vector<8x2xi32>
    %slice3A_1341 = vector.extract_strided_slice %select_n3A_1323 {offsets = [0, 0], sizes = [8, 2046], strides = [1, 1]} : vector<8x2048xi32> to vector<8x2046xi32>
    %concatenate3A_1342 = tpu.concatenate %slice3A_1340, %slice3A_1341 in 1 : vector<8x2xi32>, vector<8x2046xi32> -> vector<8x2048xi32>
    %select_n3A_1343 = arith.select %eq3A_1329, %concatenate3A_1339, %concatenate3A_1342 : vector<8x2048xi1>, vector<8x2048xi32>
    %and3A_1344 = arith.constant 256 : i32
    %and3A_1345 = vector.broadcast %and3A_1344 : i32 to vector<8x2048xi32>
    %and3A_1346 = arith.andi %iota3A_5, %and3A_1345 : vector<8x2048xi32>
    %eq3A_1347 = arith.constant 0 : i32
    %eq3A_1348 = vector.broadcast %eq3A_1347 : i32 to vector<8x2048xi32>
    %eq3A_1349 = arith.cmpi eq, %and3A_1346, %eq3A_1348 : vector<8x2048xi32>
    %gt3A_1350 = arith.cmpf ogt, %select_n3A_1322, %select_n3A_1336 : vector<8x2048xf32>
    %eq3A_1351 = arith.cmpf oeq, %select_n3A_1322, %select_n3A_1336 : vector<8x2048xf32>
    %lt3A_1352 = arith.cmpi slt, %select_n3A_1323, %select_n3A_1343 : vector<8x2048xi32>
    %and3A_1353 = arith.andi %eq3A_1351, %lt3A_1352 : vector<8x2048xi1>
    %or3A_1354 = arith.ori %gt3A_1350, %and3A_1353 : vector<8x2048xi1>
    %eq3A_1355 = arith.xori %eq3A_1329, %eq3A_1349 : vector<8x2048xi1>
    %eq3A_1356 = arith.constant dense<true> : vector<8x2048xi1>
    %eq3A_1357 = arith.xori %eq3A_1355, %eq3A_1356 : vector<8x2048xi1>
    %eq3A_1358 = arith.xori %or3A_1354, %eq3A_1357 : vector<8x2048xi1>
    %eq3A_1359 = arith.constant dense<true> : vector<8x2048xi1>
    %eq3A_1360 = arith.xori %eq3A_1358, %eq3A_1359 : vector<8x2048xi1>
    %select_n3A_1361 = arith.select %eq3A_1360, %select_n3A_1322, %select_n3A_1336 : vector<8x2048xi1>, vector<8x2048xf32>
    %select_n3A_1362 = arith.select %eq3A_1360, %select_n3A_1323, %select_n3A_1343 : vector<8x2048xi1>, vector<8x2048xi32>
    %and3A_1363 = arith.constant 1 : i32
    %and3A_1364 = vector.broadcast %and3A_1363 : i32 to vector<8x2048xi32>
    %and3A_1365 = arith.andi %iota3A_5, %and3A_1364 : vector<8x2048xi32>
    %eq3A_1366 = arith.constant 0 : i32
    %eq3A_1367 = vector.broadcast %eq3A_1366 : i32 to vector<8x2048xi32>
    %eq3A_1368 = arith.cmpi eq, %and3A_1365, %eq3A_1367 : vector<8x2048xi32>
    %slice3A_1369 = vector.extract_strided_slice %select_n3A_1361 {offsets = [0, 1], sizes = [8, 2047], strides = [1, 1]} : vector<8x2048xf32> to vector<8x2047xf32>
    %slice3A_1370 = vector.extract_strided_slice %select_n3A_1361 {offsets = [0, 0], sizes = [8, 1], strides = [1, 1]} : vector<8x2048xf32> to vector<8x1xf32>
    %concatenate3A_1371 = tpu.concatenate %slice3A_1369, %slice3A_1370 in 1 : vector<8x2047xf32>, vector<8x1xf32> -> vector<8x2048xf32>
    %slice3A_1372 = vector.extract_strided_slice %select_n3A_1361 {offsets = [0, 2047], sizes = [8, 1], strides = [1, 1]} : vector<8x2048xf32> to vector<8x1xf32>
    %slice3A_1373 = vector.extract_strided_slice %select_n3A_1361 {offsets = [0, 0], sizes = [8, 2047], strides = [1, 1]} : vector<8x2048xf32> to vector<8x2047xf32>
    %concatenate3A_1374 = tpu.concatenate %slice3A_1372, %slice3A_1373 in 1 : vector<8x1xf32>, vector<8x2047xf32> -> vector<8x2048xf32>
    %select_n3A_1375 = arith.select %eq3A_1368, %concatenate3A_1371, %concatenate3A_1374 : vector<8x2048xi1>, vector<8x2048xf32>
    %slice3A_1376 = vector.extract_strided_slice %select_n3A_1362 {offsets = [0, 1], sizes = [8, 2047], strides = [1, 1]} : vector<8x2048xi32> to vector<8x2047xi32>
    %slice3A_1377 = vector.extract_strided_slice %select_n3A_1362 {offsets = [0, 0], sizes = [8, 1], strides = [1, 1]} : vector<8x2048xi32> to vector<8x1xi32>
    %concatenate3A_1378 = tpu.concatenate %slice3A_1376, %slice3A_1377 in 1 : vector<8x2047xi32>, vector<8x1xi32> -> vector<8x2048xi32>
    %slice3A_1379 = vector.extract_strided_slice %select_n3A_1362 {offsets = [0, 2047], sizes = [8, 1], strides = [1, 1]} : vector<8x2048xi32> to vector<8x1xi32>
    %slice3A_1380 = vector.extract_strided_slice %select_n3A_1362 {offsets = [0, 0], sizes = [8, 2047], strides = [1, 1]} : vector<8x2048xi32> to vector<8x2047xi32>
    %concatenate3A_1381 = tpu.concatenate %slice3A_1379, %slice3A_1380 in 1 : vector<8x1xi32>, vector<8x2047xi32> -> vector<8x2048xi32>
    %select_n3A_1382 = arith.select %eq3A_1368, %concatenate3A_1378, %concatenate3A_1381 : vector<8x2048xi1>, vector<8x2048xi32>
    %and3A_1383 = arith.constant 256 : i32
    %and3A_1384 = vector.broadcast %and3A_1383 : i32 to vector<8x2048xi32>
    %and3A_1385 = arith.andi %iota3A_5, %and3A_1384 : vector<8x2048xi32>
    %eq3A_1386 = arith.constant 0 : i32
    %eq3A_1387 = vector.broadcast %eq3A_1386 : i32 to vector<8x2048xi32>
    %eq3A_1388 = arith.cmpi eq, %and3A_1385, %eq3A_1387 : vector<8x2048xi32>
    %gt3A_1389 = arith.cmpf ogt, %select_n3A_1361, %select_n3A_1375 : vector<8x2048xf32>
    %eq3A_1390 = arith.cmpf oeq, %select_n3A_1361, %select_n3A_1375 : vector<8x2048xf32>
    %lt3A_1391 = arith.cmpi slt, %select_n3A_1362, %select_n3A_1382 : vector<8x2048xi32>
    %and3A_1392 = arith.andi %eq3A_1390, %lt3A_1391 : vector<8x2048xi1>
    %or3A_1393 = arith.ori %gt3A_1389, %and3A_1392 : vector<8x2048xi1>
    %eq3A_1394 = arith.xori %eq3A_1368, %eq3A_1388 : vector<8x2048xi1>
    %eq3A_1395 = arith.constant dense<true> : vector<8x2048xi1>
    %eq3A_1396 = arith.xori %eq3A_1394, %eq3A_1395 : vector<8x2048xi1>
    %eq3A_1397 = arith.xori %or3A_1393, %eq3A_1396 : vector<8x2048xi1>
    %eq3A_1398 = arith.constant dense<true> : vector<8x2048xi1>
    %eq3A_1399 = arith.xori %eq3A_1397, %eq3A_1398 : vector<8x2048xi1>
    %select_n3A_1400 = arith.select %eq3A_1399, %select_n3A_1361, %select_n3A_1375 : vector<8x2048xi1>, vector<8x2048xf32>
    %select_n3A_1401 = arith.select %eq3A_1399, %select_n3A_1362, %select_n3A_1382 : vector<8x2048xi1>, vector<8x2048xi32>
    %and3A_1402 = arith.constant 256 : i32
    %and3A_1403 = vector.broadcast %and3A_1402 : i32 to vector<8x2048xi32>
    %and3A_1404 = arith.andi %iota3A_5, %and3A_1403 : vector<8x2048xi32>
    %eq3A_1405 = arith.constant 0 : i32
    %eq3A_1406 = vector.broadcast %eq3A_1405 : i32 to vector<8x2048xi32>
    %eq3A_1407 = arith.cmpi eq, %and3A_1404, %eq3A_1406 : vector<8x2048xi32>
    %slice3A_1408 = vector.extract_strided_slice %select_n3A_1400 {offsets = [0, 256], sizes = [8, 1792], strides = [1, 1]} : vector<8x2048xf32> to vector<8x1792xf32>
    %slice3A_1409 = vector.extract_strided_slice %select_n3A_1400 {offsets = [0, 0], sizes = [8, 256], strides = [1, 1]} : vector<8x2048xf32> to vector<8x256xf32>
    %concatenate3A_1410 = tpu.concatenate %slice3A_1408, %slice3A_1409 in 1 : vector<8x1792xf32>, vector<8x256xf32> -> vector<8x2048xf32>
    %slice3A_1411 = vector.extract_strided_slice %select_n3A_1400 {offsets = [0, 1792], sizes = [8, 256], strides = [1, 1]} : vector<8x2048xf32> to vector<8x256xf32>
    %slice3A_1412 = vector.extract_strided_slice %select_n3A_1400 {offsets = [0, 0], sizes = [8, 1792], strides = [1, 1]} : vector<8x2048xf32> to vector<8x1792xf32>
    %concatenate3A_1413 = tpu.concatenate %slice3A_1411, %slice3A_1412 in 1 : vector<8x256xf32>, vector<8x1792xf32> -> vector<8x2048xf32>
    %select_n3A_1414 = arith.select %eq3A_1407, %concatenate3A_1410, %concatenate3A_1413 : vector<8x2048xi1>, vector<8x2048xf32>
    %slice3A_1415 = vector.extract_strided_slice %select_n3A_1401 {offsets = [0, 256], sizes = [8, 1792], strides = [1, 1]} : vector<8x2048xi32> to vector<8x1792xi32>
    %slice3A_1416 = vector.extract_strided_slice %select_n3A_1401 {offsets = [0, 0], sizes = [8, 256], strides = [1, 1]} : vector<8x2048xi32> to vector<8x256xi32>
    %concatenate3A_1417 = tpu.concatenate %slice3A_1415, %slice3A_1416 in 1 : vector<8x1792xi32>, vector<8x256xi32> -> vector<8x2048xi32>
    %slice3A_1418 = vector.extract_strided_slice %select_n3A_1401 {offsets = [0, 1792], sizes = [8, 256], strides = [1, 1]} : vector<8x2048xi32> to vector<8x256xi32>
    %slice3A_1419 = vector.extract_strided_slice %select_n3A_1401 {offsets = [0, 0], sizes = [8, 1792], strides = [1, 1]} : vector<8x2048xi32> to vector<8x1792xi32>
    %concatenate3A_1420 = tpu.concatenate %slice3A_1418, %slice3A_1419 in 1 : vector<8x256xi32>, vector<8x1792xi32> -> vector<8x2048xi32>
    %select_n3A_1421 = arith.select %eq3A_1407, %concatenate3A_1417, %concatenate3A_1420 : vector<8x2048xi1>, vector<8x2048xi32>
    %and3A_1422 = arith.constant 512 : i32
    %and3A_1423 = vector.broadcast %and3A_1422 : i32 to vector<8x2048xi32>
    %and3A_1424 = arith.andi %iota3A_5, %and3A_1423 : vector<8x2048xi32>
    %eq3A_1425 = arith.constant 0 : i32
    %eq3A_1426 = vector.broadcast %eq3A_1425 : i32 to vector<8x2048xi32>
    %eq3A_1427 = arith.cmpi eq, %and3A_1424, %eq3A_1426 : vector<8x2048xi32>
    %gt3A_1428 = arith.cmpf ogt, %select_n3A_1400, %select_n3A_1414 : vector<8x2048xf32>
    %eq3A_1429 = arith.cmpf oeq, %select_n3A_1400, %select_n3A_1414 : vector<8x2048xf32>
    %lt3A_1430 = arith.cmpi slt, %select_n3A_1401, %select_n3A_1421 : vector<8x2048xi32>
    %and3A_1431 = arith.andi %eq3A_1429, %lt3A_1430 : vector<8x2048xi1>
    %or3A_1432 = arith.ori %gt3A_1428, %and3A_1431 : vector<8x2048xi1>
    %eq3A_1433 = arith.xori %eq3A_1407, %eq3A_1427 : vector<8x2048xi1>
    %eq3A_1434 = arith.constant dense<true> : vector<8x2048xi1>
    %eq3A_1435 = arith.xori %eq3A_1433, %eq3A_1434 : vector<8x2048xi1>
    %eq3A_1436 = arith.xori %or3A_1432, %eq3A_1435 : vector<8x2048xi1>
    %eq3A_1437 = arith.constant dense<true> : vector<8x2048xi1>
    %eq3A_1438 = arith.xori %eq3A_1436, %eq3A_1437 : vector<8x2048xi1>
    %select_n3A_1439 = arith.select %eq3A_1438, %select_n3A_1400, %select_n3A_1414 : vector<8x2048xi1>, vector<8x2048xf32>
    %select_n3A_1440 = arith.select %eq3A_1438, %select_n3A_1401, %select_n3A_1421 : vector<8x2048xi1>, vector<8x2048xi32>
    %and3A_1441 = arith.constant 128 : i32
    %and3A_1442 = vector.broadcast %and3A_1441 : i32 to vector<8x2048xi32>
    %and3A_1443 = arith.andi %iota3A_5, %and3A_1442 : vector<8x2048xi32>
    %eq3A_1444 = arith.constant 0 : i32
    %eq3A_1445 = vector.broadcast %eq3A_1444 : i32 to vector<8x2048xi32>
    %eq3A_1446 = arith.cmpi eq, %and3A_1443, %eq3A_1445 : vector<8x2048xi32>
    %slice3A_1447 = vector.extract_strided_slice %select_n3A_1439 {offsets = [0, 128], sizes = [8, 1920], strides = [1, 1]} : vector<8x2048xf32> to vector<8x1920xf32>
    %slice3A_1448 = vector.extract_strided_slice %select_n3A_1439 {offsets = [0, 0], sizes = [8, 128], strides = [1, 1]} : vector<8x2048xf32> to vector<8x128xf32>
    %concatenate3A_1449 = tpu.concatenate %slice3A_1447, %slice3A_1448 in 1 : vector<8x1920xf32>, vector<8x128xf32> -> vector<8x2048xf32>
    %slice3A_1450 = vector.extract_strided_slice %select_n3A_1439 {offsets = [0, 1920], sizes = [8, 128], strides = [1, 1]} : vector<8x2048xf32> to vector<8x128xf32>
    %slice3A_1451 = vector.extract_strided_slice %select_n3A_1439 {offsets = [0, 0], sizes = [8, 1920], strides = [1, 1]} : vector<8x2048xf32> to vector<8x1920xf32>
    %concatenate3A_1452 = tpu.concatenate %slice3A_1450, %slice3A_1451 in 1 : vector<8x128xf32>, vector<8x1920xf32> -> vector<8x2048xf32>
    %select_n3A_1453 = arith.select %eq3A_1446, %concatenate3A_1449, %concatenate3A_1452 : vector<8x2048xi1>, vector<8x2048xf32>
    %slice3A_1454 = vector.extract_strided_slice %select_n3A_1440 {offsets = [0, 128], sizes = [8, 1920], strides = [1, 1]} : vector<8x2048xi32> to vector<8x1920xi32>
    %slice3A_1455 = vector.extract_strided_slice %select_n3A_1440 {offsets = [0, 0], sizes = [8, 128], strides = [1, 1]} : vector<8x2048xi32> to vector<8x128xi32>
    %concatenate3A_1456 = tpu.concatenate %slice3A_1454, %slice3A_1455 in 1 : vector<8x1920xi32>, vector<8x128xi32> -> vector<8x2048xi32>
    %slice3A_1457 = vector.extract_strided_slice %select_n3A_1440 {offsets = [0, 1920], sizes = [8, 128], strides = [1, 1]} : vector<8x2048xi32> to vector<8x128xi32>
    %slice3A_1458 = vector.extract_strided_slice %select_n3A_1440 {offsets = [0, 0], sizes = [8, 1920], strides = [1, 1]} : vector<8x2048xi32> to vector<8x1920xi32>
    %concatenate3A_1459 = tpu.concatenate %slice3A_1457, %slice3A_1458 in 1 : vector<8x128xi32>, vector<8x1920xi32> -> vector<8x2048xi32>
    %select_n3A_1460 = arith.select %eq3A_1446, %concatenate3A_1456, %concatenate3A_1459 : vector<8x2048xi1>, vector<8x2048xi32>
    %and3A_1461 = arith.constant 512 : i32
    %and3A_1462 = vector.broadcast %and3A_1461 : i32 to vector<8x2048xi32>
    %and3A_1463 = arith.andi %iota3A_5, %and3A_1462 : vector<8x2048xi32>
    %eq3A_1464 = arith.constant 0 : i32
    %eq3A_1465 = vector.broadcast %eq3A_1464 : i32 to vector<8x2048xi32>
    %eq3A_1466 = arith.cmpi eq, %and3A_1463, %eq3A_1465 : vector<8x2048xi32>
    %gt3A_1467 = arith.cmpf ogt, %select_n3A_1439, %select_n3A_1453 : vector<8x2048xf32>
    %eq3A_1468 = arith.cmpf oeq, %select_n3A_1439, %select_n3A_1453 : vector<8x2048xf32>
    %lt3A_1469 = arith.cmpi slt, %select_n3A_1440, %select_n3A_1460 : vector<8x2048xi32>
    %and3A_1470 = arith.andi %eq3A_1468, %lt3A_1469 : vector<8x2048xi1>
    %or3A_1471 = arith.ori %gt3A_1467, %and3A_1470 : vector<8x2048xi1>
    %eq3A_1472 = arith.xori %eq3A_1446, %eq3A_1466 : vector<8x2048xi1>
    %eq3A_1473 = arith.constant dense<true> : vector<8x2048xi1>
    %eq3A_1474 = arith.xori %eq3A_1472, %eq3A_1473 : vector<8x2048xi1>
    %eq3A_1475 = arith.xori %or3A_1471, %eq3A_1474 : vector<8x2048xi1>
    %eq3A_1476 = arith.constant dense<true> : vector<8x2048xi1>
    %eq3A_1477 = arith.xori %eq3A_1475, %eq3A_1476 : vector<8x2048xi1>
    %select_n3A_1478 = arith.select %eq3A_1477, %select_n3A_1439, %select_n3A_1453 : vector<8x2048xi1>, vector<8x2048xf32>
    %select_n3A_1479 = arith.select %eq3A_1477, %select_n3A_1440, %select_n3A_1460 : vector<8x2048xi1>, vector<8x2048xi32>
    %and3A_1480 = arith.constant 64 : i32
    %and3A_1481 = vector.broadcast %and3A_1480 : i32 to vector<8x2048xi32>
    %and3A_1482 = arith.andi %iota3A_5, %and3A_1481 : vector<8x2048xi32>
    %eq3A_1483 = arith.constant 0 : i32
    %eq3A_1484 = vector.broadcast %eq3A_1483 : i32 to vector<8x2048xi32>
    %eq3A_1485 = arith.cmpi eq, %and3A_1482, %eq3A_1484 : vector<8x2048xi32>
    %slice3A_1486 = vector.extract_strided_slice %select_n3A_1478 {offsets = [0, 64], sizes = [8, 1984], strides = [1, 1]} : vector<8x2048xf32> to vector<8x1984xf32>
    %slice3A_1487 = vector.extract_strided_slice %select_n3A_1478 {offsets = [0, 0], sizes = [8, 64], strides = [1, 1]} : vector<8x2048xf32> to vector<8x64xf32>
    %concatenate3A_1488 = tpu.concatenate %slice3A_1486, %slice3A_1487 in 1 : vector<8x1984xf32>, vector<8x64xf32> -> vector<8x2048xf32>
    %slice3A_1489 = vector.extract_strided_slice %select_n3A_1478 {offsets = [0, 1984], sizes = [8, 64], strides = [1, 1]} : vector<8x2048xf32> to vector<8x64xf32>
    %slice3A_1490 = vector.extract_strided_slice %select_n3A_1478 {offsets = [0, 0], sizes = [8, 1984], strides = [1, 1]} : vector<8x2048xf32> to vector<8x1984xf32>
    %concatenate3A_1491 = tpu.concatenate %slice3A_1489, %slice3A_1490 in 1 : vector<8x64xf32>, vector<8x1984xf32> -> vector<8x2048xf32>
    %select_n3A_1492 = arith.select %eq3A_1485, %concatenate3A_1488, %concatenate3A_1491 : vector<8x2048xi1>, vector<8x2048xf32>
    %slice3A_1493 = vector.extract_strided_slice %select_n3A_1479 {offsets = [0, 64], sizes = [8, 1984], strides = [1, 1]} : vector<8x2048xi32> to vector<8x1984xi32>
    %slice3A_1494 = vector.extract_strided_slice %select_n3A_1479 {offsets = [0, 0], sizes = [8, 64], strides = [1, 1]} : vector<8x2048xi32> to vector<8x64xi32>
    %concatenate3A_1495 = tpu.concatenate %slice3A_1493, %slice3A_1494 in 1 : vector<8x1984xi32>, vector<8x64xi32> -> vector<8x2048xi32>
    %slice3A_1496 = vector.extract_strided_slice %select_n3A_1479 {offsets = [0, 1984], sizes = [8, 64], strides = [1, 1]} : vector<8x2048xi32> to vector<8x64xi32>
    %slice3A_1497 = vector.extract_strided_slice %select_n3A_1479 {offsets = [0, 0], sizes = [8, 1984], strides = [1, 1]} : vector<8x2048xi32> to vector<8x1984xi32>
    %concatenate3A_1498 = tpu.concatenate %slice3A_1496, %slice3A_1497 in 1 : vector<8x64xi32>, vector<8x1984xi32> -> vector<8x2048xi32>
    %select_n3A_1499 = arith.select %eq3A_1485, %concatenate3A_1495, %concatenate3A_1498 : vector<8x2048xi1>, vector<8x2048xi32>
    %and3A_1500 = arith.constant 512 : i32
    %and3A_1501 = vector.broadcast %and3A_1500 : i32 to vector<8x2048xi32>
    %and3A_1502 = arith.andi %iota3A_5, %and3A_1501 : vector<8x2048xi32>
    %eq3A_1503 = arith.constant 0 : i32
    %eq3A_1504 = vector.broadcast %eq3A_1503 : i32 to vector<8x2048xi32>
    %eq3A_1505 = arith.cmpi eq, %and3A_1502, %eq3A_1504 : vector<8x2048xi32>
    %gt3A_1506 = arith.cmpf ogt, %select_n3A_1478, %select_n3A_1492 : vector<8x2048xf32>
    %eq3A_1507 = arith.cmpf oeq, %select_n3A_1478, %select_n3A_1492 : vector<8x2048xf32>
    %lt3A_1508 = arith.cmpi slt, %select_n3A_1479, %select_n3A_1499 : vector<8x2048xi32>
    %and3A_1509 = arith.andi %eq3A_1507, %lt3A_1508 : vector<8x2048xi1>
    %or3A_1510 = arith.ori %gt3A_1506, %and3A_1509 : vector<8x2048xi1>
    %eq3A_1511 = arith.xori %eq3A_1485, %eq3A_1505 : vector<8x2048xi1>
    %eq3A_1512 = arith.constant dense<true> : vector<8x2048xi1>
    %eq3A_1513 = arith.xori %eq3A_1511, %eq3A_1512 : vector<8x2048xi1>
    %eq3A_1514 = arith.xori %or3A_1510, %eq3A_1513 : vector<8x2048xi1>
    %eq3A_1515 = arith.constant dense<true> : vector<8x2048xi1>
    %eq3A_1516 = arith.xori %eq3A_1514, %eq3A_1515 : vector<8x2048xi1>
    %select_n3A_1517 = arith.select %eq3A_1516, %select_n3A_1478, %select_n3A_1492 : vector<8x2048xi1>, vector<8x2048xf32>
    %select_n3A_1518 = arith.select %eq3A_1516, %select_n3A_1479, %select_n3A_1499 : vector<8x2048xi1>, vector<8x2048xi32>
    %and3A_1519 = arith.constant 32 : i32
    %and3A_1520 = vector.broadcast %and3A_1519 : i32 to vector<8x2048xi32>
    %and3A_1521 = arith.andi %iota3A_5, %and3A_1520 : vector<8x2048xi32>
    %eq3A_1522 = arith.constant 0 : i32
    %eq3A_1523 = vector.broadcast %eq3A_1522 : i32 to vector<8x2048xi32>
    %eq3A_1524 = arith.cmpi eq, %and3A_1521, %eq3A_1523 : vector<8x2048xi32>
    %slice3A_1525 = vector.extract_strided_slice %select_n3A_1517 {offsets = [0, 32], sizes = [8, 2016], strides = [1, 1]} : vector<8x2048xf32> to vector<8x2016xf32>
    %slice3A_1526 = vector.extract_strided_slice %select_n3A_1517 {offsets = [0, 0], sizes = [8, 32], strides = [1, 1]} : vector<8x2048xf32> to vector<8x32xf32>
    %concatenate3A_1527 = tpu.concatenate %slice3A_1525, %slice3A_1526 in 1 : vector<8x2016xf32>, vector<8x32xf32> -> vector<8x2048xf32>
    %slice3A_1528 = vector.extract_strided_slice %select_n3A_1517 {offsets = [0, 2016], sizes = [8, 32], strides = [1, 1]} : vector<8x2048xf32> to vector<8x32xf32>
    %slice3A_1529 = vector.extract_strided_slice %select_n3A_1517 {offsets = [0, 0], sizes = [8, 2016], strides = [1, 1]} : vector<8x2048xf32> to vector<8x2016xf32>
    %concatenate3A_1530 = tpu.concatenate %slice3A_1528, %slice3A_1529 in 1 : vector<8x32xf32>, vector<8x2016xf32> -> vector<8x2048xf32>
    %select_n3A_1531 = arith.select %eq3A_1524, %concatenate3A_1527, %concatenate3A_1530 : vector<8x2048xi1>, vector<8x2048xf32>
    %slice3A_1532 = vector.extract_strided_slice %select_n3A_1518 {offsets = [0, 32], sizes = [8, 2016], strides = [1, 1]} : vector<8x2048xi32> to vector<8x2016xi32>
    %slice3A_1533 = vector.extract_strided_slice %select_n3A_1518 {offsets = [0, 0], sizes = [8, 32], strides = [1, 1]} : vector<8x2048xi32> to vector<8x32xi32>
    %concatenate3A_1534 = tpu.concatenate %slice3A_1532, %slice3A_1533 in 1 : vector<8x2016xi32>, vector<8x32xi32> -> vector<8x2048xi32>
    %slice3A_1535 = vector.extract_strided_slice %select_n3A_1518 {offsets = [0, 2016], sizes = [8, 32], strides = [1, 1]} : vector<8x2048xi32> to vector<8x32xi32>
    %slice3A_1536 = vector.extract_strided_slice %select_n3A_1518 {offsets = [0, 0], sizes = [8, 2016], strides = [1, 1]} : vector<8x2048xi32> to vector<8x2016xi32>
    %concatenate3A_1537 = tpu.concatenate %slice3A_1535, %slice3A_1536 in 1 : vector<8x32xi32>, vector<8x2016xi32> -> vector<8x2048xi32>
    %select_n3A_1538 = arith.select %eq3A_1524, %concatenate3A_1534, %concatenate3A_1537 : vector<8x2048xi1>, vector<8x2048xi32>
    %and3A_1539 = arith.constant 512 : i32
    %and3A_1540 = vector.broadcast %and3A_1539 : i32 to vector<8x2048xi32>
    %and3A_1541 = arith.andi %iota3A_5, %and3A_1540 : vector<8x2048xi32>
    %eq3A_1542 = arith.constant 0 : i32
    %eq3A_1543 = vector.broadcast %eq3A_1542 : i32 to vector<8x2048xi32>
    %eq3A_1544 = arith.cmpi eq, %and3A_1541, %eq3A_1543 : vector<8x2048xi32>
    %gt3A_1545 = arith.cmpf ogt, %select_n3A_1517, %select_n3A_1531 : vector<8x2048xf32>
    %eq3A_1546 = arith.cmpf oeq, %select_n3A_1517, %select_n3A_1531 : vector<8x2048xf32>
    %lt3A_1547 = arith.cmpi slt, %select_n3A_1518, %select_n3A_1538 : vector<8x2048xi32>
    %and3A_1548 = arith.andi %eq3A_1546, %lt3A_1547 : vector<8x2048xi1>
    %or3A_1549 = arith.ori %gt3A_1545, %and3A_1548 : vector<8x2048xi1>
    %eq3A_1550 = arith.xori %eq3A_1524, %eq3A_1544 : vector<8x2048xi1>
    %eq3A_1551 = arith.constant dense<true> : vector<8x2048xi1>
    %eq3A_1552 = arith.xori %eq3A_1550, %eq3A_1551 : vector<8x2048xi1>
    %eq3A_1553 = arith.xori %or3A_1549, %eq3A_1552 : vector<8x2048xi1>
    %eq3A_1554 = arith.constant dense<true> : vector<8x2048xi1>
    %eq3A_1555 = arith.xori %eq3A_1553, %eq3A_1554 : vector<8x2048xi1>
    %select_n3A_1556 = arith.select %eq3A_1555, %select_n3A_1517, %select_n3A_1531 : vector<8x2048xi1>, vector<8x2048xf32>
    %select_n3A_1557 = arith.select %eq3A_1555, %select_n3A_1518, %select_n3A_1538 : vector<8x2048xi1>, vector<8x2048xi32>
    %and3A_1558 = arith.constant 16 : i32
    %and3A_1559 = vector.broadcast %and3A_1558 : i32 to vector<8x2048xi32>
    %and3A_1560 = arith.andi %iota3A_5, %and3A_1559 : vector<8x2048xi32>
    %eq3A_1561 = arith.constant 0 : i32
    %eq3A_1562 = vector.broadcast %eq3A_1561 : i32 to vector<8x2048xi32>
    %eq3A_1563 = arith.cmpi eq, %and3A_1560, %eq3A_1562 : vector<8x2048xi32>
    %slice3A_1564 = vector.extract_strided_slice %select_n3A_1556 {offsets = [0, 16], sizes = [8, 2032], strides = [1, 1]} : vector<8x2048xf32> to vector<8x2032xf32>
    %slice3A_1565 = vector.extract_strided_slice %select_n3A_1556 {offsets = [0, 0], sizes = [8, 16], strides = [1, 1]} : vector<8x2048xf32> to vector<8x16xf32>
    %concatenate3A_1566 = tpu.concatenate %slice3A_1564, %slice3A_1565 in 1 : vector<8x2032xf32>, vector<8x16xf32> -> vector<8x2048xf32>
    %slice3A_1567 = vector.extract_strided_slice %select_n3A_1556 {offsets = [0, 2032], sizes = [8, 16], strides = [1, 1]} : vector<8x2048xf32> to vector<8x16xf32>
    %slice3A_1568 = vector.extract_strided_slice %select_n3A_1556 {offsets = [0, 0], sizes = [8, 2032], strides = [1, 1]} : vector<8x2048xf32> to vector<8x2032xf32>
    %concatenate3A_1569 = tpu.concatenate %slice3A_1567, %slice3A_1568 in 1 : vector<8x16xf32>, vector<8x2032xf32> -> vector<8x2048xf32>
    %select_n3A_1570 = arith.select %eq3A_1563, %concatenate3A_1566, %concatenate3A_1569 : vector<8x2048xi1>, vector<8x2048xf32>
    %slice3A_1571 = vector.extract_strided_slice %select_n3A_1557 {offsets = [0, 16], sizes = [8, 2032], strides = [1, 1]} : vector<8x2048xi32> to vector<8x2032xi32>
    %slice3A_1572 = vector.extract_strided_slice %select_n3A_1557 {offsets = [0, 0], sizes = [8, 16], strides = [1, 1]} : vector<8x2048xi32> to vector<8x16xi32>
    %concatenate3A_1573 = tpu.concatenate %slice3A_1571, %slice3A_1572 in 1 : vector<8x2032xi32>, vector<8x16xi32> -> vector<8x2048xi32>
    %slice3A_1574 = vector.extract_strided_slice %select_n3A_1557 {offsets = [0, 2032], sizes = [8, 16], strides = [1, 1]} : vector<8x2048xi32> to vector<8x16xi32>
    %slice3A_1575 = vector.extract_strided_slice %select_n3A_1557 {offsets = [0, 0], sizes = [8, 2032], strides = [1, 1]} : vector<8x2048xi32> to vector<8x2032xi32>
    %concatenate3A_1576 = tpu.concatenate %slice3A_1574, %slice3A_1575 in 1 : vector<8x16xi32>, vector<8x2032xi32> -> vector<8x2048xi32>
    %select_n3A_1577 = arith.select %eq3A_1563, %concatenate3A_1573, %concatenate3A_1576 : vector<8x2048xi1>, vector<8x2048xi32>
    %and3A_1578 = arith.constant 512 : i32
    %and3A_1579 = vector.broadcast %and3A_1578 : i32 to vector<8x2048xi32>
    %and3A_1580 = arith.andi %iota3A_5, %and3A_1579 : vector<8x2048xi32>
    %eq3A_1581 = arith.constant 0 : i32
    %eq3A_1582 = vector.broadcast %eq3A_1581 : i32 to vector<8x2048xi32>
    %eq3A_1583 = arith.cmpi eq, %and3A_1580, %eq3A_1582 : vector<8x2048xi32>
    %gt3A_1584 = arith.cmpf ogt, %select_n3A_1556, %select_n3A_1570 : vector<8x2048xf32>
    %eq3A_1585 = arith.cmpf oeq, %select_n3A_1556, %select_n3A_1570 : vector<8x2048xf32>
    %lt3A_1586 = arith.cmpi slt, %select_n3A_1557, %select_n3A_1577 : vector<8x2048xi32>
    %and3A_1587 = arith.andi %eq3A_1585, %lt3A_1586 : vector<8x2048xi1>
    %or3A_1588 = arith.ori %gt3A_1584, %and3A_1587 : vector<8x2048xi1>
    %eq3A_1589 = arith.xori %eq3A_1563, %eq3A_1583 : vector<8x2048xi1>
    %eq3A_1590 = arith.constant dense<true> : vector<8x2048xi1>
    %eq3A_1591 = arith.xori %eq3A_1589, %eq3A_1590 : vector<8x2048xi1>
    %eq3A_1592 = arith.xori %or3A_1588, %eq3A_1591 : vector<8x2048xi1>
    %eq3A_1593 = arith.constant dense<true> : vector<8x2048xi1>
    %eq3A_1594 = arith.xori %eq3A_1592, %eq3A_1593 : vector<8x2048xi1>
    %select_n3A_1595 = arith.select %eq3A_1594, %select_n3A_1556, %select_n3A_1570 : vector<8x2048xi1>, vector<8x2048xf32>
    %select_n3A_1596 = arith.select %eq3A_1594, %select_n3A_1557, %select_n3A_1577 : vector<8x2048xi1>, vector<8x2048xi32>
    %and3A_1597 = arith.constant 8 : i32
    %and3A_1598 = vector.broadcast %and3A_1597 : i32 to vector<8x2048xi32>
    %and3A_1599 = arith.andi %iota3A_5, %and3A_1598 : vector<8x2048xi32>
    %eq3A_1600 = arith.constant 0 : i32
    %eq3A_1601 = vector.broadcast %eq3A_1600 : i32 to vector<8x2048xi32>
    %eq3A_1602 = arith.cmpi eq, %and3A_1599, %eq3A_1601 : vector<8x2048xi32>
    %slice3A_1603 = vector.extract_strided_slice %select_n3A_1595 {offsets = [0, 8], sizes = [8, 2040], strides = [1, 1]} : vector<8x2048xf32> to vector<8x2040xf32>
    %slice3A_1604 = vector.extract_strided_slice %select_n3A_1595 {offsets = [0, 0], sizes = [8, 8], strides = [1, 1]} : vector<8x2048xf32> to vector<8x8xf32>
    %concatenate3A_1605 = tpu.concatenate %slice3A_1603, %slice3A_1604 in 1 : vector<8x2040xf32>, vector<8x8xf32> -> vector<8x2048xf32>
    %slice3A_1606 = vector.extract_strided_slice %select_n3A_1595 {offsets = [0, 2040], sizes = [8, 8], strides = [1, 1]} : vector<8x2048xf32> to vector<8x8xf32>
    %slice3A_1607 = vector.extract_strided_slice %select_n3A_1595 {offsets = [0, 0], sizes = [8, 2040], strides = [1, 1]} : vector<8x2048xf32> to vector<8x2040xf32>
    %concatenate3A_1608 = tpu.concatenate %slice3A_1606, %slice3A_1607 in 1 : vector<8x8xf32>, vector<8x2040xf32> -> vector<8x2048xf32>
    %select_n3A_1609 = arith.select %eq3A_1602, %concatenate3A_1605, %concatenate3A_1608 : vector<8x2048xi1>, vector<8x2048xf32>
    %slice3A_1610 = vector.extract_strided_slice %select_n3A_1596 {offsets = [0, 8], sizes = [8, 2040], strides = [1, 1]} : vector<8x2048xi32> to vector<8x2040xi32>
    %slice3A_1611 = vector.extract_strided_slice %select_n3A_1596 {offsets = [0, 0], sizes = [8, 8], strides = [1, 1]} : vector<8x2048xi32> to vector<8x8xi32>
    %concatenate3A_1612 = tpu.concatenate %slice3A_1610, %slice3A_1611 in 1 : vector<8x2040xi32>, vector<8x8xi32> -> vector<8x2048xi32>
    %slice3A_1613 = vector.extract_strided_slice %select_n3A_1596 {offsets = [0, 2040], sizes = [8, 8], strides = [1, 1]} : vector<8x2048xi32> to vector<8x8xi32>
    %slice3A_1614 = vector.extract_strided_slice %select_n3A_1596 {offsets = [0, 0], sizes = [8, 2040], strides = [1, 1]} : vector<8x2048xi32> to vector<8x2040xi32>
    %concatenate3A_1615 = tpu.concatenate %slice3A_1613, %slice3A_1614 in 1 : vector<8x8xi32>, vector<8x2040xi32> -> vector<8x2048xi32>
    %select_n3A_1616 = arith.select %eq3A_1602, %concatenate3A_1612, %concatenate3A_1615 : vector<8x2048xi1>, vector<8x2048xi32>
    %and3A_1617 = arith.constant 512 : i32
    %and3A_1618 = vector.broadcast %and3A_1617 : i32 to vector<8x2048xi32>
    %and3A_1619 = arith.andi %iota3A_5, %and3A_1618 : vector<8x2048xi32>
    %eq3A_1620 = arith.constant 0 : i32
    %eq3A_1621 = vector.broadcast %eq3A_1620 : i32 to vector<8x2048xi32>
    %eq3A_1622 = arith.cmpi eq, %and3A_1619, %eq3A_1621 : vector<8x2048xi32>
    %gt3A_1623 = arith.cmpf ogt, %select_n3A_1595, %select_n3A_1609 : vector<8x2048xf32>
    %eq3A_1624 = arith.cmpf oeq, %select_n3A_1595, %select_n3A_1609 : vector<8x2048xf32>
    %lt3A_1625 = arith.cmpi slt, %select_n3A_1596, %select_n3A_1616 : vector<8x2048xi32>
    %and3A_1626 = arith.andi %eq3A_1624, %lt3A_1625 : vector<8x2048xi1>
    %or3A_1627 = arith.ori %gt3A_1623, %and3A_1626 : vector<8x2048xi1>
    %eq3A_1628 = arith.xori %eq3A_1602, %eq3A_1622 : vector<8x2048xi1>
    %eq3A_1629 = arith.constant dense<true> : vector<8x2048xi1>
    %eq3A_1630 = arith.xori %eq3A_1628, %eq3A_1629 : vector<8x2048xi1>
    %eq3A_1631 = arith.xori %or3A_1627, %eq3A_1630 : vector<8x2048xi1>
    %eq3A_1632 = arith.constant dense<true> : vector<8x2048xi1>
    %eq3A_1633 = arith.xori %eq3A_1631, %eq3A_1632 : vector<8x2048xi1>
    %select_n3A_1634 = arith.select %eq3A_1633, %select_n3A_1595, %select_n3A_1609 : vector<8x2048xi1>, vector<8x2048xf32>
    %select_n3A_1635 = arith.select %eq3A_1633, %select_n3A_1596, %select_n3A_1616 : vector<8x2048xi1>, vector<8x2048xi32>
    %and3A_1636 = arith.constant 4 : i32
    %and3A_1637 = vector.broadcast %and3A_1636 : i32 to vector<8x2048xi32>
    %and3A_1638 = arith.andi %iota3A_5, %and3A_1637 : vector<8x2048xi32>
    %eq3A_1639 = arith.constant 0 : i32
    %eq3A_1640 = vector.broadcast %eq3A_1639 : i32 to vector<8x2048xi32>
    %eq3A_1641 = arith.cmpi eq, %and3A_1638, %eq3A_1640 : vector<8x2048xi32>
    %slice3A_1642 = vector.extract_strided_slice %select_n3A_1634 {offsets = [0, 4], sizes = [8, 2044], strides = [1, 1]} : vector<8x2048xf32> to vector<8x2044xf32>
    %slice3A_1643 = vector.extract_strided_slice %select_n3A_1634 {offsets = [0, 0], sizes = [8, 4], strides = [1, 1]} : vector<8x2048xf32> to vector<8x4xf32>
    %concatenate3A_1644 = tpu.concatenate %slice3A_1642, %slice3A_1643 in 1 : vector<8x2044xf32>, vector<8x4xf32> -> vector<8x2048xf32>
    %slice3A_1645 = vector.extract_strided_slice %select_n3A_1634 {offsets = [0, 2044], sizes = [8, 4], strides = [1, 1]} : vector<8x2048xf32> to vector<8x4xf32>
    %slice3A_1646 = vector.extract_strided_slice %select_n3A_1634 {offsets = [0, 0], sizes = [8, 2044], strides = [1, 1]} : vector<8x2048xf32> to vector<8x2044xf32>
    %concatenate3A_1647 = tpu.concatenate %slice3A_1645, %slice3A_1646 in 1 : vector<8x4xf32>, vector<8x2044xf32> -> vector<8x2048xf32>
    %select_n3A_1648 = arith.select %eq3A_1641, %concatenate3A_1644, %concatenate3A_1647 : vector<8x2048xi1>, vector<8x2048xf32>
    %slice3A_1649 = vector.extract_strided_slice %select_n3A_1635 {offsets = [0, 4], sizes = [8, 2044], strides = [1, 1]} : vector<8x2048xi32> to vector<8x2044xi32>
    %slice3A_1650 = vector.extract_strided_slice %select_n3A_1635 {offsets = [0, 0], sizes = [8, 4], strides = [1, 1]} : vector<8x2048xi32> to vector<8x4xi32>
    %concatenate3A_1651 = tpu.concatenate %slice3A_1649, %slice3A_1650 in 1 : vector<8x2044xi32>, vector<8x4xi32> -> vector<8x2048xi32>
    %slice3A_1652 = vector.extract_strided_slice %select_n3A_1635 {offsets = [0, 2044], sizes = [8, 4], strides = [1, 1]} : vector<8x2048xi32> to vector<8x4xi32>
    %slice3A_1653 = vector.extract_strided_slice %select_n3A_1635 {offsets = [0, 0], sizes = [8, 2044], strides = [1, 1]} : vector<8x2048xi32> to vector<8x2044xi32>
    %concatenate3A_1654 = tpu.concatenate %slice3A_1652, %slice3A_1653 in 1 : vector<8x4xi32>, vector<8x2044xi32> -> vector<8x2048xi32>
    %select_n3A_1655 = arith.select %eq3A_1641, %concatenate3A_1651, %concatenate3A_1654 : vector<8x2048xi1>, vector<8x2048xi32>
    %and3A_1656 = arith.constant 512 : i32
    %and3A_1657 = vector.broadcast %and3A_1656 : i32 to vector<8x2048xi32>
    %and3A_1658 = arith.andi %iota3A_5, %and3A_1657 : vector<8x2048xi32>
    %eq3A_1659 = arith.constant 0 : i32
    %eq3A_1660 = vector.broadcast %eq3A_1659 : i32 to vector<8x2048xi32>
    %eq3A_1661 = arith.cmpi eq, %and3A_1658, %eq3A_1660 : vector<8x2048xi32>
    %gt3A_1662 = arith.cmpf ogt, %select_n3A_1634, %select_n3A_1648 : vector<8x2048xf32>
    %eq3A_1663 = arith.cmpf oeq, %select_n3A_1634, %select_n3A_1648 : vector<8x2048xf32>
    %lt3A_1664 = arith.cmpi slt, %select_n3A_1635, %select_n3A_1655 : vector<8x2048xi32>
    %and3A_1665 = arith.andi %eq3A_1663, %lt3A_1664 : vector<8x2048xi1>
    %or3A_1666 = arith.ori %gt3A_1662, %and3A_1665 : vector<8x2048xi1>
    %eq3A_1667 = arith.xori %eq3A_1641, %eq3A_1661 : vector<8x2048xi1>
    %eq3A_1668 = arith.constant dense<true> : vector<8x2048xi1>
    %eq3A_1669 = arith.xori %eq3A_1667, %eq3A_1668 : vector<8x2048xi1>
    %eq3A_1670 = arith.xori %or3A_1666, %eq3A_1669 : vector<8x2048xi1>
    %eq3A_1671 = arith.constant dense<true> : vector<8x2048xi1>
    %eq3A_1672 = arith.xori %eq3A_1670, %eq3A_1671 : vector<8x2048xi1>
    %select_n3A_1673 = arith.select %eq3A_1672, %select_n3A_1634, %select_n3A_1648 : vector<8x2048xi1>, vector<8x2048xf32>
    %select_n3A_1674 = arith.select %eq3A_1672, %select_n3A_1635, %select_n3A_1655 : vector<8x2048xi1>, vector<8x2048xi32>
    %and3A_1675 = arith.constant 2 : i32
    %and3A_1676 = vector.broadcast %and3A_1675 : i32 to vector<8x2048xi32>
    %and3A_1677 = arith.andi %iota3A_5, %and3A_1676 : vector<8x2048xi32>
    %eq3A_1678 = arith.constant 0 : i32
    %eq3A_1679 = vector.broadcast %eq3A_1678 : i32 to vector<8x2048xi32>
    %eq3A_1680 = arith.cmpi eq, %and3A_1677, %eq3A_1679 : vector<8x2048xi32>
    %slice3A_1681 = vector.extract_strided_slice %select_n3A_1673 {offsets = [0, 2], sizes = [8, 2046], strides = [1, 1]} : vector<8x2048xf32> to vector<8x2046xf32>
    %slice3A_1682 = vector.extract_strided_slice %select_n3A_1673 {offsets = [0, 0], sizes = [8, 2], strides = [1, 1]} : vector<8x2048xf32> to vector<8x2xf32>
    %concatenate3A_1683 = tpu.concatenate %slice3A_1681, %slice3A_1682 in 1 : vector<8x2046xf32>, vector<8x2xf32> -> vector<8x2048xf32>
    %slice3A_1684 = vector.extract_strided_slice %select_n3A_1673 {offsets = [0, 2046], sizes = [8, 2], strides = [1, 1]} : vector<8x2048xf32> to vector<8x2xf32>
    %slice3A_1685 = vector.extract_strided_slice %select_n3A_1673 {offsets = [0, 0], sizes = [8, 2046], strides = [1, 1]} : vector<8x2048xf32> to vector<8x2046xf32>
    %concatenate3A_1686 = tpu.concatenate %slice3A_1684, %slice3A_1685 in 1 : vector<8x2xf32>, vector<8x2046xf32> -> vector<8x2048xf32>
    %select_n3A_1687 = arith.select %eq3A_1680, %concatenate3A_1683, %concatenate3A_1686 : vector<8x2048xi1>, vector<8x2048xf32>
    %slice3A_1688 = vector.extract_strided_slice %select_n3A_1674 {offsets = [0, 2], sizes = [8, 2046], strides = [1, 1]} : vector<8x2048xi32> to vector<8x2046xi32>
    %slice3A_1689 = vector.extract_strided_slice %select_n3A_1674 {offsets = [0, 0], sizes = [8, 2], strides = [1, 1]} : vector<8x2048xi32> to vector<8x2xi32>
    %concatenate3A_1690 = tpu.concatenate %slice3A_1688, %slice3A_1689 in 1 : vector<8x2046xi32>, vector<8x2xi32> -> vector<8x2048xi32>
    %slice3A_1691 = vector.extract_strided_slice %select_n3A_1674 {offsets = [0, 2046], sizes = [8, 2], strides = [1, 1]} : vector<8x2048xi32> to vector<8x2xi32>
    %slice3A_1692 = vector.extract_strided_slice %select_n3A_1674 {offsets = [0, 0], sizes = [8, 2046], strides = [1, 1]} : vector<8x2048xi32> to vector<8x2046xi32>
    %concatenate3A_1693 = tpu.concatenate %slice3A_1691, %slice3A_1692 in 1 : vector<8x2xi32>, vector<8x2046xi32> -> vector<8x2048xi32>
    %select_n3A_1694 = arith.select %eq3A_1680, %concatenate3A_1690, %concatenate3A_1693 : vector<8x2048xi1>, vector<8x2048xi32>
    %and3A_1695 = arith.constant 512 : i32
    %and3A_1696 = vector.broadcast %and3A_1695 : i32 to vector<8x2048xi32>
    %and3A_1697 = arith.andi %iota3A_5, %and3A_1696 : vector<8x2048xi32>
    %eq3A_1698 = arith.constant 0 : i32
    %eq3A_1699 = vector.broadcast %eq3A_1698 : i32 to vector<8x2048xi32>
    %eq3A_1700 = arith.cmpi eq, %and3A_1697, %eq3A_1699 : vector<8x2048xi32>
    %gt3A_1701 = arith.cmpf ogt, %select_n3A_1673, %select_n3A_1687 : vector<8x2048xf32>
    %eq3A_1702 = arith.cmpf oeq, %select_n3A_1673, %select_n3A_1687 : vector<8x2048xf32>
    %lt3A_1703 = arith.cmpi slt, %select_n3A_1674, %select_n3A_1694 : vector<8x2048xi32>
    %and3A_1704 = arith.andi %eq3A_1702, %lt3A_1703 : vector<8x2048xi1>
    %or3A_1705 = arith.ori %gt3A_1701, %and3A_1704 : vector<8x2048xi1>
    %eq3A_1706 = arith.xori %eq3A_1680, %eq3A_1700 : vector<8x2048xi1>
    %eq3A_1707 = arith.constant dense<true> : vector<8x2048xi1>
    %eq3A_1708 = arith.xori %eq3A_1706, %eq3A_1707 : vector<8x2048xi1>
    %eq3A_1709 = arith.xori %or3A_1705, %eq3A_1708 : vector<8x2048xi1>
    %eq3A_1710 = arith.constant dense<true> : vector<8x2048xi1>
    %eq3A_1711 = arith.xori %eq3A_1709, %eq3A_1710 : vector<8x2048xi1>
    %select_n3A_1712 = arith.select %eq3A_1711, %select_n3A_1673, %select_n3A_1687 : vector<8x2048xi1>, vector<8x2048xf32>
    %select_n3A_1713 = arith.select %eq3A_1711, %select_n3A_1674, %select_n3A_1694 : vector<8x2048xi1>, vector<8x2048xi32>
    %and3A_1714 = arith.constant 1 : i32
    %and3A_1715 = vector.broadcast %and3A_1714 : i32 to vector<8x2048xi32>
    %and3A_1716 = arith.andi %iota3A_5, %and3A_1715 : vector<8x2048xi32>
    %eq3A_1717 = arith.constant 0 : i32
    %eq3A_1718 = vector.broadcast %eq3A_1717 : i32 to vector<8x2048xi32>
    %eq3A_1719 = arith.cmpi eq, %and3A_1716, %eq3A_1718 : vector<8x2048xi32>
    %slice3A_1720 = vector.extract_strided_slice %select_n3A_1712 {offsets = [0, 1], sizes = [8, 2047], strides = [1, 1]} : vector<8x2048xf32> to vector<8x2047xf32>
    %slice3A_1721 = vector.extract_strided_slice %select_n3A_1712 {offsets = [0, 0], sizes = [8, 1], strides = [1, 1]} : vector<8x2048xf32> to vector<8x1xf32>
    %concatenate3A_1722 = tpu.concatenate %slice3A_1720, %slice3A_1721 in 1 : vector<8x2047xf32>, vector<8x1xf32> -> vector<8x2048xf32>
    %slice3A_1723 = vector.extract_strided_slice %select_n3A_1712 {offsets = [0, 2047], sizes = [8, 1], strides = [1, 1]} : vector<8x2048xf32> to vector<8x1xf32>
    %slice3A_1724 = vector.extract_strided_slice %select_n3A_1712 {offsets = [0, 0], sizes = [8, 2047], strides = [1, 1]} : vector<8x2048xf32> to vector<8x2047xf32>
    %concatenate3A_1725 = tpu.concatenate %slice3A_1723, %slice3A_1724 in 1 : vector<8x1xf32>, vector<8x2047xf32> -> vector<8x2048xf32>
    %select_n3A_1726 = arith.select %eq3A_1719, %concatenate3A_1722, %concatenate3A_1725 : vector<8x2048xi1>, vector<8x2048xf32>
    %slice3A_1727 = vector.extract_strided_slice %select_n3A_1713 {offsets = [0, 1], sizes = [8, 2047], strides = [1, 1]} : vector<8x2048xi32> to vector<8x2047xi32>
    %slice3A_1728 = vector.extract_strided_slice %select_n3A_1713 {offsets = [0, 0], sizes = [8, 1], strides = [1, 1]} : vector<8x2048xi32> to vector<8x1xi32>
    %concatenate3A_1729 = tpu.concatenate %slice3A_1727, %slice3A_1728 in 1 : vector<8x2047xi32>, vector<8x1xi32> -> vector<8x2048xi32>
    %slice3A_1730 = vector.extract_strided_slice %select_n3A_1713 {offsets = [0, 2047], sizes = [8, 1], strides = [1, 1]} : vector<8x2048xi32> to vector<8x1xi32>
    %slice3A_1731 = vector.extract_strided_slice %select_n3A_1713 {offsets = [0, 0], sizes = [8, 2047], strides = [1, 1]} : vector<8x2048xi32> to vector<8x2047xi32>
    %concatenate3A_1732 = tpu.concatenate %slice3A_1730, %slice3A_1731 in 1 : vector<8x1xi32>, vector<8x2047xi32> -> vector<8x2048xi32>
    %select_n3A_1733 = arith.select %eq3A_1719, %concatenate3A_1729, %concatenate3A_1732 : vector<8x2048xi1>, vector<8x2048xi32>
    %and3A_1734 = arith.constant 512 : i32
    %and3A_1735 = vector.broadcast %and3A_1734 : i32 to vector<8x2048xi32>
    %and3A_1736 = arith.andi %iota3A_5, %and3A_1735 : vector<8x2048xi32>
    %eq3A_1737 = arith.constant 0 : i32
    %eq3A_1738 = vector.broadcast %eq3A_1737 : i32 to vector<8x2048xi32>
    %eq3A_1739 = arith.cmpi eq, %and3A_1736, %eq3A_1738 : vector<8x2048xi32>
    %gt3A_1740 = arith.cmpf ogt, %select_n3A_1712, %select_n3A_1726 : vector<8x2048xf32>
    %eq3A_1741 = arith.cmpf oeq, %select_n3A_1712, %select_n3A_1726 : vector<8x2048xf32>
    %lt3A_1742 = arith.cmpi slt, %select_n3A_1713, %select_n3A_1733 : vector<8x2048xi32>
    %and3A_1743 = arith.andi %eq3A_1741, %lt3A_1742 : vector<8x2048xi1>
    %or3A_1744 = arith.ori %gt3A_1740, %and3A_1743 : vector<8x2048xi1>
    %eq3A_1745 = arith.xori %eq3A_1719, %eq3A_1739 : vector<8x2048xi1>
    %eq3A_1746 = arith.constant dense<true> : vector<8x2048xi1>
    %eq3A_1747 = arith.xori %eq3A_1745, %eq3A_1746 : vector<8x2048xi1>
    %eq3A_1748 = arith.xori %or3A_1744, %eq3A_1747 : vector<8x2048xi1>
    %eq3A_1749 = arith.constant dense<true> : vector<8x2048xi1>
    %eq3A_1750 = arith.xori %eq3A_1748, %eq3A_1749 : vector<8x2048xi1>
    %select_n3A_1751 = arith.select %eq3A_1750, %select_n3A_1712, %select_n3A_1726 : vector<8x2048xi1>, vector<8x2048xf32>
    %select_n3A_1752 = arith.select %eq3A_1750, %select_n3A_1713, %select_n3A_1733 : vector<8x2048xi1>, vector<8x2048xi32>
    %and3A_1753 = arith.constant 512 : i32
    %and3A_1754 = vector.broadcast %and3A_1753 : i32 to vector<8x2048xi32>
    %and3A_1755 = arith.andi %iota3A_5, %and3A_1754 : vector<8x2048xi32>
    %eq3A_1756 = arith.constant 0 : i32
    %eq3A_1757 = vector.broadcast %eq3A_1756 : i32 to vector<8x2048xi32>
    %eq3A_1758 = arith.cmpi eq, %and3A_1755, %eq3A_1757 : vector<8x2048xi32>
    %slice3A_1759 = vector.extract_strided_slice %select_n3A_1751 {offsets = [0, 512], sizes = [8, 1536], strides = [1, 1]} : vector<8x2048xf32> to vector<8x1536xf32>
    %slice3A_1760 = vector.extract_strided_slice %select_n3A_1751 {offsets = [0, 0], sizes = [8, 512], strides = [1, 1]} : vector<8x2048xf32> to vector<8x512xf32>
    %concatenate3A_1761 = tpu.concatenate %slice3A_1759, %slice3A_1760 in 1 : vector<8x1536xf32>, vector<8x512xf32> -> vector<8x2048xf32>
    %slice3A_1762 = vector.extract_strided_slice %select_n3A_1751 {offsets = [0, 1536], sizes = [8, 512], strides = [1, 1]} : vector<8x2048xf32> to vector<8x512xf32>
    %slice3A_1763 = vector.extract_strided_slice %select_n3A_1751 {offsets = [0, 0], sizes = [8, 1536], strides = [1, 1]} : vector<8x2048xf32> to vector<8x1536xf32>
    %concatenate3A_1764 = tpu.concatenate %slice3A_1762, %slice3A_1763 in 1 : vector<8x512xf32>, vector<8x1536xf32> -> vector<8x2048xf32>
    %select_n3A_1765 = arith.select %eq3A_1758, %concatenate3A_1761, %concatenate3A_1764 : vector<8x2048xi1>, vector<8x2048xf32>
    %slice3A_1766 = vector.extract_strided_slice %select_n3A_1752 {offsets = [0, 512], sizes = [8, 1536], strides = [1, 1]} : vector<8x2048xi32> to vector<8x1536xi32>
    %slice3A_1767 = vector.extract_strided_slice %select_n3A_1752 {offsets = [0, 0], sizes = [8, 512], strides = [1, 1]} : vector<8x2048xi32> to vector<8x512xi32>
    %concatenate3A_1768 = tpu.concatenate %slice3A_1766, %slice3A_1767 in 1 : vector<8x1536xi32>, vector<8x512xi32> -> vector<8x2048xi32>
    %slice3A_1769 = vector.extract_strided_slice %select_n3A_1752 {offsets = [0, 1536], sizes = [8, 512], strides = [1, 1]} : vector<8x2048xi32> to vector<8x512xi32>
    %slice3A_1770 = vector.extract_strided_slice %select_n3A_1752 {offsets = [0, 0], sizes = [8, 1536], strides = [1, 1]} : vector<8x2048xi32> to vector<8x1536xi32>
    %concatenate3A_1771 = tpu.concatenate %slice3A_1769, %slice3A_1770 in 1 : vector<8x512xi32>, vector<8x1536xi32> -> vector<8x2048xi32>
    %select_n3A_1772 = arith.select %eq3A_1758, %concatenate3A_1768, %concatenate3A_1771 : vector<8x2048xi1>, vector<8x2048xi32>
    %and3A_1773 = arith.constant 1024 : i32
    %and3A_1774 = vector.broadcast %and3A_1773 : i32 to vector<8x2048xi32>
    %and3A_1775 = arith.andi %iota3A_5, %and3A_1774 : vector<8x2048xi32>
    %eq3A_1776 = arith.constant 0 : i32
    %eq3A_1777 = vector.broadcast %eq3A_1776 : i32 to vector<8x2048xi32>
    %eq3A_1778 = arith.cmpi eq, %and3A_1775, %eq3A_1777 : vector<8x2048xi32>
    %gt3A_1779 = arith.cmpf ogt, %select_n3A_1751, %select_n3A_1765 : vector<8x2048xf32>
    %eq3A_1780 = arith.cmpf oeq, %select_n3A_1751, %select_n3A_1765 : vector<8x2048xf32>
    %lt3A_1781 = arith.cmpi slt, %select_n3A_1752, %select_n3A_1772 : vector<8x2048xi32>
    %and3A_1782 = arith.andi %eq3A_1780, %lt3A_1781 : vector<8x2048xi1>
    %or3A_1783 = arith.ori %gt3A_1779, %and3A_1782 : vector<8x2048xi1>
    %eq3A_1784 = arith.xori %eq3A_1758, %eq3A_1778 : vector<8x2048xi1>
    %eq3A_1785 = arith.constant dense<true> : vector<8x2048xi1>
    %eq3A_1786 = arith.xori %eq3A_1784, %eq3A_1785 : vector<8x2048xi1>
    %eq3A_1787 = arith.xori %or3A_1783, %eq3A_1786 : vector<8x2048xi1>
    %eq3A_1788 = arith.constant dense<true> : vector<8x2048xi1>
    %eq3A_1789 = arith.xori %eq3A_1787, %eq3A_1788 : vector<8x2048xi1>
    %select_n3A_1790 = arith.select %eq3A_1789, %select_n3A_1751, %select_n3A_1765 : vector<8x2048xi1>, vector<8x2048xf32>
    %select_n3A_1791 = arith.select %eq3A_1789, %select_n3A_1752, %select_n3A_1772 : vector<8x2048xi1>, vector<8x2048xi32>
    %and3A_1792 = arith.constant 256 : i32
    %and3A_1793 = vector.broadcast %and3A_1792 : i32 to vector<8x2048xi32>
    %and3A_1794 = arith.andi %iota3A_5, %and3A_1793 : vector<8x2048xi32>
    %eq3A_1795 = arith.constant 0 : i32
    %eq3A_1796 = vector.broadcast %eq3A_1795 : i32 to vector<8x2048xi32>
    %eq3A_1797 = arith.cmpi eq, %and3A_1794, %eq3A_1796 : vector<8x2048xi32>
    %slice3A_1798 = vector.extract_strided_slice %select_n3A_1790 {offsets = [0, 256], sizes = [8, 1792], strides = [1, 1]} : vector<8x2048xf32> to vector<8x1792xf32>
    %slice3A_1799 = vector.extract_strided_slice %select_n3A_1790 {offsets = [0, 0], sizes = [8, 256], strides = [1, 1]} : vector<8x2048xf32> to vector<8x256xf32>
    %concatenate3A_1800 = tpu.concatenate %slice3A_1798, %slice3A_1799 in 1 : vector<8x1792xf32>, vector<8x256xf32> -> vector<8x2048xf32>
    %slice3A_1801 = vector.extract_strided_slice %select_n3A_1790 {offsets = [0, 1792], sizes = [8, 256], strides = [1, 1]} : vector<8x2048xf32> to vector<8x256xf32>
    %slice3A_1802 = vector.extract_strided_slice %select_n3A_1790 {offsets = [0, 0], sizes = [8, 1792], strides = [1, 1]} : vector<8x2048xf32> to vector<8x1792xf32>
    %concatenate3A_1803 = tpu.concatenate %slice3A_1801, %slice3A_1802 in 1 : vector<8x256xf32>, vector<8x1792xf32> -> vector<8x2048xf32>
    %select_n3A_1804 = arith.select %eq3A_1797, %concatenate3A_1800, %concatenate3A_1803 : vector<8x2048xi1>, vector<8x2048xf32>
    %slice3A_1805 = vector.extract_strided_slice %select_n3A_1791 {offsets = [0, 256], sizes = [8, 1792], strides = [1, 1]} : vector<8x2048xi32> to vector<8x1792xi32>
    %slice3A_1806 = vector.extract_strided_slice %select_n3A_1791 {offsets = [0, 0], sizes = [8, 256], strides = [1, 1]} : vector<8x2048xi32> to vector<8x256xi32>
    %concatenate3A_1807 = tpu.concatenate %slice3A_1805, %slice3A_1806 in 1 : vector<8x1792xi32>, vector<8x256xi32> -> vector<8x2048xi32>
    %slice3A_1808 = vector.extract_strided_slice %select_n3A_1791 {offsets = [0, 1792], sizes = [8, 256], strides = [1, 1]} : vector<8x2048xi32> to vector<8x256xi32>
    %slice3A_1809 = vector.extract_strided_slice %select_n3A_1791 {offsets = [0, 0], sizes = [8, 1792], strides = [1, 1]} : vector<8x2048xi32> to vector<8x1792xi32>
    %concatenate3A_1810 = tpu.concatenate %slice3A_1808, %slice3A_1809 in 1 : vector<8x256xi32>, vector<8x1792xi32> -> vector<8x2048xi32>
    %select_n3A_1811 = arith.select %eq3A_1797, %concatenate3A_1807, %concatenate3A_1810 : vector<8x2048xi1>, vector<8x2048xi32>
    %and3A_1812 = arith.constant 1024 : i32
    %and3A_1813 = vector.broadcast %and3A_1812 : i32 to vector<8x2048xi32>
    %and3A_1814 = arith.andi %iota3A_5, %and3A_1813 : vector<8x2048xi32>
    %eq3A_1815 = arith.constant 0 : i32
    %eq3A_1816 = vector.broadcast %eq3A_1815 : i32 to vector<8x2048xi32>
    %eq3A_1817 = arith.cmpi eq, %and3A_1814, %eq3A_1816 : vector<8x2048xi32>
    %gt3A_1818 = arith.cmpf ogt, %select_n3A_1790, %select_n3A_1804 : vector<8x2048xf32>
    %eq3A_1819 = arith.cmpf oeq, %select_n3A_1790, %select_n3A_1804 : vector<8x2048xf32>
    %lt3A_1820 = arith.cmpi slt, %select_n3A_1791, %select_n3A_1811 : vector<8x2048xi32>
    %and3A_1821 = arith.andi %eq3A_1819, %lt3A_1820 : vector<8x2048xi1>
    %or3A_1822 = arith.ori %gt3A_1818, %and3A_1821 : vector<8x2048xi1>
    %eq3A_1823 = arith.xori %eq3A_1797, %eq3A_1817 : vector<8x2048xi1>
    %eq3A_1824 = arith.constant dense<true> : vector<8x2048xi1>
    %eq3A_1825 = arith.xori %eq3A_1823, %eq3A_1824 : vector<8x2048xi1>
    %eq3A_1826 = arith.xori %or3A_1822, %eq3A_1825 : vector<8x2048xi1>
    %eq3A_1827 = arith.constant dense<true> : vector<8x2048xi1>
    %eq3A_1828 = arith.xori %eq3A_1826, %eq3A_1827 : vector<8x2048xi1>
    %select_n3A_1829 = arith.select %eq3A_1828, %select_n3A_1790, %select_n3A_1804 : vector<8x2048xi1>, vector<8x2048xf32>
    %select_n3A_1830 = arith.select %eq3A_1828, %select_n3A_1791, %select_n3A_1811 : vector<8x2048xi1>, vector<8x2048xi32>
    %and3A_1831 = arith.constant 128 : i32
    %and3A_1832 = vector.broadcast %and3A_1831 : i32 to vector<8x2048xi32>
    %and3A_1833 = arith.andi %iota3A_5, %and3A_1832 : vector<8x2048xi32>
    %eq3A_1834 = arith.constant 0 : i32
    %eq3A_1835 = vector.broadcast %eq3A_1834 : i32 to vector<8x2048xi32>
    %eq3A_1836 = arith.cmpi eq, %and3A_1833, %eq3A_1835 : vector<8x2048xi32>
    %slice3A_1837 = vector.extract_strided_slice %select_n3A_1829 {offsets = [0, 128], sizes = [8, 1920], strides = [1, 1]} : vector<8x2048xf32> to vector<8x1920xf32>
    %slice3A_1838 = vector.extract_strided_slice %select_n3A_1829 {offsets = [0, 0], sizes = [8, 128], strides = [1, 1]} : vector<8x2048xf32> to vector<8x128xf32>
    %concatenate3A_1839 = tpu.concatenate %slice3A_1837, %slice3A_1838 in 1 : vector<8x1920xf32>, vector<8x128xf32> -> vector<8x2048xf32>
    %slice3A_1840 = vector.extract_strided_slice %select_n3A_1829 {offsets = [0, 1920], sizes = [8, 128], strides = [1, 1]} : vector<8x2048xf32> to vector<8x128xf32>
    %slice3A_1841 = vector.extract_strided_slice %select_n3A_1829 {offsets = [0, 0], sizes = [8, 1920], strides = [1, 1]} : vector<8x2048xf32> to vector<8x1920xf32>
    %concatenate3A_1842 = tpu.concatenate %slice3A_1840, %slice3A_1841 in 1 : vector<8x128xf32>, vector<8x1920xf32> -> vector<8x2048xf32>
    %select_n3A_1843 = arith.select %eq3A_1836, %concatenate3A_1839, %concatenate3A_1842 : vector<8x2048xi1>, vector<8x2048xf32>
    %slice3A_1844 = vector.extract_strided_slice %select_n3A_1830 {offsets = [0, 128], sizes = [8, 1920], strides = [1, 1]} : vector<8x2048xi32> to vector<8x1920xi32>
    %slice3A_1845 = vector.extract_strided_slice %select_n3A_1830 {offsets = [0, 0], sizes = [8, 128], strides = [1, 1]} : vector<8x2048xi32> to vector<8x128xi32>
    %concatenate3A_1846 = tpu.concatenate %slice3A_1844, %slice3A_1845 in 1 : vector<8x1920xi32>, vector<8x128xi32> -> vector<8x2048xi32>
    %slice3A_1847 = vector.extract_strided_slice %select_n3A_1830 {offsets = [0, 1920], sizes = [8, 128], strides = [1, 1]} : vector<8x2048xi32> to vector<8x128xi32>
    %slice3A_1848 = vector.extract_strided_slice %select_n3A_1830 {offsets = [0, 0], sizes = [8, 1920], strides = [1, 1]} : vector<8x2048xi32> to vector<8x1920xi32>
    %concatenate3A_1849 = tpu.concatenate %slice3A_1847, %slice3A_1848 in 1 : vector<8x128xi32>, vector<8x1920xi32> -> vector<8x2048xi32>
    %select_n3A_1850 = arith.select %eq3A_1836, %concatenate3A_1846, %concatenate3A_1849 : vector<8x2048xi1>, vector<8x2048xi32>
    %and3A_1851 = arith.constant 1024 : i32
    %and3A_1852 = vector.broadcast %and3A_1851 : i32 to vector<8x2048xi32>
    %and3A_1853 = arith.andi %iota3A_5, %and3A_1852 : vector<8x2048xi32>
    %eq3A_1854 = arith.constant 0 : i32
    %eq3A_1855 = vector.broadcast %eq3A_1854 : i32 to vector<8x2048xi32>
    %eq3A_1856 = arith.cmpi eq, %and3A_1853, %eq3A_1855 : vector<8x2048xi32>
    %gt3A_1857 = arith.cmpf ogt, %select_n3A_1829, %select_n3A_1843 : vector<8x2048xf32>
    %eq3A_1858 = arith.cmpf oeq, %select_n3A_1829, %select_n3A_1843 : vector<8x2048xf32>
    %lt3A_1859 = arith.cmpi slt, %select_n3A_1830, %select_n3A_1850 : vector<8x2048xi32>
    %and3A_1860 = arith.andi %eq3A_1858, %lt3A_1859 : vector<8x2048xi1>
    %or3A_1861 = arith.ori %gt3A_1857, %and3A_1860 : vector<8x2048xi1>
    %eq3A_1862 = arith.xori %eq3A_1836, %eq3A_1856 : vector<8x2048xi1>
    %eq3A_1863 = arith.constant dense<true> : vector<8x2048xi1>
    %eq3A_1864 = arith.xori %eq3A_1862, %eq3A_1863 : vector<8x2048xi1>
    %eq3A_1865 = arith.xori %or3A_1861, %eq3A_1864 : vector<8x2048xi1>
    %eq3A_1866 = arith.constant dense<true> : vector<8x2048xi1>
    %eq3A_1867 = arith.xori %eq3A_1865, %eq3A_1866 : vector<8x2048xi1>
    %select_n3A_1868 = arith.select %eq3A_1867, %select_n3A_1829, %select_n3A_1843 : vector<8x2048xi1>, vector<8x2048xf32>
    %select_n3A_1869 = arith.select %eq3A_1867, %select_n3A_1830, %select_n3A_1850 : vector<8x2048xi1>, vector<8x2048xi32>
    %and3A_1870 = arith.constant 64 : i32
    %and3A_1871 = vector.broadcast %and3A_1870 : i32 to vector<8x2048xi32>
    %and3A_1872 = arith.andi %iota3A_5, %and3A_1871 : vector<8x2048xi32>
    %eq3A_1873 = arith.constant 0 : i32
    %eq3A_1874 = vector.broadcast %eq3A_1873 : i32 to vector<8x2048xi32>
    %eq3A_1875 = arith.cmpi eq, %and3A_1872, %eq3A_1874 : vector<8x2048xi32>
    %slice3A_1876 = vector.extract_strided_slice %select_n3A_1868 {offsets = [0, 64], sizes = [8, 1984], strides = [1, 1]} : vector<8x2048xf32> to vector<8x1984xf32>
    %slice3A_1877 = vector.extract_strided_slice %select_n3A_1868 {offsets = [0, 0], sizes = [8, 64], strides = [1, 1]} : vector<8x2048xf32> to vector<8x64xf32>
    %concatenate3A_1878 = tpu.concatenate %slice3A_1876, %slice3A_1877 in 1 : vector<8x1984xf32>, vector<8x64xf32> -> vector<8x2048xf32>
    %slice3A_1879 = vector.extract_strided_slice %select_n3A_1868 {offsets = [0, 1984], sizes = [8, 64], strides = [1, 1]} : vector<8x2048xf32> to vector<8x64xf32>
    %slice3A_1880 = vector.extract_strided_slice %select_n3A_1868 {offsets = [0, 0], sizes = [8, 1984], strides = [1, 1]} : vector<8x2048xf32> to vector<8x1984xf32>
    %concatenate3A_1881 = tpu.concatenate %slice3A_1879, %slice3A_1880 in 1 : vector<8x64xf32>, vector<8x1984xf32> -> vector<8x2048xf32>
    %select_n3A_1882 = arith.select %eq3A_1875, %concatenate3A_1878, %concatenate3A_1881 : vector<8x2048xi1>, vector<8x2048xf32>
    %slice3A_1883 = vector.extract_strided_slice %select_n3A_1869 {offsets = [0, 64], sizes = [8, 1984], strides = [1, 1]} : vector<8x2048xi32> to vector<8x1984xi32>
    %slice3A_1884 = vector.extract_strided_slice %select_n3A_1869 {offsets = [0, 0], sizes = [8, 64], strides = [1, 1]} : vector<8x2048xi32> to vector<8x64xi32>
    %concatenate3A_1885 = tpu.concatenate %slice3A_1883, %slice3A_1884 in 1 : vector<8x1984xi32>, vector<8x64xi32> -> vector<8x2048xi32>
    %slice3A_1886 = vector.extract_strided_slice %select_n3A_1869 {offsets = [0, 1984], sizes = [8, 64], strides = [1, 1]} : vector<8x2048xi32> to vector<8x64xi32>
    %slice3A_1887 = vector.extract_strided_slice %select_n3A_1869 {offsets = [0, 0], sizes = [8, 1984], strides = [1, 1]} : vector<8x2048xi32> to vector<8x1984xi32>
    %concatenate3A_1888 = tpu.concatenate %slice3A_1886, %slice3A_1887 in 1 : vector<8x64xi32>, vector<8x1984xi32> -> vector<8x2048xi32>
    %select_n3A_1889 = arith.select %eq3A_1875, %concatenate3A_1885, %concatenate3A_1888 : vector<8x2048xi1>, vector<8x2048xi32>
    %and3A_1890 = arith.constant 1024 : i32
    %and3A_1891 = vector.broadcast %and3A_1890 : i32 to vector<8x2048xi32>
    %and3A_1892 = arith.andi %iota3A_5, %and3A_1891 : vector<8x2048xi32>
    %eq3A_1893 = arith.constant 0 : i32
    %eq3A_1894 = vector.broadcast %eq3A_1893 : i32 to vector<8x2048xi32>
    %eq3A_1895 = arith.cmpi eq, %and3A_1892, %eq3A_1894 : vector<8x2048xi32>
    %gt3A_1896 = arith.cmpf ogt, %select_n3A_1868, %select_n3A_1882 : vector<8x2048xf32>
    %eq3A_1897 = arith.cmpf oeq, %select_n3A_1868, %select_n3A_1882 : vector<8x2048xf32>
    %lt3A_1898 = arith.cmpi slt, %select_n3A_1869, %select_n3A_1889 : vector<8x2048xi32>
    %and3A_1899 = arith.andi %eq3A_1897, %lt3A_1898 : vector<8x2048xi1>
    %or3A_1900 = arith.ori %gt3A_1896, %and3A_1899 : vector<8x2048xi1>
    %eq3A_1901 = arith.xori %eq3A_1875, %eq3A_1895 : vector<8x2048xi1>
    %eq3A_1902 = arith.constant dense<true> : vector<8x2048xi1>
    %eq3A_1903 = arith.xori %eq3A_1901, %eq3A_1902 : vector<8x2048xi1>
    %eq3A_1904 = arith.xori %or3A_1900, %eq3A_1903 : vector<8x2048xi1>
    %eq3A_1905 = arith.constant dense<true> : vector<8x2048xi1>
    %eq3A_1906 = arith.xori %eq3A_1904, %eq3A_1905 : vector<8x2048xi1>
    %select_n3A_1907 = arith.select %eq3A_1906, %select_n3A_1868, %select_n3A_1882 : vector<8x2048xi1>, vector<8x2048xf32>
    %select_n3A_1908 = arith.select %eq3A_1906, %select_n3A_1869, %select_n3A_1889 : vector<8x2048xi1>, vector<8x2048xi32>
    %and3A_1909 = arith.constant 32 : i32
    %and3A_1910 = vector.broadcast %and3A_1909 : i32 to vector<8x2048xi32>
    %and3A_1911 = arith.andi %iota3A_5, %and3A_1910 : vector<8x2048xi32>
    %eq3A_1912 = arith.constant 0 : i32
    %eq3A_1913 = vector.broadcast %eq3A_1912 : i32 to vector<8x2048xi32>
    %eq3A_1914 = arith.cmpi eq, %and3A_1911, %eq3A_1913 : vector<8x2048xi32>
    %slice3A_1915 = vector.extract_strided_slice %select_n3A_1907 {offsets = [0, 32], sizes = [8, 2016], strides = [1, 1]} : vector<8x2048xf32> to vector<8x2016xf32>
    %slice3A_1916 = vector.extract_strided_slice %select_n3A_1907 {offsets = [0, 0], sizes = [8, 32], strides = [1, 1]} : vector<8x2048xf32> to vector<8x32xf32>
    %concatenate3A_1917 = tpu.concatenate %slice3A_1915, %slice3A_1916 in 1 : vector<8x2016xf32>, vector<8x32xf32> -> vector<8x2048xf32>
    %slice3A_1918 = vector.extract_strided_slice %select_n3A_1907 {offsets = [0, 2016], sizes = [8, 32], strides = [1, 1]} : vector<8x2048xf32> to vector<8x32xf32>
    %slice3A_1919 = vector.extract_strided_slice %select_n3A_1907 {offsets = [0, 0], sizes = [8, 2016], strides = [1, 1]} : vector<8x2048xf32> to vector<8x2016xf32>
    %concatenate3A_1920 = tpu.concatenate %slice3A_1918, %slice3A_1919 in 1 : vector<8x32xf32>, vector<8x2016xf32> -> vector<8x2048xf32>
    %select_n3A_1921 = arith.select %eq3A_1914, %concatenate3A_1917, %concatenate3A_1920 : vector<8x2048xi1>, vector<8x2048xf32>
    %slice3A_1922 = vector.extract_strided_slice %select_n3A_1908 {offsets = [0, 32], sizes = [8, 2016], strides = [1, 1]} : vector<8x2048xi32> to vector<8x2016xi32>
    %slice3A_1923 = vector.extract_strided_slice %select_n3A_1908 {offsets = [0, 0], sizes = [8, 32], strides = [1, 1]} : vector<8x2048xi32> to vector<8x32xi32>
    %concatenate3A_1924 = tpu.concatenate %slice3A_1922, %slice3A_1923 in 1 : vector<8x2016xi32>, vector<8x32xi32> -> vector<8x2048xi32>
    %slice3A_1925 = vector.extract_strided_slice %select_n3A_1908 {offsets = [0, 2016], sizes = [8, 32], strides = [1, 1]} : vector<8x2048xi32> to vector<8x32xi32>
    %slice3A_1926 = vector.extract_strided_slice %select_n3A_1908 {offsets = [0, 0], sizes = [8, 2016], strides = [1, 1]} : vector<8x2048xi32> to vector<8x2016xi32>
    %concatenate3A_1927 = tpu.concatenate %slice3A_1925, %slice3A_1926 in 1 : vector<8x32xi32>, vector<8x2016xi32> -> vector<8x2048xi32>
    %select_n3A_1928 = arith.select %eq3A_1914, %concatenate3A_1924, %concatenate3A_1927 : vector<8x2048xi1>, vector<8x2048xi32>
    %and3A_1929 = arith.constant 1024 : i32
    %and3A_1930 = vector.broadcast %and3A_1929 : i32 to vector<8x2048xi32>
    %and3A_1931 = arith.andi %iota3A_5, %and3A_1930 : vector<8x2048xi32>
    %eq3A_1932 = arith.constant 0 : i32
    %eq3A_1933 = vector.broadcast %eq3A_1932 : i32 to vector<8x2048xi32>
    %eq3A_1934 = arith.cmpi eq, %and3A_1931, %eq3A_1933 : vector<8x2048xi32>
    %gt3A_1935 = arith.cmpf ogt, %select_n3A_1907, %select_n3A_1921 : vector<8x2048xf32>
    %eq3A_1936 = arith.cmpf oeq, %select_n3A_1907, %select_n3A_1921 : vector<8x2048xf32>
    %lt3A_1937 = arith.cmpi slt, %select_n3A_1908, %select_n3A_1928 : vector<8x2048xi32>
    %and3A_1938 = arith.andi %eq3A_1936, %lt3A_1937 : vector<8x2048xi1>
    %or3A_1939 = arith.ori %gt3A_1935, %and3A_1938 : vector<8x2048xi1>
    %eq3A_1940 = arith.xori %eq3A_1914, %eq3A_1934 : vector<8x2048xi1>
    %eq3A_1941 = arith.constant dense<true> : vector<8x2048xi1>
    %eq3A_1942 = arith.xori %eq3A_1940, %eq3A_1941 : vector<8x2048xi1>
    %eq3A_1943 = arith.xori %or3A_1939, %eq3A_1942 : vector<8x2048xi1>
    %eq3A_1944 = arith.constant dense<true> : vector<8x2048xi1>
    %eq3A_1945 = arith.xori %eq3A_1943, %eq3A_1944 : vector<8x2048xi1>
    %select_n3A_1946 = arith.select %eq3A_1945, %select_n3A_1907, %select_n3A_1921 : vector<8x2048xi1>, vector<8x2048xf32>
    %select_n3A_1947 = arith.select %eq3A_1945, %select_n3A_1908, %select_n3A_1928 : vector<8x2048xi1>, vector<8x2048xi32>
    %and3A_1948 = arith.constant 16 : i32
    %and3A_1949 = vector.broadcast %and3A_1948 : i32 to vector<8x2048xi32>
    %and3A_1950 = arith.andi %iota3A_5, %and3A_1949 : vector<8x2048xi32>
    %eq3A_1951 = arith.constant 0 : i32
    %eq3A_1952 = vector.broadcast %eq3A_1951 : i32 to vector<8x2048xi32>
    %eq3A_1953 = arith.cmpi eq, %and3A_1950, %eq3A_1952 : vector<8x2048xi32>
    %slice3A_1954 = vector.extract_strided_slice %select_n3A_1946 {offsets = [0, 16], sizes = [8, 2032], strides = [1, 1]} : vector<8x2048xf32> to vector<8x2032xf32>
    %slice3A_1955 = vector.extract_strided_slice %select_n3A_1946 {offsets = [0, 0], sizes = [8, 16], strides = [1, 1]} : vector<8x2048xf32> to vector<8x16xf32>
    %concatenate3A_1956 = tpu.concatenate %slice3A_1954, %slice3A_1955 in 1 : vector<8x2032xf32>, vector<8x16xf32> -> vector<8x2048xf32>
    %slice3A_1957 = vector.extract_strided_slice %select_n3A_1946 {offsets = [0, 2032], sizes = [8, 16], strides = [1, 1]} : vector<8x2048xf32> to vector<8x16xf32>
    %slice3A_1958 = vector.extract_strided_slice %select_n3A_1946 {offsets = [0, 0], sizes = [8, 2032], strides = [1, 1]} : vector<8x2048xf32> to vector<8x2032xf32>
    %concatenate3A_1959 = tpu.concatenate %slice3A_1957, %slice3A_1958 in 1 : vector<8x16xf32>, vector<8x2032xf32> -> vector<8x2048xf32>
    %select_n3A_1960 = arith.select %eq3A_1953, %concatenate3A_1956, %concatenate3A_1959 : vector<8x2048xi1>, vector<8x2048xf32>
    %slice3A_1961 = vector.extract_strided_slice %select_n3A_1947 {offsets = [0, 16], sizes = [8, 2032], strides = [1, 1]} : vector<8x2048xi32> to vector<8x2032xi32>
    %slice3A_1962 = vector.extract_strided_slice %select_n3A_1947 {offsets = [0, 0], sizes = [8, 16], strides = [1, 1]} : vector<8x2048xi32> to vector<8x16xi32>
    %concatenate3A_1963 = tpu.concatenate %slice3A_1961, %slice3A_1962 in 1 : vector<8x2032xi32>, vector<8x16xi32> -> vector<8x2048xi32>
    %slice3A_1964 = vector.extract_strided_slice %select_n3A_1947 {offsets = [0, 2032], sizes = [8, 16], strides = [1, 1]} : vector<8x2048xi32> to vector<8x16xi32>
    %slice3A_1965 = vector.extract_strided_slice %select_n3A_1947 {offsets = [0, 0], sizes = [8, 2032], strides = [1, 1]} : vector<8x2048xi32> to vector<8x2032xi32>
    %concatenate3A_1966 = tpu.concatenate %slice3A_1964, %slice3A_1965 in 1 : vector<8x16xi32>, vector<8x2032xi32> -> vector<8x2048xi32>
    %select_n3A_1967 = arith.select %eq3A_1953, %concatenate3A_1963, %concatenate3A_1966 : vector<8x2048xi1>, vector<8x2048xi32>
    %and3A_1968 = arith.constant 1024 : i32
    %and3A_1969 = vector.broadcast %and3A_1968 : i32 to vector<8x2048xi32>
    %and3A_1970 = arith.andi %iota3A_5, %and3A_1969 : vector<8x2048xi32>
    %eq3A_1971 = arith.constant 0 : i32
    %eq3A_1972 = vector.broadcast %eq3A_1971 : i32 to vector<8x2048xi32>
    %eq3A_1973 = arith.cmpi eq, %and3A_1970, %eq3A_1972 : vector<8x2048xi32>
    %gt3A_1974 = arith.cmpf ogt, %select_n3A_1946, %select_n3A_1960 : vector<8x2048xf32>
    %eq3A_1975 = arith.cmpf oeq, %select_n3A_1946, %select_n3A_1960 : vector<8x2048xf32>
    %lt3A_1976 = arith.cmpi slt, %select_n3A_1947, %select_n3A_1967 : vector<8x2048xi32>
    %and3A_1977 = arith.andi %eq3A_1975, %lt3A_1976 : vector<8x2048xi1>
    %or3A_1978 = arith.ori %gt3A_1974, %and3A_1977 : vector<8x2048xi1>
    %eq3A_1979 = arith.xori %eq3A_1953, %eq3A_1973 : vector<8x2048xi1>
    %eq3A_1980 = arith.constant dense<true> : vector<8x2048xi1>
    %eq3A_1981 = arith.xori %eq3A_1979, %eq3A_1980 : vector<8x2048xi1>
    %eq3A_1982 = arith.xori %or3A_1978, %eq3A_1981 : vector<8x2048xi1>
    %eq3A_1983 = arith.constant dense<true> : vector<8x2048xi1>
    %eq3A_1984 = arith.xori %eq3A_1982, %eq3A_1983 : vector<8x2048xi1>
    %select_n3A_1985 = arith.select %eq3A_1984, %select_n3A_1946, %select_n3A_1960 : vector<8x2048xi1>, vector<8x2048xf32>
    %select_n3A_1986 = arith.select %eq3A_1984, %select_n3A_1947, %select_n3A_1967 : vector<8x2048xi1>, vector<8x2048xi32>
    %and3A_1987 = arith.constant 8 : i32
    %and3A_1988 = vector.broadcast %and3A_1987 : i32 to vector<8x2048xi32>
    %and3A_1989 = arith.andi %iota3A_5, %and3A_1988 : vector<8x2048xi32>
    %eq3A_1990 = arith.constant 0 : i32
    %eq3A_1991 = vector.broadcast %eq3A_1990 : i32 to vector<8x2048xi32>
    %eq3A_1992 = arith.cmpi eq, %and3A_1989, %eq3A_1991 : vector<8x2048xi32>
    %slice3A_1993 = vector.extract_strided_slice %select_n3A_1985 {offsets = [0, 8], sizes = [8, 2040], strides = [1, 1]} : vector<8x2048xf32> to vector<8x2040xf32>
    %slice3A_1994 = vector.extract_strided_slice %select_n3A_1985 {offsets = [0, 0], sizes = [8, 8], strides = [1, 1]} : vector<8x2048xf32> to vector<8x8xf32>
    %concatenate3A_1995 = tpu.concatenate %slice3A_1993, %slice3A_1994 in 1 : vector<8x2040xf32>, vector<8x8xf32> -> vector<8x2048xf32>
    %slice3A_1996 = vector.extract_strided_slice %select_n3A_1985 {offsets = [0, 2040], sizes = [8, 8], strides = [1, 1]} : vector<8x2048xf32> to vector<8x8xf32>
    %slice3A_1997 = vector.extract_strided_slice %select_n3A_1985 {offsets = [0, 0], sizes = [8, 2040], strides = [1, 1]} : vector<8x2048xf32> to vector<8x2040xf32>
    %concatenate3A_1998 = tpu.concatenate %slice3A_1996, %slice3A_1997 in 1 : vector<8x8xf32>, vector<8x2040xf32> -> vector<8x2048xf32>
    %select_n3A_1999 = arith.select %eq3A_1992, %concatenate3A_1995, %concatenate3A_1998 : vector<8x2048xi1>, vector<8x2048xf32>
    %slice3A_2000 = vector.extract_strided_slice %select_n3A_1986 {offsets = [0, 8], sizes = [8, 2040], strides = [1, 1]} : vector<8x2048xi32> to vector<8x2040xi32>
    %slice3A_2001 = vector.extract_strided_slice %select_n3A_1986 {offsets = [0, 0], sizes = [8, 8], strides = [1, 1]} : vector<8x2048xi32> to vector<8x8xi32>
    %concatenate3A_2002 = tpu.concatenate %slice3A_2000, %slice3A_2001 in 1 : vector<8x2040xi32>, vector<8x8xi32> -> vector<8x2048xi32>
    %slice3A_2003 = vector.extract_strided_slice %select_n3A_1986 {offsets = [0, 2040], sizes = [8, 8], strides = [1, 1]} : vector<8x2048xi32> to vector<8x8xi32>
    %slice3A_2004 = vector.extract_strided_slice %select_n3A_1986 {offsets = [0, 0], sizes = [8, 2040], strides = [1, 1]} : vector<8x2048xi32> to vector<8x2040xi32>
    %concatenate3A_2005 = tpu.concatenate %slice3A_2003, %slice3A_2004 in 1 : vector<8x8xi32>, vector<8x2040xi32> -> vector<8x2048xi32>
    %select_n3A_2006 = arith.select %eq3A_1992, %concatenate3A_2002, %concatenate3A_2005 : vector<8x2048xi1>, vector<8x2048xi32>
    %and3A_2007 = arith.constant 1024 : i32
    %and3A_2008 = vector.broadcast %and3A_2007 : i32 to vector<8x2048xi32>
    %and3A_2009 = arith.andi %iota3A_5, %and3A_2008 : vector<8x2048xi32>
    %eq3A_2010 = arith.constant 0 : i32
    %eq3A_2011 = vector.broadcast %eq3A_2010 : i32 to vector<8x2048xi32>
    %eq3A_2012 = arith.cmpi eq, %and3A_2009, %eq3A_2011 : vector<8x2048xi32>
    %gt3A_2013 = arith.cmpf ogt, %select_n3A_1985, %select_n3A_1999 : vector<8x2048xf32>
    %eq3A_2014 = arith.cmpf oeq, %select_n3A_1985, %select_n3A_1999 : vector<8x2048xf32>
    %lt3A_2015 = arith.cmpi slt, %select_n3A_1986, %select_n3A_2006 : vector<8x2048xi32>
    %and3A_2016 = arith.andi %eq3A_2014, %lt3A_2015 : vector<8x2048xi1>
    %or3A_2017 = arith.ori %gt3A_2013, %and3A_2016 : vector<8x2048xi1>
    %eq3A_2018 = arith.xori %eq3A_1992, %eq3A_2012 : vector<8x2048xi1>
    %eq3A_2019 = arith.constant dense<true> : vector<8x2048xi1>
    %eq3A_2020 = arith.xori %eq3A_2018, %eq3A_2019 : vector<8x2048xi1>
    %eq3A_2021 = arith.xori %or3A_2017, %eq3A_2020 : vector<8x2048xi1>
    %eq3A_2022 = arith.constant dense<true> : vector<8x2048xi1>
    %eq3A_2023 = arith.xori %eq3A_2021, %eq3A_2022 : vector<8x2048xi1>
    %select_n3A_2024 = arith.select %eq3A_2023, %select_n3A_1985, %select_n3A_1999 : vector<8x2048xi1>, vector<8x2048xf32>
    %select_n3A_2025 = arith.select %eq3A_2023, %select_n3A_1986, %select_n3A_2006 : vector<8x2048xi1>, vector<8x2048xi32>
    %and3A_2026 = arith.constant 4 : i32
    %and3A_2027 = vector.broadcast %and3A_2026 : i32 to vector<8x2048xi32>
    %and3A_2028 = arith.andi %iota3A_5, %and3A_2027 : vector<8x2048xi32>
    %eq3A_2029 = arith.constant 0 : i32
    %eq3A_2030 = vector.broadcast %eq3A_2029 : i32 to vector<8x2048xi32>
    %eq3A_2031 = arith.cmpi eq, %and3A_2028, %eq3A_2030 : vector<8x2048xi32>
    %slice3A_2032 = vector.extract_strided_slice %select_n3A_2024 {offsets = [0, 4], sizes = [8, 2044], strides = [1, 1]} : vector<8x2048xf32> to vector<8x2044xf32>
    %slice3A_2033 = vector.extract_strided_slice %select_n3A_2024 {offsets = [0, 0], sizes = [8, 4], strides = [1, 1]} : vector<8x2048xf32> to vector<8x4xf32>
    %concatenate3A_2034 = tpu.concatenate %slice3A_2032, %slice3A_2033 in 1 : vector<8x2044xf32>, vector<8x4xf32> -> vector<8x2048xf32>
    %slice3A_2035 = vector.extract_strided_slice %select_n3A_2024 {offsets = [0, 2044], sizes = [8, 4], strides = [1, 1]} : vector<8x2048xf32> to vector<8x4xf32>
    %slice3A_2036 = vector.extract_strided_slice %select_n3A_2024 {offsets = [0, 0], sizes = [8, 2044], strides = [1, 1]} : vector<8x2048xf32> to vector<8x2044xf32>
    %concatenate3A_2037 = tpu.concatenate %slice3A_2035, %slice3A_2036 in 1 : vector<8x4xf32>, vector<8x2044xf32> -> vector<8x2048xf32>
    %select_n3A_2038 = arith.select %eq3A_2031, %concatenate3A_2034, %concatenate3A_2037 : vector<8x2048xi1>, vector<8x2048xf32>
    %slice3A_2039 = vector.extract_strided_slice %select_n3A_2025 {offsets = [0, 4], sizes = [8, 2044], strides = [1, 1]} : vector<8x2048xi32> to vector<8x2044xi32>
    %slice3A_2040 = vector.extract_strided_slice %select_n3A_2025 {offsets = [0, 0], sizes = [8, 4], strides = [1, 1]} : vector<8x2048xi32> to vector<8x4xi32>
    %concatenate3A_2041 = tpu.concatenate %slice3A_2039, %slice3A_2040 in 1 : vector<8x2044xi32>, vector<8x4xi32> -> vector<8x2048xi32>
    %slice3A_2042 = vector.extract_strided_slice %select_n3A_2025 {offsets = [0, 2044], sizes = [8, 4], strides = [1, 1]} : vector<8x2048xi32> to vector<8x4xi32>
    %slice3A_2043 = vector.extract_strided_slice %select_n3A_2025 {offsets = [0, 0], sizes = [8, 2044], strides = [1, 1]} : vector<8x2048xi32> to vector<8x2044xi32>
    %concatenate3A_2044 = tpu.concatenate %slice3A_2042, %slice3A_2043 in 1 : vector<8x4xi32>, vector<8x2044xi32> -> vector<8x2048xi32>
    %select_n3A_2045 = arith.select %eq3A_2031, %concatenate3A_2041, %concatenate3A_2044 : vector<8x2048xi1>, vector<8x2048xi32>
    %and3A_2046 = arith.constant 1024 : i32
    %and3A_2047 = vector.broadcast %and3A_2046 : i32 to vector<8x2048xi32>
    %and3A_2048 = arith.andi %iota3A_5, %and3A_2047 : vector<8x2048xi32>
    %eq3A_2049 = arith.constant 0 : i32
    %eq3A_2050 = vector.broadcast %eq3A_2049 : i32 to vector<8x2048xi32>
    %eq3A_2051 = arith.cmpi eq, %and3A_2048, %eq3A_2050 : vector<8x2048xi32>
    %gt3A_2052 = arith.cmpf ogt, %select_n3A_2024, %select_n3A_2038 : vector<8x2048xf32>
    %eq3A_2053 = arith.cmpf oeq, %select_n3A_2024, %select_n3A_2038 : vector<8x2048xf32>
    %lt3A_2054 = arith.cmpi slt, %select_n3A_2025, %select_n3A_2045 : vector<8x2048xi32>
    %and3A_2055 = arith.andi %eq3A_2053, %lt3A_2054 : vector<8x2048xi1>
    %or3A_2056 = arith.ori %gt3A_2052, %and3A_2055 : vector<8x2048xi1>
    %eq3A_2057 = arith.xori %eq3A_2031, %eq3A_2051 : vector<8x2048xi1>
    %eq3A_2058 = arith.constant dense<true> : vector<8x2048xi1>
    %eq3A_2059 = arith.xori %eq3A_2057, %eq3A_2058 : vector<8x2048xi1>
    %eq3A_2060 = arith.xori %or3A_2056, %eq3A_2059 : vector<8x2048xi1>
    %eq3A_2061 = arith.constant dense<true> : vector<8x2048xi1>
    %eq3A_2062 = arith.xori %eq3A_2060, %eq3A_2061 : vector<8x2048xi1>
    %select_n3A_2063 = arith.select %eq3A_2062, %select_n3A_2024, %select_n3A_2038 : vector<8x2048xi1>, vector<8x2048xf32>
    %select_n3A_2064 = arith.select %eq3A_2062, %select_n3A_2025, %select_n3A_2045 : vector<8x2048xi1>, vector<8x2048xi32>
    %and3A_2065 = arith.constant 2 : i32
    %and3A_2066 = vector.broadcast %and3A_2065 : i32 to vector<8x2048xi32>
    %and3A_2067 = arith.andi %iota3A_5, %and3A_2066 : vector<8x2048xi32>
    %eq3A_2068 = arith.constant 0 : i32
    %eq3A_2069 = vector.broadcast %eq3A_2068 : i32 to vector<8x2048xi32>
    %eq3A_2070 = arith.cmpi eq, %and3A_2067, %eq3A_2069 : vector<8x2048xi32>
    %slice3A_2071 = vector.extract_strided_slice %select_n3A_2063 {offsets = [0, 2], sizes = [8, 2046], strides = [1, 1]} : vector<8x2048xf32> to vector<8x2046xf32>
    %slice3A_2072 = vector.extract_strided_slice %select_n3A_2063 {offsets = [0, 0], sizes = [8, 2], strides = [1, 1]} : vector<8x2048xf32> to vector<8x2xf32>
    %concatenate3A_2073 = tpu.concatenate %slice3A_2071, %slice3A_2072 in 1 : vector<8x2046xf32>, vector<8x2xf32> -> vector<8x2048xf32>
    %slice3A_2074 = vector.extract_strided_slice %select_n3A_2063 {offsets = [0, 2046], sizes = [8, 2], strides = [1, 1]} : vector<8x2048xf32> to vector<8x2xf32>
    %slice3A_2075 = vector.extract_strided_slice %select_n3A_2063 {offsets = [0, 0], sizes = [8, 2046], strides = [1, 1]} : vector<8x2048xf32> to vector<8x2046xf32>
    %concatenate3A_2076 = tpu.concatenate %slice3A_2074, %slice3A_2075 in 1 : vector<8x2xf32>, vector<8x2046xf32> -> vector<8x2048xf32>
    %select_n3A_2077 = arith.select %eq3A_2070, %concatenate3A_2073, %concatenate3A_2076 : vector<8x2048xi1>, vector<8x2048xf32>
    %slice3A_2078 = vector.extract_strided_slice %select_n3A_2064 {offsets = [0, 2], sizes = [8, 2046], strides = [1, 1]} : vector<8x2048xi32> to vector<8x2046xi32>
    %slice3A_2079 = vector.extract_strided_slice %select_n3A_2064 {offsets = [0, 0], sizes = [8, 2], strides = [1, 1]} : vector<8x2048xi32> to vector<8x2xi32>
    %concatenate3A_2080 = tpu.concatenate %slice3A_2078, %slice3A_2079 in 1 : vector<8x2046xi32>, vector<8x2xi32> -> vector<8x2048xi32>
    %slice3A_2081 = vector.extract_strided_slice %select_n3A_2064 {offsets = [0, 2046], sizes = [8, 2], strides = [1, 1]} : vector<8x2048xi32> to vector<8x2xi32>
    %slice3A_2082 = vector.extract_strided_slice %select_n3A_2064 {offsets = [0, 0], sizes = [8, 2046], strides = [1, 1]} : vector<8x2048xi32> to vector<8x2046xi32>
    %concatenate3A_2083 = tpu.concatenate %slice3A_2081, %slice3A_2082 in 1 : vector<8x2xi32>, vector<8x2046xi32> -> vector<8x2048xi32>
    %select_n3A_2084 = arith.select %eq3A_2070, %concatenate3A_2080, %concatenate3A_2083 : vector<8x2048xi1>, vector<8x2048xi32>
    %and3A_2085 = arith.constant 1024 : i32
    %and3A_2086 = vector.broadcast %and3A_2085 : i32 to vector<8x2048xi32>
    %and3A_2087 = arith.andi %iota3A_5, %and3A_2086 : vector<8x2048xi32>
    %eq3A_2088 = arith.constant 0 : i32
    %eq3A_2089 = vector.broadcast %eq3A_2088 : i32 to vector<8x2048xi32>
    %eq3A_2090 = arith.cmpi eq, %and3A_2087, %eq3A_2089 : vector<8x2048xi32>
    %gt3A_2091 = arith.cmpf ogt, %select_n3A_2063, %select_n3A_2077 : vector<8x2048xf32>
    %eq3A_2092 = arith.cmpf oeq, %select_n3A_2063, %select_n3A_2077 : vector<8x2048xf32>
    %lt3A_2093 = arith.cmpi slt, %select_n3A_2064, %select_n3A_2084 : vector<8x2048xi32>
    %and3A_2094 = arith.andi %eq3A_2092, %lt3A_2093 : vector<8x2048xi1>
    %or3A_2095 = arith.ori %gt3A_2091, %and3A_2094 : vector<8x2048xi1>
    %eq3A_2096 = arith.xori %eq3A_2070, %eq3A_2090 : vector<8x2048xi1>
    %eq3A_2097 = arith.constant dense<true> : vector<8x2048xi1>
    %eq3A_2098 = arith.xori %eq3A_2096, %eq3A_2097 : vector<8x2048xi1>
    %eq3A_2099 = arith.xori %or3A_2095, %eq3A_2098 : vector<8x2048xi1>
    %eq3A_2100 = arith.constant dense<true> : vector<8x2048xi1>
    %eq3A_2101 = arith.xori %eq3A_2099, %eq3A_2100 : vector<8x2048xi1>
    %select_n3A_2102 = arith.select %eq3A_2101, %select_n3A_2063, %select_n3A_2077 : vector<8x2048xi1>, vector<8x2048xf32>
    %select_n3A_2103 = arith.select %eq3A_2101, %select_n3A_2064, %select_n3A_2084 : vector<8x2048xi1>, vector<8x2048xi32>
    %and3A_2104 = arith.constant 1 : i32
    %and3A_2105 = vector.broadcast %and3A_2104 : i32 to vector<8x2048xi32>
    %and3A_2106 = arith.andi %iota3A_5, %and3A_2105 : vector<8x2048xi32>
    %eq3A_2107 = arith.constant 0 : i32
    %eq3A_2108 = vector.broadcast %eq3A_2107 : i32 to vector<8x2048xi32>
    %eq3A_2109 = arith.cmpi eq, %and3A_2106, %eq3A_2108 : vector<8x2048xi32>
    %slice3A_2110 = vector.extract_strided_slice %select_n3A_2102 {offsets = [0, 1], sizes = [8, 2047], strides = [1, 1]} : vector<8x2048xf32> to vector<8x2047xf32>
    %slice3A_2111 = vector.extract_strided_slice %select_n3A_2102 {offsets = [0, 0], sizes = [8, 1], strides = [1, 1]} : vector<8x2048xf32> to vector<8x1xf32>
    %concatenate3A_2112 = tpu.concatenate %slice3A_2110, %slice3A_2111 in 1 : vector<8x2047xf32>, vector<8x1xf32> -> vector<8x2048xf32>
    %slice3A_2113 = vector.extract_strided_slice %select_n3A_2102 {offsets = [0, 2047], sizes = [8, 1], strides = [1, 1]} : vector<8x2048xf32> to vector<8x1xf32>
    %slice3A_2114 = vector.extract_strided_slice %select_n3A_2102 {offsets = [0, 0], sizes = [8, 2047], strides = [1, 1]} : vector<8x2048xf32> to vector<8x2047xf32>
    %concatenate3A_2115 = tpu.concatenate %slice3A_2113, %slice3A_2114 in 1 : vector<8x1xf32>, vector<8x2047xf32> -> vector<8x2048xf32>
    %select_n3A_2116 = arith.select %eq3A_2109, %concatenate3A_2112, %concatenate3A_2115 : vector<8x2048xi1>, vector<8x2048xf32>
    %slice3A_2117 = vector.extract_strided_slice %select_n3A_2103 {offsets = [0, 1], sizes = [8, 2047], strides = [1, 1]} : vector<8x2048xi32> to vector<8x2047xi32>
    %slice3A_2118 = vector.extract_strided_slice %select_n3A_2103 {offsets = [0, 0], sizes = [8, 1], strides = [1, 1]} : vector<8x2048xi32> to vector<8x1xi32>
    %concatenate3A_2119 = tpu.concatenate %slice3A_2117, %slice3A_2118 in 1 : vector<8x2047xi32>, vector<8x1xi32> -> vector<8x2048xi32>
    %slice3A_2120 = vector.extract_strided_slice %select_n3A_2103 {offsets = [0, 2047], sizes = [8, 1], strides = [1, 1]} : vector<8x2048xi32> to vector<8x1xi32>
    %slice3A_2121 = vector.extract_strided_slice %select_n3A_2103 {offsets = [0, 0], sizes = [8, 2047], strides = [1, 1]} : vector<8x2048xi32> to vector<8x2047xi32>
    %concatenate3A_2122 = tpu.concatenate %slice3A_2120, %slice3A_2121 in 1 : vector<8x1xi32>, vector<8x2047xi32> -> vector<8x2048xi32>
    %select_n3A_2123 = arith.select %eq3A_2109, %concatenate3A_2119, %concatenate3A_2122 : vector<8x2048xi1>, vector<8x2048xi32>
    %and3A_2124 = arith.constant 1024 : i32
    %and3A_2125 = vector.broadcast %and3A_2124 : i32 to vector<8x2048xi32>
    %and3A_2126 = arith.andi %iota3A_5, %and3A_2125 : vector<8x2048xi32>
    %eq3A_2127 = arith.constant 0 : i32
    %eq3A_2128 = vector.broadcast %eq3A_2127 : i32 to vector<8x2048xi32>
    %eq3A_2129 = arith.cmpi eq, %and3A_2126, %eq3A_2128 : vector<8x2048xi32>
    %gt3A_2130 = arith.cmpf ogt, %select_n3A_2102, %select_n3A_2116 : vector<8x2048xf32>
    %eq3A_2131 = arith.cmpf oeq, %select_n3A_2102, %select_n3A_2116 : vector<8x2048xf32>
    %lt3A_2132 = arith.cmpi slt, %select_n3A_2103, %select_n3A_2123 : vector<8x2048xi32>
    %and3A_2133 = arith.andi %eq3A_2131, %lt3A_2132 : vector<8x2048xi1>
    %or3A_2134 = arith.ori %gt3A_2130, %and3A_2133 : vector<8x2048xi1>
    %eq3A_2135 = arith.xori %eq3A_2109, %eq3A_2129 : vector<8x2048xi1>
    %eq3A_2136 = arith.constant dense<true> : vector<8x2048xi1>
    %eq3A_2137 = arith.xori %eq3A_2135, %eq3A_2136 : vector<8x2048xi1>
    %eq3A_2138 = arith.xori %or3A_2134, %eq3A_2137 : vector<8x2048xi1>
    %eq3A_2139 = arith.constant dense<true> : vector<8x2048xi1>
    %eq3A_2140 = arith.xori %eq3A_2138, %eq3A_2139 : vector<8x2048xi1>
    %select_n3A_2141 = arith.select %eq3A_2140, %select_n3A_2102, %select_n3A_2116 : vector<8x2048xi1>, vector<8x2048xf32>
    %select_n3A_2142 = arith.select %eq3A_2140, %select_n3A_2103, %select_n3A_2123 : vector<8x2048xi1>, vector<8x2048xi32>
    %and3A_2143 = arith.constant 1024 : i32
    %and3A_2144 = vector.broadcast %and3A_2143 : i32 to vector<8x2048xi32>
    %and3A_2145 = arith.andi %iota3A_5, %and3A_2144 : vector<8x2048xi32>
    %eq3A_2146 = arith.constant 0 : i32
    %eq3A_2147 = vector.broadcast %eq3A_2146 : i32 to vector<8x2048xi32>
    %eq3A_2148 = arith.cmpi eq, %and3A_2145, %eq3A_2147 : vector<8x2048xi32>
    %slice3A_2149 = vector.extract_strided_slice %select_n3A_2141 {offsets = [0, 1024], sizes = [8, 1024], strides = [1, 1]} : vector<8x2048xf32> to vector<8x1024xf32>
    %slice3A_2150 = vector.extract_strided_slice %select_n3A_2141 {offsets = [0, 0], sizes = [8, 1024], strides = [1, 1]} : vector<8x2048xf32> to vector<8x1024xf32>
    %concatenate3A_2151 = tpu.concatenate %slice3A_2149, %slice3A_2150 in 1 : vector<8x1024xf32>, vector<8x1024xf32> -> vector<8x2048xf32>
    %slice3A_2152 = vector.extract_strided_slice %select_n3A_2141 {offsets = [0, 1024], sizes = [8, 1024], strides = [1, 1]} : vector<8x2048xf32> to vector<8x1024xf32>
    %slice3A_2153 = vector.extract_strided_slice %select_n3A_2141 {offsets = [0, 0], sizes = [8, 1024], strides = [1, 1]} : vector<8x2048xf32> to vector<8x1024xf32>
    %concatenate3A_2154 = tpu.concatenate %slice3A_2152, %slice3A_2153 in 1 : vector<8x1024xf32>, vector<8x1024xf32> -> vector<8x2048xf32>
    %select_n3A_2155 = arith.select %eq3A_2148, %concatenate3A_2151, %concatenate3A_2154 : vector<8x2048xi1>, vector<8x2048xf32>
    %slice3A_2156 = vector.extract_strided_slice %select_n3A_2142 {offsets = [0, 1024], sizes = [8, 1024], strides = [1, 1]} : vector<8x2048xi32> to vector<8x1024xi32>
    %slice3A_2157 = vector.extract_strided_slice %select_n3A_2142 {offsets = [0, 0], sizes = [8, 1024], strides = [1, 1]} : vector<8x2048xi32> to vector<8x1024xi32>
    %concatenate3A_2158 = tpu.concatenate %slice3A_2156, %slice3A_2157 in 1 : vector<8x1024xi32>, vector<8x1024xi32> -> vector<8x2048xi32>
    %slice3A_2159 = vector.extract_strided_slice %select_n3A_2142 {offsets = [0, 1024], sizes = [8, 1024], strides = [1, 1]} : vector<8x2048xi32> to vector<8x1024xi32>
    %slice3A_2160 = vector.extract_strided_slice %select_n3A_2142 {offsets = [0, 0], sizes = [8, 1024], strides = [1, 1]} : vector<8x2048xi32> to vector<8x1024xi32>
    %concatenate3A_2161 = tpu.concatenate %slice3A_2159, %slice3A_2160 in 1 : vector<8x1024xi32>, vector<8x1024xi32> -> vector<8x2048xi32>
    %select_n3A_2162 = arith.select %eq3A_2148, %concatenate3A_2158, %concatenate3A_2161 : vector<8x2048xi1>, vector<8x2048xi32>
    %and3A_2163 = arith.constant 2048 : i32
    %and3A_2164 = vector.broadcast %and3A_2163 : i32 to vector<8x2048xi32>
    %and3A_2165 = arith.andi %iota3A_5, %and3A_2164 : vector<8x2048xi32>
    %eq3A_2166 = arith.constant 0 : i32
    %eq3A_2167 = vector.broadcast %eq3A_2166 : i32 to vector<8x2048xi32>
    %eq3A_2168 = arith.cmpi eq, %and3A_2165, %eq3A_2167 : vector<8x2048xi32>
    %gt3A_2169 = arith.cmpf ogt, %select_n3A_2141, %select_n3A_2155 : vector<8x2048xf32>
    %eq3A_2170 = arith.cmpf oeq, %select_n3A_2141, %select_n3A_2155 : vector<8x2048xf32>
    %lt3A_2171 = arith.cmpi slt, %select_n3A_2142, %select_n3A_2162 : vector<8x2048xi32>
    %and3A_2172 = arith.andi %eq3A_2170, %lt3A_2171 : vector<8x2048xi1>
    %or3A_2173 = arith.ori %gt3A_2169, %and3A_2172 : vector<8x2048xi1>
    %eq3A_2174 = arith.xori %eq3A_2148, %eq3A_2168 : vector<8x2048xi1>
    %eq3A_2175 = arith.constant dense<true> : vector<8x2048xi1>
    %eq3A_2176 = arith.xori %eq3A_2174, %eq3A_2175 : vector<8x2048xi1>
    %eq3A_2177 = arith.xori %or3A_2173, %eq3A_2176 : vector<8x2048xi1>
    %eq3A_2178 = arith.constant dense<true> : vector<8x2048xi1>
    %eq3A_2179 = arith.xori %eq3A_2177, %eq3A_2178 : vector<8x2048xi1>
    %select_n3A_2180 = arith.select %eq3A_2179, %select_n3A_2141, %select_n3A_2155 : vector<8x2048xi1>, vector<8x2048xf32>
    %select_n3A_2181 = arith.select %eq3A_2179, %select_n3A_2142, %select_n3A_2162 : vector<8x2048xi1>, vector<8x2048xi32>
    %and3A_2182 = arith.constant 512 : i32
    %and3A_2183 = vector.broadcast %and3A_2182 : i32 to vector<8x2048xi32>
    %and3A_2184 = arith.andi %iota3A_5, %and3A_2183 : vector<8x2048xi32>
    %eq3A_2185 = arith.constant 0 : i32
    %eq3A_2186 = vector.broadcast %eq3A_2185 : i32 to vector<8x2048xi32>
    %eq3A_2187 = arith.cmpi eq, %and3A_2184, %eq3A_2186 : vector<8x2048xi32>
    %slice3A_2188 = vector.extract_strided_slice %select_n3A_2180 {offsets = [0, 512], sizes = [8, 1536], strides = [1, 1]} : vector<8x2048xf32> to vector<8x1536xf32>
    %slice3A_2189 = vector.extract_strided_slice %select_n3A_2180 {offsets = [0, 0], sizes = [8, 512], strides = [1, 1]} : vector<8x2048xf32> to vector<8x512xf32>
    %concatenate3A_2190 = tpu.concatenate %slice3A_2188, %slice3A_2189 in 1 : vector<8x1536xf32>, vector<8x512xf32> -> vector<8x2048xf32>
    %slice3A_2191 = vector.extract_strided_slice %select_n3A_2180 {offsets = [0, 1536], sizes = [8, 512], strides = [1, 1]} : vector<8x2048xf32> to vector<8x512xf32>
    %slice3A_2192 = vector.extract_strided_slice %select_n3A_2180 {offsets = [0, 0], sizes = [8, 1536], strides = [1, 1]} : vector<8x2048xf32> to vector<8x1536xf32>
    %concatenate3A_2193 = tpu.concatenate %slice3A_2191, %slice3A_2192 in 1 : vector<8x512xf32>, vector<8x1536xf32> -> vector<8x2048xf32>
    %select_n3A_2194 = arith.select %eq3A_2187, %concatenate3A_2190, %concatenate3A_2193 : vector<8x2048xi1>, vector<8x2048xf32>
    %slice3A_2195 = vector.extract_strided_slice %select_n3A_2181 {offsets = [0, 512], sizes = [8, 1536], strides = [1, 1]} : vector<8x2048xi32> to vector<8x1536xi32>
    %slice3A_2196 = vector.extract_strided_slice %select_n3A_2181 {offsets = [0, 0], sizes = [8, 512], strides = [1, 1]} : vector<8x2048xi32> to vector<8x512xi32>
    %concatenate3A_2197 = tpu.concatenate %slice3A_2195, %slice3A_2196 in 1 : vector<8x1536xi32>, vector<8x512xi32> -> vector<8x2048xi32>
    %slice3A_2198 = vector.extract_strided_slice %select_n3A_2181 {offsets = [0, 1536], sizes = [8, 512], strides = [1, 1]} : vector<8x2048xi32> to vector<8x512xi32>
    %slice3A_2199 = vector.extract_strided_slice %select_n3A_2181 {offsets = [0, 0], sizes = [8, 1536], strides = [1, 1]} : vector<8x2048xi32> to vector<8x1536xi32>
    %concatenate3A_2200 = tpu.concatenate %slice3A_2198, %slice3A_2199 in 1 : vector<8x512xi32>, vector<8x1536xi32> -> vector<8x2048xi32>
    %select_n3A_2201 = arith.select %eq3A_2187, %concatenate3A_2197, %concatenate3A_2200 : vector<8x2048xi1>, vector<8x2048xi32>
    %and3A_2202 = arith.constant 2048 : i32
    %and3A_2203 = vector.broadcast %and3A_2202 : i32 to vector<8x2048xi32>
    %and3A_2204 = arith.andi %iota3A_5, %and3A_2203 : vector<8x2048xi32>
    %eq3A_2205 = arith.constant 0 : i32
    %eq3A_2206 = vector.broadcast %eq3A_2205 : i32 to vector<8x2048xi32>
    %eq3A_2207 = arith.cmpi eq, %and3A_2204, %eq3A_2206 : vector<8x2048xi32>
    %gt3A_2208 = arith.cmpf ogt, %select_n3A_2180, %select_n3A_2194 : vector<8x2048xf32>
    %eq3A_2209 = arith.cmpf oeq, %select_n3A_2180, %select_n3A_2194 : vector<8x2048xf32>
    %lt3A_2210 = arith.cmpi slt, %select_n3A_2181, %select_n3A_2201 : vector<8x2048xi32>
    %and3A_2211 = arith.andi %eq3A_2209, %lt3A_2210 : vector<8x2048xi1>
    %or3A_2212 = arith.ori %gt3A_2208, %and3A_2211 : vector<8x2048xi1>
    %eq3A_2213 = arith.xori %eq3A_2187, %eq3A_2207 : vector<8x2048xi1>
    %eq3A_2214 = arith.constant dense<true> : vector<8x2048xi1>
    %eq3A_2215 = arith.xori %eq3A_2213, %eq3A_2214 : vector<8x2048xi1>
    %eq3A_2216 = arith.xori %or3A_2212, %eq3A_2215 : vector<8x2048xi1>
    %eq3A_2217 = arith.constant dense<true> : vector<8x2048xi1>
    %eq3A_2218 = arith.xori %eq3A_2216, %eq3A_2217 : vector<8x2048xi1>
    %select_n3A_2219 = arith.select %eq3A_2218, %select_n3A_2180, %select_n3A_2194 : vector<8x2048xi1>, vector<8x2048xf32>
    %select_n3A_2220 = arith.select %eq3A_2218, %select_n3A_2181, %select_n3A_2201 : vector<8x2048xi1>, vector<8x2048xi32>
    %and3A_2221 = arith.constant 256 : i32
    %and3A_2222 = vector.broadcast %and3A_2221 : i32 to vector<8x2048xi32>
    %and3A_2223 = arith.andi %iota3A_5, %and3A_2222 : vector<8x2048xi32>
    %eq3A_2224 = arith.constant 0 : i32
    %eq3A_2225 = vector.broadcast %eq3A_2224 : i32 to vector<8x2048xi32>
    %eq3A_2226 = arith.cmpi eq, %and3A_2223, %eq3A_2225 : vector<8x2048xi32>
    %slice3A_2227 = vector.extract_strided_slice %select_n3A_2219 {offsets = [0, 256], sizes = [8, 1792], strides = [1, 1]} : vector<8x2048xf32> to vector<8x1792xf32>
    %slice3A_2228 = vector.extract_strided_slice %select_n3A_2219 {offsets = [0, 0], sizes = [8, 256], strides = [1, 1]} : vector<8x2048xf32> to vector<8x256xf32>
    %concatenate3A_2229 = tpu.concatenate %slice3A_2227, %slice3A_2228 in 1 : vector<8x1792xf32>, vector<8x256xf32> -> vector<8x2048xf32>
    %slice3A_2230 = vector.extract_strided_slice %select_n3A_2219 {offsets = [0, 1792], sizes = [8, 256], strides = [1, 1]} : vector<8x2048xf32> to vector<8x256xf32>
    %slice3A_2231 = vector.extract_strided_slice %select_n3A_2219 {offsets = [0, 0], sizes = [8, 1792], strides = [1, 1]} : vector<8x2048xf32> to vector<8x1792xf32>
    %concatenate3A_2232 = tpu.concatenate %slice3A_2230, %slice3A_2231 in 1 : vector<8x256xf32>, vector<8x1792xf32> -> vector<8x2048xf32>
    %select_n3A_2233 = arith.select %eq3A_2226, %concatenate3A_2229, %concatenate3A_2232 : vector<8x2048xi1>, vector<8x2048xf32>
    %slice3A_2234 = vector.extract_strided_slice %select_n3A_2220 {offsets = [0, 256], sizes = [8, 1792], strides = [1, 1]} : vector<8x2048xi32> to vector<8x1792xi32>
    %slice3A_2235 = vector.extract_strided_slice %select_n3A_2220 {offsets = [0, 0], sizes = [8, 256], strides = [1, 1]} : vector<8x2048xi32> to vector<8x256xi32>
    %concatenate3A_2236 = tpu.concatenate %slice3A_2234, %slice3A_2235 in 1 : vector<8x1792xi32>, vector<8x256xi32> -> vector<8x2048xi32>
    %slice3A_2237 = vector.extract_strided_slice %select_n3A_2220 {offsets = [0, 1792], sizes = [8, 256], strides = [1, 1]} : vector<8x2048xi32> to vector<8x256xi32>
    %slice3A_2238 = vector.extract_strided_slice %select_n3A_2220 {offsets = [0, 0], sizes = [8, 1792], strides = [1, 1]} : vector<8x2048xi32> to vector<8x1792xi32>
    %concatenate3A_2239 = tpu.concatenate %slice3A_2237, %slice3A_2238 in 1 : vector<8x256xi32>, vector<8x1792xi32> -> vector<8x2048xi32>
    %select_n3A_2240 = arith.select %eq3A_2226, %concatenate3A_2236, %concatenate3A_2239 : vector<8x2048xi1>, vector<8x2048xi32>
    %and3A_2241 = arith.constant 2048 : i32
    %and3A_2242 = vector.broadcast %and3A_2241 : i32 to vector<8x2048xi32>
    %and3A_2243 = arith.andi %iota3A_5, %and3A_2242 : vector<8x2048xi32>
    %eq3A_2244 = arith.constant 0 : i32
    %eq3A_2245 = vector.broadcast %eq3A_2244 : i32 to vector<8x2048xi32>
    %eq3A_2246 = arith.cmpi eq, %and3A_2243, %eq3A_2245 : vector<8x2048xi32>
    %gt3A_2247 = arith.cmpf ogt, %select_n3A_2219, %select_n3A_2233 : vector<8x2048xf32>
    %eq3A_2248 = arith.cmpf oeq, %select_n3A_2219, %select_n3A_2233 : vector<8x2048xf32>
    %lt3A_2249 = arith.cmpi slt, %select_n3A_2220, %select_n3A_2240 : vector<8x2048xi32>
    %and3A_2250 = arith.andi %eq3A_2248, %lt3A_2249 : vector<8x2048xi1>
    %or3A_2251 = arith.ori %gt3A_2247, %and3A_2250 : vector<8x2048xi1>
    %eq3A_2252 = arith.xori %eq3A_2226, %eq3A_2246 : vector<8x2048xi1>
    %eq3A_2253 = arith.constant dense<true> : vector<8x2048xi1>
    %eq3A_2254 = arith.xori %eq3A_2252, %eq3A_2253 : vector<8x2048xi1>
    %eq3A_2255 = arith.xori %or3A_2251, %eq3A_2254 : vector<8x2048xi1>
    %eq3A_2256 = arith.constant dense<true> : vector<8x2048xi1>
    %eq3A_2257 = arith.xori %eq3A_2255, %eq3A_2256 : vector<8x2048xi1>
    %select_n3A_2258 = arith.select %eq3A_2257, %select_n3A_2219, %select_n3A_2233 : vector<8x2048xi1>, vector<8x2048xf32>
    %select_n3A_2259 = arith.select %eq3A_2257, %select_n3A_2220, %select_n3A_2240 : vector<8x2048xi1>, vector<8x2048xi32>
    %and3A_2260 = arith.constant 128 : i32
    %and3A_2261 = vector.broadcast %and3A_2260 : i32 to vector<8x2048xi32>
    %and3A_2262 = arith.andi %iota3A_5, %and3A_2261 : vector<8x2048xi32>
    %eq3A_2263 = arith.constant 0 : i32
    %eq3A_2264 = vector.broadcast %eq3A_2263 : i32 to vector<8x2048xi32>
    %eq3A_2265 = arith.cmpi eq, %and3A_2262, %eq3A_2264 : vector<8x2048xi32>
    %slice3A_2266 = vector.extract_strided_slice %select_n3A_2258 {offsets = [0, 128], sizes = [8, 1920], strides = [1, 1]} : vector<8x2048xf32> to vector<8x1920xf32>
    %slice3A_2267 = vector.extract_strided_slice %select_n3A_2258 {offsets = [0, 0], sizes = [8, 128], strides = [1, 1]} : vector<8x2048xf32> to vector<8x128xf32>
    %concatenate3A_2268 = tpu.concatenate %slice3A_2266, %slice3A_2267 in 1 : vector<8x1920xf32>, vector<8x128xf32> -> vector<8x2048xf32>
    %slice3A_2269 = vector.extract_strided_slice %select_n3A_2258 {offsets = [0, 1920], sizes = [8, 128], strides = [1, 1]} : vector<8x2048xf32> to vector<8x128xf32>
    %slice3A_2270 = vector.extract_strided_slice %select_n3A_2258 {offsets = [0, 0], sizes = [8, 1920], strides = [1, 1]} : vector<8x2048xf32> to vector<8x1920xf32>
    %concatenate3A_2271 = tpu.concatenate %slice3A_2269, %slice3A_2270 in 1 : vector<8x128xf32>, vector<8x1920xf32> -> vector<8x2048xf32>
    %select_n3A_2272 = arith.select %eq3A_2265, %concatenate3A_2268, %concatenate3A_2271 : vector<8x2048xi1>, vector<8x2048xf32>
    %slice3A_2273 = vector.extract_strided_slice %select_n3A_2259 {offsets = [0, 128], sizes = [8, 1920], strides = [1, 1]} : vector<8x2048xi32> to vector<8x1920xi32>
    %slice3A_2274 = vector.extract_strided_slice %select_n3A_2259 {offsets = [0, 0], sizes = [8, 128], strides = [1, 1]} : vector<8x2048xi32> to vector<8x128xi32>
    %concatenate3A_2275 = tpu.concatenate %slice3A_2273, %slice3A_2274 in 1 : vector<8x1920xi32>, vector<8x128xi32> -> vector<8x2048xi32>
    %slice3A_2276 = vector.extract_strided_slice %select_n3A_2259 {offsets = [0, 1920], sizes = [8, 128], strides = [1, 1]} : vector<8x2048xi32> to vector<8x128xi32>
    %slice3A_2277 = vector.extract_strided_slice %select_n3A_2259 {offsets = [0, 0], sizes = [8, 1920], strides = [1, 1]} : vector<8x2048xi32> to vector<8x1920xi32>
    %concatenate3A_2278 = tpu.concatenate %slice3A_2276, %slice3A_2277 in 1 : vector<8x128xi32>, vector<8x1920xi32> -> vector<8x2048xi32>
    %select_n3A_2279 = arith.select %eq3A_2265, %concatenate3A_2275, %concatenate3A_2278 : vector<8x2048xi1>, vector<8x2048xi32>
    %and3A_2280 = arith.constant 2048 : i32
    %and3A_2281 = vector.broadcast %and3A_2280 : i32 to vector<8x2048xi32>
    %and3A_2282 = arith.andi %iota3A_5, %and3A_2281 : vector<8x2048xi32>
    %eq3A_2283 = arith.constant 0 : i32
    %eq3A_2284 = vector.broadcast %eq3A_2283 : i32 to vector<8x2048xi32>
    %eq3A_2285 = arith.cmpi eq, %and3A_2282, %eq3A_2284 : vector<8x2048xi32>
    %gt3A_2286 = arith.cmpf ogt, %select_n3A_2258, %select_n3A_2272 : vector<8x2048xf32>
    %eq3A_2287 = arith.cmpf oeq, %select_n3A_2258, %select_n3A_2272 : vector<8x2048xf32>
    %lt3A_2288 = arith.cmpi slt, %select_n3A_2259, %select_n3A_2279 : vector<8x2048xi32>
    %and3A_2289 = arith.andi %eq3A_2287, %lt3A_2288 : vector<8x2048xi1>
    %or3A_2290 = arith.ori %gt3A_2286, %and3A_2289 : vector<8x2048xi1>
    %eq3A_2291 = arith.xori %eq3A_2265, %eq3A_2285 : vector<8x2048xi1>
    %eq3A_2292 = arith.constant dense<true> : vector<8x2048xi1>
    %eq3A_2293 = arith.xori %eq3A_2291, %eq3A_2292 : vector<8x2048xi1>
    %eq3A_2294 = arith.xori %or3A_2290, %eq3A_2293 : vector<8x2048xi1>
    %eq3A_2295 = arith.constant dense<true> : vector<8x2048xi1>
    %eq3A_2296 = arith.xori %eq3A_2294, %eq3A_2295 : vector<8x2048xi1>
    %select_n3A_2297 = arith.select %eq3A_2296, %select_n3A_2258, %select_n3A_2272 : vector<8x2048xi1>, vector<8x2048xf32>
    %select_n3A_2298 = arith.select %eq3A_2296, %select_n3A_2259, %select_n3A_2279 : vector<8x2048xi1>, vector<8x2048xi32>
    %and3A_2299 = arith.constant 64 : i32
    %and3A_2300 = vector.broadcast %and3A_2299 : i32 to vector<8x2048xi32>
    %and3A_2301 = arith.andi %iota3A_5, %and3A_2300 : vector<8x2048xi32>
    %eq3A_2302 = arith.constant 0 : i32
    %eq3A_2303 = vector.broadcast %eq3A_2302 : i32 to vector<8x2048xi32>
    %eq3A_2304 = arith.cmpi eq, %and3A_2301, %eq3A_2303 : vector<8x2048xi32>
    %slice3A_2305 = vector.extract_strided_slice %select_n3A_2297 {offsets = [0, 64], sizes = [8, 1984], strides = [1, 1]} : vector<8x2048xf32> to vector<8x1984xf32>
    %slice3A_2306 = vector.extract_strided_slice %select_n3A_2297 {offsets = [0, 0], sizes = [8, 64], strides = [1, 1]} : vector<8x2048xf32> to vector<8x64xf32>
    %concatenate3A_2307 = tpu.concatenate %slice3A_2305, %slice3A_2306 in 1 : vector<8x1984xf32>, vector<8x64xf32> -> vector<8x2048xf32>
    %slice3A_2308 = vector.extract_strided_slice %select_n3A_2297 {offsets = [0, 1984], sizes = [8, 64], strides = [1, 1]} : vector<8x2048xf32> to vector<8x64xf32>
    %slice3A_2309 = vector.extract_strided_slice %select_n3A_2297 {offsets = [0, 0], sizes = [8, 1984], strides = [1, 1]} : vector<8x2048xf32> to vector<8x1984xf32>
    %concatenate3A_2310 = tpu.concatenate %slice3A_2308, %slice3A_2309 in 1 : vector<8x64xf32>, vector<8x1984xf32> -> vector<8x2048xf32>
    %select_n3A_2311 = arith.select %eq3A_2304, %concatenate3A_2307, %concatenate3A_2310 : vector<8x2048xi1>, vector<8x2048xf32>
    %slice3A_2312 = vector.extract_strided_slice %select_n3A_2298 {offsets = [0, 64], sizes = [8, 1984], strides = [1, 1]} : vector<8x2048xi32> to vector<8x1984xi32>
    %slice3A_2313 = vector.extract_strided_slice %select_n3A_2298 {offsets = [0, 0], sizes = [8, 64], strides = [1, 1]} : vector<8x2048xi32> to vector<8x64xi32>
    %concatenate3A_2314 = tpu.concatenate %slice3A_2312, %slice3A_2313 in 1 : vector<8x1984xi32>, vector<8x64xi32> -> vector<8x2048xi32>
    %slice3A_2315 = vector.extract_strided_slice %select_n3A_2298 {offsets = [0, 1984], sizes = [8, 64], strides = [1, 1]} : vector<8x2048xi32> to vector<8x64xi32>
    %slice3A_2316 = vector.extract_strided_slice %select_n3A_2298 {offsets = [0, 0], sizes = [8, 1984], strides = [1, 1]} : vector<8x2048xi32> to vector<8x1984xi32>
    %concatenate3A_2317 = tpu.concatenate %slice3A_2315, %slice3A_2316 in 1 : vector<8x64xi32>, vector<8x1984xi32> -> vector<8x2048xi32>
    %select_n3A_2318 = arith.select %eq3A_2304, %concatenate3A_2314, %concatenate3A_2317 : vector<8x2048xi1>, vector<8x2048xi32>
    %and3A_2319 = arith.constant 2048 : i32
    %and3A_2320 = vector.broadcast %and3A_2319 : i32 to vector<8x2048xi32>
    %and3A_2321 = arith.andi %iota3A_5, %and3A_2320 : vector<8x2048xi32>
    %eq3A_2322 = arith.constant 0 : i32
    %eq3A_2323 = vector.broadcast %eq3A_2322 : i32 to vector<8x2048xi32>
    %eq3A_2324 = arith.cmpi eq, %and3A_2321, %eq3A_2323 : vector<8x2048xi32>
    %gt3A_2325 = arith.cmpf ogt, %select_n3A_2297, %select_n3A_2311 : vector<8x2048xf32>
    %eq3A_2326 = arith.cmpf oeq, %select_n3A_2297, %select_n3A_2311 : vector<8x2048xf32>
    %lt3A_2327 = arith.cmpi slt, %select_n3A_2298, %select_n3A_2318 : vector<8x2048xi32>
    %and3A_2328 = arith.andi %eq3A_2326, %lt3A_2327 : vector<8x2048xi1>
    %or3A_2329 = arith.ori %gt3A_2325, %and3A_2328 : vector<8x2048xi1>
    %eq3A_2330 = arith.xori %eq3A_2304, %eq3A_2324 : vector<8x2048xi1>
    %eq3A_2331 = arith.constant dense<true> : vector<8x2048xi1>
    %eq3A_2332 = arith.xori %eq3A_2330, %eq3A_2331 : vector<8x2048xi1>
    %eq3A_2333 = arith.xori %or3A_2329, %eq3A_2332 : vector<8x2048xi1>
    %eq3A_2334 = arith.constant dense<true> : vector<8x2048xi1>
    %eq3A_2335 = arith.xori %eq3A_2333, %eq3A_2334 : vector<8x2048xi1>
    %select_n3A_2336 = arith.select %eq3A_2335, %select_n3A_2297, %select_n3A_2311 : vector<8x2048xi1>, vector<8x2048xf32>
    %select_n3A_2337 = arith.select %eq3A_2335, %select_n3A_2298, %select_n3A_2318 : vector<8x2048xi1>, vector<8x2048xi32>
    %and3A_2338 = arith.constant 32 : i32
    %and3A_2339 = vector.broadcast %and3A_2338 : i32 to vector<8x2048xi32>
    %and3A_2340 = arith.andi %iota3A_5, %and3A_2339 : vector<8x2048xi32>
    %eq3A_2341 = arith.constant 0 : i32
    %eq3A_2342 = vector.broadcast %eq3A_2341 : i32 to vector<8x2048xi32>
    %eq3A_2343 = arith.cmpi eq, %and3A_2340, %eq3A_2342 : vector<8x2048xi32>
    %slice3A_2344 = vector.extract_strided_slice %select_n3A_2336 {offsets = [0, 32], sizes = [8, 2016], strides = [1, 1]} : vector<8x2048xf32> to vector<8x2016xf32>
    %slice3A_2345 = vector.extract_strided_slice %select_n3A_2336 {offsets = [0, 0], sizes = [8, 32], strides = [1, 1]} : vector<8x2048xf32> to vector<8x32xf32>
    %concatenate3A_2346 = tpu.concatenate %slice3A_2344, %slice3A_2345 in 1 : vector<8x2016xf32>, vector<8x32xf32> -> vector<8x2048xf32>
    %slice3A_2347 = vector.extract_strided_slice %select_n3A_2336 {offsets = [0, 2016], sizes = [8, 32], strides = [1, 1]} : vector<8x2048xf32> to vector<8x32xf32>
    %slice3A_2348 = vector.extract_strided_slice %select_n3A_2336 {offsets = [0, 0], sizes = [8, 2016], strides = [1, 1]} : vector<8x2048xf32> to vector<8x2016xf32>
    %concatenate3A_2349 = tpu.concatenate %slice3A_2347, %slice3A_2348 in 1 : vector<8x32xf32>, vector<8x2016xf32> -> vector<8x2048xf32>
    %select_n3A_2350 = arith.select %eq3A_2343, %concatenate3A_2346, %concatenate3A_2349 : vector<8x2048xi1>, vector<8x2048xf32>
    %slice3A_2351 = vector.extract_strided_slice %select_n3A_2337 {offsets = [0, 32], sizes = [8, 2016], strides = [1, 1]} : vector<8x2048xi32> to vector<8x2016xi32>
    %slice3A_2352 = vector.extract_strided_slice %select_n3A_2337 {offsets = [0, 0], sizes = [8, 32], strides = [1, 1]} : vector<8x2048xi32> to vector<8x32xi32>
    %concatenate3A_2353 = tpu.concatenate %slice3A_2351, %slice3A_2352 in 1 : vector<8x2016xi32>, vector<8x32xi32> -> vector<8x2048xi32>
    %slice3A_2354 = vector.extract_strided_slice %select_n3A_2337 {offsets = [0, 2016], sizes = [8, 32], strides = [1, 1]} : vector<8x2048xi32> to vector<8x32xi32>
    %slice3A_2355 = vector.extract_strided_slice %select_n3A_2337 {offsets = [0, 0], sizes = [8, 2016], strides = [1, 1]} : vector<8x2048xi32> to vector<8x2016xi32>
    %concatenate3A_2356 = tpu.concatenate %slice3A_2354, %slice3A_2355 in 1 : vector<8x32xi32>, vector<8x2016xi32> -> vector<8x2048xi32>
    %select_n3A_2357 = arith.select %eq3A_2343, %concatenate3A_2353, %concatenate3A_2356 : vector<8x2048xi1>, vector<8x2048xi32>
    %and3A_2358 = arith.constant 2048 : i32
    %and3A_2359 = vector.broadcast %and3A_2358 : i32 to vector<8x2048xi32>
    %and3A_2360 = arith.andi %iota3A_5, %and3A_2359 : vector<8x2048xi32>
    %eq3A_2361 = arith.constant 0 : i32
    %eq3A_2362 = vector.broadcast %eq3A_2361 : i32 to vector<8x2048xi32>
    %eq3A_2363 = arith.cmpi eq, %and3A_2360, %eq3A_2362 : vector<8x2048xi32>
    %gt3A_2364 = arith.cmpf ogt, %select_n3A_2336, %select_n3A_2350 : vector<8x2048xf32>
    %eq3A_2365 = arith.cmpf oeq, %select_n3A_2336, %select_n3A_2350 : vector<8x2048xf32>
    %lt3A_2366 = arith.cmpi slt, %select_n3A_2337, %select_n3A_2357 : vector<8x2048xi32>
    %and3A_2367 = arith.andi %eq3A_2365, %lt3A_2366 : vector<8x2048xi1>
    %or3A_2368 = arith.ori %gt3A_2364, %and3A_2367 : vector<8x2048xi1>
    %eq3A_2369 = arith.xori %eq3A_2343, %eq3A_2363 : vector<8x2048xi1>
    %eq3A_2370 = arith.constant dense<true> : vector<8x2048xi1>
    %eq3A_2371 = arith.xori %eq3A_2369, %eq3A_2370 : vector<8x2048xi1>
    %eq3A_2372 = arith.xori %or3A_2368, %eq3A_2371 : vector<8x2048xi1>
    %eq3A_2373 = arith.constant dense<true> : vector<8x2048xi1>
    %eq3A_2374 = arith.xori %eq3A_2372, %eq3A_2373 : vector<8x2048xi1>
    %select_n3A_2375 = arith.select %eq3A_2374, %select_n3A_2336, %select_n3A_2350 : vector<8x2048xi1>, vector<8x2048xf32>
    %select_n3A_2376 = arith.select %eq3A_2374, %select_n3A_2337, %select_n3A_2357 : vector<8x2048xi1>, vector<8x2048xi32>
    %and3A_2377 = arith.constant 16 : i32
    %and3A_2378 = vector.broadcast %and3A_2377 : i32 to vector<8x2048xi32>
    %and3A_2379 = arith.andi %iota3A_5, %and3A_2378 : vector<8x2048xi32>
    %eq3A_2380 = arith.constant 0 : i32
    %eq3A_2381 = vector.broadcast %eq3A_2380 : i32 to vector<8x2048xi32>
    %eq3A_2382 = arith.cmpi eq, %and3A_2379, %eq3A_2381 : vector<8x2048xi32>
    %slice3A_2383 = vector.extract_strided_slice %select_n3A_2375 {offsets = [0, 16], sizes = [8, 2032], strides = [1, 1]} : vector<8x2048xf32> to vector<8x2032xf32>
    %slice3A_2384 = vector.extract_strided_slice %select_n3A_2375 {offsets = [0, 0], sizes = [8, 16], strides = [1, 1]} : vector<8x2048xf32> to vector<8x16xf32>
    %concatenate3A_2385 = tpu.concatenate %slice3A_2383, %slice3A_2384 in 1 : vector<8x2032xf32>, vector<8x16xf32> -> vector<8x2048xf32>
    %slice3A_2386 = vector.extract_strided_slice %select_n3A_2375 {offsets = [0, 2032], sizes = [8, 16], strides = [1, 1]} : vector<8x2048xf32> to vector<8x16xf32>
    %slice3A_2387 = vector.extract_strided_slice %select_n3A_2375 {offsets = [0, 0], sizes = [8, 2032], strides = [1, 1]} : vector<8x2048xf32> to vector<8x2032xf32>
    %concatenate3A_2388 = tpu.concatenate %slice3A_2386, %slice3A_2387 in 1 : vector<8x16xf32>, vector<8x2032xf32> -> vector<8x2048xf32>
    %select_n3A_2389 = arith.select %eq3A_2382, %concatenate3A_2385, %concatenate3A_2388 : vector<8x2048xi1>, vector<8x2048xf32>
    %slice3A_2390 = vector.extract_strided_slice %select_n3A_2376 {offsets = [0, 16], sizes = [8, 2032], strides = [1, 1]} : vector<8x2048xi32> to vector<8x2032xi32>
    %slice3A_2391 = vector.extract_strided_slice %select_n3A_2376 {offsets = [0, 0], sizes = [8, 16], strides = [1, 1]} : vector<8x2048xi32> to vector<8x16xi32>
    %concatenate3A_2392 = tpu.concatenate %slice3A_2390, %slice3A_2391 in 1 : vector<8x2032xi32>, vector<8x16xi32> -> vector<8x2048xi32>
    %slice3A_2393 = vector.extract_strided_slice %select_n3A_2376 {offsets = [0, 2032], sizes = [8, 16], strides = [1, 1]} : vector<8x2048xi32> to vector<8x16xi32>
    %slice3A_2394 = vector.extract_strided_slice %select_n3A_2376 {offsets = [0, 0], sizes = [8, 2032], strides = [1, 1]} : vector<8x2048xi32> to vector<8x2032xi32>
    %concatenate3A_2395 = tpu.concatenate %slice3A_2393, %slice3A_2394 in 1 : vector<8x16xi32>, vector<8x2032xi32> -> vector<8x2048xi32>
    %select_n3A_2396 = arith.select %eq3A_2382, %concatenate3A_2392, %concatenate3A_2395 : vector<8x2048xi1>, vector<8x2048xi32>
    %and3A_2397 = arith.constant 2048 : i32
    %and3A_2398 = vector.broadcast %and3A_2397 : i32 to vector<8x2048xi32>
    %and3A_2399 = arith.andi %iota3A_5, %and3A_2398 : vector<8x2048xi32>
    %eq3A_2400 = arith.constant 0 : i32
    %eq3A_2401 = vector.broadcast %eq3A_2400 : i32 to vector<8x2048xi32>
    %eq3A_2402 = arith.cmpi eq, %and3A_2399, %eq3A_2401 : vector<8x2048xi32>
    %gt3A_2403 = arith.cmpf ogt, %select_n3A_2375, %select_n3A_2389 : vector<8x2048xf32>
    %eq3A_2404 = arith.cmpf oeq, %select_n3A_2375, %select_n3A_2389 : vector<8x2048xf32>
    %lt3A_2405 = arith.cmpi slt, %select_n3A_2376, %select_n3A_2396 : vector<8x2048xi32>
    %and3A_2406 = arith.andi %eq3A_2404, %lt3A_2405 : vector<8x2048xi1>
    %or3A_2407 = arith.ori %gt3A_2403, %and3A_2406 : vector<8x2048xi1>
    %eq3A_2408 = arith.xori %eq3A_2382, %eq3A_2402 : vector<8x2048xi1>
    %eq3A_2409 = arith.constant dense<true> : vector<8x2048xi1>
    %eq3A_2410 = arith.xori %eq3A_2408, %eq3A_2409 : vector<8x2048xi1>
    %eq3A_2411 = arith.xori %or3A_2407, %eq3A_2410 : vector<8x2048xi1>
    %eq3A_2412 = arith.constant dense<true> : vector<8x2048xi1>
    %eq3A_2413 = arith.xori %eq3A_2411, %eq3A_2412 : vector<8x2048xi1>
    %select_n3A_2414 = arith.select %eq3A_2413, %select_n3A_2375, %select_n3A_2389 : vector<8x2048xi1>, vector<8x2048xf32>
    %select_n3A_2415 = arith.select %eq3A_2413, %select_n3A_2376, %select_n3A_2396 : vector<8x2048xi1>, vector<8x2048xi32>
    %and3A_2416 = arith.constant 8 : i32
    %and3A_2417 = vector.broadcast %and3A_2416 : i32 to vector<8x2048xi32>
    %and3A_2418 = arith.andi %iota3A_5, %and3A_2417 : vector<8x2048xi32>
    %eq3A_2419 = arith.constant 0 : i32
    %eq3A_2420 = vector.broadcast %eq3A_2419 : i32 to vector<8x2048xi32>
    %eq3A_2421 = arith.cmpi eq, %and3A_2418, %eq3A_2420 : vector<8x2048xi32>
    %slice3A_2422 = vector.extract_strided_slice %select_n3A_2414 {offsets = [0, 8], sizes = [8, 2040], strides = [1, 1]} : vector<8x2048xf32> to vector<8x2040xf32>
    %slice3A_2423 = vector.extract_strided_slice %select_n3A_2414 {offsets = [0, 0], sizes = [8, 8], strides = [1, 1]} : vector<8x2048xf32> to vector<8x8xf32>
    %concatenate3A_2424 = tpu.concatenate %slice3A_2422, %slice3A_2423 in 1 : vector<8x2040xf32>, vector<8x8xf32> -> vector<8x2048xf32>
    %slice3A_2425 = vector.extract_strided_slice %select_n3A_2414 {offsets = [0, 2040], sizes = [8, 8], strides = [1, 1]} : vector<8x2048xf32> to vector<8x8xf32>
    %slice3A_2426 = vector.extract_strided_slice %select_n3A_2414 {offsets = [0, 0], sizes = [8, 2040], strides = [1, 1]} : vector<8x2048xf32> to vector<8x2040xf32>
    %concatenate3A_2427 = tpu.concatenate %slice3A_2425, %slice3A_2426 in 1 : vector<8x8xf32>, vector<8x2040xf32> -> vector<8x2048xf32>
    %select_n3A_2428 = arith.select %eq3A_2421, %concatenate3A_2424, %concatenate3A_2427 : vector<8x2048xi1>, vector<8x2048xf32>
    %slice3A_2429 = vector.extract_strided_slice %select_n3A_2415 {offsets = [0, 8], sizes = [8, 2040], strides = [1, 1]} : vector<8x2048xi32> to vector<8x2040xi32>
    %slice3A_2430 = vector.extract_strided_slice %select_n3A_2415 {offsets = [0, 0], sizes = [8, 8], strides = [1, 1]} : vector<8x2048xi32> to vector<8x8xi32>
    %concatenate3A_2431 = tpu.concatenate %slice3A_2429, %slice3A_2430 in 1 : vector<8x2040xi32>, vector<8x8xi32> -> vector<8x2048xi32>
    %slice3A_2432 = vector.extract_strided_slice %select_n3A_2415 {offsets = [0, 2040], sizes = [8, 8], strides = [1, 1]} : vector<8x2048xi32> to vector<8x8xi32>
    %slice3A_2433 = vector.extract_strided_slice %select_n3A_2415 {offsets = [0, 0], sizes = [8, 2040], strides = [1, 1]} : vector<8x2048xi32> to vector<8x2040xi32>
    %concatenate3A_2434 = tpu.concatenate %slice3A_2432, %slice3A_2433 in 1 : vector<8x8xi32>, vector<8x2040xi32> -> vector<8x2048xi32>
    %select_n3A_2435 = arith.select %eq3A_2421, %concatenate3A_2431, %concatenate3A_2434 : vector<8x2048xi1>, vector<8x2048xi32>
    %and3A_2436 = arith.constant 2048 : i32
    %and3A_2437 = vector.broadcast %and3A_2436 : i32 to vector<8x2048xi32>
    %and3A_2438 = arith.andi %iota3A_5, %and3A_2437 : vector<8x2048xi32>
    %eq3A_2439 = arith.constant 0 : i32
    %eq3A_2440 = vector.broadcast %eq3A_2439 : i32 to vector<8x2048xi32>
    %eq3A_2441 = arith.cmpi eq, %and3A_2438, %eq3A_2440 : vector<8x2048xi32>
    %gt3A_2442 = arith.cmpf ogt, %select_n3A_2414, %select_n3A_2428 : vector<8x2048xf32>
    %eq3A_2443 = arith.cmpf oeq, %select_n3A_2414, %select_n3A_2428 : vector<8x2048xf32>
    %lt3A_2444 = arith.cmpi slt, %select_n3A_2415, %select_n3A_2435 : vector<8x2048xi32>
    %and3A_2445 = arith.andi %eq3A_2443, %lt3A_2444 : vector<8x2048xi1>
    %or3A_2446 = arith.ori %gt3A_2442, %and3A_2445 : vector<8x2048xi1>
    %eq3A_2447 = arith.xori %eq3A_2421, %eq3A_2441 : vector<8x2048xi1>
    %eq3A_2448 = arith.constant dense<true> : vector<8x2048xi1>
    %eq3A_2449 = arith.xori %eq3A_2447, %eq3A_2448 : vector<8x2048xi1>
    %eq3A_2450 = arith.xori %or3A_2446, %eq3A_2449 : vector<8x2048xi1>
    %eq3A_2451 = arith.constant dense<true> : vector<8x2048xi1>
    %eq3A_2452 = arith.xori %eq3A_2450, %eq3A_2451 : vector<8x2048xi1>
    %select_n3A_2453 = arith.select %eq3A_2452, %select_n3A_2414, %select_n3A_2428 : vector<8x2048xi1>, vector<8x2048xf32>
    %select_n3A_2454 = arith.select %eq3A_2452, %select_n3A_2415, %select_n3A_2435 : vector<8x2048xi1>, vector<8x2048xi32>
    %and3A_2455 = arith.constant 4 : i32
    %and3A_2456 = vector.broadcast %and3A_2455 : i32 to vector<8x2048xi32>
    %and3A_2457 = arith.andi %iota3A_5, %and3A_2456 : vector<8x2048xi32>
    %eq3A_2458 = arith.constant 0 : i32
    %eq3A_2459 = vector.broadcast %eq3A_2458 : i32 to vector<8x2048xi32>
    %eq3A_2460 = arith.cmpi eq, %and3A_2457, %eq3A_2459 : vector<8x2048xi32>
    %slice3A_2461 = vector.extract_strided_slice %select_n3A_2453 {offsets = [0, 4], sizes = [8, 2044], strides = [1, 1]} : vector<8x2048xf32> to vector<8x2044xf32>
    %slice3A_2462 = vector.extract_strided_slice %select_n3A_2453 {offsets = [0, 0], sizes = [8, 4], strides = [1, 1]} : vector<8x2048xf32> to vector<8x4xf32>
    %concatenate3A_2463 = tpu.concatenate %slice3A_2461, %slice3A_2462 in 1 : vector<8x2044xf32>, vector<8x4xf32> -> vector<8x2048xf32>
    %slice3A_2464 = vector.extract_strided_slice %select_n3A_2453 {offsets = [0, 2044], sizes = [8, 4], strides = [1, 1]} : vector<8x2048xf32> to vector<8x4xf32>
    %slice3A_2465 = vector.extract_strided_slice %select_n3A_2453 {offsets = [0, 0], sizes = [8, 2044], strides = [1, 1]} : vector<8x2048xf32> to vector<8x2044xf32>
    %concatenate3A_2466 = tpu.concatenate %slice3A_2464, %slice3A_2465 in 1 : vector<8x4xf32>, vector<8x2044xf32> -> vector<8x2048xf32>
    %select_n3A_2467 = arith.select %eq3A_2460, %concatenate3A_2463, %concatenate3A_2466 : vector<8x2048xi1>, vector<8x2048xf32>
    %slice3A_2468 = vector.extract_strided_slice %select_n3A_2454 {offsets = [0, 4], sizes = [8, 2044], strides = [1, 1]} : vector<8x2048xi32> to vector<8x2044xi32>
    %slice3A_2469 = vector.extract_strided_slice %select_n3A_2454 {offsets = [0, 0], sizes = [8, 4], strides = [1, 1]} : vector<8x2048xi32> to vector<8x4xi32>
    %concatenate3A_2470 = tpu.concatenate %slice3A_2468, %slice3A_2469 in 1 : vector<8x2044xi32>, vector<8x4xi32> -> vector<8x2048xi32>
    %slice3A_2471 = vector.extract_strided_slice %select_n3A_2454 {offsets = [0, 2044], sizes = [8, 4], strides = [1, 1]} : vector<8x2048xi32> to vector<8x4xi32>
    %slice3A_2472 = vector.extract_strided_slice %select_n3A_2454 {offsets = [0, 0], sizes = [8, 2044], strides = [1, 1]} : vector<8x2048xi32> to vector<8x2044xi32>
    %concatenate3A_2473 = tpu.concatenate %slice3A_2471, %slice3A_2472 in 1 : vector<8x4xi32>, vector<8x2044xi32> -> vector<8x2048xi32>
    %select_n3A_2474 = arith.select %eq3A_2460, %concatenate3A_2470, %concatenate3A_2473 : vector<8x2048xi1>, vector<8x2048xi32>
    %and3A_2475 = arith.constant 2048 : i32
    %and3A_2476 = vector.broadcast %and3A_2475 : i32 to vector<8x2048xi32>
    %and3A_2477 = arith.andi %iota3A_5, %and3A_2476 : vector<8x2048xi32>
    %eq3A_2478 = arith.constant 0 : i32
    %eq3A_2479 = vector.broadcast %eq3A_2478 : i32 to vector<8x2048xi32>
    %eq3A_2480 = arith.cmpi eq, %and3A_2477, %eq3A_2479 : vector<8x2048xi32>
    %gt3A_2481 = arith.cmpf ogt, %select_n3A_2453, %select_n3A_2467 : vector<8x2048xf32>
    %eq3A_2482 = arith.cmpf oeq, %select_n3A_2453, %select_n3A_2467 : vector<8x2048xf32>
    %lt3A_2483 = arith.cmpi slt, %select_n3A_2454, %select_n3A_2474 : vector<8x2048xi32>
    %and3A_2484 = arith.andi %eq3A_2482, %lt3A_2483 : vector<8x2048xi1>
    %or3A_2485 = arith.ori %gt3A_2481, %and3A_2484 : vector<8x2048xi1>
    %eq3A_2486 = arith.xori %eq3A_2460, %eq3A_2480 : vector<8x2048xi1>
    %eq3A_2487 = arith.constant dense<true> : vector<8x2048xi1>
    %eq3A_2488 = arith.xori %eq3A_2486, %eq3A_2487 : vector<8x2048xi1>
    %eq3A_2489 = arith.xori %or3A_2485, %eq3A_2488 : vector<8x2048xi1>
    %eq3A_2490 = arith.constant dense<true> : vector<8x2048xi1>
    %eq3A_2491 = arith.xori %eq3A_2489, %eq3A_2490 : vector<8x2048xi1>
    %select_n3A_2492 = arith.select %eq3A_2491, %select_n3A_2453, %select_n3A_2467 : vector<8x2048xi1>, vector<8x2048xf32>
    %select_n3A_2493 = arith.select %eq3A_2491, %select_n3A_2454, %select_n3A_2474 : vector<8x2048xi1>, vector<8x2048xi32>
    %and3A_2494 = arith.constant 2 : i32
    %and3A_2495 = vector.broadcast %and3A_2494 : i32 to vector<8x2048xi32>
    %and3A_2496 = arith.andi %iota3A_5, %and3A_2495 : vector<8x2048xi32>
    %eq3A_2497 = arith.constant 0 : i32
    %eq3A_2498 = vector.broadcast %eq3A_2497 : i32 to vector<8x2048xi32>
    %eq3A_2499 = arith.cmpi eq, %and3A_2496, %eq3A_2498 : vector<8x2048xi32>
    %slice3A_2500 = vector.extract_strided_slice %select_n3A_2492 {offsets = [0, 2], sizes = [8, 2046], strides = [1, 1]} : vector<8x2048xf32> to vector<8x2046xf32>
    %slice3A_2501 = vector.extract_strided_slice %select_n3A_2492 {offsets = [0, 0], sizes = [8, 2], strides = [1, 1]} : vector<8x2048xf32> to vector<8x2xf32>
    %concatenate3A_2502 = tpu.concatenate %slice3A_2500, %slice3A_2501 in 1 : vector<8x2046xf32>, vector<8x2xf32> -> vector<8x2048xf32>
    %slice3A_2503 = vector.extract_strided_slice %select_n3A_2492 {offsets = [0, 2046], sizes = [8, 2], strides = [1, 1]} : vector<8x2048xf32> to vector<8x2xf32>
    %slice3A_2504 = vector.extract_strided_slice %select_n3A_2492 {offsets = [0, 0], sizes = [8, 2046], strides = [1, 1]} : vector<8x2048xf32> to vector<8x2046xf32>
    %concatenate3A_2505 = tpu.concatenate %slice3A_2503, %slice3A_2504 in 1 : vector<8x2xf32>, vector<8x2046xf32> -> vector<8x2048xf32>
    %select_n3A_2506 = arith.select %eq3A_2499, %concatenate3A_2502, %concatenate3A_2505 : vector<8x2048xi1>, vector<8x2048xf32>
    %slice3A_2507 = vector.extract_strided_slice %select_n3A_2493 {offsets = [0, 2], sizes = [8, 2046], strides = [1, 1]} : vector<8x2048xi32> to vector<8x2046xi32>
    %slice3A_2508 = vector.extract_strided_slice %select_n3A_2493 {offsets = [0, 0], sizes = [8, 2], strides = [1, 1]} : vector<8x2048xi32> to vector<8x2xi32>
    %concatenate3A_2509 = tpu.concatenate %slice3A_2507, %slice3A_2508 in 1 : vector<8x2046xi32>, vector<8x2xi32> -> vector<8x2048xi32>
    %slice3A_2510 = vector.extract_strided_slice %select_n3A_2493 {offsets = [0, 2046], sizes = [8, 2], strides = [1, 1]} : vector<8x2048xi32> to vector<8x2xi32>
    %slice3A_2511 = vector.extract_strided_slice %select_n3A_2493 {offsets = [0, 0], sizes = [8, 2046], strides = [1, 1]} : vector<8x2048xi32> to vector<8x2046xi32>
    %concatenate3A_2512 = tpu.concatenate %slice3A_2510, %slice3A_2511 in 1 : vector<8x2xi32>, vector<8x2046xi32> -> vector<8x2048xi32>
    %select_n3A_2513 = arith.select %eq3A_2499, %concatenate3A_2509, %concatenate3A_2512 : vector<8x2048xi1>, vector<8x2048xi32>
    %and3A_2514 = arith.constant 2048 : i32
    %and3A_2515 = vector.broadcast %and3A_2514 : i32 to vector<8x2048xi32>
    %and3A_2516 = arith.andi %iota3A_5, %and3A_2515 : vector<8x2048xi32>
    %eq3A_2517 = arith.constant 0 : i32
    %eq3A_2518 = vector.broadcast %eq3A_2517 : i32 to vector<8x2048xi32>
    %eq3A_2519 = arith.cmpi eq, %and3A_2516, %eq3A_2518 : vector<8x2048xi32>
    %gt3A_2520 = arith.cmpf ogt, %select_n3A_2492, %select_n3A_2506 : vector<8x2048xf32>
    %eq3A_2521 = arith.cmpf oeq, %select_n3A_2492, %select_n3A_2506 : vector<8x2048xf32>
    %lt3A_2522 = arith.cmpi slt, %select_n3A_2493, %select_n3A_2513 : vector<8x2048xi32>
    %and3A_2523 = arith.andi %eq3A_2521, %lt3A_2522 : vector<8x2048xi1>
    %or3A_2524 = arith.ori %gt3A_2520, %and3A_2523 : vector<8x2048xi1>
    %eq3A_2525 = arith.xori %eq3A_2499, %eq3A_2519 : vector<8x2048xi1>
    %eq3A_2526 = arith.constant dense<true> : vector<8x2048xi1>
    %eq3A_2527 = arith.xori %eq3A_2525, %eq3A_2526 : vector<8x2048xi1>
    %eq3A_2528 = arith.xori %or3A_2524, %eq3A_2527 : vector<8x2048xi1>
    %eq3A_2529 = arith.constant dense<true> : vector<8x2048xi1>
    %eq3A_2530 = arith.xori %eq3A_2528, %eq3A_2529 : vector<8x2048xi1>
    %select_n3A_2531 = arith.select %eq3A_2530, %select_n3A_2492, %select_n3A_2506 : vector<8x2048xi1>, vector<8x2048xf32>
    %select_n3A_2532 = arith.select %eq3A_2530, %select_n3A_2493, %select_n3A_2513 : vector<8x2048xi1>, vector<8x2048xi32>
    %and3A_2533 = arith.constant 1 : i32
    %and3A_2534 = vector.broadcast %and3A_2533 : i32 to vector<8x2048xi32>
    %and3A_2535 = arith.andi %iota3A_5, %and3A_2534 : vector<8x2048xi32>
    %eq3A_2536 = arith.constant 0 : i32
    %eq3A_2537 = vector.broadcast %eq3A_2536 : i32 to vector<8x2048xi32>
    %eq3A_2538 = arith.cmpi eq, %and3A_2535, %eq3A_2537 : vector<8x2048xi32>
    %slice3A_2539 = vector.extract_strided_slice %select_n3A_2531 {offsets = [0, 1], sizes = [8, 2047], strides = [1, 1]} : vector<8x2048xf32> to vector<8x2047xf32>
    %slice3A_2540 = vector.extract_strided_slice %select_n3A_2531 {offsets = [0, 0], sizes = [8, 1], strides = [1, 1]} : vector<8x2048xf32> to vector<8x1xf32>
    %concatenate3A_2541 = tpu.concatenate %slice3A_2539, %slice3A_2540 in 1 : vector<8x2047xf32>, vector<8x1xf32> -> vector<8x2048xf32>
    %slice3A_2542 = vector.extract_strided_slice %select_n3A_2531 {offsets = [0, 2047], sizes = [8, 1], strides = [1, 1]} : vector<8x2048xf32> to vector<8x1xf32>
    %slice3A_2543 = vector.extract_strided_slice %select_n3A_2531 {offsets = [0, 0], sizes = [8, 2047], strides = [1, 1]} : vector<8x2048xf32> to vector<8x2047xf32>
    %concatenate3A_2544 = tpu.concatenate %slice3A_2542, %slice3A_2543 in 1 : vector<8x1xf32>, vector<8x2047xf32> -> vector<8x2048xf32>
    %select_n3A_2545 = arith.select %eq3A_2538, %concatenate3A_2541, %concatenate3A_2544 : vector<8x2048xi1>, vector<8x2048xf32>
    %slice3A_2546 = vector.extract_strided_slice %select_n3A_2532 {offsets = [0, 1], sizes = [8, 2047], strides = [1, 1]} : vector<8x2048xi32> to vector<8x2047xi32>
    %slice3A_2547 = vector.extract_strided_slice %select_n3A_2532 {offsets = [0, 0], sizes = [8, 1], strides = [1, 1]} : vector<8x2048xi32> to vector<8x1xi32>
    %concatenate3A_2548 = tpu.concatenate %slice3A_2546, %slice3A_2547 in 1 : vector<8x2047xi32>, vector<8x1xi32> -> vector<8x2048xi32>
    %slice3A_2549 = vector.extract_strided_slice %select_n3A_2532 {offsets = [0, 2047], sizes = [8, 1], strides = [1, 1]} : vector<8x2048xi32> to vector<8x1xi32>
    %slice3A_2550 = vector.extract_strided_slice %select_n3A_2532 {offsets = [0, 0], sizes = [8, 2047], strides = [1, 1]} : vector<8x2048xi32> to vector<8x2047xi32>
    %concatenate3A_2551 = tpu.concatenate %slice3A_2549, %slice3A_2550 in 1 : vector<8x1xi32>, vector<8x2047xi32> -> vector<8x2048xi32>
    %select_n3A_2552 = arith.select %eq3A_2538, %concatenate3A_2548, %concatenate3A_2551 : vector<8x2048xi1>, vector<8x2048xi32>
    %and3A_2553 = arith.constant 2048 : i32
    %and3A_2554 = vector.broadcast %and3A_2553 : i32 to vector<8x2048xi32>
    %and3A_2555 = arith.andi %iota3A_5, %and3A_2554 : vector<8x2048xi32>
    %eq3A_2556 = arith.constant 0 : i32
    %eq3A_2557 = vector.broadcast %eq3A_2556 : i32 to vector<8x2048xi32>
    %eq3A_2558 = arith.cmpi eq, %and3A_2555, %eq3A_2557 : vector<8x2048xi32>
    %gt3A_2559 = arith.cmpf ogt, %select_n3A_2531, %select_n3A_2545 : vector<8x2048xf32>
    %eq3A_2560 = arith.cmpf oeq, %select_n3A_2531, %select_n3A_2545 : vector<8x2048xf32>
    %lt3A_2561 = arith.cmpi slt, %select_n3A_2532, %select_n3A_2552 : vector<8x2048xi32>
    %and3A_2562 = arith.andi %eq3A_2560, %lt3A_2561 : vector<8x2048xi1>
    %or3A_2563 = arith.ori %gt3A_2559, %and3A_2562 : vector<8x2048xi1>
    %eq3A_2564 = arith.xori %eq3A_2538, %eq3A_2558 : vector<8x2048xi1>
    %eq3A_2565 = arith.constant dense<true> : vector<8x2048xi1>
    %eq3A_2566 = arith.xori %eq3A_2564, %eq3A_2565 : vector<8x2048xi1>
    %eq3A_2567 = arith.xori %or3A_2563, %eq3A_2566 : vector<8x2048xi1>
    %eq3A_2568 = arith.constant dense<true> : vector<8x2048xi1>
    %eq3A_2569 = arith.xori %eq3A_2567, %eq3A_2568 : vector<8x2048xi1>
    %select_n3A_2570 = arith.select %eq3A_2569, %select_n3A_2532, %select_n3A_2552 : vector<8x2048xi1>, vector<8x2048xi32>
    %slice3A_2571 = vector.extract_strided_slice %select_n3A_2570 {offsets = [0, 0], sizes = [8, 640], strides = [1, 1]} : vector<8x2048xi32> to vector<8x640xi32>
    %swap3A = arith.constant 0 : index
    %swap3A_2572 = arith.constant 0 : index
    %swap3A_2573 = vector.load %arg1[%swap3A, %swap3A_2572] : memref<8x640xi32, #tpu.memory_space<vmem>>, vector<8x640xi32>
    tpu.vector_store %arg1[%swap3A, %swap3A_2572], %slice3A_2571 {strides = array<i32>} : memref<8x640xi32, #tpu.memory_space<vmem>>, vector<8x640xi32>,
    return
  }
}

</mosaic_0001>

<sc_bundles>
// kernel: kernel.5.cloned.1.call-start
scs
__scs_entry_jumppad:
0x0: {  	(pc) =	sbr.rel $0x88, $3  }
0x1: {  	(tag) =	ssettag $0x0;
	lr =	simm.s32 $0x1  }
0x2: {  	[smem:$0x3F99] =	sst lr;
	_ =	strace $0xD0000000  }
0x3: {  	_ = 	snop  }
0x4: {  	_ = 	snop  }
0x5: {  	_ = 	snop  }
0x6: {  	_ = 	snop  }
0x7: {  	_ = 	snop  }
__scs_overlays_trampoline_lowered:
0x8: {  	[smem:$0x3FA8] =	sst s0  }
0x9: {  	[smem:$0x3FA9] =	sst s1  }
0xa: {  	[smem:$0x3FAA] =	sst s2  }
0xb: {  	[smem:$0x3FAB] =	sst s3  }
0xc: {  	[smem:$0x3FAC] =	sst s4  }
0xd: {  	[smem:$0x3FAD] =	sst s5  }
0xe: {  	[smem:$0x3FAE] =	sst s6  }
0xf: {  	[smem:$0x3FAF] =	sst s7  }
0x10: {  	[smem:$0x3FB0] =	sst s8  }
0x11: {  	[smem:$0x3FB1] =	sst s9;
	s0 =	simm.s32 @!p0 $0x0  }
0x12: {  	s1 =	sld [smem:$0x3F97];
	s0 =	simm.s32 @p0 $0x1  }
0x13: {  	[smem:$0x3FB2] =	sst s0;
	s0 =	simm.s32 @!p1 $0x0  }
0x14: {  	s2 =	sld [smem:$0x3F96];
	s0 =	simm.s32 @p1 $0x1  }
0x15: {  	[smem:$0x3FB3] =	sst s0;
	s0 =	simm.s32 @!p2 $0x0  }
0x16: {  	s3 =	sld [smem:$0x3FDB];
	s0 =	simm.s32 @p2 $0x1  }
0x17: {  	s4 =	simm.s32 $0x1BF5;
	[smem:$0x3FB5] =	sst s0  }
0x18: {  	s0 =	sld [smem:$0x3F98];
	_ =	swait.ge [sflag:s4], $0x0  }
0x19: {  	s7 =	sld [smem:$0x3F99]  }
0x1a: {  	s8 =	sadd.s32 $0xFFFFE003, lr  }
0x1b: {  	s9 =	sadd.s32 $0xFFFFFEF7, lr;
	s5 =	simm.s32 $0xFFFFFFFF;
	p2 =	slt.u32 s8, $0xFFFFF086  }
0x1c: {  	p1 =	slt.u32 s9, $0xF7A;
	s5 =	simm.s32 @!p2 $0x0  }
0x1d: {  	s5 =	simm.s32 @p1 $0x1;
	p0 =	seq.s32 s7, s2  }
0x1e: {  	s7 =	smul.u32 @!p0 $0xF7A, s2;
	p2 =	seq.s32 @!p0 s5, $0x0  }
0x1f: {  	s9 =	smul.u32 $0xF7A, s1;
	s8 =	simm.s32 @!p0 $0x1BF5;
	p2 =	por !p2, p0  }
0x20: {  	[sflag:s8] =	ssyncset.s32 @!p0 $0xFFFFF086;
	s6 =	sadd.s32 @!p0 s3, s7;
	s7 =	simm.s32 @!p0 $0x108  }
0x21: {  	s3 =	sadd.s32 s3, s9;
	s6 =	sadd.s32 @!p0 $0x88, s6;
	s7 =	simm.s32 @p2 $0x1082  }
0x22: {  	[simem:s7], [sflag:s8] =	dma.local @!p0 [hbm:s6], $0xF7A  }
0x23: {  	s9 =	sor.u32 $0xD0000000, s2;
	s6 =	simm.s32 $0x108;
	_ =	swait.ge @!p0 [sflag:s8], $0x0  }
0x24: {  	s3 =	sadd.s32 $0x88, s3;
	s6 =	simm.s32 @!p1 $0x1082;
	[sflag:s4] =	ssyncset.s32 $0xFFFFF086  }
0x25: {  	[simem:s6], [sflag:s4] =	dma.local [hbm:s3], $0xF7A  }
0x26: {  	[smem:$0x3F99] =	sst s1;
	(tag) =	ssettag s2;
	_ =	strace s9  }
0x27: {  	s1 =	sld [smem:$0x3FA9]  }
0x28: {  	s2 =	sld [smem:$0x3FAA]  }
0x29: {  	s4 =	sld [smem:$0x3FAC]  }
0x2a: {  	p0 =	seq.s32 s5, $0x0;
	s5 =	sld [smem:$0x3FAD]  }
0x2b: {  	s6 =	sld [smem:$0x3FAE]  }
0x2c: {  	s7 =	sld [smem:$0x3FAF]  }
0x2d: {  	s3 =	simm.s32 $0x108;
	s8 =	sld [smem:$0x3FB0]  }
0x2e: {  	s3 =	simm.s32 @!p0 $0x1082;
	s9 =	sld [smem:$0x3FB1]  }
0x2f: {  	lr =	sadd.s32 s0, s3;
	s0 =	sld [smem:$0x3FA8]  }
0x30: {  	s3 =	sld [smem:$0x3FAB]  }
0x31: {  	[smem:$0x3FB4] =	sst s10  }
0x32: {  	s10 =	sld [smem:$0x3FB2];
	_ =	sdelay $0x3  }
0x33: {  	p0 =	seq.s32 s10, $0x1;
	s10 =	sld [smem:$0x3FB4];
	_ =	sdelay $0x3  }
0x34: {  	[smem:$0x3FB4] =	sst s10  }
0x35: {  	s10 =	sld [smem:$0x3FB3];
	_ =	sdelay $0x3  }
0x36: {  	p1 =	seq.s32 s10, $0x1;
	s10 =	sld [smem:$0x3FB4];
	_ =	sdelay $0x3  }
0x37: {  	[smem:$0x3FB4] =	sst s10  }
0x38: {  	s10 =	sld [smem:$0x3FB5]  }
0x39: {  	_ = 	snop;
	(pc) =	sbr.ind lr, $3  }
0x3a: {  	_ = 	snop  }
0x3b: {  	_ = 	snop  }
0x3c: {  	p2 =	seq.s32 s10, $0x1;
	s10 =	sld [smem:$0x3FB4]  }
0x3d: {  	_ =	shalt  }
0x3e: {  	_ =	shalt  }
0x3f: {  	_ =	shalt  }
0x40: {  	_ =	shalt  }
0x41: {  	_ =	shalt  }
0x42: {  	_ =	shalt  }
0x43: {  	_ =	shalt  }
0x44: {  	_ =	shalt  }
0x45: {  	_ =	shalt  }
0x46: {  	_ =	shalt  }
0x47: {  	_ =	shalt  }
0x48: {  	_ =	shalt  }
0x49: {  	_ =	shalt  }
0x4a: {  	_ =	shalt  }
0x4b: {  	_ =	shalt  }
0x4c: {  	_ =	shalt  }
0x4d: {  	_ =	shalt  }
0x4e: {  	_ =	shalt  }
0x4f: {  	_ =	shalt  }
0x50: {  	_ =	shalt  }
0x51: {  	_ =	shalt  }
0x52: {  	_ =	shalt  }
0x53: {  	_ =	shalt  }
0x54: {  	_ =	shalt  }
0x55: {  	_ =	shalt  }
0x56: {  	_ =	shalt  }
0x57: {  	_ =	shalt  }
0x58: {  	_ =	shalt  }
0x59: {  	_ =	shalt  }
0x5a: {  	_ =	shalt  }
0x5b: {  	_ =	shalt  }
0x5c: {  	_ =	shalt  }
0x5d: {  	_ =	shalt  }
0x5e: {  	_ =	shalt  }
0x5f: {  	_ =	shalt  }
0x60: {  	_ =	shalt  }
0x61: {  	_ =	shalt  }
0x62: {  	_ =	shalt  }
0x63: {  	_ =	shalt  }
0x64: {  	_ =	shalt  }
0x65: {  	_ =	shalt  }
0x66: {  	_ =	shalt  }
0x67: {  	_ =	shalt  }
0x68: {  	_ =	shalt  }
0x69: {  	_ =	shalt  }
0x6a: {  	_ =	shalt  }
0x6b: {  	_ =	shalt  }
0x6c: {  	_ =	shalt  }
0x6d: {  	_ =	shalt  }
0x6e: {  	_ =	shalt  }
0x6f: {  	_ =	shalt  }
0x70: {  	_ =	shalt  }
0x71: {  	_ =	shalt  }
0x72: {  	_ =	shalt  }
0x73: {  	_ =	shalt  }
0x74: {  	_ =	shalt  }
0x75: {  	_ =	shalt  }
0x76: {  	_ =	shalt  }
0x77: {  	_ =	shalt  }
0x78: {  	_ =	shalt  }
0x79: {  	_ =	shalt  }
0x7a: {  	_ =	shalt  }
0x7b: {  	_ =	shalt  }
0x7c: {  	_ =	shalt  }
0x7d: {  	_ =	shalt  }
0x7e: {  	_ =	shalt  }
0x7f: {  	_ =	shalt  }
0x80: {  	_ =	shalt  }
0x81: {  	_ =	shalt  }
0x82: {  	_ =	shalt  }
0x83: {  	_ =	shalt  }
0x84: {  	_ =	shalt  }
0x85: {  	_ =	shalt  }
0x86: {  	_ =	shalt  }
0x87: {  	_ =	shalt  }
.Lfunc_end0:
.L_simem_size_0:
called_computation_lowered:
.L_overlay_start_0:
0x88: {  	s2 =	sld [smem:$0x3FD9]  }
0x89: {  	s3 =	sld [smem:$0x3FFE];
	_ =	sdelay $0x1  }
0x8a: {  	s1 =	srdreg.scid  }
0x8b: {  	s0 =	sand.u32 $0x1, s1  }
0x8c: {  	s14 =	sshll.u32 s0, $0xA;
	s2 =	sadd.s32 s3, s2  }
0x8d: {  	s2 =	sadd.s32 s2, s14  }
0x8e: {  	[smem:$0x3FC0] =	sst s2  }
0x8f: {  	_ = 	snop  }
0x90: {  	s2 =	sld [smem:$0x3FD0];
	_ =	sdelay $0x2  }
0x91: {  	s15 =	simm.s32 $0xA;
	s4 =	simm.s32 $0x10  }
0x92: {  	[smem:s4], [sflag:s15] =	dma.local [hbm:s2], $0x1  }
0x93: {  	_ =	swait.eq [sflag:s15], $0x1  }
0x94: {  	[sflag:s15] =	ssyncset.done $0x0  }
0x95: {  	[sflag:s15] =	ssyncadd.s32 $0xFFFFFFFF  }
0x96: {  	s16 =	sld [smem:$0x10];
	(tm) =	ssettm $0x1  }
0x97: {  	s17 =	sld [smem:$0x3FFB];
	_ =	sdelay $0x3  }
0x98: {  	_ =	strace s17  }
0x99: {  	s3 =	sld [smem:$0x3FFC];
	_ =	sdelay $0x3  }
0x9a: {  	_ =	strace s3  }
0x9b: {  	s3 =	sld [smem:$0x3FFD];
	_ =	sdelay $0x3  }
0x9c: {  	_ =	strace s3  }
0x9d: {  	_ =	strace $0x8FFFFFFF  }
0x9e: {  	s18 =	sld [smem:$0x3FDB];
	_ =	sdelay $0x1  }
0x9f: {  	s19 =	simm.s32 $_scs_section_size  }
0xa0: {  	s5 =	simm.s32 $_size__tile_overlayer_lowered;
	s6 =	simm.s32 $_tile_overlayer_lowered  }
0xa1: {  	s22 =	simm.s32 $0x1BFF;
	s21 =	sshll.u32 s6, $0x1;
	s3 =	sadd.s32 s19, s18  }
0xa2: {  	s7 =	simm.s32 $0x0;
	s20 =	sshll.u32 s5, $0x1;
	s5 =	sadd.s32 s21, s3  }
0xa3: {  	[timem:s7], [sflag:s22] =	dma.local [hbm:s5], s20  }
0xa4: {  	_ =	swait.ge [sflag:s22], s20  }
0xa5: {  	s4 =	ssub.s32 $0x0, s20;
	[sflag:s22] =	ssyncset.done $0x0  }
0xa6: {  	[sflag:s22] =	ssyncadd.s32 s4;
	_ =	sdelay $0x1  }
0xa7: {  	s23 =	simm.s32 $0x1B8B  }
0xa8: {  	_ =	swait.ge [sflag:s23], $0x1  }
0xa9: {  	[sflag:s23] =	ssyncset.done $0x0  }
0xaa: {  	s25 =	simm.s32 $0x1B8E;
	s24 =	sld [smem:$0x3FFE];
	[sflag:s23] =	ssyncadd.s32 $0xFFFFFFFF  }
0xab: {  	s26 =	simm.s32 $execute0_lowered;
	[smem:$0x3FD2] =	sst s25  }
0xac: {  	s5 =	sshll.u32 s26, $0x1;
	_ =	strace $0x80000046;
	[dreg:$0x1] =	wrdreg $0xFFFFFFFF  }
0xad: {  	s28 =	simm.s32 $_size_execute0_lowered;
	s3 =	sadd.s32 s3, s5;
	[dreg:$0x0] =	wrdreg $0x0  }
0xae: {  	s5 =	sshll.u32 s28, $0x1;
	[dreg:$0x2] =	wrdreg s3  }
0xaf: {  	[dreg:$0x3] =	wrdreg s5  }
0xb0: {  	[dreg:$0x4] =	wrdreg $0xC0  }
0xb1: {  	_ =	task [dreg:s7], $0x5FFFF  }
0xb2: {  	[dreg:$0x1] =	wrdreg $0xFFFFFFFF  }
0xb3: {  	[dreg:$0x0] =	wrdreg $0x60  }
0xb4: {  	[dreg:$0x2] =	wrdreg s16  }
0xb5: {  	[dreg:$0x3] =	wrdreg s24  }
0xb6: {  	[dreg:$0x4] =	wrdreg $0xB6200  }
0xb7: {  	[dreg:$0x5] =	wrdreg $0x9  }
0xb8: {  	_ =	task.clear_ibuf [dreg:s7], $0x6FFFF;
	_ =	strace $0x90000046  }
0xb9: {  	s29 =	simm.s32 $0x9;
	_ =	strace $0x80000048  }
0xba: {  	_ =	swait.ge [sflag:s29], $0x1  }
0xbb: {  	[sflag:s29] =	ssyncadd.s32 $0xFFFFFFFF  }
0xbc: {  	_ =	strace $0x90000048  }
0xbd: {  	_ =	sfence  }
0xbe: {  	s30 =	sld [smem:$0x0];
	_ =	sdelay $0x2  }
0xbf: {  	s31 =	sshll.u32 s1, $0xD;
	s1 =	sshrl.u32 s1, $0x2  }
0xc0: {  	s3 =	sand.u32 $0x4000, s31;
	s1 =	sadd.s32 s1, s30  }
0xc1: {  	s0 =	sor.u32 s3, s0;
	s1 =	sshll.u32 s1, $0x11  }
0xc2: {  	s0 =	sor.u32 s1, s0  }
0xc3: {  	s0 =	sadd.s32 $0x8F2B, s0  }
0xc4: {  	[sflag:s0] =	ssyncadd.remote.s32 $0x1  }
0xc5: {  	_ =	sfence.sel $0xFFFF  }
0xc6: {  	[dreg:$0x0] =	wrdreg $0xFFFFFFFF;
	(pc) =	sbr.abs _section_cstart, $3  }
0xc7: {  	[dreg:$0x1] =	wrdreg $0xFFFFFFFF  }
0xc8: {  	_ =	task.clear_ibuf [dreg:s7], $0x2FFFF;
	_ =	strace $0x9FFFFFFF  }
0xc9: {  	(tm) =	ssettm $0x7FFFFFFF  }
tec
execute0_lowered:
.L_overlay_start_1:
0x0: {  	(tag) =	ssettag $0x1  }
0x1: {  	s2 =	rddreg [dreg:$0x0]  }
0x2: {  	s5 =	rddreg [dreg:$0x1]  }
0x3: {  	s3 =	rddreg [dreg:$0x2]  }
0x4: {  	s1 =	stileid.u32;
	s4 =	srdreg.scid  }
0x5: {  	s0 =	rddreg [dreg:$0x3];
	s16 =	simm.s32 $0x2;
	s17 =	simm.s32 $0x2780  }
0x6: {  	s18 =	simm.s32 $0x6F00;
	s19 =	simm.s32 $0x80;
	s8 =	smul.u32 $0x9C80, s1  }
0x7: {  	s20 =	simm.s32 $0x4F00;
	s22 =	simm.s32 $0x8F00;
	s10 =	smul.u32 $0x4F0, s1  }
0x8: {  	s23 =	simm.s32 $0x0;
	s7 =	sand.u32 $0x1, s4;
	s12 =	smul.u32 $0x27200, s1  }
0x9: {  	s4 =	simm.s32 $0x0;
	s9 =	sshll.u32 s1, $0x1;
	s6 =	smul.u32 $0x139000, s7  }
0xa: {  	[smem:$0x7FF] =	sst s4;
	s9 =	sor.u32 s7, s9;
	s21 =	smul.u32 $0x4E20, s7  }
0xb: {  	s11 =	ssub.s32 $0x2, s7;
	_ =	strace $0x80000047;
	s9 =	smul.u32 $0x4E2, s9  }
0xc: {  	s10 =	sadd.s32 s10, s5;
	s29 =	sshrl.u32 s11, $0x1;
	s30 =	sshrl.u32 s12, $0x2  }
0xd: {  	s7 =	sadd.s32 s8, s3;
	s6 =	sadd.s32 s8, s6;
	s15 =	ssub.s32 s11, s29  }
0xe: {  	s31 =	sadd.s32 s30, s3;
	v0 =	vmov s21;
	s21 =	simm.s32 $0x1;
	s6 =	sshrl.u32 s6, $0x3  }
0xf: {  	s14 =	sadd.s32 s9, s5;
	s8 =	sadd.s32 $0x2000, s31;
	s9 =	sadd.s32 $0x4000, s31  }
0x10: {  	s11 =	sadd.s32 $0x8000, s31;
	s15 =	smax.u32 s15, $0x1;
	s13 =	sadd.s32 s6, s5  }
0x11: {  	s5 =	sadd.s32 $0x6200, s10;
	s6 =	sadd.s32 $0x1200, s10;
	s10 =	sadd.s32 $0x6000, s31  }
0x12: {  	v1 =	vimm.f32 $0.0e+00;
	v2 =	vimm.f32 $1.000000000e+00;
	s14 =	sadd.s32 $0x59600, s14;
	s12 =	sadd.s32 $0xB200, s13;
	s13 =	sadd.s32 $0x1EB00, s13  }
.LBB2_1:
0x13: {  	[tilespmem:s4], [sflag:$0x2] =	stream.linear.gather [hbm4b:s5+s4], $0x2780, $0x38;
	[tilespmem:$0x152A0] =	vst v63  }
0x14: {  	_ =	swait.ge [sflag:s16], $0x2780  }
0x15: {  	[sflag:s16] =	ssyncset.done $0x0  }
0x16: {  	[sflag:s16] =	ssyncadd.s32 $0xFFFFD880  }
0x17: {  	[tilespmem:s17], [sflag:$0x2] =	stream.linear.gather [hbm4b:s6+s4], $0x2780, $0x38;
	[tilespmem:$0x152A0] =	vst v63  }
0x18: {  	_ =	swait.ge [sflag:s16], $0x2780  }
0x19: {  	[sflag:s16] =	ssyncset.done $0x0  }
0x1a: {  	s25 =	simm.s32 $0x100;
	s24 =	simm.s32 $0x0;
	[sflag:s16] =	ssyncadd.s32 $0xFFFFD880  }
.LBB2_2:
0x1b: {  	p0 =	sne.s32 s25, $0x7F00;
	[tilespmem:s24+$0x6F30] =	vst v1;
	s26 =	smov.u32 s25;
	s25 =	sadd.s32 $0x100, s25  }
.Ltmp0:
0x1c: {  	[tilespmem:s24+$0x6F20] =	vst v1;
	(pc) =	sbr.rel @p0 .LBB2_2-.Ltmp0, $3  }
0x1d: {  	[tilespmem:s24+$0x6F00] =	vst v1  }
0x1e: {  	[tilespmem:s24+$0x6F10] =	vst v1;
	_ =	sdelay $0x1  }
0x1f: {  	s24 =	sshra.s32 s26, $0x2  }
0x20: {  	[tilespmem:s24+$0x6F30] =	vst v1  }
0x21: {  	[tilespmem:s24+$0x6F20] =	vst v1  }
0x22: {  	[tilespmem:s24+$0x6F00] =	vst v1  }
0x23: {  	[tilespmem:s24+$0x6F10] =	vst v1;
	s24 =	simm.s32 $0x40;
	s25 =	simm.s32 $0x0  }
.LBB2_4:
0x24: {  	p0 =	sne.s32 s24, $0x9C40;
	[tilespmem:s25+$0x8F00] =	vst v1;
	s25 =	smov.u32 s24;
	s24 =	sadd.s32 $0x40, s24  }
.Ltmp1:
0x25: {  	(pc) =	sbr.rel @p0 .LBB2_4-.Ltmp1, $2  }
0x26: {  	_ =	sdelay $0x2  }
0x27: {  	s25 =	sshra.s32 s25, $0x2  }
0x28: {  	[tilespmem:s25+$0x8F00] =	vst v1;
	s24 =	simm.s32 $0x0;
	s25 =	simm.s32 $0x40  }
.LBB2_6:
0x29: {  	p0 =	sne.s32 s25, $0x9DC0;
	v3 =	vld [tilespmem:s24+$0x0];
	_ =	sdelay $0x1  }
.Ltmp2:
0x2a: {  	(pc) =	sbr.rel @p0 .LBB2_6-.Ltmp2, $3  }
0x2b: {  	_ =	sdelay $0x1  }
0x2c: {  	v3 =	vadd.s32 v0, v3  }
0x2d: {  	[tilespmem:s24+$0x0] =	vst v3;
	s24 =	sshra.s32 s25, $0x2;
	s25 =	sadd.s32 $0x40, s25  }
0x2e: {  	v3 =	vld [tilespmem:s24+$0x0];
	_ =	sdelay $0x4  }
0x2f: {  	v3 =	vadd.s32 v0, v3  }
0x30: {  	[tilespmem:s24+$0x0] =	vst v3  }
0x31: {  	[spmem:s7] =	stream.linear.scatter [tilespmem:s18], [sflag:$0x2], $0x2000, $0x38;
	[tilespmem:$0x152A0] =	vst v63  }
0x32: {  	_ =	swait.ge [sflag:s16], $0x2000  }
0x33: {  	[sflag:s16] =	ssyncset.done $0x0  }
0x34: {  	[sflag:s16] =	ssyncadd.s32 $0xFFFFE000  }
0x35: {  	[spmem:s8] =	stream.linear.scatter [tilespmem:s18], [sflag:$0x2], $0x2000, $0x38;
	[tilespmem:$0x152A0] =	vst v63  }
0x36: {  	_ =	swait.ge [sflag:s16], $0x2000  }
0x37: {  	[sflag:s16] =	ssyncset.done $0x0  }
0x38: {  	[sflag:s16] =	ssyncadd.s32 $0xFFFFE000  }
0x39: {  	[spmem:s9] =	stream.linear.scatter [tilespmem:s18], [sflag:$0x2], $0x2000, $0x38;
	[tilespmem:$0x152A0] =	vst v63  }
0x3a: {  	_ =	swait.ge [sflag:s16], $0x2000  }
0x3b: {  	[sflag:s16] =	ssyncset.done $0x0  }
0x3c: {  	[sflag:s16] =	ssyncadd.s32 $0xFFFFE000  }
0x3d: {  	[spmem:s10] =	stream.linear.scatter [tilespmem:s18], [sflag:$0x2], $0x2000, $0x38;
	[tilespmem:$0x152A0] =	vst v63  }
0x3e: {  	_ =	swait.ge [sflag:s16], $0x2000  }
0x3f: {  	[sflag:s16] =	ssyncset.done $0x0  }
0x40: {  	[sflag:s16] =	ssyncadd.s32 $0xFFFFE000  }
0x41: {  	[spmem:s11] =	stream.linear.scatter [tilespmem:s18], [sflag:$0x2], $0x1C80, $0x38;
	[tilespmem:$0x152A0] =	vst v63  }
0x42: {  	_ =	swait.ge [sflag:s16], $0x1C80  }
0x43: {  	[sflag:s16] =	ssyncset.done $0x0  }
0x44: {  	[sflag:s16] =	ssyncadd.s32 $0xFFFFE380  }
0x45: {  	s30 =	simm.s32 $0x0;
	[bflag:$0x0] =	sbarrier.arrive $0xFFFF  }
0x46: {  	[tilespmem:s20], [sflag:$0x1] =	stream.indirect.gather [hbm4b:s2+s19], $0x40, s30, s19, $0xb8;
	[tilespmem:$0x152A0] =	vst v63  }
0x47: {  	_ =	swait.ge [sflag:s21], $0x2000  }
0x48: {  	[sflag:s21] =	ssyncset.done $0x0  }
0x49: {  	s31 =	simm.s32 $0x2780;
	[sflag:s21] =	ssyncadd.s32 $0xFFFFE000  }
0x4a: {  	[spmem:s3] =	stream.indirect.scatter.add.f32 [tilespmem:s20], [sflag:$0x2], $0x40, s31, s19, $0xb8;
	[tilespmem:$0x152A0] =	vst v63  }
0x4b: {  	_ =	swait.ge [sflag:s16], $0x2000  }
0x4c: {  	s25 =	simm.s32 $0x400;
	s24 =	simm.s32 $0x200;
	[sflag:s16] =	ssyncset.done $0x0  }
.LBB2_8:
0x4d: {  	s26 =	sshra.s32 s24, $0x2  }
0x4e: {  	[sflag:s16] =	ssyncadd.s32 $0xFFFFE000;
	s24 =	smov.u32 s25;
	s28 =	sadd.s32 $0x200, s25  }
0x4f: {  	[tilespmem:s20], [sflag:$0x1] =	stream.indirect.gather [hbm4b:s2+s19], $0x40, s26, s19, $0xb8;
	[tilespmem:$0x152A0] =	vst v63  }
0x50: {  	p0 =	sne.s32 s25, $0x9C00;
	_ =	swait.ge [sflag:s21], $0x2000  }
.Ltmp3:
0x51: {  	[sflag:s21] =	ssyncset.done $0x0;
	(pc) =	sbr.rel @p0 .LBB2_8-.Ltmp3, $4  }
0x52: {  	s25 =	sadd.s32 $0x2780, s26;
	[sflag:s21] =	ssyncadd.s32 $0xFFFFE000  }
0x53: {  	[spmem:s3] =	stream.indirect.scatter.add.f32 [tilespmem:s20], [sflag:$0x2], $0x40, s25, s19, $0xb8;
	[tilespmem:$0x152A0] =	vst v63  }
0x54: {  	_ =	swait.ge [sflag:s16], $0x2000  }
0x55: {  	s25 =	smov.u32 s28;
	[sflag:s16] =	ssyncset.done $0x0  }
0x56: {  	s24 =	sshra.s32 s24, $0x2;
	[sflag:s16] =	ssyncadd.s32 $0xFFFFE000  }
0x57: {  	[tilespmem:s20], [sflag:$0x1] =	stream.indirect.gather [hbm4b:s2+s19], $0x40, s24, s19, $0xb8;
	[tilespmem:$0x152A0] =	vst v63  }
0x58: {  	_ =	swait.ge [sflag:s21], $0x2000  }
0x59: {  	[sflag:s21] =	ssyncset.done $0x0  }
0x5a: {  	s24 =	sadd.s32 $0x2780, s24;
	[sflag:s21] =	ssyncadd.s32 $0xFFFFE000  }
0x5b: {  	[spmem:s3] =	stream.indirect.scatter.add.f32 [tilespmem:s20], [sflag:$0x2], $0x40, s24, s19, $0xb8;
	[tilespmem:$0x152A0] =	vst v63  }
0x5c: {  	_ =	swait.ge [sflag:s16], $0x2000  }
0x5d: {  	[sflag:s16] =	ssyncset.done $0x0  }
0x5e: {  	s31 =	sshll.u32 s1, $0x6;
	[sflag:s16] =	ssyncadd.s32 $0xFFFFE000  }
0x5f: {  	s25 =	sshrl.u32 s7, $0x3;
	s24 =	sor.u32 $0x1C02, s31;
	[bflag:$0x0] =	sbarrier.arrive $0xFFFF  }
0x60: {  	[hbm:s12], [sflag:s24] =	dma.local [spmem:s25], $0x1390  }
0x61: {  	_ =	swait.ge [sflag:s16], $0x1390  }
0x62: {  	[sflag:s16] =	ssyncset.done $0x0  }
0x63: {  	[sflag:s16] =	ssyncadd.s32 $0xFFFFEC70  }
0x64: {  	s26 =	simm.s32 $0x0;
	s28 =	simm.s32 $0x40;
	[bflag:$0x0] =	sbarrier.arrive $0xFFFF  }
.LBB2_10:
0x65: {  	p0 =	sne.s32 s28, $0x9DC0;
	v3 =	vld [tilespmem:s26+$0x0];
	_ =	sdelay $0x1  }
.Ltmp4:
0x66: {  	(pc) =	sbr.rel @p0 .LBB2_10-.Ltmp4, $3  }
0x67: {  	_ =	sdelay $0x1  }
0x68: {  	v3 =	vadd.s32 $0x2710, v3  }
0x69: {  	[tilespmem:s26+$0x0] =	vst v3;
	s26 =	sshra.s32 s28, $0x2;
	s28 =	sadd.s32 $0x40, s28  }
0x6a: {  	v3 =	vld [tilespmem:s26+$0x0];
	_ =	sdelay $0x4  }
0x6b: {  	v3 =	vadd.s32 $0x2710, v3  }
0x6c: {  	[tilespmem:s26+$0x0] =	vst v3  }
0x6d: {  	[spmem:s7] =	stream.linear.scatter [tilespmem:s18], [sflag:$0x2], $0x2000, $0x38;
	[tilespmem:$0x152A0] =	vst v63  }
0x6e: {  	_ =	swait.ge [sflag:s16], $0x2000  }
0x6f: {  	[sflag:s16] =	ssyncset.done $0x0  }
0x70: {  	[sflag:s16] =	ssyncadd.s32 $0xFFFFE000  }
0x71: {  	[spmem:s8] =	stream.linear.scatter [tilespmem:s18], [sflag:$0x2], $0x2000, $0x38;
	[tilespmem:$0x152A0] =	vst v63  }
0x72: {  	_ =	swait.ge [sflag:s16], $0x2000  }
0x73: {  	[sflag:s16] =	ssyncset.done $0x0  }
0x74: {  	[sflag:s16] =	ssyncadd.s32 $0xFFFFE000  }
0x75: {  	[spmem:s9] =	stream.linear.scatter [tilespmem:s18], [sflag:$0x2], $0x2000, $0x38;
	[tilespmem:$0x152A0] =	vst v63  }
0x76: {  	_ =	swait.ge [sflag:s16], $0x2000  }
0x77: {  	[sflag:s16] =	ssyncset.done $0x0  }
0x78: {  	[sflag:s16] =	ssyncadd.s32 $0xFFFFE000  }
0x79: {  	[spmem:s10] =	stream.linear.scatter [tilespmem:s18], [sflag:$0x2], $0x2000, $0x38;
	[tilespmem:$0x152A0] =	vst v63  }
0x7a: {  	_ =	swait.ge [sflag:s16], $0x2000  }
0x7b: {  	[sflag:s16] =	ssyncset.done $0x0  }
0x7c: {  	[sflag:s16] =	ssyncadd.s32 $0xFFFFE000  }
0x7d: {  	[spmem:s11] =	stream.linear.scatter [tilespmem:s18], [sflag:$0x2], $0x1C80, $0x38;
	[tilespmem:$0x152A0] =	vst v63  }
0x7e: {  	_ =	swait.ge [sflag:s16], $0x1C80  }
0x7f: {  	[sflag:s16] =	ssyncset.done $0x0  }
0x80: {  	[sflag:s16] =	ssyncadd.s32 $0xFFFFE380  }
0x81: {  	s30 =	simm.s32 $0x0;
	[bflag:$0x0] =	sbarrier.arrive $0xFFFF  }
0x82: {  	[tilespmem:s20], [sflag:$0x1] =	stream.indirect.gather [hbm4b:s2+s19], $0x40, s30, s19, $0xb8;
	[tilespmem:$0x152A0] =	vst v63  }
0x83: {  	_ =	swait.ge [sflag:s21], $0x2000  }
0x84: {  	[sflag:s21] =	ssyncset.done $0x0  }
0x85: {  	s31 =	simm.s32 $0x2780;
	[sflag:s21] =	ssyncadd.s32 $0xFFFFE000  }
0x86: {  	[spmem:s3] =	stream.indirect.scatter.add.f32 [tilespmem:s20], [sflag:$0x2], $0x40, s31, s19, $0xb8;
	[tilespmem:$0x152A0] =	vst v63  }
0x87: {  	_ =	swait.ge [sflag:s16], $0x2000  }
0x88: {  	s28 =	simm.s32 $0x400;
	s26 =	simm.s32 $0x200;
	[sflag:s16] =	ssyncset.done $0x0  }
.LBB2_12:
0x89: {  	s29 =	sshra.s32 s26, $0x2  }
0x8a: {  	[sflag:s16] =	ssyncadd.s32 $0xFFFFE000;
	s26 =	smov.u32 s28;
	s30 =	sadd.s32 $0x200, s28  }
0x8b: {  	[tilespmem:s20], [sflag:$0x1] =	stream.indirect.gather [hbm4b:s2+s19], $0x40, s29, s19, $0xb8;
	[tilespmem:$0x152A0] =	vst v63  }
0x8c: {  	p0 =	sne.s32 s28, $0x9C00;
	_ =	swait.ge [sflag:s21], $0x2000  }
.Ltmp5:
0x8d: {  	[sflag:s21] =	ssyncset.done $0x0;
	(pc) =	sbr.rel @p0 .LBB2_12-.Ltmp5, $4  }
0x8e: {  	s28 =	sadd.s32 $0x2780, s29;
	[sflag:s21] =	ssyncadd.s32 $0xFFFFE000  }
0x8f: {  	[spmem:s3] =	stream.indirect.scatter.add.f32 [tilespmem:s20], [sflag:$0x2], $0x40, s28, s19, $0xb8;
	[tilespmem:$0x152A0] =	vst v63  }
0x90: {  	_ =	swait.ge [sflag:s16], $0x2000  }
0x91: {  	s28 =	smov.u32 s30;
	[sflag:s16] =	ssyncset.done $0x0  }
0x92: {  	s26 =	sshra.s32 s26, $0x2;
	[sflag:s16] =	ssyncadd.s32 $0xFFFFE000  }
0x93: {  	[tilespmem:s20], [sflag:$0x1] =	stream.indirect.gather [hbm4b:s2+s19], $0x40, s26, s19, $0xb8;
	[tilespmem:$0x152A0] =	vst v63  }
0x94: {  	_ =	swait.ge [sflag:s21], $0x2000  }
0x95: {  	[sflag:s21] =	ssyncset.done $0x0  }
0x96: {  	s26 =	sadd.s32 $0x2780, s26;
	[sflag:s21] =	ssyncadd.s32 $0xFFFFE000  }
0x97: {  	[spmem:s3] =	stream.indirect.scatter.add.f32 [tilespmem:s20], [sflag:$0x2], $0x40, s26, s19, $0xb8;
	[tilespmem:$0x152A0] =	vst v63  }
0x98: {  	_ =	swait.ge [sflag:s16], $0x2000  }
0x99: {  	[sflag:s16] =	ssyncset.done $0x0  }
0x9a: {  	[sflag:s16] =	ssyncadd.s32 $0xFFFFE000  }
0x9b: {  	[bflag:$0x0] =	sbarrier.arrive $0xFFFF  }
0x9c: {  	[hbm:s13], [sflag:s24] =	dma.local [spmem:s25], $0x1390  }
0x9d: {  	_ =	swait.ge [sflag:s16], $0x1390  }
0x9e: {  	[sflag:s16] =	ssyncset.done $0x0  }
0x9f: {  	[sflag:s16] =	ssyncadd.s32 $0xFFFFEC70  }
0xa0: {  	s24 =	simm.s32 $0x0;
	[bflag:$0x0] =	sbarrier.arrive $0xFFFF  }
.LBB2_14:
0xa1: {  	s25 =	sshra.s32 s24, $0x2  }
0xa2: {  	v3 =	vld [tilespmem:s25+$0x2780];
	_ =	sdelay $0x7  }
0xa3: {  	[tilespmem:v3+s22+$0x0] =	vst.idx.add.f32.msk $0xffff, v2  }
0xa4: {  	v3 =	vld [tilespmem:s25+$0x2790];
	_ =	sdelay $0x7  }
0xa5: {  	[tilespmem:v3+s22+$0x0] =	vst.idx.add.f32.msk $0xffff, v2  }
0xa6: {  	v3 =	vld [tilespmem:s25+$0x27A0];
	_ =	sdelay $0x7  }
0xa7: {  	[tilespmem:v3+s22+$0x0] =	vst.idx.add.f32.msk $0xffff, v2  }
0xa8: {  	v3 =	vld [tilespmem:s25+$0x27B0];
	_ =	sdelay $0x7  }
0xa9: {  	[tilespmem:v3+s22+$0x0] =	vst.idx.add.f32.msk $0xffff, v2  }
0xaa: {  	v3 =	vld [tilespmem:s25+$0x27C0];
	_ =	sdelay $0x7  }
0xab: {  	[tilespmem:v3+s22+$0x0] =	vst.idx.add.f32.msk $0xffff, v2  }
0xac: {  	v3 =	vld [tilespmem:s25+$0x27D0];
	_ =	sdelay $0x7  }
0xad: {  	[tilespmem:v3+s22+$0x0] =	vst.idx.add.f32.msk $0xffff, v2  }
0xae: {  	v3 =	vld [tilespmem:s25+$0x27E0];
	_ =	sdelay $0x7  }
0xaf: {  	[tilespmem:v3+s22+$0x0] =	vst.idx.add.f32.msk $0xffff, v2  }
0xb0: {  	v3 =	vld [tilespmem:s25+$0x27F0];
	_ =	sdelay $0x2  }
0xb1: {  	p0 =	sne.s32 s24, $0x9C00  }
.Ltmp6:
0xb2: {  	_ = 	snop;
	(pc) =	sbr.rel @p0 .LBB2_14-.Ltmp6, $2  }
0xb3: {  	_ =	sdelay $0x2  }
0xb4: {  	s24 =	sadd.s32 $0x200, s24;
	[tilespmem:v3+s22+$0x0] =	vst.idx.add.f32.msk $0xffff, v2  }
0xb5: {  	s23 =	sadd.s32 $0x1, s23  }
0xb6: {  	p0 =	sne.s32 s23, s15  }
.Ltmp7:
0xb7: {  	_ = 	snop;
	(pc) =	sbr.rel @p0 .LBB2_1-.Ltmp7, $4  }
0xb8: {  	[hbm4b:s14+s4] =	stream.linear.scatter [tilespmem:s22], [sflag:$0x2], $0x2710, $0x38;
	[tilespmem:$0x152A0] =	vst v63  }
0xb9: {  	_ =	swait.ge [sflag:s16], $0x2710  }
0xba: {  	[sflag:s16] =	ssyncset.done $0x0  }
0xbb: {  	[sflag:s16] =	ssyncadd.s32 $0xFFFFD8F0  }
0xbc: {  	_ =	sfence.sel $0x180000  }
0xbd: {  	[bflag:$0x0] =	sbarrier.arrive $0xFFFF  }
0xbe: {  	p0 =	sne.s32 s1, $0x0;
	_ =	strace $0x90000047  }
0xbf: {  	s0 =	sadd.s32 @!p0 $0x100000, s0;
	[bflag:$0x2] =	sbarrier.arrive $0xFFFF  }
0xc0: {  	[sflag:s0] =	ssyncadd.tile.s32 @!p0 $0x1;
	_ =	shalt  }
.Lfunc_end2:
_tile_overlayer_lowered:
.L_overlay_start_2:
0xc1: {  	(tag) =	ssettag $0x2  }
0xc2: {  	s0 =	rddreg [dreg:$0x0];
	s2 =	stileid.u32  }
0xc3: {  	s1 =	rddreg [dreg:$0x1];
	p0 =	sne.s32 s2, $0x0  }
0xc4: {  	s3 =	rddreg [dreg:$0x2];
	[bflag:$0x3] =	sbarrier.arrive $0xFFFF;
	s2 =	simm.s32 @!p0 $0x1C02  }
0xc5: {  	[timem:s3], [sflag:s2] =	dma.local @!p0 [hbm:s0], s1  }
0xc6: {  	s0 =	simm.s32 @!p0 $0x2  }
0xc7: {  	_ =	swait.ge @!p0 [sflag:s0], s1  }
0xc8: {  	s1 =	ssub.s32 @!p0 $0x0, s1;
	[sflag:s0] =	ssyncset.done @!p0 $0x0  }
0xc9: {  	[sflag:s0] =	ssyncadd.s32 @!p0 s1  }
0xca: {  	[bflag:$0x3] =	sbarrier.arrive $0xFFFF  }
0xcb: {  	_ =	shalt  }

</sc_bundles>
